<compile_context>
chip_gen: v7x
topology: tpu7x:2x2x1
jax: 0.10.2.dev20260603
libtpu: 0.0.44.dev20260713+nightly
codegen_flags: <defaults>
</compile_context>

<pallas_src>
import jax
import jax.numpy as jnp
from jax import lax
from jax.experimental import pallas as pl
from jax.experimental.pallas import tpu as pltpu
from jax.experimental.pallas import tpu_sc as plsc

B = 1024
K = 1024
D = 64
L = 16
NC = 2
NS = 16
NW = NC * NS
RPW = B // NW
LV = RPW * K
NB = RPW * D // 128
PS = 17


def _sc_body(cb_hbm, logits_hbm, out_hbm,
             logits_v, vmax_b, vidx_b, idx_b, g8, outn, sem, s0, s1):
    w = lax.axis_index("s") * NC + lax.axis_index("c")
    base = w * RPW
    half = [
        pltpu.async_copy(logits_hbm.at[pl.ds(w * LV + h * (LV // 2), LV // 2)],
                         logits_v.at[pl.ds(h * (LV // 2), LV // 2)],
                         [s0, s1][h])
        for h in range(2)
    ]
    lane = lax.iota(jnp.int32, L)
    ninf = jnp.full((L,), -jnp.inf, jnp.float32)
    zi = jnp.zeros((L,), jnp.int32)
    dconst = [((c * L + lane) >> 3 << 10) + (((c * L + lane) & 7) << 4)
              for c in range(D // L)]

    copies = []
    kvecs = []
    for g in range(RPW // L):
        half[g].wait()

        def row_scan(p, carry, g=g):
            r = g * L + p * 4
            a0 = (r >> 3) * (K * 8) + (r & 7) * 128

            def chunk(tq, st):
                adr = a0 + (tq >> 3) * 1024 + (tq & 7) * L
                col = tq * L + lane
                vs = [logits_v[pl.ds(adr + 128 * q, L)] for q in range(4)]
                ps = [vs[q] > st[2 * q] for q in range(4)]
                out = []
                for q in range(4):
                    out.append(jnp.where(ps[q], vs[q], st[2 * q]))
                    out.append(jnp.where(ps[q], col, st[2 * q + 1]))
                return tuple(out)

            st = lax.fori_loop(0, K // L, chunk, (ninf, zi) * 4, unroll=2)
            for q in range(4):
                vmax_b[pl.ds((r + q) * PS, L)] = st[2 * q]
                vidx_b[pl.ds((r + q) * PS, L)] = st[2 * q + 1]
            return carry

        lax.fori_loop(0, L // 4, row_scan, 0)

        rows = g * L + lane

        def slot(j, st):
            bmax, bidx = st
            jv = rows * PS + j
            v = plsc.load_gather(vmax_b, [jv])
            i = plsc.load_gather(vidx_b, [jv])
            pred = (v > bmax) | ((v == bmax) & (i < bidx))
            return (jnp.where(pred, v, bmax), jnp.where(pred, i, bidx))

        _, bidx = lax.fori_loop(
            0, L, slot, (ninf, jnp.full((L,), jnp.int32(2**30))))
        kvecs.append(bidx)
        bk = ((base + rows) * (K * D // 8)
              + ((bidx >> 7) << 7) + ((bidx & 127) >> 3))

        for j in range(L):
            r = g * L + j
            bkr = bk[j]
            for c in range(D // L):
                idx_b[r >> 1, pl.ds((r & 1) * D + c * L, L)] = bkr + dconst[c]
            if j % 2 == 1:
                s = r >> 1
                copies.append(pltpu.async_copy(
                    cb_hbm.at[idx_b.at[s]],
                    g8.at[pl.ds(s * 128, 128)], sem))

    for g in range(RPW // L):
        for c in copies[g * NB // 2:(g + 1) * NB // 2]:
            c.wait()
        k7 = kvecs[g] & 7
        ev0 = (g * L + lane) * D
        for d in range(D):
            v = plsc.load_gather(g8, [ev0 + d, k7])
            outn[d >> 3, d & 7, pl.ds(g * L, L)] = v

    bt = base >> 7
    bl0 = pl.multiple_of(base & 127, RPW)
    pltpu.sync_copy(outn, out_hbm.at[:, bt, :, pl.ds(bl0, RPW)])


_sc_call = pl.kernel(
    _sc_body,
    out_type=jax.ShapeDtypeStruct((D // 8, B // 128, 8, 128), jnp.float32),
    mesh=plsc.VectorSubcoreMesh(core_axis_name="c", subcore_axis_name="s"),
    compiler_params=pltpu.CompilerParams(
        needs_layout_passes=False, use_tc_tiling_on_sc=False,
        disable_bounds_checks=True, disable_semaphore_checks=True,
        skip_device_barrier=True),
    scratch_types=[
        pltpu.VMEM((LV,), jnp.float32),
        pltpu.VMEM((RPW * PS,), jnp.float32),
        pltpu.VMEM((RPW * PS,), jnp.int32),
        pltpu.VMEM((NB, 128), jnp.int32),
        pltpu.VMEM((RPW * D, 8), jnp.float32),
        pltpu.VMEM((D // 8, 8, RPW), jnp.float32),
        pltpu.SemaphoreType.DMA,
        pltpu.SemaphoreType.DMA,
        pltpu.SemaphoreType.DMA,
    ],
)


def kernel(subCodebook, logits):
    cb5 = subCodebook.reshape(B, K // 128, 128, D // 8, 8)
    cb8 = cb5.transpose(0, 3, 1, 4, 2).reshape(B * K * D // 8, 8)
    lg4 = logits.reshape(B // 8, 8, K // 128, 128)
    lgf = lg4.transpose(0, 2, 1, 3).reshape(B * K)
    out4 = _sc_call(cb8, lgf)
    return out4.transpose(1, 3, 0, 2).reshape(B, D)

# --- scband reference (transcript-rebuilt; emitter-appended) ---
"""Pipeline reference for scband-greedy-picker-86165633892687 (READ-ONLY COPY).

The authoritative reference and input builder live on the scoring server;
editing this copy changes nothing except your own understanding.
"""

import jax, jax.numpy as jnp
import numpy as np


def setup_inputs(seed: int = 0) -> dict:
    key = jax.random.key(seed)
    k1, k2 = jax.random.split(key)
    subCodebook = jax.random.normal(k1, (1024, 1024, 64), dtype=jnp.float32)
    logits = jax.random.normal(k2, (1024, 1024), dtype=jnp.float32)
    return {"subCodebook": subCodebook, "logits": logits}


def reference(subCodebook, logits):
    # y_hard = tf.argmax(logits, -1)[:, None]  -> shape [B, 1]
    y_hard = jnp.argmax(logits, axis=-1)  # [B]
    # tf.gather_nd(subCodebook, y_hard[:, None], batch_dims=1) -> subCodebook[b, y_hard[b], :]
    out = jnp.take_along_axis(subCodebook, y_hard[:, None, None], axis=1)[:, 0, :]
    return out

if __name__ == "__main__":
    import jax
    _d = setup_inputs()
    print(jax.jit(kernel)(*tuple(_d.values())))

</pallas_src>

<mosaic_0001>
#map = affine_map<(d0, d1) -> (0, 0)>
#map1 = affine_map<(d0, d1) -> (0)>
#map2 = affine_map<(d0, d1) -> (0, 0, 0, 0)>
module attributes {stable_mosaic.version = 14 : i64} {
  func.func @_sc_body(%arg0: i32, %arg1: i32, %arg2: memref<8388608x8xf32, #tpu.memory_space<hbm>>, %arg3: memref<1048576xf32, #tpu.memory_space<hbm>>, %arg4: memref<8x8x8x128xf32, #tpu.memory_space<hbm>>, %arg5: memref<32768xf32, #tpu.memory_space<vmem>>, %arg6: memref<544xf32, #tpu.memory_space<vmem>>, %arg7: memref<544xi32, #tpu.memory_space<vmem>>, %arg8: memref<16x128xi32, #tpu.memory_space<vmem>>, %arg9: memref<2048x8xf32, #tpu.memory_space<vmem>>, %arg10: memref<8x8x32xf32, #tpu.memory_space<vmem>>, %arg11: memref<!tpu.dma_semaphore, #tpu.memory_space<semaphore_mem>>, %arg12: memref<!tpu.dma_semaphore, #tpu.memory_space<semaphore_mem>>, %arg13: memref<!tpu.dma_semaphore, #tpu.memory_space<semaphore_mem>>) attributes {dimension_semantics = [#tpu.dimension_semantics<core_parallel>, #tpu.dimension_semantics<subcore_parallel>], iteration_bounds = array<i64: 2, 16>, scalar_prefetch = 0 : i64, scratch_operands = 9 : i64, tpu.core_type = #tpu.core_type<sc_vector_subcore>, window_params = [{transform_indices = #map}, {transform_indices = #map1}, {transform_indices = #map2}]} {
    %mul3A = arith.constant 2 : i32
    %mul3A_0 = arith.muli %arg1, %mul3A : i32
    %add3A = arith.addi %mul3A_0, %arg0 : i32
    %mul3A_1 = arith.constant 32 : i32
    %mul3A_2 = arith.muli %add3A, %mul3A_1 : i32
    %mul3A_3 = arith.constant 32768 : i32
    %mul3A_4 = arith.muli %add3A, %mul3A_3 : i32
    %add3A_5 = arith.constant 0 : i32
    %add3A_6 = arith.addi %mul3A_4, %add3A_5 : i32
    %dma_start3A = arith.constant 0 : i32
    %dma_start3A_7 = tpu.memref_slice %arg5[%dma_start3A] : memref<32768xf32, #tpu.memory_space<vmem>> -> memref<16384xf32, #tpu.memory_space<vmem>>
    %dma_start3A_8 = tpu.memref_slice %arg3[%add3A_6] : memref<1048576xf32, #tpu.memory_space<hbm>> -> memref<16384xf32, #tpu.memory_space<hbm>>
    %dma_start3A_9 = arith.constant 0 : i32
    %dma_start3A_10 = tpu.memref_slice %arg5[%dma_start3A_9] : memref<32768xf32, #tpu.memory_space<vmem>> -> memref<16384xf32, #tpu.memory_space<vmem>>
    %dma_start3A_11 = tpu.memref_slice %arg3[%add3A_6] : memref<1048576xf32, #tpu.memory_space<hbm>> -> memref<16384xf32, #tpu.memory_space<hbm>>
    tpu.enqueue_dma source(%dma_start3A_11 : memref<16384xf32, #tpu.memory_space<hbm>>) target(%dma_start3A_10 : memref<16384xf32, #tpu.memory_space<vmem>>) target_semaphore(%arg12 : memref<!tpu.dma_semaphore, #tpu.memory_space<semaphore_mem>>)
    %mul3A_12 = arith.constant 32768 : i32
    %mul3A_13 = arith.muli %add3A, %mul3A_12 : i32
    %add3A_14 = arith.constant 16384 : i32
    %add3A_15 = arith.addi %mul3A_13, %add3A_14 : i32
    %dma_start3A_16 = arith.constant 16384 : i32
    %dma_start3A_17 = tpu.memref_slice %arg5[%dma_start3A_16] : memref<32768xf32, #tpu.memory_space<vmem>> -> memref<16384xf32, #tpu.memory_space<vmem>>
    %dma_start3A_18 = tpu.memref_slice %arg3[%add3A_15] : memref<1048576xf32, #tpu.memory_space<hbm>> -> memref<16384xf32, #tpu.memory_space<hbm>>
    %dma_start3A_19 = arith.constant 16384 : i32
    %dma_start3A_20 = tpu.memref_slice %arg5[%dma_start3A_19] : memref<32768xf32, #tpu.memory_space<vmem>> -> memref<16384xf32, #tpu.memory_space<vmem>>
    %dma_start3A_21 = tpu.memref_slice %arg3[%add3A_15] : memref<1048576xf32, #tpu.memory_space<hbm>> -> memref<16384xf32, #tpu.memory_space<hbm>>
    tpu.enqueue_dma source(%dma_start3A_21 : memref<16384xf32, #tpu.memory_space<hbm>>) target(%dma_start3A_20 : memref<16384xf32, #tpu.memory_space<vmem>>) target_semaphore(%arg13 : memref<!tpu.dma_semaphore, #tpu.memory_space<semaphore_mem>>)
    %iota3A = tpu.iota {dimensions = array<i32: 0>} : vector<16xi32>
    %broadcast_in_dim3A = arith.constant 0xFF800000 : f32
    %broadcast_in_dim3A_22 = vector.broadcast %broadcast_in_dim3A : f32 to vector<16xf32>
    %broadcast_in_dim3A_23 = arith.constant 0 : i32
    %broadcast_in_dim3A_24 = vector.broadcast %broadcast_in_dim3A_23 : i32 to vector<16xi32>
    %add3A_25 = arith.constant 0 : i32
    %add3A_26 = vector.broadcast %add3A_25 : i32 to vector<16xi32>
    %add3A_27 = arith.addi %add3A_26, %iota3A : vector<16xi32>
    %shift_right_arithmetic3A = arith.constant 3 : i32
    %shift_right_arithmetic3A_28 = vector.broadcast %shift_right_arithmetic3A : i32 to vector<16xi32>
    %shift_right_arithmetic3A_29 = arith.shrsi %add3A_27, %shift_right_arithmetic3A_28 : vector<16xi32>
    %shift_left3A = arith.constant 10 : i32
    %shift_left3A_30 = vector.broadcast %shift_left3A : i32 to vector<16xi32>
    %shift_left3A_31 = arith.shli %shift_right_arithmetic3A_29, %shift_left3A_30 : vector<16xi32>
    %add3A_32 = arith.constant 0 : i32
    %add3A_33 = vector.broadcast %add3A_32 : i32 to vector<16xi32>
    %add3A_34 = arith.addi %add3A_33, %iota3A : vector<16xi32>
    %and3A = arith.constant 7 : i32
    %and3A_35 = vector.broadcast %and3A : i32 to vector<16xi32>
    %and3A_36 = arith.andi %add3A_34, %and3A_35 : vector<16xi32>
    %shift_left3A_37 = arith.constant 4 : i32
    %shift_left3A_38 = vector.broadcast %shift_left3A_37 : i32 to vector<16xi32>
    %shift_left3A_39 = arith.shli %and3A_36, %shift_left3A_38 : vector<16xi32>
    %add3A_40 = arith.addi %shift_left3A_31, %shift_left3A_39 : vector<16xi32>
    %add3A_41 = arith.constant 16 : i32
    %add3A_42 = vector.broadcast %add3A_41 : i32 to vector<16xi32>
    %add3A_43 = arith.addi %add3A_42, %iota3A : vector<16xi32>
    %shift_right_arithmetic3A_44 = arith.constant 3 : i32
    %shift_right_arithmetic3A_45 = vector.broadcast %shift_right_arithmetic3A_44 : i32 to vector<16xi32>
    %shift_right_arithmetic3A_46 = arith.shrsi %add3A_43, %shift_right_arithmetic3A_45 : vector<16xi32>
    %shift_left3A_47 = arith.constant 10 : i32
    %shift_left3A_48 = vector.broadcast %shift_left3A_47 : i32 to vector<16xi32>
    %shift_left3A_49 = arith.shli %shift_right_arithmetic3A_46, %shift_left3A_48 : vector<16xi32>
    %add3A_50 = arith.constant 16 : i32
    %add3A_51 = vector.broadcast %add3A_50 : i32 to vector<16xi32>
    %add3A_52 = arith.addi %add3A_51, %iota3A : vector<16xi32>
    %and3A_53 = arith.constant 7 : i32
    %and3A_54 = vector.broadcast %and3A_53 : i32 to vector<16xi32>
    %and3A_55 = arith.andi %add3A_52, %and3A_54 : vector<16xi32>
    %shift_left3A_56 = arith.constant 4 : i32
    %shift_left3A_57 = vector.broadcast %shift_left3A_56 : i32 to vector<16xi32>
    %shift_left3A_58 = arith.shli %and3A_55, %shift_left3A_57 : vector<16xi32>
    %add3A_59 = arith.addi %shift_left3A_49, %shift_left3A_58 : vector<16xi32>
    %add3A_60 = arith.constant 32 : i32
    %add3A_61 = vector.broadcast %add3A_60 : i32 to vector<16xi32>
    %add3A_62 = arith.addi %add3A_61, %iota3A : vector<16xi32>
    %shift_right_arithmetic3A_63 = arith.constant 3 : i32
    %shift_right_arithmetic3A_64 = vector.broadcast %shift_right_arithmetic3A_63 : i32 to vector<16xi32>
    %shift_right_arithmetic3A_65 = arith.shrsi %add3A_62, %shift_right_arithmetic3A_64 : vector<16xi32>
    %shift_left3A_66 = arith.constant 10 : i32
    %shift_left3A_67 = vector.broadcast %shift_left3A_66 : i32 to vector<16xi32>
    %shift_left3A_68 = arith.shli %shift_right_arithmetic3A_65, %shift_left3A_67 : vector<16xi32>
    %add3A_69 = arith.constant 32 : i32
    %add3A_70 = vector.broadcast %add3A_69 : i32 to vector<16xi32>
    %add3A_71 = arith.addi %add3A_70, %iota3A : vector<16xi32>
    %and3A_72 = arith.constant 7 : i32
    %and3A_73 = vector.broadcast %and3A_72 : i32 to vector<16xi32>
    %and3A_74 = arith.andi %add3A_71, %and3A_73 : vector<16xi32>
    %shift_left3A_75 = arith.constant 4 : i32
    %shift_left3A_76 = vector.broadcast %shift_left3A_75 : i32 to vector<16xi32>
    %shift_left3A_77 = arith.shli %and3A_74, %shift_left3A_76 : vector<16xi32>
    %add3A_78 = arith.addi %shift_left3A_68, %shift_left3A_77 : vector<16xi32>
    %add3A_79 = arith.constant 48 : i32
    %add3A_80 = vector.broadcast %add3A_79 : i32 to vector<16xi32>
    %add3A_81 = arith.addi %add3A_80, %iota3A : vector<16xi32>
    %shift_right_arithmetic3A_82 = arith.constant 3 : i32
    %shift_right_arithmetic3A_83 = vector.broadcast %shift_right_arithmetic3A_82 : i32 to vector<16xi32>
    %shift_right_arithmetic3A_84 = arith.shrsi %add3A_81, %shift_right_arithmetic3A_83 : vector<16xi32>
    %shift_left3A_85 = arith.constant 10 : i32
    %shift_left3A_86 = vector.broadcast %shift_left3A_85 : i32 to vector<16xi32>
    %shift_left3A_87 = arith.shli %shift_right_arithmetic3A_84, %shift_left3A_86 : vector<16xi32>
    %add3A_88 = arith.constant 48 : i32
    %add3A_89 = vector.broadcast %add3A_88 : i32 to vector<16xi32>
    %add3A_90 = arith.addi %add3A_89, %iota3A : vector<16xi32>
    %and3A_91 = arith.constant 7 : i32
    %and3A_92 = vector.broadcast %and3A_91 : i32 to vector<16xi32>
    %and3A_93 = arith.andi %add3A_90, %and3A_92 : vector<16xi32>
    %shift_left3A_94 = arith.constant 4 : i32
    %shift_left3A_95 = vector.broadcast %shift_left3A_94 : i32 to vector<16xi32>
    %shift_left3A_96 = arith.shli %and3A_93, %shift_left3A_95 : vector<16xi32>
    %add3A_97 = arith.addi %shift_left3A_87, %shift_left3A_96 : vector<16xi32>
    %dma_wait3A = arith.constant 0 : i32
    %dma_wait3A_98 = tpu.memref_slice %arg5[%dma_wait3A] : memref<32768xf32, #tpu.memory_space<vmem>> -> memref<16384xf32, #tpu.memory_space<vmem>>
    %dma_wait3A_99 = tpu.memref_slice %arg3[%add3A_6] : memref<1048576xf32, #tpu.memory_space<hbm>> -> memref<16384xf32, #tpu.memory_space<hbm>>
    %dma_wait3A_100 = arith.constant 0 : i32
    %dma_wait3A_101 = tpu.memref_slice %arg5[%dma_wait3A_100] : memref<32768xf32, #tpu.memory_space<vmem>> -> memref<16384xf32, #tpu.memory_space<vmem>>
    %dma_wait3A_102 = tpu.memref_slice %arg3[%add3A_6] : memref<1048576xf32, #tpu.memory_space<hbm>> -> memref<16384xf32, #tpu.memory_space<hbm>>
    tpu.wait_dma2 semaphore(%arg12 : memref<!tpu.dma_semaphore, #tpu.memory_space<semaphore_mem>>) src(%dma_wait3A_102 : memref<16384xf32, #tpu.memory_space<hbm>>) dst(%dma_wait3A_101 : memref<16384xf32, #tpu.memory_space<vmem>>)
    %scan3A = arith.constant 0 : i32
    %scan3A_103 = arith.constant 0 : i32
    %scan3A_104 = arith.constant 4 : i32
    %scan3A_105 = arith.addi %scan3A_103, %scan3A_104 : i32
    %scan3A_106 = arith.constant 1 : i32
    scf.for %scan3A_2630 = %scan3A_103 to %scan3A_105 step %scan3A_106  : i32 {
      %mul3A_2631 = arith.constant 4 : i32
      %mul3A_2632 = arith.muli %scan3A_2630, %mul3A_2631 : i32
      %add3A_2633 = arith.constant 0 : i32
      %add3A_2634 = arith.addi %add3A_2633, %mul3A_2632 : i32
      %shift_right_arithmetic3A_2635 = arith.constant 3 : i32
      %shift_right_arithmetic3A_2636 = arith.shrsi %add3A_2634, %shift_right_arithmetic3A_2635 : i32
      %mul3A_2637 = arith.constant 8192 : i32
      %mul3A_2638 = arith.muli %shift_right_arithmetic3A_2636, %mul3A_2637 : i32
      %and3A_2639 = arith.constant 7 : i32
      %and3A_2640 = arith.andi %add3A_2634, %and3A_2639 : i32
      %mul3A_2641 = arith.constant 128 : i32
      %mul3A_2642 = arith.muli %and3A_2640, %mul3A_2641 : i32
      %add3A_2643 = arith.addi %mul3A_2638, %mul3A_2642 : i32
      %scan3A_2644 = arith.constant 0 : i32
      %scan3A_2645 = arith.constant 64 : i32
      %scan3A_2646 = arith.addi %scan3A_2644, %scan3A_2645 : i32
      %scan3A_2647 = arith.constant 2 : i32
      %scan3A_2648:8 = scf.for %scan3A_2698 = %scan3A_2644 to %scan3A_2646 step %scan3A_2647 iter_args(%scan3A_2699 = %broadcast_in_dim3A_22, %scan3A_2700 = %broadcast_in_dim3A_24, %scan3A_2701 = %broadcast_in_dim3A_22, %scan3A_2702 = %broadcast_in_dim3A_24, %scan3A_2703 = %broadcast_in_dim3A_22, %scan3A_2704 = %broadcast_in_dim3A_24, %scan3A_2705 = %broadcast_in_dim3A_22, %scan3A_2706 = %broadcast_in_dim3A_24) -> (vector<16xf32>, vector<16xi32>, vector<16xf32>, vector<16xi32>, vector<16xf32>, vector<16xi32>, vector<16xf32>, vector<16xi32>)  : i32 {
        %shift_right_arithmetic3A_2707 = arith.constant 3 : i32
        %shift_right_arithmetic3A_2708 = arith.shrsi %scan3A_2698, %shift_right_arithmetic3A_2707 : i32
        %mul3A_2709 = arith.constant 1024 : i32
        %mul3A_2710 = arith.muli %shift_right_arithmetic3A_2708, %mul3A_2709 : i32
        %add3A_2711 = arith.addi %add3A_2643, %mul3A_2710 : i32
        %and3A_2712 = arith.constant 7 : i32
        %and3A_2713 = arith.andi %scan3A_2698, %and3A_2712 : i32
        %mul3A_2714 = arith.constant 16 : i32
        %mul3A_2715 = arith.muli %and3A_2713, %mul3A_2714 : i32
        %add3A_2716 = arith.addi %add3A_2711, %mul3A_2715 : i32
        %mul3A_2717 = arith.constant 16 : i32
        %mul3A_2718 = arith.muli %scan3A_2698, %mul3A_2717 : i32
        %add3A_2719 = vector.broadcast %mul3A_2718 : i32 to vector<16xi32>
        %add3A_2720 = arith.addi %add3A_2719, %iota3A : vector<16xi32>
        %add3A_2721 = arith.constant 0 : i32
        %add3A_2722 = arith.addi %add3A_2716, %add3A_2721 : i32
        %get3A = arith.index_cast %add3A_2722 : i32 to index
        %get3A_2723 = tpu.vector_load %arg5[%get3A] {strides = array<i32>} : memref<32768xf32, #tpu.memory_space<vmem>>, vector<16xf32>,
        %add3A_2724 = arith.constant 128 : i32
        %add3A_2725 = arith.addi %add3A_2716, %add3A_2724 : i32
        %get3A_2726 = arith.index_cast %add3A_2725 : i32 to index
        %get3A_2727 = tpu.vector_load %arg5[%get3A_2726] {strides = array<i32>} : memref<32768xf32, #tpu.memory_space<vmem>>, vector<16xf32>,
        %add3A_2728 = arith.constant 256 : i32
        %add3A_2729 = arith.addi %add3A_2716, %add3A_2728 : i32
        %get3A_2730 = arith.index_cast %add3A_2729 : i32 to index
        %get3A_2731 = tpu.vector_load %arg5[%get3A_2730] {strides = array<i32>} : memref<32768xf32, #tpu.memory_space<vmem>>, vector<16xf32>,
        %add3A_2732 = arith.constant 384 : i32
        %add3A_2733 = arith.addi %add3A_2716, %add3A_2732 : i32
        %get3A_2734 = arith.index_cast %add3A_2733 : i32 to index
        %get3A_2735 = tpu.vector_load %arg5[%get3A_2734] {strides = array<i32>} : memref<32768xf32, #tpu.memory_space<vmem>>, vector<16xf32>,
        %gt3A = arith.cmpf ogt, %get3A_2723, %scan3A_2699 : vector<16xf32>
        %gt3A_2736 = arith.cmpf ogt, %get3A_2727, %scan3A_2701 : vector<16xf32>
        %gt3A_2737 = arith.cmpf ogt, %get3A_2731, %scan3A_2703 : vector<16xf32>
        %gt3A_2738 = arith.cmpf ogt, %get3A_2735, %scan3A_2705 : vector<16xf32>
        %select_n3A = arith.select %gt3A, %get3A_2723, %scan3A_2699 : vector<16xi1>, vector<16xf32>
        %select_n3A_2739 = arith.select %gt3A, %add3A_2720, %scan3A_2700 : vector<16xi1>, vector<16xi32>
        %select_n3A_2740 = arith.select %gt3A_2736, %get3A_2727, %scan3A_2701 : vector<16xi1>, vector<16xf32>
        %select_n3A_2741 = arith.select %gt3A_2736, %add3A_2720, %scan3A_2702 : vector<16xi1>, vector<16xi32>
        %select_n3A_2742 = arith.select %gt3A_2737, %get3A_2731, %scan3A_2703 : vector<16xi1>, vector<16xf32>
        %select_n3A_2743 = arith.select %gt3A_2737, %add3A_2720, %scan3A_2704 : vector<16xi1>, vector<16xi32>
        %select_n3A_2744 = arith.select %gt3A_2738, %get3A_2735, %scan3A_2705 : vector<16xi1>, vector<16xf32>
        %select_n3A_2745 = arith.select %gt3A_2738, %add3A_2720, %scan3A_2706 : vector<16xi1>, vector<16xi32>
        %scan3A_2746 = arith.constant 1 : i32
        %scan3A_2747 = arith.addi %scan3A_2698, %scan3A_2746 : i32
        %shift_right_arithmetic3A_2748 = arith.constant 3 : i32
        %shift_right_arithmetic3A_2749 = arith.shrsi %scan3A_2747, %shift_right_arithmetic3A_2748 : i32
        %mul3A_2750 = arith.constant 1024 : i32
        %mul3A_2751 = arith.muli %shift_right_arithmetic3A_2749, %mul3A_2750 : i32
        %add3A_2752 = arith.addi %add3A_2643, %mul3A_2751 : i32
        %and3A_2753 = arith.constant 7 : i32
        %and3A_2754 = arith.andi %scan3A_2747, %and3A_2753 : i32
        %mul3A_2755 = arith.constant 16 : i32
        %mul3A_2756 = arith.muli %and3A_2754, %mul3A_2755 : i32
        %add3A_2757 = arith.addi %add3A_2752, %mul3A_2756 : i32
        %mul3A_2758 = arith.constant 16 : i32
        %mul3A_2759 = arith.muli %scan3A_2747, %mul3A_2758 : i32
        %add3A_2760 = vector.broadcast %mul3A_2759 : i32 to vector<16xi32>
        %add3A_2761 = arith.addi %add3A_2760, %iota3A : vector<16xi32>
        %add3A_2762 = arith.constant 0 : i32
        %add3A_2763 = arith.addi %add3A_2757, %add3A_2762 : i32
        %get3A_2764 = arith.index_cast %add3A_2763 : i32 to index
        %get3A_2765 = tpu.vector_load %arg5[%get3A_2764] {strides = array<i32>} : memref<32768xf32, #tpu.memory_space<vmem>>, vector<16xf32>,
        %add3A_2766 = arith.constant 128 : i32
        %add3A_2767 = arith.addi %add3A_2757, %add3A_2766 : i32
        %get3A_2768 = arith.index_cast %add3A_2767 : i32 to index
        %get3A_2769 = tpu.vector_load %arg5[%get3A_2768] {strides = array<i32>} : memref<32768xf32, #tpu.memory_space<vmem>>, vector<16xf32>,
        %add3A_2770 = arith.constant 256 : i32
        %add3A_2771 = arith.addi %add3A_2757, %add3A_2770 : i32
        %get3A_2772 = arith.index_cast %add3A_2771 : i32 to index
        %get3A_2773 = tpu.vector_load %arg5[%get3A_2772] {strides = array<i32>} : memref<32768xf32, #tpu.memory_space<vmem>>, vector<16xf32>,
        %add3A_2774 = arith.constant 384 : i32
        %add3A_2775 = arith.addi %add3A_2757, %add3A_2774 : i32
        %get3A_2776 = arith.index_cast %add3A_2775 : i32 to index
        %get3A_2777 = tpu.vector_load %arg5[%get3A_2776] {strides = array<i32>} : memref<32768xf32, #tpu.memory_space<vmem>>, vector<16xf32>,
        %gt3A_2778 = arith.cmpf ogt, %get3A_2765, %select_n3A : vector<16xf32>
        %gt3A_2779 = arith.cmpf ogt, %get3A_2769, %select_n3A_2740 : vector<16xf32>
        %gt3A_2780 = arith.cmpf ogt, %get3A_2773, %select_n3A_2742 : vector<16xf32>
        %gt3A_2781 = arith.cmpf ogt, %get3A_2777, %select_n3A_2744 : vector<16xf32>
        %select_n3A_2782 = arith.select %gt3A_2778, %get3A_2765, %select_n3A : vector<16xi1>, vector<16xf32>
        %select_n3A_2783 = arith.select %gt3A_2778, %add3A_2761, %select_n3A_2739 : vector<16xi1>, vector<16xi32>
        %select_n3A_2784 = arith.select %gt3A_2779, %get3A_2769, %select_n3A_2740 : vector<16xi1>, vector<16xf32>
        %select_n3A_2785 = arith.select %gt3A_2779, %add3A_2761, %select_n3A_2741 : vector<16xi1>, vector<16xi32>
        %select_n3A_2786 = arith.select %gt3A_2780, %get3A_2773, %select_n3A_2742 : vector<16xi1>, vector<16xf32>
        %select_n3A_2787 = arith.select %gt3A_2780, %add3A_2761, %select_n3A_2743 : vector<16xi1>, vector<16xi32>
        %select_n3A_2788 = arith.select %gt3A_2781, %get3A_2777, %select_n3A_2744 : vector<16xi1>, vector<16xf32>
        %select_n3A_2789 = arith.select %gt3A_2781, %add3A_2761, %select_n3A_2745 : vector<16xi1>, vector<16xi32>
        scf.yield %select_n3A_2782, %select_n3A_2783, %select_n3A_2784, %select_n3A_2785, %select_n3A_2786, %select_n3A_2787, %select_n3A_2788, %select_n3A_2789 : vector<16xf32>, vector<16xi32>, vector<16xf32>, vector<16xi32>, vector<16xf32>, vector<16xi32>, vector<16xf32>, vector<16xi32>
      }
      %scan3A_2649 = arith.constant 64 : i32
      %add3A_2650 = arith.constant 0 : i32
      %add3A_2651 = arith.addi %add3A_2634, %add3A_2650 : i32
      %mul3A_2652 = arith.constant 17 : i32
      %mul3A_2653 = arith.muli %add3A_2651, %mul3A_2652 : i32
      %swap3A_2654 = arith.index_cast %mul3A_2653 : i32 to index
      %swap3A_2655 = tpu.vector_load %arg6[%swap3A_2654] {strides = array<i32>} : memref<544xf32, #tpu.memory_space<vmem>>, vector<16xf32>,
      tpu.vector_store %arg6[%swap3A_2654], %scan3A_2648#0 {strides = array<i32>} : memref<544xf32, #tpu.memory_space<vmem>>, vector<16xf32>,
      %add3A_2656 = arith.constant 0 : i32
      %add3A_2657 = arith.addi %add3A_2634, %add3A_2656 : i32
      %mul3A_2658 = arith.constant 17 : i32
      %mul3A_2659 = arith.muli %add3A_2657, %mul3A_2658 : i32
      %swap3A_2660 = arith.index_cast %mul3A_2659 : i32 to index
      %swap3A_2661 = tpu.vector_load %arg7[%swap3A_2660] {strides = array<i32>} : memref<544xi32, #tpu.memory_space<vmem>>, vector<16xi32>,
      tpu.vector_store %arg7[%swap3A_2660], %scan3A_2648#1 {strides = array<i32>} : memref<544xi32, #tpu.memory_space<vmem>>, vector<16xi32>,
      %add3A_2662 = arith.constant 1 : i32
      %add3A_2663 = arith.addi %add3A_2634, %add3A_2662 : i32
      %mul3A_2664 = arith.constant 17 : i32
      %mul3A_2665 = arith.muli %add3A_2663, %mul3A_2664 : i32
      %swap3A_2666 = arith.index_cast %mul3A_2665 : i32 to index
      %swap3A_2667 = tpu.vector_load %arg6[%swap3A_2666] {strides = array<i32>} : memref<544xf32, #tpu.memory_space<vmem>>, vector<16xf32>,
      tpu.vector_store %arg6[%swap3A_2666], %scan3A_2648#2 {strides = array<i32>} : memref<544xf32, #tpu.memory_space<vmem>>, vector<16xf32>,
      %add3A_2668 = arith.constant 1 : i32
      %add3A_2669 = arith.addi %add3A_2634, %add3A_2668 : i32
      %mul3A_2670 = arith.constant 17 : i32
      %mul3A_2671 = arith.muli %add3A_2669, %mul3A_2670 : i32
      %swap3A_2672 = arith.index_cast %mul3A_2671 : i32 to index
      %swap3A_2673 = tpu.vector_load %arg7[%swap3A_2672] {strides = array<i32>} : memref<544xi32, #tpu.memory_space<vmem>>, vector<16xi32>,
      tpu.vector_store %arg7[%swap3A_2672], %scan3A_2648#3 {strides = array<i32>} : memref<544xi32, #tpu.memory_space<vmem>>, vector<16xi32>,
      %add3A_2674 = arith.constant 2 : i32
      %add3A_2675 = arith.addi %add3A_2634, %add3A_2674 : i32
      %mul3A_2676 = arith.constant 17 : i32
      %mul3A_2677 = arith.muli %add3A_2675, %mul3A_2676 : i32
      %swap3A_2678 = arith.index_cast %mul3A_2677 : i32 to index
      %swap3A_2679 = tpu.vector_load %arg6[%swap3A_2678] {strides = array<i32>} : memref<544xf32, #tpu.memory_space<vmem>>, vector<16xf32>,
      tpu.vector_store %arg6[%swap3A_2678], %scan3A_2648#4 {strides = array<i32>} : memref<544xf32, #tpu.memory_space<vmem>>, vector<16xf32>,
      %add3A_2680 = arith.constant 2 : i32
      %add3A_2681 = arith.addi %add3A_2634, %add3A_2680 : i32
      %mul3A_2682 = arith.constant 17 : i32
      %mul3A_2683 = arith.muli %add3A_2681, %mul3A_2682 : i32
      %swap3A_2684 = arith.index_cast %mul3A_2683 : i32 to index
      %swap3A_2685 = tpu.vector_load %arg7[%swap3A_2684] {strides = array<i32>} : memref<544xi32, #tpu.memory_space<vmem>>, vector<16xi32>,
      tpu.vector_store %arg7[%swap3A_2684], %scan3A_2648#5 {strides = array<i32>} : memref<544xi32, #tpu.memory_space<vmem>>, vector<16xi32>,
      %add3A_2686 = arith.constant 3 : i32
      %add3A_2687 = arith.addi %add3A_2634, %add3A_2686 : i32
      %mul3A_2688 = arith.constant 17 : i32
      %mul3A_2689 = arith.muli %add3A_2687, %mul3A_2688 : i32
      %swap3A_2690 = arith.index_cast %mul3A_2689 : i32 to index
      %swap3A_2691 = tpu.vector_load %arg6[%swap3A_2690] {strides = array<i32>} : memref<544xf32, #tpu.memory_space<vmem>>, vector<16xf32>,
      tpu.vector_store %arg6[%swap3A_2690], %scan3A_2648#6 {strides = array<i32>} : memref<544xf32, #tpu.memory_space<vmem>>, vector<16xf32>,
      %add3A_2692 = arith.constant 3 : i32
      %add3A_2693 = arith.addi %add3A_2634, %add3A_2692 : i32
      %mul3A_2694 = arith.constant 17 : i32
      %mul3A_2695 = arith.muli %add3A_2693, %mul3A_2694 : i32
      %swap3A_2696 = arith.index_cast %mul3A_2695 : i32 to index
      %swap3A_2697 = tpu.vector_load %arg7[%swap3A_2696] {strides = array<i32>} : memref<544xi32, #tpu.memory_space<vmem>>, vector<16xi32>,
      tpu.vector_store %arg7[%swap3A_2696], %scan3A_2648#7 {strides = array<i32>} : memref<544xi32, #tpu.memory_space<vmem>>, vector<16xi32>,
    }
    %scan3A_107 = arith.constant 4 : i32
    %add3A_108 = arith.constant 0 : i32
    %add3A_109 = vector.broadcast %add3A_108 : i32 to vector<16xi32>
    %add3A_110 = arith.addi %add3A_109, %iota3A : vector<16xi32>
    %broadcast_in_dim3A_111 = arith.constant 1073741824 : i32
    %broadcast_in_dim3A_112 = vector.broadcast %broadcast_in_dim3A_111 : i32 to vector<16xi32>
    %scan3A_113 = arith.constant 0 : i32
    %scan3A_114 = arith.constant 16 : i32
    %scan3A_115 = arith.addi %scan3A_113, %scan3A_114 : i32
    %scan3A_116 = arith.constant 1 : i32
    %scan3A_117:2 = scf.for %scan3A_2630 = %scan3A_113 to %scan3A_115 step %scan3A_116 iter_args(%scan3A_2631 = %broadcast_in_dim3A_22, %scan3A_2632 = %broadcast_in_dim3A_112) -> (vector<16xf32>, vector<16xi32>)  : i32 {
      %mul3A_2633 = arith.constant 17 : i32
      %mul3A_2634 = vector.broadcast %mul3A_2633 : i32 to vector<16xi32>
      %mul3A_2635 = arith.muli %add3A_110, %mul3A_2634 : vector<16xi32>
      %add3A_2636 = vector.broadcast %scan3A_2630 : i32 to vector<16xi32>
      %add3A_2637 = arith.addi %mul3A_2635, %add3A_2636 : vector<16xi32>
      %gather3A_2638 = tpu.vector_load_idx %arg6[%add3A_2637] : memref<544xf32, #tpu.memory_space<vmem>>[vector<16xi32>], vector<16xf32>,
      %gather3A_2639 = tpu.vector_load_idx %arg7[%add3A_2637] : memref<544xi32, #tpu.memory_space<vmem>>[vector<16xi32>], vector<16xi32>,
      %gt3A = arith.cmpf ogt, %gather3A_2638, %scan3A_2631 : vector<16xf32>
      %eq3A = arith.cmpf oeq, %gather3A_2638, %scan3A_2631 : vector<16xf32>
      %lt3A = arith.cmpi slt, %gather3A_2639, %scan3A_2632 : vector<16xi32>
      %and3A_2640 = arith.andi %eq3A, %lt3A : vector<16xi1>
      %or3A = arith.ori %gt3A, %and3A_2640 : vector<16xi1>
      %select_n3A = arith.select %or3A, %gather3A_2638, %scan3A_2631 : vector<16xi1>, vector<16xf32>
      %select_n3A_2641 = arith.select %or3A, %gather3A_2639, %scan3A_2632 : vector<16xi1>, vector<16xi32>
      scf.yield %select_n3A, %select_n3A_2641 : vector<16xf32>, vector<16xi32>
    }
    %scan3A_118 = arith.constant 16 : i32
    %add3A_119 = vector.broadcast %mul3A_2 : i32 to vector<16xi32>
    %add3A_120 = arith.addi %add3A_119, %add3A_110 : vector<16xi32>
    %mul3A_121 = arith.constant 8192 : i32
    %mul3A_122 = vector.broadcast %mul3A_121 : i32 to vector<16xi32>
    %mul3A_123 = arith.muli %add3A_120, %mul3A_122 : vector<16xi32>
    %shift_right_arithmetic3A_124 = arith.constant 7 : i32
    %shift_right_arithmetic3A_125 = vector.broadcast %shift_right_arithmetic3A_124 : i32 to vector<16xi32>
    %shift_right_arithmetic3A_126 = arith.shrsi %scan3A_117#1, %shift_right_arithmetic3A_125 : vector<16xi32>
    %shift_left3A_127 = arith.constant 7 : i32
    %shift_left3A_128 = vector.broadcast %shift_left3A_127 : i32 to vector<16xi32>
    %shift_left3A_129 = arith.shli %shift_right_arithmetic3A_126, %shift_left3A_128 : vector<16xi32>
    %add3A_130 = arith.addi %mul3A_123, %shift_left3A_129 : vector<16xi32>
    %and3A_131 = arith.constant 127 : i32
    %and3A_132 = vector.broadcast %and3A_131 : i32 to vector<16xi32>
    %and3A_133 = arith.andi %scan3A_117#1, %and3A_132 : vector<16xi32>
    %shift_right_arithmetic3A_134 = arith.constant 3 : i32
    %shift_right_arithmetic3A_135 = vector.broadcast %shift_right_arithmetic3A_134 : i32 to vector<16xi32>
    %shift_right_arithmetic3A_136 = arith.shrsi %and3A_133, %shift_right_arithmetic3A_135 : vector<16xi32>
    %add3A_137 = arith.addi %add3A_130, %shift_right_arithmetic3A_136 : vector<16xi32>
    %slice3A = vector.extract_strided_slice %add3A_137 {offsets = [0], sizes = [1], strides = [1]} : vector<16xi32> to vector<1xi32>
    %squeeze3A = vector.extract %slice3A[0] : i32 from vector<1xi32>
    %add3A_138 = vector.broadcast %squeeze3A : i32 to vector<16xi32>
    %add3A_139 = arith.addi %add3A_138, %add3A_40 : vector<16xi32>
    %swap3A = arith.constant 0 : i32
    %swap3A_140 = arith.index_cast %swap3A : i32 to index
    %swap3A_141 = arith.constant 0 : index
    %swap3A_142 = tpu.vector_load %arg8[%swap3A_140, %swap3A_141] {strides = array<i32>} : memref<16x128xi32, #tpu.memory_space<vmem>>, vector<16xi32>,
    tpu.vector_store %arg8[%swap3A_140, %swap3A_141], %add3A_139 {strides = array<i32>} : memref<16x128xi32, #tpu.memory_space<vmem>>, vector<16xi32>,
    %add3A_143 = vector.broadcast %squeeze3A : i32 to vector<16xi32>
    %add3A_144 = arith.addi %add3A_143, %add3A_59 : vector<16xi32>
    %swap3A_145 = arith.constant 0 : i32
    %swap3A_146 = arith.index_cast %swap3A_145 : i32 to index
    %swap3A_147 = arith.constant 16 : index
    %swap3A_148 = tpu.vector_load %arg8[%swap3A_146, %swap3A_147] {strides = array<i32>} : memref<16x128xi32, #tpu.memory_space<vmem>>, vector<16xi32>,
    tpu.vector_store %arg8[%swap3A_146, %swap3A_147], %add3A_144 {strides = array<i32>} : memref<16x128xi32, #tpu.memory_space<vmem>>, vector<16xi32>,
    %add3A_149 = vector.broadcast %squeeze3A : i32 to vector<16xi32>
    %add3A_150 = arith.addi %add3A_149, %add3A_78 : vector<16xi32>
    %swap3A_151 = arith.constant 0 : i32
    %swap3A_152 = arith.index_cast %swap3A_151 : i32 to index
    %swap3A_153 = arith.constant 32 : index
    %swap3A_154 = tpu.vector_load %arg8[%swap3A_152, %swap3A_153] {strides = array<i32>} : memref<16x128xi32, #tpu.memory_space<vmem>>, vector<16xi32>,
    tpu.vector_store %arg8[%swap3A_152, %swap3A_153], %add3A_150 {strides = array<i32>} : memref<16x128xi32, #tpu.memory_space<vmem>>, vector<16xi32>,
    %add3A_155 = vector.broadcast %squeeze3A : i32 to vector<16xi32>
    %add3A_156 = arith.addi %add3A_155, %add3A_97 : vector<16xi32>
    %swap3A_157 = arith.constant 0 : i32
    %swap3A_158 = arith.index_cast %swap3A_157 : i32 to index
    %swap3A_159 = arith.constant 48 : index
    %swap3A_160 = tpu.vector_load %arg8[%swap3A_158, %swap3A_159] {strides = array<i32>} : memref<16x128xi32, #tpu.memory_space<vmem>>, vector<16xi32>,
    tpu.vector_store %arg8[%swap3A_158, %swap3A_159], %add3A_156 {strides = array<i32>} : memref<16x128xi32, #tpu.memory_space<vmem>>, vector<16xi32>,
    %slice3A_161 = vector.extract_strided_slice %add3A_137 {offsets = [1], sizes = [1], strides = [1]} : vector<16xi32> to vector<1xi32>
    %squeeze3A_162 = vector.extract %slice3A_161[0] : i32 from vector<1xi32>
    %add3A_163 = vector.broadcast %squeeze3A_162 : i32 to vector<16xi32>
    %add3A_164 = arith.addi %add3A_163, %add3A_40 : vector<16xi32>
    %swap3A_165 = arith.constant 0 : i32
    %swap3A_166 = arith.index_cast %swap3A_165 : i32 to index
    %swap3A_167 = arith.constant 64 : index
    %swap3A_168 = tpu.vector_load %arg8[%swap3A_166, %swap3A_167] {strides = array<i32>} : memref<16x128xi32, #tpu.memory_space<vmem>>, vector<16xi32>,
    tpu.vector_store %arg8[%swap3A_166, %swap3A_167], %add3A_164 {strides = array<i32>} : memref<16x128xi32, #tpu.memory_space<vmem>>, vector<16xi32>,
    %add3A_169 = vector.broadcast %squeeze3A_162 : i32 to vector<16xi32>
    %add3A_170 = arith.addi %add3A_169, %add3A_59 : vector<16xi32>
    %swap3A_171 = arith.constant 0 : i32
    %swap3A_172 = arith.index_cast %swap3A_171 : i32 to index
    %swap3A_173 = arith.constant 80 : index
    %swap3A_174 = tpu.vector_load %arg8[%swap3A_172, %swap3A_173] {strides = array<i32>} : memref<16x128xi32, #tpu.memory_space<vmem>>, vector<16xi32>,
    tpu.vector_store %arg8[%swap3A_172, %swap3A_173], %add3A_170 {strides = array<i32>} : memref<16x128xi32, #tpu.memory_space<vmem>>, vector<16xi32>,
    %add3A_175 = vector.broadcast %squeeze3A_162 : i32 to vector<16xi32>
    %add3A_176 = arith.addi %add3A_175, %add3A_78 : vector<16xi32>
    %swap3A_177 = arith.constant 0 : i32
    %swap3A_178 = arith.index_cast %swap3A_177 : i32 to index
    %swap3A_179 = arith.constant 96 : index
    %swap3A_180 = tpu.vector_load %arg8[%swap3A_178, %swap3A_179] {strides = array<i32>} : memref<16x128xi32, #tpu.memory_space<vmem>>, vector<16xi32>,
    tpu.vector_store %arg8[%swap3A_178, %swap3A_179], %add3A_176 {strides = array<i32>} : memref<16x128xi32, #tpu.memory_space<vmem>>, vector<16xi32>,
    %add3A_181 = vector.broadcast %squeeze3A_162 : i32 to vector<16xi32>
    %add3A_182 = arith.addi %add3A_181, %add3A_97 : vector<16xi32>
    %swap3A_183 = arith.constant 0 : i32
    %swap3A_184 = arith.index_cast %swap3A_183 : i32 to index
    %swap3A_185 = arith.constant 112 : index
    %swap3A_186 = tpu.vector_load %arg8[%swap3A_184, %swap3A_185] {strides = array<i32>} : memref<16x128xi32, #tpu.memory_space<vmem>>, vector<16xi32>,
    tpu.vector_store %arg8[%swap3A_184, %swap3A_185], %add3A_182 {strides = array<i32>} : memref<16x128xi32, #tpu.memory_space<vmem>>, vector<16xi32>,
    %dma_start3A_187 = arith.constant 0 : i32
    %dma_start3A_188 = arith.constant 0 : i32
    %dma_start3A_189 = arith.constant 0 : i32
    %dma_start3A_190 = tpu.memref_slice %arg9[%dma_start3A_188, %dma_start3A_189] : memref<2048x8xf32, #tpu.memory_space<vmem>> -> memref<128x8xf32, #tpu.memory_space<vmem>>
    %dma_start3A_191 = arith.constant 0 : i32
    %dma_start3A_192 = tpu.memref_slice %arg8[%dma_start3A_187, %dma_start3A_191] : memref<16x128xi32, #tpu.memory_space<vmem>> -> memref<1x128xi32, #tpu.memory_space<vmem>>
    %dma_start3A_193 = tpu.memref_squeeze %dma_start3A_192 : memref<1x128xi32, #tpu.memory_space<vmem>> -> memref<128xi32, #tpu.memory_space<vmem>>
    %dma_start3A_194 = arith.constant 0 : i32
    %dma_start3A_195 = arith.constant 0 : i32
    %dma_start3A_196 = tpu.memref_slice %arg2[%dma_start3A_194, %dma_start3A_195] : memref<8388608x8xf32, #tpu.memory_space<hbm>> -> memref<8388608x8xf32, #tpu.memory_space<hbm>>
    tpu.enqueue_indirect_dma source(%dma_start3A_196 : memref<8388608x8xf32, #tpu.memory_space<hbm>>) target(%dma_start3A_190 : memref<128x8xf32, #tpu.memory_space<vmem>>) offsets(%dma_start3A_193 : memref<128xi32, #tpu.memory_space<vmem>>) semaphore(%arg11 : memref<!tpu.dma_semaphore, #tpu.memory_space<semaphore_mem>>)
    %slice3A_197 = vector.extract_strided_slice %add3A_137 {offsets = [2], sizes = [1], strides = [1]} : vector<16xi32> to vector<1xi32>
    %squeeze3A_198 = vector.extract %slice3A_197[0] : i32 from vector<1xi32>
    %add3A_199 = vector.broadcast %squeeze3A_198 : i32 to vector<16xi32>
    %add3A_200 = arith.addi %add3A_199, %add3A_40 : vector<16xi32>
    %swap3A_201 = arith.constant 1 : i32
    %swap3A_202 = arith.index_cast %swap3A_201 : i32 to index
    %swap3A_203 = arith.constant 0 : index
    %swap3A_204 = tpu.vector_load %arg8[%swap3A_202, %swap3A_203] {strides = array<i32>} : memref<16x128xi32, #tpu.memory_space<vmem>>, vector<16xi32>,
    tpu.vector_store %arg8[%swap3A_202, %swap3A_203], %add3A_200 {strides = array<i32>} : memref<16x128xi32, #tpu.memory_space<vmem>>, vector<16xi32>,
    %add3A_205 = vector.broadcast %squeeze3A_198 : i32 to vector<16xi32>
    %add3A_206 = arith.addi %add3A_205, %add3A_59 : vector<16xi32>
    %swap3A_207 = arith.constant 1 : i32
    %swap3A_208 = arith.index_cast %swap3A_207 : i32 to index
    %swap3A_209 = arith.constant 16 : index
    %swap3A_210 = tpu.vector_load %arg8[%swap3A_208, %swap3A_209] {strides = array<i32>} : memref<16x128xi32, #tpu.memory_space<vmem>>, vector<16xi32>,
    tpu.vector_store %arg8[%swap3A_208, %swap3A_209], %add3A_206 {strides = array<i32>} : memref<16x128xi32, #tpu.memory_space<vmem>>, vector<16xi32>,
    %add3A_211 = vector.broadcast %squeeze3A_198 : i32 to vector<16xi32>
    %add3A_212 = arith.addi %add3A_211, %add3A_78 : vector<16xi32>
    %swap3A_213 = arith.constant 1 : i32
    %swap3A_214 = arith.index_cast %swap3A_213 : i32 to index
    %swap3A_215 = arith.constant 32 : index
    %swap3A_216 = tpu.vector_load %arg8[%swap3A_214, %swap3A_215] {strides = array<i32>} : memref<16x128xi32, #tpu.memory_space<vmem>>, vector<16xi32>,
    tpu.vector_store %arg8[%swap3A_214, %swap3A_215], %add3A_212 {strides = array<i32>} : memref<16x128xi32, #tpu.memory_space<vmem>>, vector<16xi32>,
    %add3A_217 = vector.broadcast %squeeze3A_198 : i32 to vector<16xi32>
    %add3A_218 = arith.addi %add3A_217, %add3A_97 : vector<16xi32>
    %swap3A_219 = arith.constant 1 : i32
    %swap3A_220 = arith.index_cast %swap3A_219 : i32 to index
    %swap3A_221 = arith.constant 48 : index
    %swap3A_222 = tpu.vector_load %arg8[%swap3A_220, %swap3A_221] {strides = array<i32>} : memref<16x128xi32, #tpu.memory_space<vmem>>, vector<16xi32>,
    tpu.vector_store %arg8[%swap3A_220, %swap3A_221], %add3A_218 {strides = array<i32>} : memref<16x128xi32, #tpu.memory_space<vmem>>, vector<16xi32>,
    %slice3A_223 = vector.extract_strided_slice %add3A_137 {offsets = [3], sizes = [1], strides = [1]} : vector<16xi32> to vector<1xi32>
    %squeeze3A_224 = vector.extract %slice3A_223[0] : i32 from vector<1xi32>
    %add3A_225 = vector.broadcast %squeeze3A_224 : i32 to vector<16xi32>
    %add3A_226 = arith.addi %add3A_225, %add3A_40 : vector<16xi32>
    %swap3A_227 = arith.constant 1 : i32
    %swap3A_228 = arith.index_cast %swap3A_227 : i32 to index
    %swap3A_229 = arith.constant 64 : index
    %swap3A_230 = tpu.vector_load %arg8[%swap3A_228, %swap3A_229] {strides = array<i32>} : memref<16x128xi32, #tpu.memory_space<vmem>>, vector<16xi32>,
    tpu.vector_store %arg8[%swap3A_228, %swap3A_229], %add3A_226 {strides = array<i32>} : memref<16x128xi32, #tpu.memory_space<vmem>>, vector<16xi32>,
    %add3A_231 = vector.broadcast %squeeze3A_224 : i32 to vector<16xi32>
    %add3A_232 = arith.addi %add3A_231, %add3A_59 : vector<16xi32>
    %swap3A_233 = arith.constant 1 : i32
    %swap3A_234 = arith.index_cast %swap3A_233 : i32 to index
    %swap3A_235 = arith.constant 80 : index
    %swap3A_236 = tpu.vector_load %arg8[%swap3A_234, %swap3A_235] {strides = array<i32>} : memref<16x128xi32, #tpu.memory_space<vmem>>, vector<16xi32>,
    tpu.vector_store %arg8[%swap3A_234, %swap3A_235], %add3A_232 {strides = array<i32>} : memref<16x128xi32, #tpu.memory_space<vmem>>, vector<16xi32>,
    %add3A_237 = vector.broadcast %squeeze3A_224 : i32 to vector<16xi32>
    %add3A_238 = arith.addi %add3A_237, %add3A_78 : vector<16xi32>
    %swap3A_239 = arith.constant 1 : i32
    %swap3A_240 = arith.index_cast %swap3A_239 : i32 to index
    %swap3A_241 = arith.constant 96 : index
    %swap3A_242 = tpu.vector_load %arg8[%swap3A_240, %swap3A_241] {strides = array<i32>} : memref<16x128xi32, #tpu.memory_space<vmem>>, vector<16xi32>,
    tpu.vector_store %arg8[%swap3A_240, %swap3A_241], %add3A_238 {strides = array<i32>} : memref<16x128xi32, #tpu.memory_space<vmem>>, vector<16xi32>,
    %add3A_243 = vector.broadcast %squeeze3A_224 : i32 to vector<16xi32>
    %add3A_244 = arith.addi %add3A_243, %add3A_97 : vector<16xi32>
    %swap3A_245 = arith.constant 1 : i32
    %swap3A_246 = arith.index_cast %swap3A_245 : i32 to index
    %swap3A_247 = arith.constant 112 : index
    %swap3A_248 = tpu.vector_load %arg8[%swap3A_246, %swap3A_247] {strides = array<i32>} : memref<16x128xi32, #tpu.memory_space<vmem>>, vector<16xi32>,
    tpu.vector_store %arg8[%swap3A_246, %swap3A_247], %add3A_244 {strides = array<i32>} : memref<16x128xi32, #tpu.memory_space<vmem>>, vector<16xi32>,
    %dma_start3A_249 = arith.constant 1 : i32
    %dma_start3A_250 = arith.constant 128 : i32
    %dma_start3A_251 = arith.constant 0 : i32
    %dma_start3A_252 = tpu.memref_slice %arg9[%dma_start3A_250, %dma_start3A_251] : memref<2048x8xf32, #tpu.memory_space<vmem>> -> memref<128x8xf32, #tpu.memory_space<vmem>>
    %dma_start3A_253 = arith.constant 0 : i32
    %dma_start3A_254 = tpu.memref_slice %arg8[%dma_start3A_249, %dma_start3A_253] : memref<16x128xi32, #tpu.memory_space<vmem>> -> memref<1x128xi32, #tpu.memory_space<vmem>>
    %dma_start3A_255 = tpu.memref_squeeze %dma_start3A_254 : memref<1x128xi32, #tpu.memory_space<vmem>> -> memref<128xi32, #tpu.memory_space<vmem>>
    %dma_start3A_256 = arith.constant 0 : i32
    %dma_start3A_257 = arith.constant 0 : i32
    %dma_start3A_258 = tpu.memref_slice %arg2[%dma_start3A_256, %dma_start3A_257] : memref<8388608x8xf32, #tpu.memory_space<hbm>> -> memref<8388608x8xf32, #tpu.memory_space<hbm>>
    tpu.enqueue_indirect_dma source(%dma_start3A_258 : memref<8388608x8xf32, #tpu.memory_space<hbm>>) target(%dma_start3A_252 : memref<128x8xf32, #tpu.memory_space<vmem>>) offsets(%dma_start3A_255 : memref<128xi32, #tpu.memory_space<vmem>>) semaphore(%arg11 : memref<!tpu.dma_semaphore, #tpu.memory_space<semaphore_mem>>)
    %slice3A_259 = vector.extract_strided_slice %add3A_137 {offsets = [4], sizes = [1], strides = [1]} : vector<16xi32> to vector<1xi32>
    %squeeze3A_260 = vector.extract %slice3A_259[0] : i32 from vector<1xi32>
    %add3A_261 = vector.broadcast %squeeze3A_260 : i32 to vector<16xi32>
    %add3A_262 = arith.addi %add3A_261, %add3A_40 : vector<16xi32>
    %swap3A_263 = arith.constant 2 : i32
    %swap3A_264 = arith.index_cast %swap3A_263 : i32 to index
    %swap3A_265 = arith.constant 0 : index
    %swap3A_266 = tpu.vector_load %arg8[%swap3A_264, %swap3A_265] {strides = array<i32>} : memref<16x128xi32, #tpu.memory_space<vmem>>, vector<16xi32>,
    tpu.vector_store %arg8[%swap3A_264, %swap3A_265], %add3A_262 {strides = array<i32>} : memref<16x128xi32, #tpu.memory_space<vmem>>, vector<16xi32>,
    %add3A_267 = vector.broadcast %squeeze3A_260 : i32 to vector<16xi32>
    %add3A_268 = arith.addi %add3A_267, %add3A_59 : vector<16xi32>
    %swap3A_269 = arith.constant 2 : i32
    %swap3A_270 = arith.index_cast %swap3A_269 : i32 to index
    %swap3A_271 = arith.constant 16 : index
    %swap3A_272 = tpu.vector_load %arg8[%swap3A_270, %swap3A_271] {strides = array<i32>} : memref<16x128xi32, #tpu.memory_space<vmem>>, vector<16xi32>,
    tpu.vector_store %arg8[%swap3A_270, %swap3A_271], %add3A_268 {strides = array<i32>} : memref<16x128xi32, #tpu.memory_space<vmem>>, vector<16xi32>,
    %add3A_273 = vector.broadcast %squeeze3A_260 : i32 to vector<16xi32>
    %add3A_274 = arith.addi %add3A_273, %add3A_78 : vector<16xi32>
    %swap3A_275 = arith.constant 2 : i32
    %swap3A_276 = arith.index_cast %swap3A_275 : i32 to index
    %swap3A_277 = arith.constant 32 : index
    %swap3A_278 = tpu.vector_load %arg8[%swap3A_276, %swap3A_277] {strides = array<i32>} : memref<16x128xi32, #tpu.memory_space<vmem>>, vector<16xi32>,
    tpu.vector_store %arg8[%swap3A_276, %swap3A_277], %add3A_274 {strides = array<i32>} : memref<16x128xi32, #tpu.memory_space<vmem>>, vector<16xi32>,
    %add3A_279 = vector.broadcast %squeeze3A_260 : i32 to vector<16xi32>
    %add3A_280 = arith.addi %add3A_279, %add3A_97 : vector<16xi32>
    %swap3A_281 = arith.constant 2 : i32
    %swap3A_282 = arith.index_cast %swap3A_281 : i32 to index
    %swap3A_283 = arith.constant 48 : index
    %swap3A_284 = tpu.vector_load %arg8[%swap3A_282, %swap3A_283] {strides = array<i32>} : memref<16x128xi32, #tpu.memory_space<vmem>>, vector<16xi32>,
    tpu.vector_store %arg8[%swap3A_282, %swap3A_283], %add3A_280 {strides = array<i32>} : memref<16x128xi32, #tpu.memory_space<vmem>>, vector<16xi32>,
    %slice3A_285 = vector.extract_strided_slice %add3A_137 {offsets = [5], sizes = [1], strides = [1]} : vector<16xi32> to vector<1xi32>
    %squeeze3A_286 = vector.extract %slice3A_285[0] : i32 from vector<1xi32>
    %add3A_287 = vector.broadcast %squeeze3A_286 : i32 to vector<16xi32>
    %add3A_288 = arith.addi %add3A_287, %add3A_40 : vector<16xi32>
    %swap3A_289 = arith.constant 2 : i32
    %swap3A_290 = arith.index_cast %swap3A_289 : i32 to index
    %swap3A_291 = arith.constant 64 : index
    %swap3A_292 = tpu.vector_load %arg8[%swap3A_290, %swap3A_291] {strides = array<i32>} : memref<16x128xi32, #tpu.memory_space<vmem>>, vector<16xi32>,
    tpu.vector_store %arg8[%swap3A_290, %swap3A_291], %add3A_288 {strides = array<i32>} : memref<16x128xi32, #tpu.memory_space<vmem>>, vector<16xi32>,
    %add3A_293 = vector.broadcast %squeeze3A_286 : i32 to vector<16xi32>
    %add3A_294 = arith.addi %add3A_293, %add3A_59 : vector<16xi32>
    %swap3A_295 = arith.constant 2 : i32
    %swap3A_296 = arith.index_cast %swap3A_295 : i32 to index
    %swap3A_297 = arith.constant 80 : index
    %swap3A_298 = tpu.vector_load %arg8[%swap3A_296, %swap3A_297] {strides = array<i32>} : memref<16x128xi32, #tpu.memory_space<vmem>>, vector<16xi32>,
    tpu.vector_store %arg8[%swap3A_296, %swap3A_297], %add3A_294 {strides = array<i32>} : memref<16x128xi32, #tpu.memory_space<vmem>>, vector<16xi32>,
    %add3A_299 = vector.broadcast %squeeze3A_286 : i32 to vector<16xi32>
    %add3A_300 = arith.addi %add3A_299, %add3A_78 : vector<16xi32>
    %swap3A_301 = arith.constant 2 : i32
    %swap3A_302 = arith.index_cast %swap3A_301 : i32 to index
    %swap3A_303 = arith.constant 96 : index
    %swap3A_304 = tpu.vector_load %arg8[%swap3A_302, %swap3A_303] {strides = array<i32>} : memref<16x128xi32, #tpu.memory_space<vmem>>, vector<16xi32>,
    tpu.vector_store %arg8[%swap3A_302, %swap3A_303], %add3A_300 {strides = array<i32>} : memref<16x128xi32, #tpu.memory_space<vmem>>, vector<16xi32>,
    %add3A_305 = vector.broadcast %squeeze3A_286 : i32 to vector<16xi32>
    %add3A_306 = arith.addi %add3A_305, %add3A_97 : vector<16xi32>
    %swap3A_307 = arith.constant 2 : i32
    %swap3A_308 = arith.index_cast %swap3A_307 : i32 to index
    %swap3A_309 = arith.constant 112 : index
    %swap3A_310 = tpu.vector_load %arg8[%swap3A_308, %swap3A_309] {strides = array<i32>} : memref<16x128xi32, #tpu.memory_space<vmem>>, vector<16xi32>,
    tpu.vector_store %arg8[%swap3A_308, %swap3A_309], %add3A_306 {strides = array<i32>} : memref<16x128xi32, #tpu.memory_space<vmem>>, vector<16xi32>,
    %dma_start3A_311 = arith.constant 2 : i32
    %dma_start3A_312 = arith.constant 256 : i32
    %dma_start3A_313 = arith.constant 0 : i32
    %dma_start3A_314 = tpu.memref_slice %arg9[%dma_start3A_312, %dma_start3A_313] : memref<2048x8xf32, #tpu.memory_space<vmem>> -> memref<128x8xf32, #tpu.memory_space<vmem>>
    %dma_start3A_315 = arith.constant 0 : i32
    %dma_start3A_316 = tpu.memref_slice %arg8[%dma_start3A_311, %dma_start3A_315] : memref<16x128xi32, #tpu.memory_space<vmem>> -> memref<1x128xi32, #tpu.memory_space<vmem>>
    %dma_start3A_317 = tpu.memref_squeeze %dma_start3A_316 : memref<1x128xi32, #tpu.memory_space<vmem>> -> memref<128xi32, #tpu.memory_space<vmem>>
    %dma_start3A_318 = arith.constant 0 : i32
    %dma_start3A_319 = arith.constant 0 : i32
    %dma_start3A_320 = tpu.memref_slice %arg2[%dma_start3A_318, %dma_start3A_319] : memref<8388608x8xf32, #tpu.memory_space<hbm>> -> memref<8388608x8xf32, #tpu.memory_space<hbm>>
    tpu.enqueue_indirect_dma source(%dma_start3A_320 : memref<8388608x8xf32, #tpu.memory_space<hbm>>) target(%dma_start3A_314 : memref<128x8xf32, #tpu.memory_space<vmem>>) offsets(%dma_start3A_317 : memref<128xi32, #tpu.memory_space<vmem>>) semaphore(%arg11 : memref<!tpu.dma_semaphore, #tpu.memory_space<semaphore_mem>>)
    %slice3A_321 = vector.extract_strided_slice %add3A_137 {offsets = [6], sizes = [1], strides = [1]} : vector<16xi32> to vector<1xi32>
    %squeeze3A_322 = vector.extract %slice3A_321[0] : i32 from vector<1xi32>
    %add3A_323 = vector.broadcast %squeeze3A_322 : i32 to vector<16xi32>
    %add3A_324 = arith.addi %add3A_323, %add3A_40 : vector<16xi32>
    %swap3A_325 = arith.constant 3 : i32
    %swap3A_326 = arith.index_cast %swap3A_325 : i32 to index
    %swap3A_327 = arith.constant 0 : index
    %swap3A_328 = tpu.vector_load %arg8[%swap3A_326, %swap3A_327] {strides = array<i32>} : memref<16x128xi32, #tpu.memory_space<vmem>>, vector<16xi32>,
    tpu.vector_store %arg8[%swap3A_326, %swap3A_327], %add3A_324 {strides = array<i32>} : memref<16x128xi32, #tpu.memory_space<vmem>>, vector<16xi32>,
    %add3A_329 = vector.broadcast %squeeze3A_322 : i32 to vector<16xi32>
    %add3A_330 = arith.addi %add3A_329, %add3A_59 : vector<16xi32>
    %swap3A_331 = arith.constant 3 : i32
    %swap3A_332 = arith.index_cast %swap3A_331 : i32 to index
    %swap3A_333 = arith.constant 16 : index
    %swap3A_334 = tpu.vector_load %arg8[%swap3A_332, %swap3A_333] {strides = array<i32>} : memref<16x128xi32, #tpu.memory_space<vmem>>, vector<16xi32>,
    tpu.vector_store %arg8[%swap3A_332, %swap3A_333], %add3A_330 {strides = array<i32>} : memref<16x128xi32, #tpu.memory_space<vmem>>, vector<16xi32>,
    %add3A_335 = vector.broadcast %squeeze3A_322 : i32 to vector<16xi32>
    %add3A_336 = arith.addi %add3A_335, %add3A_78 : vector<16xi32>
    %swap3A_337 = arith.constant 3 : i32
    %swap3A_338 = arith.index_cast %swap3A_337 : i32 to index
    %swap3A_339 = arith.constant 32 : index
    %swap3A_340 = tpu.vector_load %arg8[%swap3A_338, %swap3A_339] {strides = array<i32>} : memref<16x128xi32, #tpu.memory_space<vmem>>, vector<16xi32>,
    tpu.vector_store %arg8[%swap3A_338, %swap3A_339], %add3A_336 {strides = array<i32>} : memref<16x128xi32, #tpu.memory_space<vmem>>, vector<16xi32>,
    %add3A_341 = vector.broadcast %squeeze3A_322 : i32 to vector<16xi32>
    %add3A_342 = arith.addi %add3A_341, %add3A_97 : vector<16xi32>
    %swap3A_343 = arith.constant 3 : i32
    %swap3A_344 = arith.index_cast %swap3A_343 : i32 to index
    %swap3A_345 = arith.constant 48 : index
    %swap3A_346 = tpu.vector_load %arg8[%swap3A_344, %swap3A_345] {strides = array<i32>} : memref<16x128xi32, #tpu.memory_space<vmem>>, vector<16xi32>,
    tpu.vector_store %arg8[%swap3A_344, %swap3A_345], %add3A_342 {strides = array<i32>} : memref<16x128xi32, #tpu.memory_space<vmem>>, vector<16xi32>,
    %slice3A_347 = vector.extract_strided_slice %add3A_137 {offsets = [7], sizes = [1], strides = [1]} : vector<16xi32> to vector<1xi32>
    %squeeze3A_348 = vector.extract %slice3A_347[0] : i32 from vector<1xi32>
    %add3A_349 = vector.broadcast %squeeze3A_348 : i32 to vector<16xi32>
    %add3A_350 = arith.addi %add3A_349, %add3A_40 : vector<16xi32>
    %swap3A_351 = arith.constant 3 : i32
    %swap3A_352 = arith.index_cast %swap3A_351 : i32 to index
    %swap3A_353 = arith.constant 64 : index
    %swap3A_354 = tpu.vector_load %arg8[%swap3A_352, %swap3A_353] {strides = array<i32>} : memref<16x128xi32, #tpu.memory_space<vmem>>, vector<16xi32>,
    tpu.vector_store %arg8[%swap3A_352, %swap3A_353], %add3A_350 {strides = array<i32>} : memref<16x128xi32, #tpu.memory_space<vmem>>, vector<16xi32>,
    %add3A_355 = vector.broadcast %squeeze3A_348 : i32 to vector<16xi32>
    %add3A_356 = arith.addi %add3A_355, %add3A_59 : vector<16xi32>
    %swap3A_357 = arith.constant 3 : i32
    %swap3A_358 = arith.index_cast %swap3A_357 : i32 to index
    %swap3A_359 = arith.constant 80 : index
    %swap3A_360 = tpu.vector_load %arg8[%swap3A_358, %swap3A_359] {strides = array<i32>} : memref<16x128xi32, #tpu.memory_space<vmem>>, vector<16xi32>,
    tpu.vector_store %arg8[%swap3A_358, %swap3A_359], %add3A_356 {strides = array<i32>} : memref<16x128xi32, #tpu.memory_space<vmem>>, vector<16xi32>,
    %add3A_361 = vector.broadcast %squeeze3A_348 : i32 to vector<16xi32>
    %add3A_362 = arith.addi %add3A_361, %add3A_78 : vector<16xi32>
    %swap3A_363 = arith.constant 3 : i32
    %swap3A_364 = arith.index_cast %swap3A_363 : i32 to index
    %swap3A_365 = arith.constant 96 : index
    %swap3A_366 = tpu.vector_load %arg8[%swap3A_364, %swap3A_365] {strides = array<i32>} : memref<16x128xi32, #tpu.memory_space<vmem>>, vector<16xi32>,
    tpu.vector_store %arg8[%swap3A_364, %swap3A_365], %add3A_362 {strides = array<i32>} : memref<16x128xi32, #tpu.memory_space<vmem>>, vector<16xi32>,
    %add3A_367 = vector.broadcast %squeeze3A_348 : i32 to vector<16xi32>
    %add3A_368 = arith.addi %add3A_367, %add3A_97 : vector<16xi32>
    %swap3A_369 = arith.constant 3 : i32
    %swap3A_370 = arith.index_cast %swap3A_369 : i32 to index
    %swap3A_371 = arith.constant 112 : index
    %swap3A_372 = tpu.vector_load %arg8[%swap3A_370, %swap3A_371] {strides = array<i32>} : memref<16x128xi32, #tpu.memory_space<vmem>>, vector<16xi32>,
    tpu.vector_store %arg8[%swap3A_370, %swap3A_371], %add3A_368 {strides = array<i32>} : memref<16x128xi32, #tpu.memory_space<vmem>>, vector<16xi32>,
    %dma_start3A_373 = arith.constant 3 : i32
    %dma_start3A_374 = arith.constant 384 : i32
    %dma_start3A_375 = arith.constant 0 : i32
    %dma_start3A_376 = tpu.memref_slice %arg9[%dma_start3A_374, %dma_start3A_375] : memref<2048x8xf32, #tpu.memory_space<vmem>> -> memref<128x8xf32, #tpu.memory_space<vmem>>
    %dma_start3A_377 = arith.constant 0 : i32
    %dma_start3A_378 = tpu.memref_slice %arg8[%dma_start3A_373, %dma_start3A_377] : memref<16x128xi32, #tpu.memory_space<vmem>> -> memref<1x128xi32, #tpu.memory_space<vmem>>
    %dma_start3A_379 = tpu.memref_squeeze %dma_start3A_378 : memref<1x128xi32, #tpu.memory_space<vmem>> -> memref<128xi32, #tpu.memory_space<vmem>>
    %dma_start3A_380 = arith.constant 0 : i32
    %dma_start3A_381 = arith.constant 0 : i32
    %dma_start3A_382 = tpu.memref_slice %arg2[%dma_start3A_380, %dma_start3A_381] : memref<8388608x8xf32, #tpu.memory_space<hbm>> -> memref<8388608x8xf32, #tpu.memory_space<hbm>>
    tpu.enqueue_indirect_dma source(%dma_start3A_382 : memref<8388608x8xf32, #tpu.memory_space<hbm>>) target(%dma_start3A_376 : memref<128x8xf32, #tpu.memory_space<vmem>>) offsets(%dma_start3A_379 : memref<128xi32, #tpu.memory_space<vmem>>) semaphore(%arg11 : memref<!tpu.dma_semaphore, #tpu.memory_space<semaphore_mem>>)
    %slice3A_383 = vector.extract_strided_slice %add3A_137 {offsets = [8], sizes = [1], strides = [1]} : vector<16xi32> to vector<1xi32>
    %squeeze3A_384 = vector.extract %slice3A_383[0] : i32 from vector<1xi32>
    %add3A_385 = vector.broadcast %squeeze3A_384 : i32 to vector<16xi32>
    %add3A_386 = arith.addi %add3A_385, %add3A_40 : vector<16xi32>
    %swap3A_387 = arith.constant 4 : i32
    %swap3A_388 = arith.index_cast %swap3A_387 : i32 to index
    %swap3A_389 = arith.constant 0 : index
    %swap3A_390 = tpu.vector_load %arg8[%swap3A_388, %swap3A_389] {strides = array<i32>} : memref<16x128xi32, #tpu.memory_space<vmem>>, vector<16xi32>,
    tpu.vector_store %arg8[%swap3A_388, %swap3A_389], %add3A_386 {strides = array<i32>} : memref<16x128xi32, #tpu.memory_space<vmem>>, vector<16xi32>,
    %add3A_391 = vector.broadcast %squeeze3A_384 : i32 to vector<16xi32>
    %add3A_392 = arith.addi %add3A_391, %add3A_59 : vector<16xi32>
    %swap3A_393 = arith.constant 4 : i32
    %swap3A_394 = arith.index_cast %swap3A_393 : i32 to index
    %swap3A_395 = arith.constant 16 : index
    %swap3A_396 = tpu.vector_load %arg8[%swap3A_394, %swap3A_395] {strides = array<i32>} : memref<16x128xi32, #tpu.memory_space<vmem>>, vector<16xi32>,
    tpu.vector_store %arg8[%swap3A_394, %swap3A_395], %add3A_392 {strides = array<i32>} : memref<16x128xi32, #tpu.memory_space<vmem>>, vector<16xi32>,
    %add3A_397 = vector.broadcast %squeeze3A_384 : i32 to vector<16xi32>
    %add3A_398 = arith.addi %add3A_397, %add3A_78 : vector<16xi32>
    %swap3A_399 = arith.constant 4 : i32
    %swap3A_400 = arith.index_cast %swap3A_399 : i32 to index
    %swap3A_401 = arith.constant 32 : index
    %swap3A_402 = tpu.vector_load %arg8[%swap3A_400, %swap3A_401] {strides = array<i32>} : memref<16x128xi32, #tpu.memory_space<vmem>>, vector<16xi32>,
    tpu.vector_store %arg8[%swap3A_400, %swap3A_401], %add3A_398 {strides = array<i32>} : memref<16x128xi32, #tpu.memory_space<vmem>>, vector<16xi32>,
    %add3A_403 = vector.broadcast %squeeze3A_384 : i32 to vector<16xi32>
    %add3A_404 = arith.addi %add3A_403, %add3A_97 : vector<16xi32>
    %swap3A_405 = arith.constant 4 : i32
    %swap3A_406 = arith.index_cast %swap3A_405 : i32 to index
    %swap3A_407 = arith.constant 48 : index
    %swap3A_408 = tpu.vector_load %arg8[%swap3A_406, %swap3A_407] {strides = array<i32>} : memref<16x128xi32, #tpu.memory_space<vmem>>, vector<16xi32>,
    tpu.vector_store %arg8[%swap3A_406, %swap3A_407], %add3A_404 {strides = array<i32>} : memref<16x128xi32, #tpu.memory_space<vmem>>, vector<16xi32>,
    %slice3A_409 = vector.extract_strided_slice %add3A_137 {offsets = [9], sizes = [1], strides = [1]} : vector<16xi32> to vector<1xi32>
    %squeeze3A_410 = vector.extract %slice3A_409[0] : i32 from vector<1xi32>
    %add3A_411 = vector.broadcast %squeeze3A_410 : i32 to vector<16xi32>
    %add3A_412 = arith.addi %add3A_411, %add3A_40 : vector<16xi32>
    %swap3A_413 = arith.constant 4 : i32
    %swap3A_414 = arith.index_cast %swap3A_413 : i32 to index
    %swap3A_415 = arith.constant 64 : index
    %swap3A_416 = tpu.vector_load %arg8[%swap3A_414, %swap3A_415] {strides = array<i32>} : memref<16x128xi32, #tpu.memory_space<vmem>>, vector<16xi32>,
    tpu.vector_store %arg8[%swap3A_414, %swap3A_415], %add3A_412 {strides = array<i32>} : memref<16x128xi32, #tpu.memory_space<vmem>>, vector<16xi32>,
    %add3A_417 = vector.broadcast %squeeze3A_410 : i32 to vector<16xi32>
    %add3A_418 = arith.addi %add3A_417, %add3A_59 : vector<16xi32>
    %swap3A_419 = arith.constant 4 : i32
    %swap3A_420 = arith.index_cast %swap3A_419 : i32 to index
    %swap3A_421 = arith.constant 80 : index
    %swap3A_422 = tpu.vector_load %arg8[%swap3A_420, %swap3A_421] {strides = array<i32>} : memref<16x128xi32, #tpu.memory_space<vmem>>, vector<16xi32>,
    tpu.vector_store %arg8[%swap3A_420, %swap3A_421], %add3A_418 {strides = array<i32>} : memref<16x128xi32, #tpu.memory_space<vmem>>, vector<16xi32>,
    %add3A_423 = vector.broadcast %squeeze3A_410 : i32 to vector<16xi32>
    %add3A_424 = arith.addi %add3A_423, %add3A_78 : vector<16xi32>
    %swap3A_425 = arith.constant 4 : i32
    %swap3A_426 = arith.index_cast %swap3A_425 : i32 to index
    %swap3A_427 = arith.constant 96 : index
    %swap3A_428 = tpu.vector_load %arg8[%swap3A_426, %swap3A_427] {strides = array<i32>} : memref<16x128xi32, #tpu.memory_space<vmem>>, vector<16xi32>,
    tpu.vector_store %arg8[%swap3A_426, %swap3A_427], %add3A_424 {strides = array<i32>} : memref<16x128xi32, #tpu.memory_space<vmem>>, vector<16xi32>,
    %add3A_429 = vector.broadcast %squeeze3A_410 : i32 to vector<16xi32>
    %add3A_430 = arith.addi %add3A_429, %add3A_97 : vector<16xi32>
    %swap3A_431 = arith.constant 4 : i32
    %swap3A_432 = arith.index_cast %swap3A_431 : i32 to index
    %swap3A_433 = arith.constant 112 : index
    %swap3A_434 = tpu.vector_load %arg8[%swap3A_432, %swap3A_433] {strides = array<i32>} : memref<16x128xi32, #tpu.memory_space<vmem>>, vector<16xi32>,
    tpu.vector_store %arg8[%swap3A_432, %swap3A_433], %add3A_430 {strides = array<i32>} : memref<16x128xi32, #tpu.memory_space<vmem>>, vector<16xi32>,
    %dma_start3A_435 = arith.constant 4 : i32
    %dma_start3A_436 = arith.constant 512 : i32
    %dma_start3A_437 = arith.constant 0 : i32
    %dma_start3A_438 = tpu.memref_slice %arg9[%dma_start3A_436, %dma_start3A_437] : memref<2048x8xf32, #tpu.memory_space<vmem>> -> memref<128x8xf32, #tpu.memory_space<vmem>>
    %dma_start3A_439 = arith.constant 0 : i32
    %dma_start3A_440 = tpu.memref_slice %arg8[%dma_start3A_435, %dma_start3A_439] : memref<16x128xi32, #tpu.memory_space<vmem>> -> memref<1x128xi32, #tpu.memory_space<vmem>>
    %dma_start3A_441 = tpu.memref_squeeze %dma_start3A_440 : memref<1x128xi32, #tpu.memory_space<vmem>> -> memref<128xi32, #tpu.memory_space<vmem>>
    %dma_start3A_442 = arith.constant 0 : i32
    %dma_start3A_443 = arith.constant 0 : i32
    %dma_start3A_444 = tpu.memref_slice %arg2[%dma_start3A_442, %dma_start3A_443] : memref<8388608x8xf32, #tpu.memory_space<hbm>> -> memref<8388608x8xf32, #tpu.memory_space<hbm>>
    tpu.enqueue_indirect_dma source(%dma_start3A_444 : memref<8388608x8xf32, #tpu.memory_space<hbm>>) target(%dma_start3A_438 : memref<128x8xf32, #tpu.memory_space<vmem>>) offsets(%dma_start3A_441 : memref<128xi32, #tpu.memory_space<vmem>>) semaphore(%arg11 : memref<!tpu.dma_semaphore, #tpu.memory_space<semaphore_mem>>)
    %slice3A_445 = vector.extract_strided_slice %add3A_137 {offsets = [10], sizes = [1], strides = [1]} : vector<16xi32> to vector<1xi32>
    %squeeze3A_446 = vector.extract %slice3A_445[0] : i32 from vector<1xi32>
    %add3A_447 = vector.broadcast %squeeze3A_446 : i32 to vector<16xi32>
    %add3A_448 = arith.addi %add3A_447, %add3A_40 : vector<16xi32>
    %swap3A_449 = arith.constant 5 : i32
    %swap3A_450 = arith.index_cast %swap3A_449 : i32 to index
    %swap3A_451 = arith.constant 0 : index
    %swap3A_452 = tpu.vector_load %arg8[%swap3A_450, %swap3A_451] {strides = array<i32>} : memref<16x128xi32, #tpu.memory_space<vmem>>, vector<16xi32>,
    tpu.vector_store %arg8[%swap3A_450, %swap3A_451], %add3A_448 {strides = array<i32>} : memref<16x128xi32, #tpu.memory_space<vmem>>, vector<16xi32>,
    %add3A_453 = vector.broadcast %squeeze3A_446 : i32 to vector<16xi32>
    %add3A_454 = arith.addi %add3A_453, %add3A_59 : vector<16xi32>
    %swap3A_455 = arith.constant 5 : i32
    %swap3A_456 = arith.index_cast %swap3A_455 : i32 to index
    %swap3A_457 = arith.constant 16 : index
    %swap3A_458 = tpu.vector_load %arg8[%swap3A_456, %swap3A_457] {strides = array<i32>} : memref<16x128xi32, #tpu.memory_space<vmem>>, vector<16xi32>,
    tpu.vector_store %arg8[%swap3A_456, %swap3A_457], %add3A_454 {strides = array<i32>} : memref<16x128xi32, #tpu.memory_space<vmem>>, vector<16xi32>,
    %add3A_459 = vector.broadcast %squeeze3A_446 : i32 to vector<16xi32>
    %add3A_460 = arith.addi %add3A_459, %add3A_78 : vector<16xi32>
    %swap3A_461 = arith.constant 5 : i32
    %swap3A_462 = arith.index_cast %swap3A_461 : i32 to index
    %swap3A_463 = arith.constant 32 : index
    %swap3A_464 = tpu.vector_load %arg8[%swap3A_462, %swap3A_463] {strides = array<i32>} : memref<16x128xi32, #tpu.memory_space<vmem>>, vector<16xi32>,
    tpu.vector_store %arg8[%swap3A_462, %swap3A_463], %add3A_460 {strides = array<i32>} : memref<16x128xi32, #tpu.memory_space<vmem>>, vector<16xi32>,
    %add3A_465 = vector.broadcast %squeeze3A_446 : i32 to vector<16xi32>
    %add3A_466 = arith.addi %add3A_465, %add3A_97 : vector<16xi32>
    %swap3A_467 = arith.constant 5 : i32
    %swap3A_468 = arith.index_cast %swap3A_467 : i32 to index
    %swap3A_469 = arith.constant 48 : index
    %swap3A_470 = tpu.vector_load %arg8[%swap3A_468, %swap3A_469] {strides = array<i32>} : memref<16x128xi32, #tpu.memory_space<vmem>>, vector<16xi32>,
    tpu.vector_store %arg8[%swap3A_468, %swap3A_469], %add3A_466 {strides = array<i32>} : memref<16x128xi32, #tpu.memory_space<vmem>>, vector<16xi32>,
    %slice3A_471 = vector.extract_strided_slice %add3A_137 {offsets = [11], sizes = [1], strides = [1]} : vector<16xi32> to vector<1xi32>
    %squeeze3A_472 = vector.extract %slice3A_471[0] : i32 from vector<1xi32>
    %add3A_473 = vector.broadcast %squeeze3A_472 : i32 to vector<16xi32>
    %add3A_474 = arith.addi %add3A_473, %add3A_40 : vector<16xi32>
    %swap3A_475 = arith.constant 5 : i32
    %swap3A_476 = arith.index_cast %swap3A_475 : i32 to index
    %swap3A_477 = arith.constant 64 : index
    %swap3A_478 = tpu.vector_load %arg8[%swap3A_476, %swap3A_477] {strides = array<i32>} : memref<16x128xi32, #tpu.memory_space<vmem>>, vector<16xi32>,
    tpu.vector_store %arg8[%swap3A_476, %swap3A_477], %add3A_474 {strides = array<i32>} : memref<16x128xi32, #tpu.memory_space<vmem>>, vector<16xi32>,
    %add3A_479 = vector.broadcast %squeeze3A_472 : i32 to vector<16xi32>
    %add3A_480 = arith.addi %add3A_479, %add3A_59 : vector<16xi32>
    %swap3A_481 = arith.constant 5 : i32
    %swap3A_482 = arith.index_cast %swap3A_481 : i32 to index
    %swap3A_483 = arith.constant 80 : index
    %swap3A_484 = tpu.vector_load %arg8[%swap3A_482, %swap3A_483] {strides = array<i32>} : memref<16x128xi32, #tpu.memory_space<vmem>>, vector<16xi32>,
    tpu.vector_store %arg8[%swap3A_482, %swap3A_483], %add3A_480 {strides = array<i32>} : memref<16x128xi32, #tpu.memory_space<vmem>>, vector<16xi32>,
    %add3A_485 = vector.broadcast %squeeze3A_472 : i32 to vector<16xi32>
    %add3A_486 = arith.addi %add3A_485, %add3A_78 : vector<16xi32>
    %swap3A_487 = arith.constant 5 : i32
    %swap3A_488 = arith.index_cast %swap3A_487 : i32 to index
    %swap3A_489 = arith.constant 96 : index
    %swap3A_490 = tpu.vector_load %arg8[%swap3A_488, %swap3A_489] {strides = array<i32>} : memref<16x128xi32, #tpu.memory_space<vmem>>, vector<16xi32>,
    tpu.vector_store %arg8[%swap3A_488, %swap3A_489], %add3A_486 {strides = array<i32>} : memref<16x128xi32, #tpu.memory_space<vmem>>, vector<16xi32>,
    %add3A_491 = vector.broadcast %squeeze3A_472 : i32 to vector<16xi32>
    %add3A_492 = arith.addi %add3A_491, %add3A_97 : vector<16xi32>
    %swap3A_493 = arith.constant 5 : i32
    %swap3A_494 = arith.index_cast %swap3A_493 : i32 to index
    %swap3A_495 = arith.constant 112 : index
    %swap3A_496 = tpu.vector_load %arg8[%swap3A_494, %swap3A_495] {strides = array<i32>} : memref<16x128xi32, #tpu.memory_space<vmem>>, vector<16xi32>,
    tpu.vector_store %arg8[%swap3A_494, %swap3A_495], %add3A_492 {strides = array<i32>} : memref<16x128xi32, #tpu.memory_space<vmem>>, vector<16xi32>,
    %dma_start3A_497 = arith.constant 5 : i32
    %dma_start3A_498 = arith.constant 640 : i32
    %dma_start3A_499 = arith.constant 0 : i32
    %dma_start3A_500 = tpu.memref_slice %arg9[%dma_start3A_498, %dma_start3A_499] : memref<2048x8xf32, #tpu.memory_space<vmem>> -> memref<128x8xf32, #tpu.memory_space<vmem>>
    %dma_start3A_501 = arith.constant 0 : i32
    %dma_start3A_502 = tpu.memref_slice %arg8[%dma_start3A_497, %dma_start3A_501] : memref<16x128xi32, #tpu.memory_space<vmem>> -> memref<1x128xi32, #tpu.memory_space<vmem>>
    %dma_start3A_503 = tpu.memref_squeeze %dma_start3A_502 : memref<1x128xi32, #tpu.memory_space<vmem>> -> memref<128xi32, #tpu.memory_space<vmem>>
    %dma_start3A_504 = arith.constant 0 : i32
    %dma_start3A_505 = arith.constant 0 : i32
    %dma_start3A_506 = tpu.memref_slice %arg2[%dma_start3A_504, %dma_start3A_505] : memref<8388608x8xf32, #tpu.memory_space<hbm>> -> memref<8388608x8xf32, #tpu.memory_space<hbm>>
    tpu.enqueue_indirect_dma source(%dma_start3A_506 : memref<8388608x8xf32, #tpu.memory_space<hbm>>) target(%dma_start3A_500 : memref<128x8xf32, #tpu.memory_space<vmem>>) offsets(%dma_start3A_503 : memref<128xi32, #tpu.memory_space<vmem>>) semaphore(%arg11 : memref<!tpu.dma_semaphore, #tpu.memory_space<semaphore_mem>>)
    %slice3A_507 = vector.extract_strided_slice %add3A_137 {offsets = [12], sizes = [1], strides = [1]} : vector<16xi32> to vector<1xi32>
    %squeeze3A_508 = vector.extract %slice3A_507[0] : i32 from vector<1xi32>
    %add3A_509 = vector.broadcast %squeeze3A_508 : i32 to vector<16xi32>
    %add3A_510 = arith.addi %add3A_509, %add3A_40 : vector<16xi32>
    %swap3A_511 = arith.constant 6 : i32
    %swap3A_512 = arith.index_cast %swap3A_511 : i32 to index
    %swap3A_513 = arith.constant 0 : index
    %swap3A_514 = tpu.vector_load %arg8[%swap3A_512, %swap3A_513] {strides = array<i32>} : memref<16x128xi32, #tpu.memory_space<vmem>>, vector<16xi32>,
    tpu.vector_store %arg8[%swap3A_512, %swap3A_513], %add3A_510 {strides = array<i32>} : memref<16x128xi32, #tpu.memory_space<vmem>>, vector<16xi32>,
    %add3A_515 = vector.broadcast %squeeze3A_508 : i32 to vector<16xi32>
    %add3A_516 = arith.addi %add3A_515, %add3A_59 : vector<16xi32>
    %swap3A_517 = arith.constant 6 : i32
    %swap3A_518 = arith.index_cast %swap3A_517 : i32 to index
    %swap3A_519 = arith.constant 16 : index
    %swap3A_520 = tpu.vector_load %arg8[%swap3A_518, %swap3A_519] {strides = array<i32>} : memref<16x128xi32, #tpu.memory_space<vmem>>, vector<16xi32>,
    tpu.vector_store %arg8[%swap3A_518, %swap3A_519], %add3A_516 {strides = array<i32>} : memref<16x128xi32, #tpu.memory_space<vmem>>, vector<16xi32>,
    %add3A_521 = vector.broadcast %squeeze3A_508 : i32 to vector<16xi32>
    %add3A_522 = arith.addi %add3A_521, %add3A_78 : vector<16xi32>
    %swap3A_523 = arith.constant 6 : i32
    %swap3A_524 = arith.index_cast %swap3A_523 : i32 to index
    %swap3A_525 = arith.constant 32 : index
    %swap3A_526 = tpu.vector_load %arg8[%swap3A_524, %swap3A_525] {strides = array<i32>} : memref<16x128xi32, #tpu.memory_space<vmem>>, vector<16xi32>,
    tpu.vector_store %arg8[%swap3A_524, %swap3A_525], %add3A_522 {strides = array<i32>} : memref<16x128xi32, #tpu.memory_space<vmem>>, vector<16xi32>,
    %add3A_527 = vector.broadcast %squeeze3A_508 : i32 to vector<16xi32>
    %add3A_528 = arith.addi %add3A_527, %add3A_97 : vector<16xi32>
    %swap3A_529 = arith.constant 6 : i32
    %swap3A_530 = arith.index_cast %swap3A_529 : i32 to index
    %swap3A_531 = arith.constant 48 : index
    %swap3A_532 = tpu.vector_load %arg8[%swap3A_530, %swap3A_531] {strides = array<i32>} : memref<16x128xi32, #tpu.memory_space<vmem>>, vector<16xi32>,
    tpu.vector_store %arg8[%swap3A_530, %swap3A_531], %add3A_528 {strides = array<i32>} : memref<16x128xi32, #tpu.memory_space<vmem>>, vector<16xi32>,
    %slice3A_533 = vector.extract_strided_slice %add3A_137 {offsets = [13], sizes = [1], strides = [1]} : vector<16xi32> to vector<1xi32>
    %squeeze3A_534 = vector.extract %slice3A_533[0] : i32 from vector<1xi32>
    %add3A_535 = vector.broadcast %squeeze3A_534 : i32 to vector<16xi32>
    %add3A_536 = arith.addi %add3A_535, %add3A_40 : vector<16xi32>
    %swap3A_537 = arith.constant 6 : i32
    %swap3A_538 = arith.index_cast %swap3A_537 : i32 to index
    %swap3A_539 = arith.constant 64 : index
    %swap3A_540 = tpu.vector_load %arg8[%swap3A_538, %swap3A_539] {strides = array<i32>} : memref<16x128xi32, #tpu.memory_space<vmem>>, vector<16xi32>,
    tpu.vector_store %arg8[%swap3A_538, %swap3A_539], %add3A_536 {strides = array<i32>} : memref<16x128xi32, #tpu.memory_space<vmem>>, vector<16xi32>,
    %add3A_541 = vector.broadcast %squeeze3A_534 : i32 to vector<16xi32>
    %add3A_542 = arith.addi %add3A_541, %add3A_59 : vector<16xi32>
    %swap3A_543 = arith.constant 6 : i32
    %swap3A_544 = arith.index_cast %swap3A_543 : i32 to index
    %swap3A_545 = arith.constant 80 : index
    %swap3A_546 = tpu.vector_load %arg8[%swap3A_544, %swap3A_545] {strides = array<i32>} : memref<16x128xi32, #tpu.memory_space<vmem>>, vector<16xi32>,
    tpu.vector_store %arg8[%swap3A_544, %swap3A_545], %add3A_542 {strides = array<i32>} : memref<16x128xi32, #tpu.memory_space<vmem>>, vector<16xi32>,
    %add3A_547 = vector.broadcast %squeeze3A_534 : i32 to vector<16xi32>
    %add3A_548 = arith.addi %add3A_547, %add3A_78 : vector<16xi32>
    %swap3A_549 = arith.constant 6 : i32
    %swap3A_550 = arith.index_cast %swap3A_549 : i32 to index
    %swap3A_551 = arith.constant 96 : index
    %swap3A_552 = tpu.vector_load %arg8[%swap3A_550, %swap3A_551] {strides = array<i32>} : memref<16x128xi32, #tpu.memory_space<vmem>>, vector<16xi32>,
    tpu.vector_store %arg8[%swap3A_550, %swap3A_551], %add3A_548 {strides = array<i32>} : memref<16x128xi32, #tpu.memory_space<vmem>>, vector<16xi32>,
    %add3A_553 = vector.broadcast %squeeze3A_534 : i32 to vector<16xi32>
    %add3A_554 = arith.addi %add3A_553, %add3A_97 : vector<16xi32>
    %swap3A_555 = arith.constant 6 : i32
    %swap3A_556 = arith.index_cast %swap3A_555 : i32 to index
    %swap3A_557 = arith.constant 112 : index
    %swap3A_558 = tpu.vector_load %arg8[%swap3A_556, %swap3A_557] {strides = array<i32>} : memref<16x128xi32, #tpu.memory_space<vmem>>, vector<16xi32>,
    tpu.vector_store %arg8[%swap3A_556, %swap3A_557], %add3A_554 {strides = array<i32>} : memref<16x128xi32, #tpu.memory_space<vmem>>, vector<16xi32>,
    %dma_start3A_559 = arith.constant 6 : i32
    %dma_start3A_560 = arith.constant 768 : i32
    %dma_start3A_561 = arith.constant 0 : i32
    %dma_start3A_562 = tpu.memref_slice %arg9[%dma_start3A_560, %dma_start3A_561] : memref<2048x8xf32, #tpu.memory_space<vmem>> -> memref<128x8xf32, #tpu.memory_space<vmem>>
    %dma_start3A_563 = arith.constant 0 : i32
    %dma_start3A_564 = tpu.memref_slice %arg8[%dma_start3A_559, %dma_start3A_563] : memref<16x128xi32, #tpu.memory_space<vmem>> -> memref<1x128xi32, #tpu.memory_space<vmem>>
    %dma_start3A_565 = tpu.memref_squeeze %dma_start3A_564 : memref<1x128xi32, #tpu.memory_space<vmem>> -> memref<128xi32, #tpu.memory_space<vmem>>
    %dma_start3A_566 = arith.constant 0 : i32
    %dma_start3A_567 = arith.constant 0 : i32
    %dma_start3A_568 = tpu.memref_slice %arg2[%dma_start3A_566, %dma_start3A_567] : memref<8388608x8xf32, #tpu.memory_space<hbm>> -> memref<8388608x8xf32, #tpu.memory_space<hbm>>
    tpu.enqueue_indirect_dma source(%dma_start3A_568 : memref<8388608x8xf32, #tpu.memory_space<hbm>>) target(%dma_start3A_562 : memref<128x8xf32, #tpu.memory_space<vmem>>) offsets(%dma_start3A_565 : memref<128xi32, #tpu.memory_space<vmem>>) semaphore(%arg11 : memref<!tpu.dma_semaphore, #tpu.memory_space<semaphore_mem>>)
    %slice3A_569 = vector.extract_strided_slice %add3A_137 {offsets = [14], sizes = [1], strides = [1]} : vector<16xi32> to vector<1xi32>
    %squeeze3A_570 = vector.extract %slice3A_569[0] : i32 from vector<1xi32>
    %add3A_571 = vector.broadcast %squeeze3A_570 : i32 to vector<16xi32>
    %add3A_572 = arith.addi %add3A_571, %add3A_40 : vector<16xi32>
    %swap3A_573 = arith.constant 7 : i32
    %swap3A_574 = arith.index_cast %swap3A_573 : i32 to index
    %swap3A_575 = arith.constant 0 : index
    %swap3A_576 = tpu.vector_load %arg8[%swap3A_574, %swap3A_575] {strides = array<i32>} : memref<16x128xi32, #tpu.memory_space<vmem>>, vector<16xi32>,
    tpu.vector_store %arg8[%swap3A_574, %swap3A_575], %add3A_572 {strides = array<i32>} : memref<16x128xi32, #tpu.memory_space<vmem>>, vector<16xi32>,
    %add3A_577 = vector.broadcast %squeeze3A_570 : i32 to vector<16xi32>
    %add3A_578 = arith.addi %add3A_577, %add3A_59 : vector<16xi32>
    %swap3A_579 = arith.constant 7 : i32
    %swap3A_580 = arith.index_cast %swap3A_579 : i32 to index
    %swap3A_581 = arith.constant 16 : index
    %swap3A_582 = tpu.vector_load %arg8[%swap3A_580, %swap3A_581] {strides = array<i32>} : memref<16x128xi32, #tpu.memory_space<vmem>>, vector<16xi32>,
    tpu.vector_store %arg8[%swap3A_580, %swap3A_581], %add3A_578 {strides = array<i32>} : memref<16x128xi32, #tpu.memory_space<vmem>>, vector<16xi32>,
    %add3A_583 = vector.broadcast %squeeze3A_570 : i32 to vector<16xi32>
    %add3A_584 = arith.addi %add3A_583, %add3A_78 : vector<16xi32>
    %swap3A_585 = arith.constant 7 : i32
    %swap3A_586 = arith.index_cast %swap3A_585 : i32 to index
    %swap3A_587 = arith.constant 32 : index
    %swap3A_588 = tpu.vector_load %arg8[%swap3A_586, %swap3A_587] {strides = array<i32>} : memref<16x128xi32, #tpu.memory_space<vmem>>, vector<16xi32>,
    tpu.vector_store %arg8[%swap3A_586, %swap3A_587], %add3A_584 {strides = array<i32>} : memref<16x128xi32, #tpu.memory_space<vmem>>, vector<16xi32>,
    %add3A_589 = vector.broadcast %squeeze3A_570 : i32 to vector<16xi32>
    %add3A_590 = arith.addi %add3A_589, %add3A_97 : vector<16xi32>
    %swap3A_591 = arith.constant 7 : i32
    %swap3A_592 = arith.index_cast %swap3A_591 : i32 to index
    %swap3A_593 = arith.constant 48 : index
    %swap3A_594 = tpu.vector_load %arg8[%swap3A_592, %swap3A_593] {strides = array<i32>} : memref<16x128xi32, #tpu.memory_space<vmem>>, vector<16xi32>,
    tpu.vector_store %arg8[%swap3A_592, %swap3A_593], %add3A_590 {strides = array<i32>} : memref<16x128xi32, #tpu.memory_space<vmem>>, vector<16xi32>,
    %slice3A_595 = vector.extract_strided_slice %add3A_137 {offsets = [15], sizes = [1], strides = [1]} : vector<16xi32> to vector<1xi32>
    %squeeze3A_596 = vector.extract %slice3A_595[0] : i32 from vector<1xi32>
    %add3A_597 = vector.broadcast %squeeze3A_596 : i32 to vector<16xi32>
    %add3A_598 = arith.addi %add3A_597, %add3A_40 : vector<16xi32>
    %swap3A_599 = arith.constant 7 : i32
    %swap3A_600 = arith.index_cast %swap3A_599 : i32 to index
    %swap3A_601 = arith.constant 64 : index
    %swap3A_602 = tpu.vector_load %arg8[%swap3A_600, %swap3A_601] {strides = array<i32>} : memref<16x128xi32, #tpu.memory_space<vmem>>, vector<16xi32>,
    tpu.vector_store %arg8[%swap3A_600, %swap3A_601], %add3A_598 {strides = array<i32>} : memref<16x128xi32, #tpu.memory_space<vmem>>, vector<16xi32>,
    %add3A_603 = vector.broadcast %squeeze3A_596 : i32 to vector<16xi32>
    %add3A_604 = arith.addi %add3A_603, %add3A_59 : vector<16xi32>
    %swap3A_605 = arith.constant 7 : i32
    %swap3A_606 = arith.index_cast %swap3A_605 : i32 to index
    %swap3A_607 = arith.constant 80 : index
    %swap3A_608 = tpu.vector_load %arg8[%swap3A_606, %swap3A_607] {strides = array<i32>} : memref<16x128xi32, #tpu.memory_space<vmem>>, vector<16xi32>,
    tpu.vector_store %arg8[%swap3A_606, %swap3A_607], %add3A_604 {strides = array<i32>} : memref<16x128xi32, #tpu.memory_space<vmem>>, vector<16xi32>,
    %add3A_609 = vector.broadcast %squeeze3A_596 : i32 to vector<16xi32>
    %add3A_610 = arith.addi %add3A_609, %add3A_78 : vector<16xi32>
    %swap3A_611 = arith.constant 7 : i32
    %swap3A_612 = arith.index_cast %swap3A_611 : i32 to index
    %swap3A_613 = arith.constant 96 : index
    %swap3A_614 = tpu.vector_load %arg8[%swap3A_612, %swap3A_613] {strides = array<i32>} : memref<16x128xi32, #tpu.memory_space<vmem>>, vector<16xi32>,
    tpu.vector_store %arg8[%swap3A_612, %swap3A_613], %add3A_610 {strides = array<i32>} : memref<16x128xi32, #tpu.memory_space<vmem>>, vector<16xi32>,
    %add3A_615 = vector.broadcast %squeeze3A_596 : i32 to vector<16xi32>
    %add3A_616 = arith.addi %add3A_615, %add3A_97 : vector<16xi32>
    %swap3A_617 = arith.constant 7 : i32
    %swap3A_618 = arith.index_cast %swap3A_617 : i32 to index
    %swap3A_619 = arith.constant 112 : index
    %swap3A_620 = tpu.vector_load %arg8[%swap3A_618, %swap3A_619] {strides = array<i32>} : memref<16x128xi32, #tpu.memory_space<vmem>>, vector<16xi32>,
    tpu.vector_store %arg8[%swap3A_618, %swap3A_619], %add3A_616 {strides = array<i32>} : memref<16x128xi32, #tpu.memory_space<vmem>>, vector<16xi32>,
    %dma_start3A_621 = arith.constant 7 : i32
    %dma_start3A_622 = arith.constant 896 : i32
    %dma_start3A_623 = arith.constant 0 : i32
    %dma_start3A_624 = tpu.memref_slice %arg9[%dma_start3A_622, %dma_start3A_623] : memref<2048x8xf32, #tpu.memory_space<vmem>> -> memref<128x8xf32, #tpu.memory_space<vmem>>
    %dma_start3A_625 = arith.constant 0 : i32
    %dma_start3A_626 = tpu.memref_slice %arg8[%dma_start3A_621, %dma_start3A_625] : memref<16x128xi32, #tpu.memory_space<vmem>> -> memref<1x128xi32, #tpu.memory_space<vmem>>
    %dma_start3A_627 = tpu.memref_squeeze %dma_start3A_626 : memref<1x128xi32, #tpu.memory_space<vmem>> -> memref<128xi32, #tpu.memory_space<vmem>>
    %dma_start3A_628 = arith.constant 0 : i32
    %dma_start3A_629 = arith.constant 0 : i32
    %dma_start3A_630 = tpu.memref_slice %arg2[%dma_start3A_628, %dma_start3A_629] : memref<8388608x8xf32, #tpu.memory_space<hbm>> -> memref<8388608x8xf32, #tpu.memory_space<hbm>>
    tpu.enqueue_indirect_dma source(%dma_start3A_630 : memref<8388608x8xf32, #tpu.memory_space<hbm>>) target(%dma_start3A_624 : memref<128x8xf32, #tpu.memory_space<vmem>>) offsets(%dma_start3A_627 : memref<128xi32, #tpu.memory_space<vmem>>) semaphore(%arg11 : memref<!tpu.dma_semaphore, #tpu.memory_space<semaphore_mem>>)
    %dma_wait3A_631 = arith.constant 16384 : i32
    %dma_wait3A_632 = tpu.memref_slice %arg5[%dma_wait3A_631] : memref<32768xf32, #tpu.memory_space<vmem>> -> memref<16384xf32, #tpu.memory_space<vmem>>
    %dma_wait3A_633 = tpu.memref_slice %arg3[%add3A_15] : memref<1048576xf32, #tpu.memory_space<hbm>> -> memref<16384xf32, #tpu.memory_space<hbm>>
    %dma_wait3A_634 = arith.constant 16384 : i32
    %dma_wait3A_635 = tpu.memref_slice %arg5[%dma_wait3A_634] : memref<32768xf32, #tpu.memory_space<vmem>> -> memref<16384xf32, #tpu.memory_space<vmem>>
    %dma_wait3A_636 = tpu.memref_slice %arg3[%add3A_15] : memref<1048576xf32, #tpu.memory_space<hbm>> -> memref<16384xf32, #tpu.memory_space<hbm>>
    tpu.wait_dma2 semaphore(%arg13 : memref<!tpu.dma_semaphore, #tpu.memory_space<semaphore_mem>>) src(%dma_wait3A_636 : memref<16384xf32, #tpu.memory_space<hbm>>) dst(%dma_wait3A_635 : memref<16384xf32, #tpu.memory_space<vmem>>)
    %scan3A_637 = arith.constant 0 : i32
    %scan3A_638 = arith.constant 0 : i32
    %scan3A_639 = arith.constant 4 : i32
    %scan3A_640 = arith.addi %scan3A_638, %scan3A_639 : i32
    %scan3A_641 = arith.constant 1 : i32
    scf.for %scan3A_2630 = %scan3A_638 to %scan3A_640 step %scan3A_641  : i32 {
      %mul3A_2631 = arith.constant 4 : i32
      %mul3A_2632 = arith.muli %scan3A_2630, %mul3A_2631 : i32
      %add3A_2633 = arith.constant 16 : i32
      %add3A_2634 = arith.addi %add3A_2633, %mul3A_2632 : i32
      %shift_right_arithmetic3A_2635 = arith.constant 3 : i32
      %shift_right_arithmetic3A_2636 = arith.shrsi %add3A_2634, %shift_right_arithmetic3A_2635 : i32
      %mul3A_2637 = arith.constant 8192 : i32
      %mul3A_2638 = arith.muli %shift_right_arithmetic3A_2636, %mul3A_2637 : i32
      %and3A_2639 = arith.constant 7 : i32
      %and3A_2640 = arith.andi %add3A_2634, %and3A_2639 : i32
      %mul3A_2641 = arith.constant 128 : i32
      %mul3A_2642 = arith.muli %and3A_2640, %mul3A_2641 : i32
      %add3A_2643 = arith.addi %mul3A_2638, %mul3A_2642 : i32
      %scan3A_2644 = arith.constant 0 : i32
      %scan3A_2645 = arith.constant 64 : i32
      %scan3A_2646 = arith.addi %scan3A_2644, %scan3A_2645 : i32
      %scan3A_2647 = arith.constant 2 : i32
      %scan3A_2648:8 = scf.for %scan3A_2698 = %scan3A_2644 to %scan3A_2646 step %scan3A_2647 iter_args(%scan3A_2699 = %broadcast_in_dim3A_22, %scan3A_2700 = %broadcast_in_dim3A_24, %scan3A_2701 = %broadcast_in_dim3A_22, %scan3A_2702 = %broadcast_in_dim3A_24, %scan3A_2703 = %broadcast_in_dim3A_22, %scan3A_2704 = %broadcast_in_dim3A_24, %scan3A_2705 = %broadcast_in_dim3A_22, %scan3A_2706 = %broadcast_in_dim3A_24) -> (vector<16xf32>, vector<16xi32>, vector<16xf32>, vector<16xi32>, vector<16xf32>, vector<16xi32>, vector<16xf32>, vector<16xi32>)  : i32 {
        %shift_right_arithmetic3A_2707 = arith.constant 3 : i32
        %shift_right_arithmetic3A_2708 = arith.shrsi %scan3A_2698, %shift_right_arithmetic3A_2707 : i32
        %mul3A_2709 = arith.constant 1024 : i32
        %mul3A_2710 = arith.muli %shift_right_arithmetic3A_2708, %mul3A_2709 : i32
        %add3A_2711 = arith.addi %add3A_2643, %mul3A_2710 : i32
        %and3A_2712 = arith.constant 7 : i32
        %and3A_2713 = arith.andi %scan3A_2698, %and3A_2712 : i32
        %mul3A_2714 = arith.constant 16 : i32
        %mul3A_2715 = arith.muli %and3A_2713, %mul3A_2714 : i32
        %add3A_2716 = arith.addi %add3A_2711, %mul3A_2715 : i32
        %mul3A_2717 = arith.constant 16 : i32
        %mul3A_2718 = arith.muli %scan3A_2698, %mul3A_2717 : i32
        %add3A_2719 = vector.broadcast %mul3A_2718 : i32 to vector<16xi32>
        %add3A_2720 = arith.addi %add3A_2719, %iota3A : vector<16xi32>
        %add3A_2721 = arith.constant 0 : i32
        %add3A_2722 = arith.addi %add3A_2716, %add3A_2721 : i32
        %get3A = arith.index_cast %add3A_2722 : i32 to index
        %get3A_2723 = tpu.vector_load %arg5[%get3A] {strides = array<i32>} : memref<32768xf32, #tpu.memory_space<vmem>>, vector<16xf32>,
        %add3A_2724 = arith.constant 128 : i32
        %add3A_2725 = arith.addi %add3A_2716, %add3A_2724 : i32
        %get3A_2726 = arith.index_cast %add3A_2725 : i32 to index
        %get3A_2727 = tpu.vector_load %arg5[%get3A_2726] {strides = array<i32>} : memref<32768xf32, #tpu.memory_space<vmem>>, vector<16xf32>,
        %add3A_2728 = arith.constant 256 : i32
        %add3A_2729 = arith.addi %add3A_2716, %add3A_2728 : i32
        %get3A_2730 = arith.index_cast %add3A_2729 : i32 to index
        %get3A_2731 = tpu.vector_load %arg5[%get3A_2730] {strides = array<i32>} : memref<32768xf32, #tpu.memory_space<vmem>>, vector<16xf32>,
        %add3A_2732 = arith.constant 384 : i32
        %add3A_2733 = arith.addi %add3A_2716, %add3A_2732 : i32
        %get3A_2734 = arith.index_cast %add3A_2733 : i32 to index
        %get3A_2735 = tpu.vector_load %arg5[%get3A_2734] {strides = array<i32>} : memref<32768xf32, #tpu.memory_space<vmem>>, vector<16xf32>,
        %gt3A = arith.cmpf ogt, %get3A_2723, %scan3A_2699 : vector<16xf32>
        %gt3A_2736 = arith.cmpf ogt, %get3A_2727, %scan3A_2701 : vector<16xf32>
        %gt3A_2737 = arith.cmpf ogt, %get3A_2731, %scan3A_2703 : vector<16xf32>
        %gt3A_2738 = arith.cmpf ogt, %get3A_2735, %scan3A_2705 : vector<16xf32>
        %select_n3A = arith.select %gt3A, %get3A_2723, %scan3A_2699 : vector<16xi1>, vector<16xf32>
        %select_n3A_2739 = arith.select %gt3A, %add3A_2720, %scan3A_2700 : vector<16xi1>, vector<16xi32>
        %select_n3A_2740 = arith.select %gt3A_2736, %get3A_2727, %scan3A_2701 : vector<16xi1>, vector<16xf32>
        %select_n3A_2741 = arith.select %gt3A_2736, %add3A_2720, %scan3A_2702 : vector<16xi1>, vector<16xi32>
        %select_n3A_2742 = arith.select %gt3A_2737, %get3A_2731, %scan3A_2703 : vector<16xi1>, vector<16xf32>
        %select_n3A_2743 = arith.select %gt3A_2737, %add3A_2720, %scan3A_2704 : vector<16xi1>, vector<16xi32>
        %select_n3A_2744 = arith.select %gt3A_2738, %get3A_2735, %scan3A_2705 : vector<16xi1>, vector<16xf32>
        %select_n3A_2745 = arith.select %gt3A_2738, %add3A_2720, %scan3A_2706 : vector<16xi1>, vector<16xi32>
        %scan3A_2746 = arith.constant 1 : i32
        %scan3A_2747 = arith.addi %scan3A_2698, %scan3A_2746 : i32
        %shift_right_arithmetic3A_2748 = arith.constant 3 : i32
        %shift_right_arithmetic3A_2749 = arith.shrsi %scan3A_2747, %shift_right_arithmetic3A_2748 : i32
        %mul3A_2750 = arith.constant 1024 : i32
        %mul3A_2751 = arith.muli %shift_right_arithmetic3A_2749, %mul3A_2750 : i32
        %add3A_2752 = arith.addi %add3A_2643, %mul3A_2751 : i32
        %and3A_2753 = arith.constant 7 : i32
        %and3A_2754 = arith.andi %scan3A_2747, %and3A_2753 : i32
        %mul3A_2755 = arith.constant 16 : i32
        %mul3A_2756 = arith.muli %and3A_2754, %mul3A_2755 : i32
        %add3A_2757 = arith.addi %add3A_2752, %mul3A_2756 : i32
        %mul3A_2758 = arith.constant 16 : i32
        %mul3A_2759 = arith.muli %scan3A_2747, %mul3A_2758 : i32
        %add3A_2760 = vector.broadcast %mul3A_2759 : i32 to vector<16xi32>
        %add3A_2761 = arith.addi %add3A_2760, %iota3A : vector<16xi32>
        %add3A_2762 = arith.constant 0 : i32
        %add3A_2763 = arith.addi %add3A_2757, %add3A_2762 : i32
        %get3A_2764 = arith.index_cast %add3A_2763 : i32 to index
        %get3A_2765 = tpu.vector_load %arg5[%get3A_2764] {strides = array<i32>} : memref<32768xf32, #tpu.memory_space<vmem>>, vector<16xf32>,
        %add3A_2766 = arith.constant 128 : i32
        %add3A_2767 = arith.addi %add3A_2757, %add3A_2766 : i32
        %get3A_2768 = arith.index_cast %add3A_2767 : i32 to index
        %get3A_2769 = tpu.vector_load %arg5[%get3A_2768] {strides = array<i32>} : memref<32768xf32, #tpu.memory_space<vmem>>, vector<16xf32>,
        %add3A_2770 = arith.constant 256 : i32
        %add3A_2771 = arith.addi %add3A_2757, %add3A_2770 : i32
        %get3A_2772 = arith.index_cast %add3A_2771 : i32 to index
        %get3A_2773 = tpu.vector_load %arg5[%get3A_2772] {strides = array<i32>} : memref<32768xf32, #tpu.memory_space<vmem>>, vector<16xf32>,
        %add3A_2774 = arith.constant 384 : i32
        %add3A_2775 = arith.addi %add3A_2757, %add3A_2774 : i32
        %get3A_2776 = arith.index_cast %add3A_2775 : i32 to index
        %get3A_2777 = tpu.vector_load %arg5[%get3A_2776] {strides = array<i32>} : memref<32768xf32, #tpu.memory_space<vmem>>, vector<16xf32>,
        %gt3A_2778 = arith.cmpf ogt, %get3A_2765, %select_n3A : vector<16xf32>
        %gt3A_2779 = arith.cmpf ogt, %get3A_2769, %select_n3A_2740 : vector<16xf32>
        %gt3A_2780 = arith.cmpf ogt, %get3A_2773, %select_n3A_2742 : vector<16xf32>
        %gt3A_2781 = arith.cmpf ogt, %get3A_2777, %select_n3A_2744 : vector<16xf32>
        %select_n3A_2782 = arith.select %gt3A_2778, %get3A_2765, %select_n3A : vector<16xi1>, vector<16xf32>
        %select_n3A_2783 = arith.select %gt3A_2778, %add3A_2761, %select_n3A_2739 : vector<16xi1>, vector<16xi32>
        %select_n3A_2784 = arith.select %gt3A_2779, %get3A_2769, %select_n3A_2740 : vector<16xi1>, vector<16xf32>
        %select_n3A_2785 = arith.select %gt3A_2779, %add3A_2761, %select_n3A_2741 : vector<16xi1>, vector<16xi32>
        %select_n3A_2786 = arith.select %gt3A_2780, %get3A_2773, %select_n3A_2742 : vector<16xi1>, vector<16xf32>
        %select_n3A_2787 = arith.select %gt3A_2780, %add3A_2761, %select_n3A_2743 : vector<16xi1>, vector<16xi32>
        %select_n3A_2788 = arith.select %gt3A_2781, %get3A_2777, %select_n3A_2744 : vector<16xi1>, vector<16xf32>
        %select_n3A_2789 = arith.select %gt3A_2781, %add3A_2761, %select_n3A_2745 : vector<16xi1>, vector<16xi32>
        scf.yield %select_n3A_2782, %select_n3A_2783, %select_n3A_2784, %select_n3A_2785, %select_n3A_2786, %select_n3A_2787, %select_n3A_2788, %select_n3A_2789 : vector<16xf32>, vector<16xi32>, vector<16xf32>, vector<16xi32>, vector<16xf32>, vector<16xi32>, vector<16xf32>, vector<16xi32>
      }
      %scan3A_2649 = arith.constant 64 : i32
      %add3A_2650 = arith.constant 0 : i32
      %add3A_2651 = arith.addi %add3A_2634, %add3A_2650 : i32
      %mul3A_2652 = arith.constant 17 : i32
      %mul3A_2653 = arith.muli %add3A_2651, %mul3A_2652 : i32
      %swap3A_2654 = arith.index_cast %mul3A_2653 : i32 to index
      %swap3A_2655 = tpu.vector_load %arg6[%swap3A_2654] {strides = array<i32>} : memref<544xf32, #tpu.memory_space<vmem>>, vector<16xf32>,
      tpu.vector_store %arg6[%swap3A_2654], %scan3A_2648#0 {strides = array<i32>} : memref<544xf32, #tpu.memory_space<vmem>>, vector<16xf32>,
      %add3A_2656 = arith.constant 0 : i32
      %add3A_2657 = arith.addi %add3A_2634, %add3A_2656 : i32
      %mul3A_2658 = arith.constant 17 : i32
      %mul3A_2659 = arith.muli %add3A_2657, %mul3A_2658 : i32
      %swap3A_2660 = arith.index_cast %mul3A_2659 : i32 to index
      %swap3A_2661 = tpu.vector_load %arg7[%swap3A_2660] {strides = array<i32>} : memref<544xi32, #tpu.memory_space<vmem>>, vector<16xi32>,
      tpu.vector_store %arg7[%swap3A_2660], %scan3A_2648#1 {strides = array<i32>} : memref<544xi32, #tpu.memory_space<vmem>>, vector<16xi32>,
      %add3A_2662 = arith.constant 1 : i32
      %add3A_2663 = arith.addi %add3A_2634, %add3A_2662 : i32
      %mul3A_2664 = arith.constant 17 : i32
      %mul3A_2665 = arith.muli %add3A_2663, %mul3A_2664 : i32
      %swap3A_2666 = arith.index_cast %mul3A_2665 : i32 to index
      %swap3A_2667 = tpu.vector_load %arg6[%swap3A_2666] {strides = array<i32>} : memref<544xf32, #tpu.memory_space<vmem>>, vector<16xf32>,
      tpu.vector_store %arg6[%swap3A_2666], %scan3A_2648#2 {strides = array<i32>} : memref<544xf32, #tpu.memory_space<vmem>>, vector<16xf32>,
      %add3A_2668 = arith.constant 1 : i32
      %add3A_2669 = arith.addi %add3A_2634, %add3A_2668 : i32
      %mul3A_2670 = arith.constant 17 : i32
      %mul3A_2671 = arith.muli %add3A_2669, %mul3A_2670 : i32
      %swap3A_2672 = arith.index_cast %mul3A_2671 : i32 to index
      %swap3A_2673 = tpu.vector_load %arg7[%swap3A_2672] {strides = array<i32>} : memref<544xi32, #tpu.memory_space<vmem>>, vector<16xi32>,
      tpu.vector_store %arg7[%swap3A_2672], %scan3A_2648#3 {strides = array<i32>} : memref<544xi32, #tpu.memory_space<vmem>>, vector<16xi32>,
      %add3A_2674 = arith.constant 2 : i32
      %add3A_2675 = arith.addi %add3A_2634, %add3A_2674 : i32
      %mul3A_2676 = arith.constant 17 : i32
      %mul3A_2677 = arith.muli %add3A_2675, %mul3A_2676 : i32
      %swap3A_2678 = arith.index_cast %mul3A_2677 : i32 to index
      %swap3A_2679 = tpu.vector_load %arg6[%swap3A_2678] {strides = array<i32>} : memref<544xf32, #tpu.memory_space<vmem>>, vector<16xf32>,
      tpu.vector_store %arg6[%swap3A_2678], %scan3A_2648#4 {strides = array<i32>} : memref<544xf32, #tpu.memory_space<vmem>>, vector<16xf32>,
      %add3A_2680 = arith.constant 2 : i32
      %add3A_2681 = arith.addi %add3A_2634, %add3A_2680 : i32
      %mul3A_2682 = arith.constant 17 : i32
      %mul3A_2683 = arith.muli %add3A_2681, %mul3A_2682 : i32
      %swap3A_2684 = arith.index_cast %mul3A_2683 : i32 to index
      %swap3A_2685 = tpu.vector_load %arg7[%swap3A_2684] {strides = array<i32>} : memref<544xi32, #tpu.memory_space<vmem>>, vector<16xi32>,
      tpu.vector_store %arg7[%swap3A_2684], %scan3A_2648#5 {strides = array<i32>} : memref<544xi32, #tpu.memory_space<vmem>>, vector<16xi32>,
      %add3A_2686 = arith.constant 3 : i32
      %add3A_2687 = arith.addi %add3A_2634, %add3A_2686 : i32
      %mul3A_2688 = arith.constant 17 : i32
      %mul3A_2689 = arith.muli %add3A_2687, %mul3A_2688 : i32
      %swap3A_2690 = arith.index_cast %mul3A_2689 : i32 to index
      %swap3A_2691 = tpu.vector_load %arg6[%swap3A_2690] {strides = array<i32>} : memref<544xf32, #tpu.memory_space<vmem>>, vector<16xf32>,
      tpu.vector_store %arg6[%swap3A_2690], %scan3A_2648#6 {strides = array<i32>} : memref<544xf32, #tpu.memory_space<vmem>>, vector<16xf32>,
      %add3A_2692 = arith.constant 3 : i32
      %add3A_2693 = arith.addi %add3A_2634, %add3A_2692 : i32
      %mul3A_2694 = arith.constant 17 : i32
      %mul3A_2695 = arith.muli %add3A_2693, %mul3A_2694 : i32
      %swap3A_2696 = arith.index_cast %mul3A_2695 : i32 to index
      %swap3A_2697 = tpu.vector_load %arg7[%swap3A_2696] {strides = array<i32>} : memref<544xi32, #tpu.memory_space<vmem>>, vector<16xi32>,
      tpu.vector_store %arg7[%swap3A_2696], %scan3A_2648#7 {strides = array<i32>} : memref<544xi32, #tpu.memory_space<vmem>>, vector<16xi32>,
    }
    %scan3A_642 = arith.constant 4 : i32
    %add3A_643 = arith.constant 16 : i32
    %add3A_644 = vector.broadcast %add3A_643 : i32 to vector<16xi32>
    %add3A_645 = arith.addi %add3A_644, %iota3A : vector<16xi32>
    %broadcast_in_dim3A_646 = arith.constant 1073741824 : i32
    %broadcast_in_dim3A_647 = vector.broadcast %broadcast_in_dim3A_646 : i32 to vector<16xi32>
    %scan3A_648 = arith.constant 0 : i32
    %scan3A_649 = arith.constant 16 : i32
    %scan3A_650 = arith.addi %scan3A_648, %scan3A_649 : i32
    %scan3A_651 = arith.constant 1 : i32
    %scan3A_652:2 = scf.for %scan3A_2630 = %scan3A_648 to %scan3A_650 step %scan3A_651 iter_args(%scan3A_2631 = %broadcast_in_dim3A_22, %scan3A_2632 = %broadcast_in_dim3A_647) -> (vector<16xf32>, vector<16xi32>)  : i32 {
      %mul3A_2633 = arith.constant 17 : i32
      %mul3A_2634 = vector.broadcast %mul3A_2633 : i32 to vector<16xi32>
      %mul3A_2635 = arith.muli %add3A_645, %mul3A_2634 : vector<16xi32>
      %add3A_2636 = vector.broadcast %scan3A_2630 : i32 to vector<16xi32>
      %add3A_2637 = arith.addi %mul3A_2635, %add3A_2636 : vector<16xi32>
      %gather3A_2638 = tpu.vector_load_idx %arg6[%add3A_2637] : memref<544xf32, #tpu.memory_space<vmem>>[vector<16xi32>], vector<16xf32>,
      %gather3A_2639 = tpu.vector_load_idx %arg7[%add3A_2637] : memref<544xi32, #tpu.memory_space<vmem>>[vector<16xi32>], vector<16xi32>,
      %gt3A = arith.cmpf ogt, %gather3A_2638, %scan3A_2631 : vector<16xf32>
      %eq3A = arith.cmpf oeq, %gather3A_2638, %scan3A_2631 : vector<16xf32>
      %lt3A = arith.cmpi slt, %gather3A_2639, %scan3A_2632 : vector<16xi32>
      %and3A_2640 = arith.andi %eq3A, %lt3A : vector<16xi1>
      %or3A = arith.ori %gt3A, %and3A_2640 : vector<16xi1>
      %select_n3A = arith.select %or3A, %gather3A_2638, %scan3A_2631 : vector<16xi1>, vector<16xf32>
      %select_n3A_2641 = arith.select %or3A, %gather3A_2639, %scan3A_2632 : vector<16xi1>, vector<16xi32>
      scf.yield %select_n3A, %select_n3A_2641 : vector<16xf32>, vector<16xi32>
    }
    %scan3A_653 = arith.constant 16 : i32
    %add3A_654 = vector.broadcast %mul3A_2 : i32 to vector<16xi32>
    %add3A_655 = arith.addi %add3A_654, %add3A_645 : vector<16xi32>
    %mul3A_656 = arith.constant 8192 : i32
    %mul3A_657 = vector.broadcast %mul3A_656 : i32 to vector<16xi32>
    %mul3A_658 = arith.muli %add3A_655, %mul3A_657 : vector<16xi32>
    %shift_right_arithmetic3A_659 = arith.constant 7 : i32
    %shift_right_arithmetic3A_660 = vector.broadcast %shift_right_arithmetic3A_659 : i32 to vector<16xi32>
    %shift_right_arithmetic3A_661 = arith.shrsi %scan3A_652#1, %shift_right_arithmetic3A_660 : vector<16xi32>
    %shift_left3A_662 = arith.constant 7 : i32
    %shift_left3A_663 = vector.broadcast %shift_left3A_662 : i32 to vector<16xi32>
    %shift_left3A_664 = arith.shli %shift_right_arithmetic3A_661, %shift_left3A_663 : vector<16xi32>
    %add3A_665 = arith.addi %mul3A_658, %shift_left3A_664 : vector<16xi32>
    %and3A_666 = arith.constant 127 : i32
    %and3A_667 = vector.broadcast %and3A_666 : i32 to vector<16xi32>
    %and3A_668 = arith.andi %scan3A_652#1, %and3A_667 : vector<16xi32>
    %shift_right_arithmetic3A_669 = arith.constant 3 : i32
    %shift_right_arithmetic3A_670 = vector.broadcast %shift_right_arithmetic3A_669 : i32 to vector<16xi32>
    %shift_right_arithmetic3A_671 = arith.shrsi %and3A_668, %shift_right_arithmetic3A_670 : vector<16xi32>
    %add3A_672 = arith.addi %add3A_665, %shift_right_arithmetic3A_671 : vector<16xi32>
    %slice3A_673 = vector.extract_strided_slice %add3A_672 {offsets = [0], sizes = [1], strides = [1]} : vector<16xi32> to vector<1xi32>
    %squeeze3A_674 = vector.extract %slice3A_673[0] : i32 from vector<1xi32>
    %add3A_675 = vector.broadcast %squeeze3A_674 : i32 to vector<16xi32>
    %add3A_676 = arith.addi %add3A_675, %add3A_40 : vector<16xi32>
    %swap3A_677 = arith.constant 8 : i32
    %swap3A_678 = arith.index_cast %swap3A_677 : i32 to index
    %swap3A_679 = arith.constant 0 : index
    %swap3A_680 = tpu.vector_load %arg8[%swap3A_678, %swap3A_679] {strides = array<i32>} : memref<16x128xi32, #tpu.memory_space<vmem>>, vector<16xi32>,
    tpu.vector_store %arg8[%swap3A_678, %swap3A_679], %add3A_676 {strides = array<i32>} : memref<16x128xi32, #tpu.memory_space<vmem>>, vector<16xi32>,
    %add3A_681 = vector.broadcast %squeeze3A_674 : i32 to vector<16xi32>
    %add3A_682 = arith.addi %add3A_681, %add3A_59 : vector<16xi32>
    %swap3A_683 = arith.constant 8 : i32
    %swap3A_684 = arith.index_cast %swap3A_683 : i32 to index
    %swap3A_685 = arith.constant 16 : index
    %swap3A_686 = tpu.vector_load %arg8[%swap3A_684, %swap3A_685] {strides = array<i32>} : memref<16x128xi32, #tpu.memory_space<vmem>>, vector<16xi32>,
    tpu.vector_store %arg8[%swap3A_684, %swap3A_685], %add3A_682 {strides = array<i32>} : memref<16x128xi32, #tpu.memory_space<vmem>>, vector<16xi32>,
    %add3A_687 = vector.broadcast %squeeze3A_674 : i32 to vector<16xi32>
    %add3A_688 = arith.addi %add3A_687, %add3A_78 : vector<16xi32>
    %swap3A_689 = arith.constant 8 : i32
    %swap3A_690 = arith.index_cast %swap3A_689 : i32 to index
    %swap3A_691 = arith.constant 32 : index
    %swap3A_692 = tpu.vector_load %arg8[%swap3A_690, %swap3A_691] {strides = array<i32>} : memref<16x128xi32, #tpu.memory_space<vmem>>, vector<16xi32>,
    tpu.vector_store %arg8[%swap3A_690, %swap3A_691], %add3A_688 {strides = array<i32>} : memref<16x128xi32, #tpu.memory_space<vmem>>, vector<16xi32>,
    %add3A_693 = vector.broadcast %squeeze3A_674 : i32 to vector<16xi32>
    %add3A_694 = arith.addi %add3A_693, %add3A_97 : vector<16xi32>
    %swap3A_695 = arith.constant 8 : i32
    %swap3A_696 = arith.index_cast %swap3A_695 : i32 to index
    %swap3A_697 = arith.constant 48 : index
    %swap3A_698 = tpu.vector_load %arg8[%swap3A_696, %swap3A_697] {strides = array<i32>} : memref<16x128xi32, #tpu.memory_space<vmem>>, vector<16xi32>,
    tpu.vector_store %arg8[%swap3A_696, %swap3A_697], %add3A_694 {strides = array<i32>} : memref<16x128xi32, #tpu.memory_space<vmem>>, vector<16xi32>,
    %slice3A_699 = vector.extract_strided_slice %add3A_672 {offsets = [1], sizes = [1], strides = [1]} : vector<16xi32> to vector<1xi32>
    %squeeze3A_700 = vector.extract %slice3A_699[0] : i32 from vector<1xi32>
    %add3A_701 = vector.broadcast %squeeze3A_700 : i32 to vector<16xi32>
    %add3A_702 = arith.addi %add3A_701, %add3A_40 : vector<16xi32>
    %swap3A_703 = arith.constant 8 : i32
    %swap3A_704 = arith.index_cast %swap3A_703 : i32 to index
    %swap3A_705 = arith.constant 64 : index
    %swap3A_706 = tpu.vector_load %arg8[%swap3A_704, %swap3A_705] {strides = array<i32>} : memref<16x128xi32, #tpu.memory_space<vmem>>, vector<16xi32>,
    tpu.vector_store %arg8[%swap3A_704, %swap3A_705], %add3A_702 {strides = array<i32>} : memref<16x128xi32, #tpu.memory_space<vmem>>, vector<16xi32>,
    %add3A_707 = vector.broadcast %squeeze3A_700 : i32 to vector<16xi32>
    %add3A_708 = arith.addi %add3A_707, %add3A_59 : vector<16xi32>
    %swap3A_709 = arith.constant 8 : i32
    %swap3A_710 = arith.index_cast %swap3A_709 : i32 to index
    %swap3A_711 = arith.constant 80 : index
    %swap3A_712 = tpu.vector_load %arg8[%swap3A_710, %swap3A_711] {strides = array<i32>} : memref<16x128xi32, #tpu.memory_space<vmem>>, vector<16xi32>,
    tpu.vector_store %arg8[%swap3A_710, %swap3A_711], %add3A_708 {strides = array<i32>} : memref<16x128xi32, #tpu.memory_space<vmem>>, vector<16xi32>,
    %add3A_713 = vector.broadcast %squeeze3A_700 : i32 to vector<16xi32>
    %add3A_714 = arith.addi %add3A_713, %add3A_78 : vector<16xi32>
    %swap3A_715 = arith.constant 8 : i32
    %swap3A_716 = arith.index_cast %swap3A_715 : i32 to index
    %swap3A_717 = arith.constant 96 : index
    %swap3A_718 = tpu.vector_load %arg8[%swap3A_716, %swap3A_717] {strides = array<i32>} : memref<16x128xi32, #tpu.memory_space<vmem>>, vector<16xi32>,
    tpu.vector_store %arg8[%swap3A_716, %swap3A_717], %add3A_714 {strides = array<i32>} : memref<16x128xi32, #tpu.memory_space<vmem>>, vector<16xi32>,
    %add3A_719 = vector.broadcast %squeeze3A_700 : i32 to vector<16xi32>
    %add3A_720 = arith.addi %add3A_719, %add3A_97 : vector<16xi32>
    %swap3A_721 = arith.constant 8 : i32
    %swap3A_722 = arith.index_cast %swap3A_721 : i32 to index
    %swap3A_723 = arith.constant 112 : index
    %swap3A_724 = tpu.vector_load %arg8[%swap3A_722, %swap3A_723] {strides = array<i32>} : memref<16x128xi32, #tpu.memory_space<vmem>>, vector<16xi32>,
    tpu.vector_store %arg8[%swap3A_722, %swap3A_723], %add3A_720 {strides = array<i32>} : memref<16x128xi32, #tpu.memory_space<vmem>>, vector<16xi32>,
    %dma_start3A_725 = arith.constant 8 : i32
    %dma_start3A_726 = arith.constant 1024 : i32
    %dma_start3A_727 = arith.constant 0 : i32
    %dma_start3A_728 = tpu.memref_slice %arg9[%dma_start3A_726, %dma_start3A_727] : memref<2048x8xf32, #tpu.memory_space<vmem>> -> memref<128x8xf32, #tpu.memory_space<vmem>>
    %dma_start3A_729 = arith.constant 0 : i32
    %dma_start3A_730 = tpu.memref_slice %arg8[%dma_start3A_725, %dma_start3A_729] : memref<16x128xi32, #tpu.memory_space<vmem>> -> memref<1x128xi32, #tpu.memory_space<vmem>>
    %dma_start3A_731 = tpu.memref_squeeze %dma_start3A_730 : memref<1x128xi32, #tpu.memory_space<vmem>> -> memref<128xi32, #tpu.memory_space<vmem>>
    %dma_start3A_732 = arith.constant 0 : i32
    %dma_start3A_733 = arith.constant 0 : i32
    %dma_start3A_734 = tpu.memref_slice %arg2[%dma_start3A_732, %dma_start3A_733] : memref<8388608x8xf32, #tpu.memory_space<hbm>> -> memref<8388608x8xf32, #tpu.memory_space<hbm>>
    tpu.enqueue_indirect_dma source(%dma_start3A_734 : memref<8388608x8xf32, #tpu.memory_space<hbm>>) target(%dma_start3A_728 : memref<128x8xf32, #tpu.memory_space<vmem>>) offsets(%dma_start3A_731 : memref<128xi32, #tpu.memory_space<vmem>>) semaphore(%arg11 : memref<!tpu.dma_semaphore, #tpu.memory_space<semaphore_mem>>)
    %slice3A_735 = vector.extract_strided_slice %add3A_672 {offsets = [2], sizes = [1], strides = [1]} : vector<16xi32> to vector<1xi32>
    %squeeze3A_736 = vector.extract %slice3A_735[0] : i32 from vector<1xi32>
    %add3A_737 = vector.broadcast %squeeze3A_736 : i32 to vector<16xi32>
    %add3A_738 = arith.addi %add3A_737, %add3A_40 : vector<16xi32>
    %swap3A_739 = arith.constant 9 : i32
    %swap3A_740 = arith.index_cast %swap3A_739 : i32 to index
    %swap3A_741 = arith.constant 0 : index
    %swap3A_742 = tpu.vector_load %arg8[%swap3A_740, %swap3A_741] {strides = array<i32>} : memref<16x128xi32, #tpu.memory_space<vmem>>, vector<16xi32>,
    tpu.vector_store %arg8[%swap3A_740, %swap3A_741], %add3A_738 {strides = array<i32>} : memref<16x128xi32, #tpu.memory_space<vmem>>, vector<16xi32>,
    %add3A_743 = vector.broadcast %squeeze3A_736 : i32 to vector<16xi32>
    %add3A_744 = arith.addi %add3A_743, %add3A_59 : vector<16xi32>
    %swap3A_745 = arith.constant 9 : i32
    %swap3A_746 = arith.index_cast %swap3A_745 : i32 to index
    %swap3A_747 = arith.constant 16 : index
    %swap3A_748 = tpu.vector_load %arg8[%swap3A_746, %swap3A_747] {strides = array<i32>} : memref<16x128xi32, #tpu.memory_space<vmem>>, vector<16xi32>,
    tpu.vector_store %arg8[%swap3A_746, %swap3A_747], %add3A_744 {strides = array<i32>} : memref<16x128xi32, #tpu.memory_space<vmem>>, vector<16xi32>,
    %add3A_749 = vector.broadcast %squeeze3A_736 : i32 to vector<16xi32>
    %add3A_750 = arith.addi %add3A_749, %add3A_78 : vector<16xi32>
    %swap3A_751 = arith.constant 9 : i32
    %swap3A_752 = arith.index_cast %swap3A_751 : i32 to index
    %swap3A_753 = arith.constant 32 : index
    %swap3A_754 = tpu.vector_load %arg8[%swap3A_752, %swap3A_753] {strides = array<i32>} : memref<16x128xi32, #tpu.memory_space<vmem>>, vector<16xi32>,
    tpu.vector_store %arg8[%swap3A_752, %swap3A_753], %add3A_750 {strides = array<i32>} : memref<16x128xi32, #tpu.memory_space<vmem>>, vector<16xi32>,
    %add3A_755 = vector.broadcast %squeeze3A_736 : i32 to vector<16xi32>
    %add3A_756 = arith.addi %add3A_755, %add3A_97 : vector<16xi32>
    %swap3A_757 = arith.constant 9 : i32
    %swap3A_758 = arith.index_cast %swap3A_757 : i32 to index
    %swap3A_759 = arith.constant 48 : index
    %swap3A_760 = tpu.vector_load %arg8[%swap3A_758, %swap3A_759] {strides = array<i32>} : memref<16x128xi32, #tpu.memory_space<vmem>>, vector<16xi32>,
    tpu.vector_store %arg8[%swap3A_758, %swap3A_759], %add3A_756 {strides = array<i32>} : memref<16x128xi32, #tpu.memory_space<vmem>>, vector<16xi32>,
    %slice3A_761 = vector.extract_strided_slice %add3A_672 {offsets = [3], sizes = [1], strides = [1]} : vector<16xi32> to vector<1xi32>
    %squeeze3A_762 = vector.extract %slice3A_761[0] : i32 from vector<1xi32>
    %add3A_763 = vector.broadcast %squeeze3A_762 : i32 to vector<16xi32>
    %add3A_764 = arith.addi %add3A_763, %add3A_40 : vector<16xi32>
    %swap3A_765 = arith.constant 9 : i32
    %swap3A_766 = arith.index_cast %swap3A_765 : i32 to index
    %swap3A_767 = arith.constant 64 : index
    %swap3A_768 = tpu.vector_load %arg8[%swap3A_766, %swap3A_767] {strides = array<i32>} : memref<16x128xi32, #tpu.memory_space<vmem>>, vector<16xi32>,
    tpu.vector_store %arg8[%swap3A_766, %swap3A_767], %add3A_764 {strides = array<i32>} : memref<16x128xi32, #tpu.memory_space<vmem>>, vector<16xi32>,
    %add3A_769 = vector.broadcast %squeeze3A_762 : i32 to vector<16xi32>
    %add3A_770 = arith.addi %add3A_769, %add3A_59 : vector<16xi32>
    %swap3A_771 = arith.constant 9 : i32
    %swap3A_772 = arith.index_cast %swap3A_771 : i32 to index
    %swap3A_773 = arith.constant 80 : index
    %swap3A_774 = tpu.vector_load %arg8[%swap3A_772, %swap3A_773] {strides = array<i32>} : memref<16x128xi32, #tpu.memory_space<vmem>>, vector<16xi32>,
    tpu.vector_store %arg8[%swap3A_772, %swap3A_773], %add3A_770 {strides = array<i32>} : memref<16x128xi32, #tpu.memory_space<vmem>>, vector<16xi32>,
    %add3A_775 = vector.broadcast %squeeze3A_762 : i32 to vector<16xi32>
    %add3A_776 = arith.addi %add3A_775, %add3A_78 : vector<16xi32>
    %swap3A_777 = arith.constant 9 : i32
    %swap3A_778 = arith.index_cast %swap3A_777 : i32 to index
    %swap3A_779 = arith.constant 96 : index
    %swap3A_780 = tpu.vector_load %arg8[%swap3A_778, %swap3A_779] {strides = array<i32>} : memref<16x128xi32, #tpu.memory_space<vmem>>, vector<16xi32>,
    tpu.vector_store %arg8[%swap3A_778, %swap3A_779], %add3A_776 {strides = array<i32>} : memref<16x128xi32, #tpu.memory_space<vmem>>, vector<16xi32>,
    %add3A_781 = vector.broadcast %squeeze3A_762 : i32 to vector<16xi32>
    %add3A_782 = arith.addi %add3A_781, %add3A_97 : vector<16xi32>
    %swap3A_783 = arith.constant 9 : i32
    %swap3A_784 = arith.index_cast %swap3A_783 : i32 to index
    %swap3A_785 = arith.constant 112 : index
    %swap3A_786 = tpu.vector_load %arg8[%swap3A_784, %swap3A_785] {strides = array<i32>} : memref<16x128xi32, #tpu.memory_space<vmem>>, vector<16xi32>,
    tpu.vector_store %arg8[%swap3A_784, %swap3A_785], %add3A_782 {strides = array<i32>} : memref<16x128xi32, #tpu.memory_space<vmem>>, vector<16xi32>,
    %dma_start3A_787 = arith.constant 9 : i32
    %dma_start3A_788 = arith.constant 1152 : i32
    %dma_start3A_789 = arith.constant 0 : i32
    %dma_start3A_790 = tpu.memref_slice %arg9[%dma_start3A_788, %dma_start3A_789] : memref<2048x8xf32, #tpu.memory_space<vmem>> -> memref<128x8xf32, #tpu.memory_space<vmem>>
    %dma_start3A_791 = arith.constant 0 : i32
    %dma_start3A_792 = tpu.memref_slice %arg8[%dma_start3A_787, %dma_start3A_791] : memref<16x128xi32, #tpu.memory_space<vmem>> -> memref<1x128xi32, #tpu.memory_space<vmem>>
    %dma_start3A_793 = tpu.memref_squeeze %dma_start3A_792 : memref<1x128xi32, #tpu.memory_space<vmem>> -> memref<128xi32, #tpu.memory_space<vmem>>
    %dma_start3A_794 = arith.constant 0 : i32
    %dma_start3A_795 = arith.constant 0 : i32
    %dma_start3A_796 = tpu.memref_slice %arg2[%dma_start3A_794, %dma_start3A_795] : memref<8388608x8xf32, #tpu.memory_space<hbm>> -> memref<8388608x8xf32, #tpu.memory_space<hbm>>
    tpu.enqueue_indirect_dma source(%dma_start3A_796 : memref<8388608x8xf32, #tpu.memory_space<hbm>>) target(%dma_start3A_790 : memref<128x8xf32, #tpu.memory_space<vmem>>) offsets(%dma_start3A_793 : memref<128xi32, #tpu.memory_space<vmem>>) semaphore(%arg11 : memref<!tpu.dma_semaphore, #tpu.memory_space<semaphore_mem>>)
    %slice3A_797 = vector.extract_strided_slice %add3A_672 {offsets = [4], sizes = [1], strides = [1]} : vector<16xi32> to vector<1xi32>
    %squeeze3A_798 = vector.extract %slice3A_797[0] : i32 from vector<1xi32>
    %add3A_799 = vector.broadcast %squeeze3A_798 : i32 to vector<16xi32>
    %add3A_800 = arith.addi %add3A_799, %add3A_40 : vector<16xi32>
    %swap3A_801 = arith.constant 10 : i32
    %swap3A_802 = arith.index_cast %swap3A_801 : i32 to index
    %swap3A_803 = arith.constant 0 : index
    %swap3A_804 = tpu.vector_load %arg8[%swap3A_802, %swap3A_803] {strides = array<i32>} : memref<16x128xi32, #tpu.memory_space<vmem>>, vector<16xi32>,
    tpu.vector_store %arg8[%swap3A_802, %swap3A_803], %add3A_800 {strides = array<i32>} : memref<16x128xi32, #tpu.memory_space<vmem>>, vector<16xi32>,
    %add3A_805 = vector.broadcast %squeeze3A_798 : i32 to vector<16xi32>
    %add3A_806 = arith.addi %add3A_805, %add3A_59 : vector<16xi32>
    %swap3A_807 = arith.constant 10 : i32
    %swap3A_808 = arith.index_cast %swap3A_807 : i32 to index
    %swap3A_809 = arith.constant 16 : index
    %swap3A_810 = tpu.vector_load %arg8[%swap3A_808, %swap3A_809] {strides = array<i32>} : memref<16x128xi32, #tpu.memory_space<vmem>>, vector<16xi32>,
    tpu.vector_store %arg8[%swap3A_808, %swap3A_809], %add3A_806 {strides = array<i32>} : memref<16x128xi32, #tpu.memory_space<vmem>>, vector<16xi32>,
    %add3A_811 = vector.broadcast %squeeze3A_798 : i32 to vector<16xi32>
    %add3A_812 = arith.addi %add3A_811, %add3A_78 : vector<16xi32>
    %swap3A_813 = arith.constant 10 : i32
    %swap3A_814 = arith.index_cast %swap3A_813 : i32 to index
    %swap3A_815 = arith.constant 32 : index
    %swap3A_816 = tpu.vector_load %arg8[%swap3A_814, %swap3A_815] {strides = array<i32>} : memref<16x128xi32, #tpu.memory_space<vmem>>, vector<16xi32>,
    tpu.vector_store %arg8[%swap3A_814, %swap3A_815], %add3A_812 {strides = array<i32>} : memref<16x128xi32, #tpu.memory_space<vmem>>, vector<16xi32>,
    %add3A_817 = vector.broadcast %squeeze3A_798 : i32 to vector<16xi32>
    %add3A_818 = arith.addi %add3A_817, %add3A_97 : vector<16xi32>
    %swap3A_819 = arith.constant 10 : i32
    %swap3A_820 = arith.index_cast %swap3A_819 : i32 to index
    %swap3A_821 = arith.constant 48 : index
    %swap3A_822 = tpu.vector_load %arg8[%swap3A_820, %swap3A_821] {strides = array<i32>} : memref<16x128xi32, #tpu.memory_space<vmem>>, vector<16xi32>,
    tpu.vector_store %arg8[%swap3A_820, %swap3A_821], %add3A_818 {strides = array<i32>} : memref<16x128xi32, #tpu.memory_space<vmem>>, vector<16xi32>,
    %slice3A_823 = vector.extract_strided_slice %add3A_672 {offsets = [5], sizes = [1], strides = [1]} : vector<16xi32> to vector<1xi32>
    %squeeze3A_824 = vector.extract %slice3A_823[0] : i32 from vector<1xi32>
    %add3A_825 = vector.broadcast %squeeze3A_824 : i32 to vector<16xi32>
    %add3A_826 = arith.addi %add3A_825, %add3A_40 : vector<16xi32>
    %swap3A_827 = arith.constant 10 : i32
    %swap3A_828 = arith.index_cast %swap3A_827 : i32 to index
    %swap3A_829 = arith.constant 64 : index
    %swap3A_830 = tpu.vector_load %arg8[%swap3A_828, %swap3A_829] {strides = array<i32>} : memref<16x128xi32, #tpu.memory_space<vmem>>, vector<16xi32>,
    tpu.vector_store %arg8[%swap3A_828, %swap3A_829], %add3A_826 {strides = array<i32>} : memref<16x128xi32, #tpu.memory_space<vmem>>, vector<16xi32>,
    %add3A_831 = vector.broadcast %squeeze3A_824 : i32 to vector<16xi32>
    %add3A_832 = arith.addi %add3A_831, %add3A_59 : vector<16xi32>
    %swap3A_833 = arith.constant 10 : i32
    %swap3A_834 = arith.index_cast %swap3A_833 : i32 to index
    %swap3A_835 = arith.constant 80 : index
    %swap3A_836 = tpu.vector_load %arg8[%swap3A_834, %swap3A_835] {strides = array<i32>} : memref<16x128xi32, #tpu.memory_space<vmem>>, vector<16xi32>,
    tpu.vector_store %arg8[%swap3A_834, %swap3A_835], %add3A_832 {strides = array<i32>} : memref<16x128xi32, #tpu.memory_space<vmem>>, vector<16xi32>,
    %add3A_837 = vector.broadcast %squeeze3A_824 : i32 to vector<16xi32>
    %add3A_838 = arith.addi %add3A_837, %add3A_78 : vector<16xi32>
    %swap3A_839 = arith.constant 10 : i32
    %swap3A_840 = arith.index_cast %swap3A_839 : i32 to index
    %swap3A_841 = arith.constant 96 : index
    %swap3A_842 = tpu.vector_load %arg8[%swap3A_840, %swap3A_841] {strides = array<i32>} : memref<16x128xi32, #tpu.memory_space<vmem>>, vector<16xi32>,
    tpu.vector_store %arg8[%swap3A_840, %swap3A_841], %add3A_838 {strides = array<i32>} : memref<16x128xi32, #tpu.memory_space<vmem>>, vector<16xi32>,
    %add3A_843 = vector.broadcast %squeeze3A_824 : i32 to vector<16xi32>
    %add3A_844 = arith.addi %add3A_843, %add3A_97 : vector<16xi32>
    %swap3A_845 = arith.constant 10 : i32
    %swap3A_846 = arith.index_cast %swap3A_845 : i32 to index
    %swap3A_847 = arith.constant 112 : index
    %swap3A_848 = tpu.vector_load %arg8[%swap3A_846, %swap3A_847] {strides = array<i32>} : memref<16x128xi32, #tpu.memory_space<vmem>>, vector<16xi32>,
    tpu.vector_store %arg8[%swap3A_846, %swap3A_847], %add3A_844 {strides = array<i32>} : memref<16x128xi32, #tpu.memory_space<vmem>>, vector<16xi32>,
    %dma_start3A_849 = arith.constant 10 : i32
    %dma_start3A_850 = arith.constant 1280 : i32
    %dma_start3A_851 = arith.constant 0 : i32
    %dma_start3A_852 = tpu.memref_slice %arg9[%dma_start3A_850, %dma_start3A_851] : memref<2048x8xf32, #tpu.memory_space<vmem>> -> memref<128x8xf32, #tpu.memory_space<vmem>>
    %dma_start3A_853 = arith.constant 0 : i32
    %dma_start3A_854 = tpu.memref_slice %arg8[%dma_start3A_849, %dma_start3A_853] : memref<16x128xi32, #tpu.memory_space<vmem>> -> memref<1x128xi32, #tpu.memory_space<vmem>>
    %dma_start3A_855 = tpu.memref_squeeze %dma_start3A_854 : memref<1x128xi32, #tpu.memory_space<vmem>> -> memref<128xi32, #tpu.memory_space<vmem>>
    %dma_start3A_856 = arith.constant 0 : i32
    %dma_start3A_857 = arith.constant 0 : i32
    %dma_start3A_858 = tpu.memref_slice %arg2[%dma_start3A_856, %dma_start3A_857] : memref<8388608x8xf32, #tpu.memory_space<hbm>> -> memref<8388608x8xf32, #tpu.memory_space<hbm>>
    tpu.enqueue_indirect_dma source(%dma_start3A_858 : memref<8388608x8xf32, #tpu.memory_space<hbm>>) target(%dma_start3A_852 : memref<128x8xf32, #tpu.memory_space<vmem>>) offsets(%dma_start3A_855 : memref<128xi32, #tpu.memory_space<vmem>>) semaphore(%arg11 : memref<!tpu.dma_semaphore, #tpu.memory_space<semaphore_mem>>)
    %slice3A_859 = vector.extract_strided_slice %add3A_672 {offsets = [6], sizes = [1], strides = [1]} : vector<16xi32> to vector<1xi32>
    %squeeze3A_860 = vector.extract %slice3A_859[0] : i32 from vector<1xi32>
    %add3A_861 = vector.broadcast %squeeze3A_860 : i32 to vector<16xi32>
    %add3A_862 = arith.addi %add3A_861, %add3A_40 : vector<16xi32>
    %swap3A_863 = arith.constant 11 : i32
    %swap3A_864 = arith.index_cast %swap3A_863 : i32 to index
    %swap3A_865 = arith.constant 0 : index
    %swap3A_866 = tpu.vector_load %arg8[%swap3A_864, %swap3A_865] {strides = array<i32>} : memref<16x128xi32, #tpu.memory_space<vmem>>, vector<16xi32>,
    tpu.vector_store %arg8[%swap3A_864, %swap3A_865], %add3A_862 {strides = array<i32>} : memref<16x128xi32, #tpu.memory_space<vmem>>, vector<16xi32>,
    %add3A_867 = vector.broadcast %squeeze3A_860 : i32 to vector<16xi32>
    %add3A_868 = arith.addi %add3A_867, %add3A_59 : vector<16xi32>
    %swap3A_869 = arith.constant 11 : i32
    %swap3A_870 = arith.index_cast %swap3A_869 : i32 to index
    %swap3A_871 = arith.constant 16 : index
    %swap3A_872 = tpu.vector_load %arg8[%swap3A_870, %swap3A_871] {strides = array<i32>} : memref<16x128xi32, #tpu.memory_space<vmem>>, vector<16xi32>,
    tpu.vector_store %arg8[%swap3A_870, %swap3A_871], %add3A_868 {strides = array<i32>} : memref<16x128xi32, #tpu.memory_space<vmem>>, vector<16xi32>,
    %add3A_873 = vector.broadcast %squeeze3A_860 : i32 to vector<16xi32>
    %add3A_874 = arith.addi %add3A_873, %add3A_78 : vector<16xi32>
    %swap3A_875 = arith.constant 11 : i32
    %swap3A_876 = arith.index_cast %swap3A_875 : i32 to index
    %swap3A_877 = arith.constant 32 : index
    %swap3A_878 = tpu.vector_load %arg8[%swap3A_876, %swap3A_877] {strides = array<i32>} : memref<16x128xi32, #tpu.memory_space<vmem>>, vector<16xi32>,
    tpu.vector_store %arg8[%swap3A_876, %swap3A_877], %add3A_874 {strides = array<i32>} : memref<16x128xi32, #tpu.memory_space<vmem>>, vector<16xi32>,
    %add3A_879 = vector.broadcast %squeeze3A_860 : i32 to vector<16xi32>
    %add3A_880 = arith.addi %add3A_879, %add3A_97 : vector<16xi32>
    %swap3A_881 = arith.constant 11 : i32
    %swap3A_882 = arith.index_cast %swap3A_881 : i32 to index
    %swap3A_883 = arith.constant 48 : index
    %swap3A_884 = tpu.vector_load %arg8[%swap3A_882, %swap3A_883] {strides = array<i32>} : memref<16x128xi32, #tpu.memory_space<vmem>>, vector<16xi32>,
    tpu.vector_store %arg8[%swap3A_882, %swap3A_883], %add3A_880 {strides = array<i32>} : memref<16x128xi32, #tpu.memory_space<vmem>>, vector<16xi32>,
    %slice3A_885 = vector.extract_strided_slice %add3A_672 {offsets = [7], sizes = [1], strides = [1]} : vector<16xi32> to vector<1xi32>
    %squeeze3A_886 = vector.extract %slice3A_885[0] : i32 from vector<1xi32>
    %add3A_887 = vector.broadcast %squeeze3A_886 : i32 to vector<16xi32>
    %add3A_888 = arith.addi %add3A_887, %add3A_40 : vector<16xi32>
    %swap3A_889 = arith.constant 11 : i32
    %swap3A_890 = arith.index_cast %swap3A_889 : i32 to index
    %swap3A_891 = arith.constant 64 : index
    %swap3A_892 = tpu.vector_load %arg8[%swap3A_890, %swap3A_891] {strides = array<i32>} : memref<16x128xi32, #tpu.memory_space<vmem>>, vector<16xi32>,
    tpu.vector_store %arg8[%swap3A_890, %swap3A_891], %add3A_888 {strides = array<i32>} : memref<16x128xi32, #tpu.memory_space<vmem>>, vector<16xi32>,
    %add3A_893 = vector.broadcast %squeeze3A_886 : i32 to vector<16xi32>
    %add3A_894 = arith.addi %add3A_893, %add3A_59 : vector<16xi32>
    %swap3A_895 = arith.constant 11 : i32
    %swap3A_896 = arith.index_cast %swap3A_895 : i32 to index
    %swap3A_897 = arith.constant 80 : index
    %swap3A_898 = tpu.vector_load %arg8[%swap3A_896, %swap3A_897] {strides = array<i32>} : memref<16x128xi32, #tpu.memory_space<vmem>>, vector<16xi32>,
    tpu.vector_store %arg8[%swap3A_896, %swap3A_897], %add3A_894 {strides = array<i32>} : memref<16x128xi32, #tpu.memory_space<vmem>>, vector<16xi32>,
    %add3A_899 = vector.broadcast %squeeze3A_886 : i32 to vector<16xi32>
    %add3A_900 = arith.addi %add3A_899, %add3A_78 : vector<16xi32>
    %swap3A_901 = arith.constant 11 : i32
    %swap3A_902 = arith.index_cast %swap3A_901 : i32 to index
    %swap3A_903 = arith.constant 96 : index
    %swap3A_904 = tpu.vector_load %arg8[%swap3A_902, %swap3A_903] {strides = array<i32>} : memref<16x128xi32, #tpu.memory_space<vmem>>, vector<16xi32>,
    tpu.vector_store %arg8[%swap3A_902, %swap3A_903], %add3A_900 {strides = array<i32>} : memref<16x128xi32, #tpu.memory_space<vmem>>, vector<16xi32>,
    %add3A_905 = vector.broadcast %squeeze3A_886 : i32 to vector<16xi32>
    %add3A_906 = arith.addi %add3A_905, %add3A_97 : vector<16xi32>
    %swap3A_907 = arith.constant 11 : i32
    %swap3A_908 = arith.index_cast %swap3A_907 : i32 to index
    %swap3A_909 = arith.constant 112 : index
    %swap3A_910 = tpu.vector_load %arg8[%swap3A_908, %swap3A_909] {strides = array<i32>} : memref<16x128xi32, #tpu.memory_space<vmem>>, vector<16xi32>,
    tpu.vector_store %arg8[%swap3A_908, %swap3A_909], %add3A_906 {strides = array<i32>} : memref<16x128xi32, #tpu.memory_space<vmem>>, vector<16xi32>,
    %dma_start3A_911 = arith.constant 11 : i32
    %dma_start3A_912 = arith.constant 1408 : i32
    %dma_start3A_913 = arith.constant 0 : i32
    %dma_start3A_914 = tpu.memref_slice %arg9[%dma_start3A_912, %dma_start3A_913] : memref<2048x8xf32, #tpu.memory_space<vmem>> -> memref<128x8xf32, #tpu.memory_space<vmem>>
    %dma_start3A_915 = arith.constant 0 : i32
    %dma_start3A_916 = tpu.memref_slice %arg8[%dma_start3A_911, %dma_start3A_915] : memref<16x128xi32, #tpu.memory_space<vmem>> -> memref<1x128xi32, #tpu.memory_space<vmem>>
    %dma_start3A_917 = tpu.memref_squeeze %dma_start3A_916 : memref<1x128xi32, #tpu.memory_space<vmem>> -> memref<128xi32, #tpu.memory_space<vmem>>
    %dma_start3A_918 = arith.constant 0 : i32
    %dma_start3A_919 = arith.constant 0 : i32
    %dma_start3A_920 = tpu.memref_slice %arg2[%dma_start3A_918, %dma_start3A_919] : memref<8388608x8xf32, #tpu.memory_space<hbm>> -> memref<8388608x8xf32, #tpu.memory_space<hbm>>
    tpu.enqueue_indirect_dma source(%dma_start3A_920 : memref<8388608x8xf32, #tpu.memory_space<hbm>>) target(%dma_start3A_914 : memref<128x8xf32, #tpu.memory_space<vmem>>) offsets(%dma_start3A_917 : memref<128xi32, #tpu.memory_space<vmem>>) semaphore(%arg11 : memref<!tpu.dma_semaphore, #tpu.memory_space<semaphore_mem>>)
    %slice3A_921 = vector.extract_strided_slice %add3A_672 {offsets = [8], sizes = [1], strides = [1]} : vector<16xi32> to vector<1xi32>
    %squeeze3A_922 = vector.extract %slice3A_921[0] : i32 from vector<1xi32>
    %add3A_923 = vector.broadcast %squeeze3A_922 : i32 to vector<16xi32>
    %add3A_924 = arith.addi %add3A_923, %add3A_40 : vector<16xi32>
    %swap3A_925 = arith.constant 12 : i32
    %swap3A_926 = arith.index_cast %swap3A_925 : i32 to index
    %swap3A_927 = arith.constant 0 : index
    %swap3A_928 = tpu.vector_load %arg8[%swap3A_926, %swap3A_927] {strides = array<i32>} : memref<16x128xi32, #tpu.memory_space<vmem>>, vector<16xi32>,
    tpu.vector_store %arg8[%swap3A_926, %swap3A_927], %add3A_924 {strides = array<i32>} : memref<16x128xi32, #tpu.memory_space<vmem>>, vector<16xi32>,
    %add3A_929 = vector.broadcast %squeeze3A_922 : i32 to vector<16xi32>
    %add3A_930 = arith.addi %add3A_929, %add3A_59 : vector<16xi32>
    %swap3A_931 = arith.constant 12 : i32
    %swap3A_932 = arith.index_cast %swap3A_931 : i32 to index
    %swap3A_933 = arith.constant 16 : index
    %swap3A_934 = tpu.vector_load %arg8[%swap3A_932, %swap3A_933] {strides = array<i32>} : memref<16x128xi32, #tpu.memory_space<vmem>>, vector<16xi32>,
    tpu.vector_store %arg8[%swap3A_932, %swap3A_933], %add3A_930 {strides = array<i32>} : memref<16x128xi32, #tpu.memory_space<vmem>>, vector<16xi32>,
    %add3A_935 = vector.broadcast %squeeze3A_922 : i32 to vector<16xi32>
    %add3A_936 = arith.addi %add3A_935, %add3A_78 : vector<16xi32>
    %swap3A_937 = arith.constant 12 : i32
    %swap3A_938 = arith.index_cast %swap3A_937 : i32 to index
    %swap3A_939 = arith.constant 32 : index
    %swap3A_940 = tpu.vector_load %arg8[%swap3A_938, %swap3A_939] {strides = array<i32>} : memref<16x128xi32, #tpu.memory_space<vmem>>, vector<16xi32>,
    tpu.vector_store %arg8[%swap3A_938, %swap3A_939], %add3A_936 {strides = array<i32>} : memref<16x128xi32, #tpu.memory_space<vmem>>, vector<16xi32>,
    %add3A_941 = vector.broadcast %squeeze3A_922 : i32 to vector<16xi32>
    %add3A_942 = arith.addi %add3A_941, %add3A_97 : vector<16xi32>
    %swap3A_943 = arith.constant 12 : i32
    %swap3A_944 = arith.index_cast %swap3A_943 : i32 to index
    %swap3A_945 = arith.constant 48 : index
    %swap3A_946 = tpu.vector_load %arg8[%swap3A_944, %swap3A_945] {strides = array<i32>} : memref<16x128xi32, #tpu.memory_space<vmem>>, vector<16xi32>,
    tpu.vector_store %arg8[%swap3A_944, %swap3A_945], %add3A_942 {strides = array<i32>} : memref<16x128xi32, #tpu.memory_space<vmem>>, vector<16xi32>,
    %slice3A_947 = vector.extract_strided_slice %add3A_672 {offsets = [9], sizes = [1], strides = [1]} : vector<16xi32> to vector<1xi32>
    %squeeze3A_948 = vector.extract %slice3A_947[0] : i32 from vector<1xi32>
    %add3A_949 = vector.broadcast %squeeze3A_948 : i32 to vector<16xi32>
    %add3A_950 = arith.addi %add3A_949, %add3A_40 : vector<16xi32>
    %swap3A_951 = arith.constant 12 : i32
    %swap3A_952 = arith.index_cast %swap3A_951 : i32 to index
    %swap3A_953 = arith.constant 64 : index
    %swap3A_954 = tpu.vector_load %arg8[%swap3A_952, %swap3A_953] {strides = array<i32>} : memref<16x128xi32, #tpu.memory_space<vmem>>, vector<16xi32>,
    tpu.vector_store %arg8[%swap3A_952, %swap3A_953], %add3A_950 {strides = array<i32>} : memref<16x128xi32, #tpu.memory_space<vmem>>, vector<16xi32>,
    %add3A_955 = vector.broadcast %squeeze3A_948 : i32 to vector<16xi32>
    %add3A_956 = arith.addi %add3A_955, %add3A_59 : vector<16xi32>
    %swap3A_957 = arith.constant 12 : i32
    %swap3A_958 = arith.index_cast %swap3A_957 : i32 to index
    %swap3A_959 = arith.constant 80 : index
    %swap3A_960 = tpu.vector_load %arg8[%swap3A_958, %swap3A_959] {strides = array<i32>} : memref<16x128xi32, #tpu.memory_space<vmem>>, vector<16xi32>,
    tpu.vector_store %arg8[%swap3A_958, %swap3A_959], %add3A_956 {strides = array<i32>} : memref<16x128xi32, #tpu.memory_space<vmem>>, vector<16xi32>,
    %add3A_961 = vector.broadcast %squeeze3A_948 : i32 to vector<16xi32>
    %add3A_962 = arith.addi %add3A_961, %add3A_78 : vector<16xi32>
    %swap3A_963 = arith.constant 12 : i32
    %swap3A_964 = arith.index_cast %swap3A_963 : i32 to index
    %swap3A_965 = arith.constant 96 : index
    %swap3A_966 = tpu.vector_load %arg8[%swap3A_964, %swap3A_965] {strides = array<i32>} : memref<16x128xi32, #tpu.memory_space<vmem>>, vector<16xi32>,
    tpu.vector_store %arg8[%swap3A_964, %swap3A_965], %add3A_962 {strides = array<i32>} : memref<16x128xi32, #tpu.memory_space<vmem>>, vector<16xi32>,
    %add3A_967 = vector.broadcast %squeeze3A_948 : i32 to vector<16xi32>
    %add3A_968 = arith.addi %add3A_967, %add3A_97 : vector<16xi32>
    %swap3A_969 = arith.constant 12 : i32
    %swap3A_970 = arith.index_cast %swap3A_969 : i32 to index
    %swap3A_971 = arith.constant 112 : index
    %swap3A_972 = tpu.vector_load %arg8[%swap3A_970, %swap3A_971] {strides = array<i32>} : memref<16x128xi32, #tpu.memory_space<vmem>>, vector<16xi32>,
    tpu.vector_store %arg8[%swap3A_970, %swap3A_971], %add3A_968 {strides = array<i32>} : memref<16x128xi32, #tpu.memory_space<vmem>>, vector<16xi32>,
    %dma_start3A_973 = arith.constant 12 : i32
    %dma_start3A_974 = arith.constant 1536 : i32
    %dma_start3A_975 = arith.constant 0 : i32
    %dma_start3A_976 = tpu.memref_slice %arg9[%dma_start3A_974, %dma_start3A_975] : memref<2048x8xf32, #tpu.memory_space<vmem>> -> memref<128x8xf32, #tpu.memory_space<vmem>>
    %dma_start3A_977 = arith.constant 0 : i32
    %dma_start3A_978 = tpu.memref_slice %arg8[%dma_start3A_973, %dma_start3A_977] : memref<16x128xi32, #tpu.memory_space<vmem>> -> memref<1x128xi32, #tpu.memory_space<vmem>>
    %dma_start3A_979 = tpu.memref_squeeze %dma_start3A_978 : memref<1x128xi32, #tpu.memory_space<vmem>> -> memref<128xi32, #tpu.memory_space<vmem>>
    %dma_start3A_980 = arith.constant 0 : i32
    %dma_start3A_981 = arith.constant 0 : i32
    %dma_start3A_982 = tpu.memref_slice %arg2[%dma_start3A_980, %dma_start3A_981] : memref<8388608x8xf32, #tpu.memory_space<hbm>> -> memref<8388608x8xf32, #tpu.memory_space<hbm>>
    tpu.enqueue_indirect_dma source(%dma_start3A_982 : memref<8388608x8xf32, #tpu.memory_space<hbm>>) target(%dma_start3A_976 : memref<128x8xf32, #tpu.memory_space<vmem>>) offsets(%dma_start3A_979 : memref<128xi32, #tpu.memory_space<vmem>>) semaphore(%arg11 : memref<!tpu.dma_semaphore, #tpu.memory_space<semaphore_mem>>)
    %slice3A_983 = vector.extract_strided_slice %add3A_672 {offsets = [10], sizes = [1], strides = [1]} : vector<16xi32> to vector<1xi32>
    %squeeze3A_984 = vector.extract %slice3A_983[0] : i32 from vector<1xi32>
    %add3A_985 = vector.broadcast %squeeze3A_984 : i32 to vector<16xi32>
    %add3A_986 = arith.addi %add3A_985, %add3A_40 : vector<16xi32>
    %swap3A_987 = arith.constant 13 : i32
    %swap3A_988 = arith.index_cast %swap3A_987 : i32 to index
    %swap3A_989 = arith.constant 0 : index
    %swap3A_990 = tpu.vector_load %arg8[%swap3A_988, %swap3A_989] {strides = array<i32>} : memref<16x128xi32, #tpu.memory_space<vmem>>, vector<16xi32>,
    tpu.vector_store %arg8[%swap3A_988, %swap3A_989], %add3A_986 {strides = array<i32>} : memref<16x128xi32, #tpu.memory_space<vmem>>, vector<16xi32>,
    %add3A_991 = vector.broadcast %squeeze3A_984 : i32 to vector<16xi32>
    %add3A_992 = arith.addi %add3A_991, %add3A_59 : vector<16xi32>
    %swap3A_993 = arith.constant 13 : i32
    %swap3A_994 = arith.index_cast %swap3A_993 : i32 to index
    %swap3A_995 = arith.constant 16 : index
    %swap3A_996 = tpu.vector_load %arg8[%swap3A_994, %swap3A_995] {strides = array<i32>} : memref<16x128xi32, #tpu.memory_space<vmem>>, vector<16xi32>,
    tpu.vector_store %arg8[%swap3A_994, %swap3A_995], %add3A_992 {strides = array<i32>} : memref<16x128xi32, #tpu.memory_space<vmem>>, vector<16xi32>,
    %add3A_997 = vector.broadcast %squeeze3A_984 : i32 to vector<16xi32>
    %add3A_998 = arith.addi %add3A_997, %add3A_78 : vector<16xi32>
    %swap3A_999 = arith.constant 13 : i32
    %swap3A_1000 = arith.index_cast %swap3A_999 : i32 to index
    %swap3A_1001 = arith.constant 32 : index
    %swap3A_1002 = tpu.vector_load %arg8[%swap3A_1000, %swap3A_1001] {strides = array<i32>} : memref<16x128xi32, #tpu.memory_space<vmem>>, vector<16xi32>,
    tpu.vector_store %arg8[%swap3A_1000, %swap3A_1001], %add3A_998 {strides = array<i32>} : memref<16x128xi32, #tpu.memory_space<vmem>>, vector<16xi32>,
    %add3A_1003 = vector.broadcast %squeeze3A_984 : i32 to vector<16xi32>
    %add3A_1004 = arith.addi %add3A_1003, %add3A_97 : vector<16xi32>
    %swap3A_1005 = arith.constant 13 : i32
    %swap3A_1006 = arith.index_cast %swap3A_1005 : i32 to index
    %swap3A_1007 = arith.constant 48 : index
    %swap3A_1008 = tpu.vector_load %arg8[%swap3A_1006, %swap3A_1007] {strides = array<i32>} : memref<16x128xi32, #tpu.memory_space<vmem>>, vector<16xi32>,
    tpu.vector_store %arg8[%swap3A_1006, %swap3A_1007], %add3A_1004 {strides = array<i32>} : memref<16x128xi32, #tpu.memory_space<vmem>>, vector<16xi32>,
    %slice3A_1009 = vector.extract_strided_slice %add3A_672 {offsets = [11], sizes = [1], strides = [1]} : vector<16xi32> to vector<1xi32>
    %squeeze3A_1010 = vector.extract %slice3A_1009[0] : i32 from vector<1xi32>
    %add3A_1011 = vector.broadcast %squeeze3A_1010 : i32 to vector<16xi32>
    %add3A_1012 = arith.addi %add3A_1011, %add3A_40 : vector<16xi32>
    %swap3A_1013 = arith.constant 13 : i32
    %swap3A_1014 = arith.index_cast %swap3A_1013 : i32 to index
    %swap3A_1015 = arith.constant 64 : index
    %swap3A_1016 = tpu.vector_load %arg8[%swap3A_1014, %swap3A_1015] {strides = array<i32>} : memref<16x128xi32, #tpu.memory_space<vmem>>, vector<16xi32>,
    tpu.vector_store %arg8[%swap3A_1014, %swap3A_1015], %add3A_1012 {strides = array<i32>} : memref<16x128xi32, #tpu.memory_space<vmem>>, vector<16xi32>,
    %add3A_1017 = vector.broadcast %squeeze3A_1010 : i32 to vector<16xi32>
    %add3A_1018 = arith.addi %add3A_1017, %add3A_59 : vector<16xi32>
    %swap3A_1019 = arith.constant 13 : i32
    %swap3A_1020 = arith.index_cast %swap3A_1019 : i32 to index
    %swap3A_1021 = arith.constant 80 : index
    %swap3A_1022 = tpu.vector_load %arg8[%swap3A_1020, %swap3A_1021] {strides = array<i32>} : memref<16x128xi32, #tpu.memory_space<vmem>>, vector<16xi32>,
    tpu.vector_store %arg8[%swap3A_1020, %swap3A_1021], %add3A_1018 {strides = array<i32>} : memref<16x128xi32, #tpu.memory_space<vmem>>, vector<16xi32>,
    %add3A_1023 = vector.broadcast %squeeze3A_1010 : i32 to vector<16xi32>
    %add3A_1024 = arith.addi %add3A_1023, %add3A_78 : vector<16xi32>
    %swap3A_1025 = arith.constant 13 : i32
    %swap3A_1026 = arith.index_cast %swap3A_1025 : i32 to index
    %swap3A_1027 = arith.constant 96 : index
    %swap3A_1028 = tpu.vector_load %arg8[%swap3A_1026, %swap3A_1027] {strides = array<i32>} : memref<16x128xi32, #tpu.memory_space<vmem>>, vector<16xi32>,
    tpu.vector_store %arg8[%swap3A_1026, %swap3A_1027], %add3A_1024 {strides = array<i32>} : memref<16x128xi32, #tpu.memory_space<vmem>>, vector<16xi32>,
    %add3A_1029 = vector.broadcast %squeeze3A_1010 : i32 to vector<16xi32>
    %add3A_1030 = arith.addi %add3A_1029, %add3A_97 : vector<16xi32>
    %swap3A_1031 = arith.constant 13 : i32
    %swap3A_1032 = arith.index_cast %swap3A_1031 : i32 to index
    %swap3A_1033 = arith.constant 112 : index
    %swap3A_1034 = tpu.vector_load %arg8[%swap3A_1032, %swap3A_1033] {strides = array<i32>} : memref<16x128xi32, #tpu.memory_space<vmem>>, vector<16xi32>,
    tpu.vector_store %arg8[%swap3A_1032, %swap3A_1033], %add3A_1030 {strides = array<i32>} : memref<16x128xi32, #tpu.memory_space<vmem>>, vector<16xi32>,
    %dma_start3A_1035 = arith.constant 13 : i32
    %dma_start3A_1036 = arith.constant 1664 : i32
    %dma_start3A_1037 = arith.constant 0 : i32
    %dma_start3A_1038 = tpu.memref_slice %arg9[%dma_start3A_1036, %dma_start3A_1037] : memref<2048x8xf32, #tpu.memory_space<vmem>> -> memref<128x8xf32, #tpu.memory_space<vmem>>
    %dma_start3A_1039 = arith.constant 0 : i32
    %dma_start3A_1040 = tpu.memref_slice %arg8[%dma_start3A_1035, %dma_start3A_1039] : memref<16x128xi32, #tpu.memory_space<vmem>> -> memref<1x128xi32, #tpu.memory_space<vmem>>
    %dma_start3A_1041 = tpu.memref_squeeze %dma_start3A_1040 : memref<1x128xi32, #tpu.memory_space<vmem>> -> memref<128xi32, #tpu.memory_space<vmem>>
    %dma_start3A_1042 = arith.constant 0 : i32
    %dma_start3A_1043 = arith.constant 0 : i32
    %dma_start3A_1044 = tpu.memref_slice %arg2[%dma_start3A_1042, %dma_start3A_1043] : memref<8388608x8xf32, #tpu.memory_space<hbm>> -> memref<8388608x8xf32, #tpu.memory_space<hbm>>
    tpu.enqueue_indirect_dma source(%dma_start3A_1044 : memref<8388608x8xf32, #tpu.memory_space<hbm>>) target(%dma_start3A_1038 : memref<128x8xf32, #tpu.memory_space<vmem>>) offsets(%dma_start3A_1041 : memref<128xi32, #tpu.memory_space<vmem>>) semaphore(%arg11 : memref<!tpu.dma_semaphore, #tpu.memory_space<semaphore_mem>>)
    %slice3A_1045 = vector.extract_strided_slice %add3A_672 {offsets = [12], sizes = [1], strides = [1]} : vector<16xi32> to vector<1xi32>
    %squeeze3A_1046 = vector.extract %slice3A_1045[0] : i32 from vector<1xi32>
    %add3A_1047 = vector.broadcast %squeeze3A_1046 : i32 to vector<16xi32>
    %add3A_1048 = arith.addi %add3A_1047, %add3A_40 : vector<16xi32>
    %swap3A_1049 = arith.constant 14 : i32
    %swap3A_1050 = arith.index_cast %swap3A_1049 : i32 to index
    %swap3A_1051 = arith.constant 0 : index
    %swap3A_1052 = tpu.vector_load %arg8[%swap3A_1050, %swap3A_1051] {strides = array<i32>} : memref<16x128xi32, #tpu.memory_space<vmem>>, vector<16xi32>,
    tpu.vector_store %arg8[%swap3A_1050, %swap3A_1051], %add3A_1048 {strides = array<i32>} : memref<16x128xi32, #tpu.memory_space<vmem>>, vector<16xi32>,
    %add3A_1053 = vector.broadcast %squeeze3A_1046 : i32 to vector<16xi32>
    %add3A_1054 = arith.addi %add3A_1053, %add3A_59 : vector<16xi32>
    %swap3A_1055 = arith.constant 14 : i32
    %swap3A_1056 = arith.index_cast %swap3A_1055 : i32 to index
    %swap3A_1057 = arith.constant 16 : index
    %swap3A_1058 = tpu.vector_load %arg8[%swap3A_1056, %swap3A_1057] {strides = array<i32>} : memref<16x128xi32, #tpu.memory_space<vmem>>, vector<16xi32>,
    tpu.vector_store %arg8[%swap3A_1056, %swap3A_1057], %add3A_1054 {strides = array<i32>} : memref<16x128xi32, #tpu.memory_space<vmem>>, vector<16xi32>,
    %add3A_1059 = vector.broadcast %squeeze3A_1046 : i32 to vector<16xi32>
    %add3A_1060 = arith.addi %add3A_1059, %add3A_78 : vector<16xi32>
    %swap3A_1061 = arith.constant 14 : i32
    %swap3A_1062 = arith.index_cast %swap3A_1061 : i32 to index
    %swap3A_1063 = arith.constant 32 : index
    %swap3A_1064 = tpu.vector_load %arg8[%swap3A_1062, %swap3A_1063] {strides = array<i32>} : memref<16x128xi32, #tpu.memory_space<vmem>>, vector<16xi32>,
    tpu.vector_store %arg8[%swap3A_1062, %swap3A_1063], %add3A_1060 {strides = array<i32>} : memref<16x128xi32, #tpu.memory_space<vmem>>, vector<16xi32>,
    %add3A_1065 = vector.broadcast %squeeze3A_1046 : i32 to vector<16xi32>
    %add3A_1066 = arith.addi %add3A_1065, %add3A_97 : vector<16xi32>
    %swap3A_1067 = arith.constant 14 : i32
    %swap3A_1068 = arith.index_cast %swap3A_1067 : i32 to index
    %swap3A_1069 = arith.constant 48 : index
    %swap3A_1070 = tpu.vector_load %arg8[%swap3A_1068, %swap3A_1069] {strides = array<i32>} : memref<16x128xi32, #tpu.memory_space<vmem>>, vector<16xi32>,
    tpu.vector_store %arg8[%swap3A_1068, %swap3A_1069], %add3A_1066 {strides = array<i32>} : memref<16x128xi32, #tpu.memory_space<vmem>>, vector<16xi32>,
    %slice3A_1071 = vector.extract_strided_slice %add3A_672 {offsets = [13], sizes = [1], strides = [1]} : vector<16xi32> to vector<1xi32>
    %squeeze3A_1072 = vector.extract %slice3A_1071[0] : i32 from vector<1xi32>
    %add3A_1073 = vector.broadcast %squeeze3A_1072 : i32 to vector<16xi32>
    %add3A_1074 = arith.addi %add3A_1073, %add3A_40 : vector<16xi32>
    %swap3A_1075 = arith.constant 14 : i32
    %swap3A_1076 = arith.index_cast %swap3A_1075 : i32 to index
    %swap3A_1077 = arith.constant 64 : index
    %swap3A_1078 = tpu.vector_load %arg8[%swap3A_1076, %swap3A_1077] {strides = array<i32>} : memref<16x128xi32, #tpu.memory_space<vmem>>, vector<16xi32>,
    tpu.vector_store %arg8[%swap3A_1076, %swap3A_1077], %add3A_1074 {strides = array<i32>} : memref<16x128xi32, #tpu.memory_space<vmem>>, vector<16xi32>,
    %add3A_1079 = vector.broadcast %squeeze3A_1072 : i32 to vector<16xi32>
    %add3A_1080 = arith.addi %add3A_1079, %add3A_59 : vector<16xi32>
    %swap3A_1081 = arith.constant 14 : i32
    %swap3A_1082 = arith.index_cast %swap3A_1081 : i32 to index
    %swap3A_1083 = arith.constant 80 : index
    %swap3A_1084 = tpu.vector_load %arg8[%swap3A_1082, %swap3A_1083] {strides = array<i32>} : memref<16x128xi32, #tpu.memory_space<vmem>>, vector<16xi32>,
    tpu.vector_store %arg8[%swap3A_1082, %swap3A_1083], %add3A_1080 {strides = array<i32>} : memref<16x128xi32, #tpu.memory_space<vmem>>, vector<16xi32>,
    %add3A_1085 = vector.broadcast %squeeze3A_1072 : i32 to vector<16xi32>
    %add3A_1086 = arith.addi %add3A_1085, %add3A_78 : vector<16xi32>
    %swap3A_1087 = arith.constant 14 : i32
    %swap3A_1088 = arith.index_cast %swap3A_1087 : i32 to index
    %swap3A_1089 = arith.constant 96 : index
    %swap3A_1090 = tpu.vector_load %arg8[%swap3A_1088, %swap3A_1089] {strides = array<i32>} : memref<16x128xi32, #tpu.memory_space<vmem>>, vector<16xi32>,
    tpu.vector_store %arg8[%swap3A_1088, %swap3A_1089], %add3A_1086 {strides = array<i32>} : memref<16x128xi32, #tpu.memory_space<vmem>>, vector<16xi32>,
    %add3A_1091 = vector.broadcast %squeeze3A_1072 : i32 to vector<16xi32>
    %add3A_1092 = arith.addi %add3A_1091, %add3A_97 : vector<16xi32>
    %swap3A_1093 = arith.constant 14 : i32
    %swap3A_1094 = arith.index_cast %swap3A_1093 : i32 to index
    %swap3A_1095 = arith.constant 112 : index
    %swap3A_1096 = tpu.vector_load %arg8[%swap3A_1094, %swap3A_1095] {strides = array<i32>} : memref<16x128xi32, #tpu.memory_space<vmem>>, vector<16xi32>,
    tpu.vector_store %arg8[%swap3A_1094, %swap3A_1095], %add3A_1092 {strides = array<i32>} : memref<16x128xi32, #tpu.memory_space<vmem>>, vector<16xi32>,
    %dma_start3A_1097 = arith.constant 14 : i32
    %dma_start3A_1098 = arith.constant 1792 : i32
    %dma_start3A_1099 = arith.constant 0 : i32
    %dma_start3A_1100 = tpu.memref_slice %arg9[%dma_start3A_1098, %dma_start3A_1099] : memref<2048x8xf32, #tpu.memory_space<vmem>> -> memref<128x8xf32, #tpu.memory_space<vmem>>
    %dma_start3A_1101 = arith.constant 0 : i32
    %dma_start3A_1102 = tpu.memref_slice %arg8[%dma_start3A_1097, %dma_start3A_1101] : memref<16x128xi32, #tpu.memory_space<vmem>> -> memref<1x128xi32, #tpu.memory_space<vmem>>
    %dma_start3A_1103 = tpu.memref_squeeze %dma_start3A_1102 : memref<1x128xi32, #tpu.memory_space<vmem>> -> memref<128xi32, #tpu.memory_space<vmem>>
    %dma_start3A_1104 = arith.constant 0 : i32
    %dma_start3A_1105 = arith.constant 0 : i32
    %dma_start3A_1106 = tpu.memref_slice %arg2[%dma_start3A_1104, %dma_start3A_1105] : memref<8388608x8xf32, #tpu.memory_space<hbm>> -> memref<8388608x8xf32, #tpu.memory_space<hbm>>
    tpu.enqueue_indirect_dma source(%dma_start3A_1106 : memref<8388608x8xf32, #tpu.memory_space<hbm>>) target(%dma_start3A_1100 : memref<128x8xf32, #tpu.memory_space<vmem>>) offsets(%dma_start3A_1103 : memref<128xi32, #tpu.memory_space<vmem>>) semaphore(%arg11 : memref<!tpu.dma_semaphore, #tpu.memory_space<semaphore_mem>>)
    %slice3A_1107 = vector.extract_strided_slice %add3A_672 {offsets = [14], sizes = [1], strides = [1]} : vector<16xi32> to vector<1xi32>
    %squeeze3A_1108 = vector.extract %slice3A_1107[0] : i32 from vector<1xi32>
    %add3A_1109 = vector.broadcast %squeeze3A_1108 : i32 to vector<16xi32>
    %add3A_1110 = arith.addi %add3A_1109, %add3A_40 : vector<16xi32>
    %swap3A_1111 = arith.constant 15 : i32
    %swap3A_1112 = arith.index_cast %swap3A_1111 : i32 to index
    %swap3A_1113 = arith.constant 0 : index
    %swap3A_1114 = tpu.vector_load %arg8[%swap3A_1112, %swap3A_1113] {strides = array<i32>} : memref<16x128xi32, #tpu.memory_space<vmem>>, vector<16xi32>,
    tpu.vector_store %arg8[%swap3A_1112, %swap3A_1113], %add3A_1110 {strides = array<i32>} : memref<16x128xi32, #tpu.memory_space<vmem>>, vector<16xi32>,
    %add3A_1115 = vector.broadcast %squeeze3A_1108 : i32 to vector<16xi32>
    %add3A_1116 = arith.addi %add3A_1115, %add3A_59 : vector<16xi32>
    %swap3A_1117 = arith.constant 15 : i32
    %swap3A_1118 = arith.index_cast %swap3A_1117 : i32 to index
    %swap3A_1119 = arith.constant 16 : index
    %swap3A_1120 = tpu.vector_load %arg8[%swap3A_1118, %swap3A_1119] {strides = array<i32>} : memref<16x128xi32, #tpu.memory_space<vmem>>, vector<16xi32>,
    tpu.vector_store %arg8[%swap3A_1118, %swap3A_1119], %add3A_1116 {strides = array<i32>} : memref<16x128xi32, #tpu.memory_space<vmem>>, vector<16xi32>,
    %add3A_1121 = vector.broadcast %squeeze3A_1108 : i32 to vector<16xi32>
    %add3A_1122 = arith.addi %add3A_1121, %add3A_78 : vector<16xi32>
    %swap3A_1123 = arith.constant 15 : i32
    %swap3A_1124 = arith.index_cast %swap3A_1123 : i32 to index
    %swap3A_1125 = arith.constant 32 : index
    %swap3A_1126 = tpu.vector_load %arg8[%swap3A_1124, %swap3A_1125] {strides = array<i32>} : memref<16x128xi32, #tpu.memory_space<vmem>>, vector<16xi32>,
    tpu.vector_store %arg8[%swap3A_1124, %swap3A_1125], %add3A_1122 {strides = array<i32>} : memref<16x128xi32, #tpu.memory_space<vmem>>, vector<16xi32>,
    %add3A_1127 = vector.broadcast %squeeze3A_1108 : i32 to vector<16xi32>
    %add3A_1128 = arith.addi %add3A_1127, %add3A_97 : vector<16xi32>
    %swap3A_1129 = arith.constant 15 : i32
    %swap3A_1130 = arith.index_cast %swap3A_1129 : i32 to index
    %swap3A_1131 = arith.constant 48 : index
    %swap3A_1132 = tpu.vector_load %arg8[%swap3A_1130, %swap3A_1131] {strides = array<i32>} : memref<16x128xi32, #tpu.memory_space<vmem>>, vector<16xi32>,
    tpu.vector_store %arg8[%swap3A_1130, %swap3A_1131], %add3A_1128 {strides = array<i32>} : memref<16x128xi32, #tpu.memory_space<vmem>>, vector<16xi32>,
    %slice3A_1133 = vector.extract_strided_slice %add3A_672 {offsets = [15], sizes = [1], strides = [1]} : vector<16xi32> to vector<1xi32>
    %squeeze3A_1134 = vector.extract %slice3A_1133[0] : i32 from vector<1xi32>
    %add3A_1135 = vector.broadcast %squeeze3A_1134 : i32 to vector<16xi32>
    %add3A_1136 = arith.addi %add3A_1135, %add3A_40 : vector<16xi32>
    %swap3A_1137 = arith.constant 15 : i32
    %swap3A_1138 = arith.index_cast %swap3A_1137 : i32 to index
    %swap3A_1139 = arith.constant 64 : index
    %swap3A_1140 = tpu.vector_load %arg8[%swap3A_1138, %swap3A_1139] {strides = array<i32>} : memref<16x128xi32, #tpu.memory_space<vmem>>, vector<16xi32>,
    tpu.vector_store %arg8[%swap3A_1138, %swap3A_1139], %add3A_1136 {strides = array<i32>} : memref<16x128xi32, #tpu.memory_space<vmem>>, vector<16xi32>,
    %add3A_1141 = vector.broadcast %squeeze3A_1134 : i32 to vector<16xi32>
    %add3A_1142 = arith.addi %add3A_1141, %add3A_59 : vector<16xi32>
    %swap3A_1143 = arith.constant 15 : i32
    %swap3A_1144 = arith.index_cast %swap3A_1143 : i32 to index
    %swap3A_1145 = arith.constant 80 : index
    %swap3A_1146 = tpu.vector_load %arg8[%swap3A_1144, %swap3A_1145] {strides = array<i32>} : memref<16x128xi32, #tpu.memory_space<vmem>>, vector<16xi32>,
    tpu.vector_store %arg8[%swap3A_1144, %swap3A_1145], %add3A_1142 {strides = array<i32>} : memref<16x128xi32, #tpu.memory_space<vmem>>, vector<16xi32>,
    %add3A_1147 = vector.broadcast %squeeze3A_1134 : i32 to vector<16xi32>
    %add3A_1148 = arith.addi %add3A_1147, %add3A_78 : vector<16xi32>
    %swap3A_1149 = arith.constant 15 : i32
    %swap3A_1150 = arith.index_cast %swap3A_1149 : i32 to index
    %swap3A_1151 = arith.constant 96 : index
    %swap3A_1152 = tpu.vector_load %arg8[%swap3A_1150, %swap3A_1151] {strides = array<i32>} : memref<16x128xi32, #tpu.memory_space<vmem>>, vector<16xi32>,
    tpu.vector_store %arg8[%swap3A_1150, %swap3A_1151], %add3A_1148 {strides = array<i32>} : memref<16x128xi32, #tpu.memory_space<vmem>>, vector<16xi32>,
    %add3A_1153 = vector.broadcast %squeeze3A_1134 : i32 to vector<16xi32>
    %add3A_1154 = arith.addi %add3A_1153, %add3A_97 : vector<16xi32>
    %swap3A_1155 = arith.constant 15 : i32
    %swap3A_1156 = arith.index_cast %swap3A_1155 : i32 to index
    %swap3A_1157 = arith.constant 112 : index
    %swap3A_1158 = tpu.vector_load %arg8[%swap3A_1156, %swap3A_1157] {strides = array<i32>} : memref<16x128xi32, #tpu.memory_space<vmem>>, vector<16xi32>,
    tpu.vector_store %arg8[%swap3A_1156, %swap3A_1157], %add3A_1154 {strides = array<i32>} : memref<16x128xi32, #tpu.memory_space<vmem>>, vector<16xi32>,
    %dma_start3A_1159 = arith.constant 15 : i32
    %dma_start3A_1160 = arith.constant 1920 : i32
    %dma_start3A_1161 = arith.constant 0 : i32
    %dma_start3A_1162 = tpu.memref_slice %arg9[%dma_start3A_1160, %dma_start3A_1161] : memref<2048x8xf32, #tpu.memory_space<vmem>> -> memref<128x8xf32, #tpu.memory_space<vmem>>
    %dma_start3A_1163 = arith.constant 0 : i32
    %dma_start3A_1164 = tpu.memref_slice %arg8[%dma_start3A_1159, %dma_start3A_1163] : memref<16x128xi32, #tpu.memory_space<vmem>> -> memref<1x128xi32, #tpu.memory_space<vmem>>
    %dma_start3A_1165 = tpu.memref_squeeze %dma_start3A_1164 : memref<1x128xi32, #tpu.memory_space<vmem>> -> memref<128xi32, #tpu.memory_space<vmem>>
    %dma_start3A_1166 = arith.constant 0 : i32
    %dma_start3A_1167 = arith.constant 0 : i32
    %dma_start3A_1168 = tpu.memref_slice %arg2[%dma_start3A_1166, %dma_start3A_1167] : memref<8388608x8xf32, #tpu.memory_space<hbm>> -> memref<8388608x8xf32, #tpu.memory_space<hbm>>
    tpu.enqueue_indirect_dma source(%dma_start3A_1168 : memref<8388608x8xf32, #tpu.memory_space<hbm>>) target(%dma_start3A_1162 : memref<128x8xf32, #tpu.memory_space<vmem>>) offsets(%dma_start3A_1165 : memref<128xi32, #tpu.memory_space<vmem>>) semaphore(%arg11 : memref<!tpu.dma_semaphore, #tpu.memory_space<semaphore_mem>>)
    %dma_wait3A_1169 = arith.constant 0 : i32
    %dma_wait3A_1170 = arith.constant 0 : i32
    %dma_wait3A_1171 = arith.constant 0 : i32
    %dma_wait3A_1172 = tpu.memref_slice %arg9[%dma_wait3A_1170, %dma_wait3A_1171] : memref<2048x8xf32, #tpu.memory_space<vmem>> -> memref<128x8xf32, #tpu.memory_space<vmem>>
    %dma_wait3A_1173 = arith.constant 0 : i32
    %dma_wait3A_1174 = tpu.memref_slice %arg8[%dma_wait3A_1169, %dma_wait3A_1173] : memref<16x128xi32, #tpu.memory_space<vmem>> -> memref<1x128xi32, #tpu.memory_space<vmem>>
    %dma_wait3A_1175 = tpu.memref_squeeze %dma_wait3A_1174 : memref<1x128xi32, #tpu.memory_space<vmem>> -> memref<128xi32, #tpu.memory_space<vmem>>
    %dma_wait3A_1176 = arith.constant 0 : i32
    %dma_wait3A_1177 = arith.constant 0 : i32
    %dma_wait3A_1178 = tpu.memref_slice %arg2[%dma_wait3A_1176, %dma_wait3A_1177] : memref<8388608x8xf32, #tpu.memory_space<hbm>> -> memref<8388608x8xf32, #tpu.memory_space<hbm>>
    tpu.wait_indirect_dma semaphore(%arg11 : memref<!tpu.dma_semaphore, #tpu.memory_space<semaphore_mem>>) src(%dma_wait3A_1178 : memref<8388608x8xf32, #tpu.memory_space<hbm>>) dst(%dma_wait3A_1172 : memref<128x8xf32, #tpu.memory_space<vmem>>)
    %dma_wait3A_1179 = arith.constant 1 : i32
    %dma_wait3A_1180 = arith.constant 128 : i32
    %dma_wait3A_1181 = arith.constant 0 : i32
    %dma_wait3A_1182 = tpu.memref_slice %arg9[%dma_wait3A_1180, %dma_wait3A_1181] : memref<2048x8xf32, #tpu.memory_space<vmem>> -> memref<128x8xf32, #tpu.memory_space<vmem>>
    %dma_wait3A_1183 = arith.constant 0 : i32
    %dma_wait3A_1184 = tpu.memref_slice %arg8[%dma_wait3A_1179, %dma_wait3A_1183] : memref<16x128xi32, #tpu.memory_space<vmem>> -> memref<1x128xi32, #tpu.memory_space<vmem>>
    %dma_wait3A_1185 = tpu.memref_squeeze %dma_wait3A_1184 : memref<1x128xi32, #tpu.memory_space<vmem>> -> memref<128xi32, #tpu.memory_space<vmem>>
    %dma_wait3A_1186 = arith.constant 0 : i32
    %dma_wait3A_1187 = arith.constant 0 : i32
    %dma_wait3A_1188 = tpu.memref_slice %arg2[%dma_wait3A_1186, %dma_wait3A_1187] : memref<8388608x8xf32, #tpu.memory_space<hbm>> -> memref<8388608x8xf32, #tpu.memory_space<hbm>>
    tpu.wait_indirect_dma semaphore(%arg11 : memref<!tpu.dma_semaphore, #tpu.memory_space<semaphore_mem>>) src(%dma_wait3A_1188 : memref<8388608x8xf32, #tpu.memory_space<hbm>>) dst(%dma_wait3A_1182 : memref<128x8xf32, #tpu.memory_space<vmem>>)
    %dma_wait3A_1189 = arith.constant 2 : i32
    %dma_wait3A_1190 = arith.constant 256 : i32
    %dma_wait3A_1191 = arith.constant 0 : i32
    %dma_wait3A_1192 = tpu.memref_slice %arg9[%dma_wait3A_1190, %dma_wait3A_1191] : memref<2048x8xf32, #tpu.memory_space<vmem>> -> memref<128x8xf32, #tpu.memory_space<vmem>>
    %dma_wait3A_1193 = arith.constant 0 : i32
    %dma_wait3A_1194 = tpu.memref_slice %arg8[%dma_wait3A_1189, %dma_wait3A_1193] : memref<16x128xi32, #tpu.memory_space<vmem>> -> memref<1x128xi32, #tpu.memory_space<vmem>>
    %dma_wait3A_1195 = tpu.memref_squeeze %dma_wait3A_1194 : memref<1x128xi32, #tpu.memory_space<vmem>> -> memref<128xi32, #tpu.memory_space<vmem>>
    %dma_wait3A_1196 = arith.constant 0 : i32
    %dma_wait3A_1197 = arith.constant 0 : i32
    %dma_wait3A_1198 = tpu.memref_slice %arg2[%dma_wait3A_1196, %dma_wait3A_1197] : memref<8388608x8xf32, #tpu.memory_space<hbm>> -> memref<8388608x8xf32, #tpu.memory_space<hbm>>
    tpu.wait_indirect_dma semaphore(%arg11 : memref<!tpu.dma_semaphore, #tpu.memory_space<semaphore_mem>>) src(%dma_wait3A_1198 : memref<8388608x8xf32, #tpu.memory_space<hbm>>) dst(%dma_wait3A_1192 : memref<128x8xf32, #tpu.memory_space<vmem>>)
    %dma_wait3A_1199 = arith.constant 3 : i32
    %dma_wait3A_1200 = arith.constant 384 : i32
    %dma_wait3A_1201 = arith.constant 0 : i32
    %dma_wait3A_1202 = tpu.memref_slice %arg9[%dma_wait3A_1200, %dma_wait3A_1201] : memref<2048x8xf32, #tpu.memory_space<vmem>> -> memref<128x8xf32, #tpu.memory_space<vmem>>
    %dma_wait3A_1203 = arith.constant 0 : i32
    %dma_wait3A_1204 = tpu.memref_slice %arg8[%dma_wait3A_1199, %dma_wait3A_1203] : memref<16x128xi32, #tpu.memory_space<vmem>> -> memref<1x128xi32, #tpu.memory_space<vmem>>
    %dma_wait3A_1205 = tpu.memref_squeeze %dma_wait3A_1204 : memref<1x128xi32, #tpu.memory_space<vmem>> -> memref<128xi32, #tpu.memory_space<vmem>>
    %dma_wait3A_1206 = arith.constant 0 : i32
    %dma_wait3A_1207 = arith.constant 0 : i32
    %dma_wait3A_1208 = tpu.memref_slice %arg2[%dma_wait3A_1206, %dma_wait3A_1207] : memref<8388608x8xf32, #tpu.memory_space<hbm>> -> memref<8388608x8xf32, #tpu.memory_space<hbm>>
    tpu.wait_indirect_dma semaphore(%arg11 : memref<!tpu.dma_semaphore, #tpu.memory_space<semaphore_mem>>) src(%dma_wait3A_1208 : memref<8388608x8xf32, #tpu.memory_space<hbm>>) dst(%dma_wait3A_1202 : memref<128x8xf32, #tpu.memory_space<vmem>>)
    %dma_wait3A_1209 = arith.constant 4 : i32
    %dma_wait3A_1210 = arith.constant 512 : i32
    %dma_wait3A_1211 = arith.constant 0 : i32
    %dma_wait3A_1212 = tpu.memref_slice %arg9[%dma_wait3A_1210, %dma_wait3A_1211] : memref<2048x8xf32, #tpu.memory_space<vmem>> -> memref<128x8xf32, #tpu.memory_space<vmem>>
    %dma_wait3A_1213 = arith.constant 0 : i32
    %dma_wait3A_1214 = tpu.memref_slice %arg8[%dma_wait3A_1209, %dma_wait3A_1213] : memref<16x128xi32, #tpu.memory_space<vmem>> -> memref<1x128xi32, #tpu.memory_space<vmem>>
    %dma_wait3A_1215 = tpu.memref_squeeze %dma_wait3A_1214 : memref<1x128xi32, #tpu.memory_space<vmem>> -> memref<128xi32, #tpu.memory_space<vmem>>
    %dma_wait3A_1216 = arith.constant 0 : i32
    %dma_wait3A_1217 = arith.constant 0 : i32
    %dma_wait3A_1218 = tpu.memref_slice %arg2[%dma_wait3A_1216, %dma_wait3A_1217] : memref<8388608x8xf32, #tpu.memory_space<hbm>> -> memref<8388608x8xf32, #tpu.memory_space<hbm>>
    tpu.wait_indirect_dma semaphore(%arg11 : memref<!tpu.dma_semaphore, #tpu.memory_space<semaphore_mem>>) src(%dma_wait3A_1218 : memref<8388608x8xf32, #tpu.memory_space<hbm>>) dst(%dma_wait3A_1212 : memref<128x8xf32, #tpu.memory_space<vmem>>)
    %dma_wait3A_1219 = arith.constant 5 : i32
    %dma_wait3A_1220 = arith.constant 640 : i32
    %dma_wait3A_1221 = arith.constant 0 : i32
    %dma_wait3A_1222 = tpu.memref_slice %arg9[%dma_wait3A_1220, %dma_wait3A_1221] : memref<2048x8xf32, #tpu.memory_space<vmem>> -> memref<128x8xf32, #tpu.memory_space<vmem>>
    %dma_wait3A_1223 = arith.constant 0 : i32
    %dma_wait3A_1224 = tpu.memref_slice %arg8[%dma_wait3A_1219, %dma_wait3A_1223] : memref<16x128xi32, #tpu.memory_space<vmem>> -> memref<1x128xi32, #tpu.memory_space<vmem>>
    %dma_wait3A_1225 = tpu.memref_squeeze %dma_wait3A_1224 : memref<1x128xi32, #tpu.memory_space<vmem>> -> memref<128xi32, #tpu.memory_space<vmem>>
    %dma_wait3A_1226 = arith.constant 0 : i32
    %dma_wait3A_1227 = arith.constant 0 : i32
    %dma_wait3A_1228 = tpu.memref_slice %arg2[%dma_wait3A_1226, %dma_wait3A_1227] : memref<8388608x8xf32, #tpu.memory_space<hbm>> -> memref<8388608x8xf32, #tpu.memory_space<hbm>>
    tpu.wait_indirect_dma semaphore(%arg11 : memref<!tpu.dma_semaphore, #tpu.memory_space<semaphore_mem>>) src(%dma_wait3A_1228 : memref<8388608x8xf32, #tpu.memory_space<hbm>>) dst(%dma_wait3A_1222 : memref<128x8xf32, #tpu.memory_space<vmem>>)
    %dma_wait3A_1229 = arith.constant 6 : i32
    %dma_wait3A_1230 = arith.constant 768 : i32
    %dma_wait3A_1231 = arith.constant 0 : i32
    %dma_wait3A_1232 = tpu.memref_slice %arg9[%dma_wait3A_1230, %dma_wait3A_1231] : memref<2048x8xf32, #tpu.memory_space<vmem>> -> memref<128x8xf32, #tpu.memory_space<vmem>>
    %dma_wait3A_1233 = arith.constant 0 : i32
    %dma_wait3A_1234 = tpu.memref_slice %arg8[%dma_wait3A_1229, %dma_wait3A_1233] : memref<16x128xi32, #tpu.memory_space<vmem>> -> memref<1x128xi32, #tpu.memory_space<vmem>>
    %dma_wait3A_1235 = tpu.memref_squeeze %dma_wait3A_1234 : memref<1x128xi32, #tpu.memory_space<vmem>> -> memref<128xi32, #tpu.memory_space<vmem>>
    %dma_wait3A_1236 = arith.constant 0 : i32
    %dma_wait3A_1237 = arith.constant 0 : i32
    %dma_wait3A_1238 = tpu.memref_slice %arg2[%dma_wait3A_1236, %dma_wait3A_1237] : memref<8388608x8xf32, #tpu.memory_space<hbm>> -> memref<8388608x8xf32, #tpu.memory_space<hbm>>
    tpu.wait_indirect_dma semaphore(%arg11 : memref<!tpu.dma_semaphore, #tpu.memory_space<semaphore_mem>>) src(%dma_wait3A_1238 : memref<8388608x8xf32, #tpu.memory_space<hbm>>) dst(%dma_wait3A_1232 : memref<128x8xf32, #tpu.memory_space<vmem>>)
    %dma_wait3A_1239 = arith.constant 7 : i32
    %dma_wait3A_1240 = arith.constant 896 : i32
    %dma_wait3A_1241 = arith.constant 0 : i32
    %dma_wait3A_1242 = tpu.memref_slice %arg9[%dma_wait3A_1240, %dma_wait3A_1241] : memref<2048x8xf32, #tpu.memory_space<vmem>> -> memref<128x8xf32, #tpu.memory_space<vmem>>
    %dma_wait3A_1243 = arith.constant 0 : i32
    %dma_wait3A_1244 = tpu.memref_slice %arg8[%dma_wait3A_1239, %dma_wait3A_1243] : memref<16x128xi32, #tpu.memory_space<vmem>> -> memref<1x128xi32, #tpu.memory_space<vmem>>
    %dma_wait3A_1245 = tpu.memref_squeeze %dma_wait3A_1244 : memref<1x128xi32, #tpu.memory_space<vmem>> -> memref<128xi32, #tpu.memory_space<vmem>>
    %dma_wait3A_1246 = arith.constant 0 : i32
    %dma_wait3A_1247 = arith.constant 0 : i32
    %dma_wait3A_1248 = tpu.memref_slice %arg2[%dma_wait3A_1246, %dma_wait3A_1247] : memref<8388608x8xf32, #tpu.memory_space<hbm>> -> memref<8388608x8xf32, #tpu.memory_space<hbm>>
    tpu.wait_indirect_dma semaphore(%arg11 : memref<!tpu.dma_semaphore, #tpu.memory_space<semaphore_mem>>) src(%dma_wait3A_1248 : memref<8388608x8xf32, #tpu.memory_space<hbm>>) dst(%dma_wait3A_1242 : memref<128x8xf32, #tpu.memory_space<vmem>>)
    %and3A_1249 = arith.constant 7 : i32
    %and3A_1250 = vector.broadcast %and3A_1249 : i32 to vector<16xi32>
    %and3A_1251 = arith.andi %scan3A_117#1, %and3A_1250 : vector<16xi32>
    %add3A_1252 = arith.constant 0 : i32
    %add3A_1253 = vector.broadcast %add3A_1252 : i32 to vector<16xi32>
    %add3A_1254 = arith.addi %add3A_1253, %iota3A : vector<16xi32>
    %mul3A_1255 = arith.constant 64 : i32
    %mul3A_1256 = vector.broadcast %mul3A_1255 : i32 to vector<16xi32>
    %mul3A_1257 = arith.muli %add3A_1254, %mul3A_1256 : vector<16xi32>
    %add3A_1258 = arith.constant 0 : i32
    %add3A_1259 = vector.broadcast %add3A_1258 : i32 to vector<16xi32>
    %add3A_1260 = arith.addi %mul3A_1257, %add3A_1259 : vector<16xi32>
    %gather3A = tpu.vector_load_idx %arg9[%add3A_1260, %and3A_1251] : memref<2048x8xf32, #tpu.memory_space<vmem>>[vector<16xi32>, vector<16xi32>], vector<16xf32>,
    %swap3A_1261 = arith.constant 0 : i32
    %swap3A_1262 = arith.constant 0 : i32
    %swap3A_1263 = arith.index_cast %swap3A_1261 : i32 to index
    %swap3A_1264 = arith.index_cast %swap3A_1262 : i32 to index
    %swap3A_1265 = arith.constant 0 : index
    %swap3A_1266 = tpu.vector_load %arg10[%swap3A_1263, %swap3A_1264, %swap3A_1265] {strides = array<i32>} : memref<8x8x32xf32, #tpu.memory_space<vmem>>, vector<16xf32>,
    tpu.vector_store %arg10[%swap3A_1263, %swap3A_1264, %swap3A_1265], %gather3A {strides = array<i32>} : memref<8x8x32xf32, #tpu.memory_space<vmem>>, vector<16xf32>,
    %add3A_1267 = arith.constant 1 : i32
    %add3A_1268 = vector.broadcast %add3A_1267 : i32 to vector<16xi32>
    %add3A_1269 = arith.addi %mul3A_1257, %add3A_1268 : vector<16xi32>
    %gather3A_1270 = tpu.vector_load_idx %arg9[%add3A_1269, %and3A_1251] : memref<2048x8xf32, #tpu.memory_space<vmem>>[vector<16xi32>, vector<16xi32>], vector<16xf32>,
    %swap3A_1271 = arith.constant 0 : i32
    %swap3A_1272 = arith.constant 1 : i32
    %swap3A_1273 = arith.index_cast %swap3A_1271 : i32 to index
    %swap3A_1274 = arith.index_cast %swap3A_1272 : i32 to index
    %swap3A_1275 = arith.constant 0 : index
    %swap3A_1276 = tpu.vector_load %arg10[%swap3A_1273, %swap3A_1274, %swap3A_1275] {strides = array<i32>} : memref<8x8x32xf32, #tpu.memory_space<vmem>>, vector<16xf32>,
    tpu.vector_store %arg10[%swap3A_1273, %swap3A_1274, %swap3A_1275], %gather3A_1270 {strides = array<i32>} : memref<8x8x32xf32, #tpu.memory_space<vmem>>, vector<16xf32>,
    %add3A_1277 = arith.constant 2 : i32
    %add3A_1278 = vector.broadcast %add3A_1277 : i32 to vector<16xi32>
    %add3A_1279 = arith.addi %mul3A_1257, %add3A_1278 : vector<16xi32>
    %gather3A_1280 = tpu.vector_load_idx %arg9[%add3A_1279, %and3A_1251] : memref<2048x8xf32, #tpu.memory_space<vmem>>[vector<16xi32>, vector<16xi32>], vector<16xf32>,
    %swap3A_1281 = arith.constant 0 : i32
    %swap3A_1282 = arith.constant 2 : i32
    %swap3A_1283 = arith.index_cast %swap3A_1281 : i32 to index
    %swap3A_1284 = arith.index_cast %swap3A_1282 : i32 to index
    %swap3A_1285 = arith.constant 0 : index
    %swap3A_1286 = tpu.vector_load %arg10[%swap3A_1283, %swap3A_1284, %swap3A_1285] {strides = array<i32>} : memref<8x8x32xf32, #tpu.memory_space<vmem>>, vector<16xf32>,
    tpu.vector_store %arg10[%swap3A_1283, %swap3A_1284, %swap3A_1285], %gather3A_1280 {strides = array<i32>} : memref<8x8x32xf32, #tpu.memory_space<vmem>>, vector<16xf32>,
    %add3A_1287 = arith.constant 3 : i32
    %add3A_1288 = vector.broadcast %add3A_1287 : i32 to vector<16xi32>
    %add3A_1289 = arith.addi %mul3A_1257, %add3A_1288 : vector<16xi32>
    %gather3A_1290 = tpu.vector_load_idx %arg9[%add3A_1289, %and3A_1251] : memref<2048x8xf32, #tpu.memory_space<vmem>>[vector<16xi32>, vector<16xi32>], vector<16xf32>,
    %swap3A_1291 = arith.constant 0 : i32
    %swap3A_1292 = arith.constant 3 : i32
    %swap3A_1293 = arith.index_cast %swap3A_1291 : i32 to index
    %swap3A_1294 = arith.index_cast %swap3A_1292 : i32 to index
    %swap3A_1295 = arith.constant 0 : index
    %swap3A_1296 = tpu.vector_load %arg10[%swap3A_1293, %swap3A_1294, %swap3A_1295] {strides = array<i32>} : memref<8x8x32xf32, #tpu.memory_space<vmem>>, vector<16xf32>,
    tpu.vector_store %arg10[%swap3A_1293, %swap3A_1294, %swap3A_1295], %gather3A_1290 {strides = array<i32>} : memref<8x8x32xf32, #tpu.memory_space<vmem>>, vector<16xf32>,
    %add3A_1297 = arith.constant 4 : i32
    %add3A_1298 = vector.broadcast %add3A_1297 : i32 to vector<16xi32>
    %add3A_1299 = arith.addi %mul3A_1257, %add3A_1298 : vector<16xi32>
    %gather3A_1300 = tpu.vector_load_idx %arg9[%add3A_1299, %and3A_1251] : memref<2048x8xf32, #tpu.memory_space<vmem>>[vector<16xi32>, vector<16xi32>], vector<16xf32>,
    %swap3A_1301 = arith.constant 0 : i32
    %swap3A_1302 = arith.constant 4 : i32
    %swap3A_1303 = arith.index_cast %swap3A_1301 : i32 to index
    %swap3A_1304 = arith.index_cast %swap3A_1302 : i32 to index
    %swap3A_1305 = arith.constant 0 : index
    %swap3A_1306 = tpu.vector_load %arg10[%swap3A_1303, %swap3A_1304, %swap3A_1305] {strides = array<i32>} : memref<8x8x32xf32, #tpu.memory_space<vmem>>, vector<16xf32>,
    tpu.vector_store %arg10[%swap3A_1303, %swap3A_1304, %swap3A_1305], %gather3A_1300 {strides = array<i32>} : memref<8x8x32xf32, #tpu.memory_space<vmem>>, vector<16xf32>,
    %add3A_1307 = arith.constant 5 : i32
    %add3A_1308 = vector.broadcast %add3A_1307 : i32 to vector<16xi32>
    %add3A_1309 = arith.addi %mul3A_1257, %add3A_1308 : vector<16xi32>
    %gather3A_1310 = tpu.vector_load_idx %arg9[%add3A_1309, %and3A_1251] : memref<2048x8xf32, #tpu.memory_space<vmem>>[vector<16xi32>, vector<16xi32>], vector<16xf32>,
    %swap3A_1311 = arith.constant 0 : i32
    %swap3A_1312 = arith.constant 5 : i32
    %swap3A_1313 = arith.index_cast %swap3A_1311 : i32 to index
    %swap3A_1314 = arith.index_cast %swap3A_1312 : i32 to index
    %swap3A_1315 = arith.constant 0 : index
    %swap3A_1316 = tpu.vector_load %arg10[%swap3A_1313, %swap3A_1314, %swap3A_1315] {strides = array<i32>} : memref<8x8x32xf32, #tpu.memory_space<vmem>>, vector<16xf32>,
    tpu.vector_store %arg10[%swap3A_1313, %swap3A_1314, %swap3A_1315], %gather3A_1310 {strides = array<i32>} : memref<8x8x32xf32, #tpu.memory_space<vmem>>, vector<16xf32>,
    %add3A_1317 = arith.constant 6 : i32
    %add3A_1318 = vector.broadcast %add3A_1317 : i32 to vector<16xi32>
    %add3A_1319 = arith.addi %mul3A_1257, %add3A_1318 : vector<16xi32>
    %gather3A_1320 = tpu.vector_load_idx %arg9[%add3A_1319, %and3A_1251] : memref<2048x8xf32, #tpu.memory_space<vmem>>[vector<16xi32>, vector<16xi32>], vector<16xf32>,
    %swap3A_1321 = arith.constant 0 : i32
    %swap3A_1322 = arith.constant 6 : i32
    %swap3A_1323 = arith.index_cast %swap3A_1321 : i32 to index
    %swap3A_1324 = arith.index_cast %swap3A_1322 : i32 to index
    %swap3A_1325 = arith.constant 0 : index
    %swap3A_1326 = tpu.vector_load %arg10[%swap3A_1323, %swap3A_1324, %swap3A_1325] {strides = array<i32>} : memref<8x8x32xf32, #tpu.memory_space<vmem>>, vector<16xf32>,
    tpu.vector_store %arg10[%swap3A_1323, %swap3A_1324, %swap3A_1325], %gather3A_1320 {strides = array<i32>} : memref<8x8x32xf32, #tpu.memory_space<vmem>>, vector<16xf32>,
    %add3A_1327 = arith.constant 7 : i32
    %add3A_1328 = vector.broadcast %add3A_1327 : i32 to vector<16xi32>
    %add3A_1329 = arith.addi %mul3A_1257, %add3A_1328 : vector<16xi32>
    %gather3A_1330 = tpu.vector_load_idx %arg9[%add3A_1329, %and3A_1251] : memref<2048x8xf32, #tpu.memory_space<vmem>>[vector<16xi32>, vector<16xi32>], vector<16xf32>,
    %swap3A_1331 = arith.constant 0 : i32
    %swap3A_1332 = arith.constant 7 : i32
    %swap3A_1333 = arith.index_cast %swap3A_1331 : i32 to index
    %swap3A_1334 = arith.index_cast %swap3A_1332 : i32 to index
    %swap3A_1335 = arith.constant 0 : index
    %swap3A_1336 = tpu.vector_load %arg10[%swap3A_1333, %swap3A_1334, %swap3A_1335] {strides = array<i32>} : memref<8x8x32xf32, #tpu.memory_space<vmem>>, vector<16xf32>,
    tpu.vector_store %arg10[%swap3A_1333, %swap3A_1334, %swap3A_1335], %gather3A_1330 {strides = array<i32>} : memref<8x8x32xf32, #tpu.memory_space<vmem>>, vector<16xf32>,
    %add3A_1337 = arith.constant 8 : i32
    %add3A_1338 = vector.broadcast %add3A_1337 : i32 to vector<16xi32>
    %add3A_1339 = arith.addi %mul3A_1257, %add3A_1338 : vector<16xi32>
    %gather3A_1340 = tpu.vector_load_idx %arg9[%add3A_1339, %and3A_1251] : memref<2048x8xf32, #tpu.memory_space<vmem>>[vector<16xi32>, vector<16xi32>], vector<16xf32>,
    %swap3A_1341 = arith.constant 1 : i32
    %swap3A_1342 = arith.constant 0 : i32
    %swap3A_1343 = arith.index_cast %swap3A_1341 : i32 to index
    %swap3A_1344 = arith.index_cast %swap3A_1342 : i32 to index
    %swap3A_1345 = arith.constant 0 : index
    %swap3A_1346 = tpu.vector_load %arg10[%swap3A_1343, %swap3A_1344, %swap3A_1345] {strides = array<i32>} : memref<8x8x32xf32, #tpu.memory_space<vmem>>, vector<16xf32>,
    tpu.vector_store %arg10[%swap3A_1343, %swap3A_1344, %swap3A_1345], %gather3A_1340 {strides = array<i32>} : memref<8x8x32xf32, #tpu.memory_space<vmem>>, vector<16xf32>,
    %add3A_1347 = arith.constant 9 : i32
    %add3A_1348 = vector.broadcast %add3A_1347 : i32 to vector<16xi32>
    %add3A_1349 = arith.addi %mul3A_1257, %add3A_1348 : vector<16xi32>
    %gather3A_1350 = tpu.vector_load_idx %arg9[%add3A_1349, %and3A_1251] : memref<2048x8xf32, #tpu.memory_space<vmem>>[vector<16xi32>, vector<16xi32>], vector<16xf32>,
    %swap3A_1351 = arith.constant 1 : i32
    %swap3A_1352 = arith.constant 1 : i32
    %swap3A_1353 = arith.index_cast %swap3A_1351 : i32 to index
    %swap3A_1354 = arith.index_cast %swap3A_1352 : i32 to index
    %swap3A_1355 = arith.constant 0 : index
    %swap3A_1356 = tpu.vector_load %arg10[%swap3A_1353, %swap3A_1354, %swap3A_1355] {strides = array<i32>} : memref<8x8x32xf32, #tpu.memory_space<vmem>>, vector<16xf32>,
    tpu.vector_store %arg10[%swap3A_1353, %swap3A_1354, %swap3A_1355], %gather3A_1350 {strides = array<i32>} : memref<8x8x32xf32, #tpu.memory_space<vmem>>, vector<16xf32>,
    %add3A_1357 = arith.constant 10 : i32
    %add3A_1358 = vector.broadcast %add3A_1357 : i32 to vector<16xi32>
    %add3A_1359 = arith.addi %mul3A_1257, %add3A_1358 : vector<16xi32>
    %gather3A_1360 = tpu.vector_load_idx %arg9[%add3A_1359, %and3A_1251] : memref<2048x8xf32, #tpu.memory_space<vmem>>[vector<16xi32>, vector<16xi32>], vector<16xf32>,
    %swap3A_1361 = arith.constant 1 : i32
    %swap3A_1362 = arith.constant 2 : i32
    %swap3A_1363 = arith.index_cast %swap3A_1361 : i32 to index
    %swap3A_1364 = arith.index_cast %swap3A_1362 : i32 to index
    %swap3A_1365 = arith.constant 0 : index
    %swap3A_1366 = tpu.vector_load %arg10[%swap3A_1363, %swap3A_1364, %swap3A_1365] {strides = array<i32>} : memref<8x8x32xf32, #tpu.memory_space<vmem>>, vector<16xf32>,
    tpu.vector_store %arg10[%swap3A_1363, %swap3A_1364, %swap3A_1365], %gather3A_1360 {strides = array<i32>} : memref<8x8x32xf32, #tpu.memory_space<vmem>>, vector<16xf32>,
    %add3A_1367 = arith.constant 11 : i32
    %add3A_1368 = vector.broadcast %add3A_1367 : i32 to vector<16xi32>
    %add3A_1369 = arith.addi %mul3A_1257, %add3A_1368 : vector<16xi32>
    %gather3A_1370 = tpu.vector_load_idx %arg9[%add3A_1369, %and3A_1251] : memref<2048x8xf32, #tpu.memory_space<vmem>>[vector<16xi32>, vector<16xi32>], vector<16xf32>,
    %swap3A_1371 = arith.constant 1 : i32
    %swap3A_1372 = arith.constant 3 : i32
    %swap3A_1373 = arith.index_cast %swap3A_1371 : i32 to index
    %swap3A_1374 = arith.index_cast %swap3A_1372 : i32 to index
    %swap3A_1375 = arith.constant 0 : index
    %swap3A_1376 = tpu.vector_load %arg10[%swap3A_1373, %swap3A_1374, %swap3A_1375] {strides = array<i32>} : memref<8x8x32xf32, #tpu.memory_space<vmem>>, vector<16xf32>,
    tpu.vector_store %arg10[%swap3A_1373, %swap3A_1374, %swap3A_1375], %gather3A_1370 {strides = array<i32>} : memref<8x8x32xf32, #tpu.memory_space<vmem>>, vector<16xf32>,
    %add3A_1377 = arith.constant 12 : i32
    %add3A_1378 = vector.broadcast %add3A_1377 : i32 to vector<16xi32>
    %add3A_1379 = arith.addi %mul3A_1257, %add3A_1378 : vector<16xi32>
    %gather3A_1380 = tpu.vector_load_idx %arg9[%add3A_1379, %and3A_1251] : memref<2048x8xf32, #tpu.memory_space<vmem>>[vector<16xi32>, vector<16xi32>], vector<16xf32>,
    %swap3A_1381 = arith.constant 1 : i32
    %swap3A_1382 = arith.constant 4 : i32
    %swap3A_1383 = arith.index_cast %swap3A_1381 : i32 to index
    %swap3A_1384 = arith.index_cast %swap3A_1382 : i32 to index
    %swap3A_1385 = arith.constant 0 : index
    %swap3A_1386 = tpu.vector_load %arg10[%swap3A_1383, %swap3A_1384, %swap3A_1385] {strides = array<i32>} : memref<8x8x32xf32, #tpu.memory_space<vmem>>, vector<16xf32>,
    tpu.vector_store %arg10[%swap3A_1383, %swap3A_1384, %swap3A_1385], %gather3A_1380 {strides = array<i32>} : memref<8x8x32xf32, #tpu.memory_space<vmem>>, vector<16xf32>,
    %add3A_1387 = arith.constant 13 : i32
    %add3A_1388 = vector.broadcast %add3A_1387 : i32 to vector<16xi32>
    %add3A_1389 = arith.addi %mul3A_1257, %add3A_1388 : vector<16xi32>
    %gather3A_1390 = tpu.vector_load_idx %arg9[%add3A_1389, %and3A_1251] : memref<2048x8xf32, #tpu.memory_space<vmem>>[vector<16xi32>, vector<16xi32>], vector<16xf32>,
    %swap3A_1391 = arith.constant 1 : i32
    %swap3A_1392 = arith.constant 5 : i32
    %swap3A_1393 = arith.index_cast %swap3A_1391 : i32 to index
    %swap3A_1394 = arith.index_cast %swap3A_1392 : i32 to index
    %swap3A_1395 = arith.constant 0 : index
    %swap3A_1396 = tpu.vector_load %arg10[%swap3A_1393, %swap3A_1394, %swap3A_1395] {strides = array<i32>} : memref<8x8x32xf32, #tpu.memory_space<vmem>>, vector<16xf32>,
    tpu.vector_store %arg10[%swap3A_1393, %swap3A_1394, %swap3A_1395], %gather3A_1390 {strides = array<i32>} : memref<8x8x32xf32, #tpu.memory_space<vmem>>, vector<16xf32>,
    %add3A_1397 = arith.constant 14 : i32
    %add3A_1398 = vector.broadcast %add3A_1397 : i32 to vector<16xi32>
    %add3A_1399 = arith.addi %mul3A_1257, %add3A_1398 : vector<16xi32>
    %gather3A_1400 = tpu.vector_load_idx %arg9[%add3A_1399, %and3A_1251] : memref<2048x8xf32, #tpu.memory_space<vmem>>[vector<16xi32>, vector<16xi32>], vector<16xf32>,
    %swap3A_1401 = arith.constant 1 : i32
    %swap3A_1402 = arith.constant 6 : i32
    %swap3A_1403 = arith.index_cast %swap3A_1401 : i32 to index
    %swap3A_1404 = arith.index_cast %swap3A_1402 : i32 to index
    %swap3A_1405 = arith.constant 0 : index
    %swap3A_1406 = tpu.vector_load %arg10[%swap3A_1403, %swap3A_1404, %swap3A_1405] {strides = array<i32>} : memref<8x8x32xf32, #tpu.memory_space<vmem>>, vector<16xf32>,
    tpu.vector_store %arg10[%swap3A_1403, %swap3A_1404, %swap3A_1405], %gather3A_1400 {strides = array<i32>} : memref<8x8x32xf32, #tpu.memory_space<vmem>>, vector<16xf32>,
    %add3A_1407 = arith.constant 15 : i32
    %add3A_1408 = vector.broadcast %add3A_1407 : i32 to vector<16xi32>
    %add3A_1409 = arith.addi %mul3A_1257, %add3A_1408 : vector<16xi32>
    %gather3A_1410 = tpu.vector_load_idx %arg9[%add3A_1409, %and3A_1251] : memref<2048x8xf32, #tpu.memory_space<vmem>>[vector<16xi32>, vector<16xi32>], vector<16xf32>,
    %swap3A_1411 = arith.constant 1 : i32
    %swap3A_1412 = arith.constant 7 : i32
    %swap3A_1413 = arith.index_cast %swap3A_1411 : i32 to index
    %swap3A_1414 = arith.index_cast %swap3A_1412 : i32 to index
    %swap3A_1415 = arith.constant 0 : index
    %swap3A_1416 = tpu.vector_load %arg10[%swap3A_1413, %swap3A_1414, %swap3A_1415] {strides = array<i32>} : memref<8x8x32xf32, #tpu.memory_space<vmem>>, vector<16xf32>,
    tpu.vector_store %arg10[%swap3A_1413, %swap3A_1414, %swap3A_1415], %gather3A_1410 {strides = array<i32>} : memref<8x8x32xf32, #tpu.memory_space<vmem>>, vector<16xf32>,
    %add3A_1417 = arith.constant 16 : i32
    %add3A_1418 = vector.broadcast %add3A_1417 : i32 to vector<16xi32>
    %add3A_1419 = arith.addi %mul3A_1257, %add3A_1418 : vector<16xi32>
    %gather3A_1420 = tpu.vector_load_idx %arg9[%add3A_1419, %and3A_1251] : memref<2048x8xf32, #tpu.memory_space<vmem>>[vector<16xi32>, vector<16xi32>], vector<16xf32>,
    %swap3A_1421 = arith.constant 2 : i32
    %swap3A_1422 = arith.constant 0 : i32
    %swap3A_1423 = arith.index_cast %swap3A_1421 : i32 to index
    %swap3A_1424 = arith.index_cast %swap3A_1422 : i32 to index
    %swap3A_1425 = arith.constant 0 : index
    %swap3A_1426 = tpu.vector_load %arg10[%swap3A_1423, %swap3A_1424, %swap3A_1425] {strides = array<i32>} : memref<8x8x32xf32, #tpu.memory_space<vmem>>, vector<16xf32>,
    tpu.vector_store %arg10[%swap3A_1423, %swap3A_1424, %swap3A_1425], %gather3A_1420 {strides = array<i32>} : memref<8x8x32xf32, #tpu.memory_space<vmem>>, vector<16xf32>,
    %add3A_1427 = arith.constant 17 : i32
    %add3A_1428 = vector.broadcast %add3A_1427 : i32 to vector<16xi32>
    %add3A_1429 = arith.addi %mul3A_1257, %add3A_1428 : vector<16xi32>
    %gather3A_1430 = tpu.vector_load_idx %arg9[%add3A_1429, %and3A_1251] : memref<2048x8xf32, #tpu.memory_space<vmem>>[vector<16xi32>, vector<16xi32>], vector<16xf32>,
    %swap3A_1431 = arith.constant 2 : i32
    %swap3A_1432 = arith.constant 1 : i32
    %swap3A_1433 = arith.index_cast %swap3A_1431 : i32 to index
    %swap3A_1434 = arith.index_cast %swap3A_1432 : i32 to index
    %swap3A_1435 = arith.constant 0 : index
    %swap3A_1436 = tpu.vector_load %arg10[%swap3A_1433, %swap3A_1434, %swap3A_1435] {strides = array<i32>} : memref<8x8x32xf32, #tpu.memory_space<vmem>>, vector<16xf32>,
    tpu.vector_store %arg10[%swap3A_1433, %swap3A_1434, %swap3A_1435], %gather3A_1430 {strides = array<i32>} : memref<8x8x32xf32, #tpu.memory_space<vmem>>, vector<16xf32>,
    %add3A_1437 = arith.constant 18 : i32
    %add3A_1438 = vector.broadcast %add3A_1437 : i32 to vector<16xi32>
    %add3A_1439 = arith.addi %mul3A_1257, %add3A_1438 : vector<16xi32>
    %gather3A_1440 = tpu.vector_load_idx %arg9[%add3A_1439, %and3A_1251] : memref<2048x8xf32, #tpu.memory_space<vmem>>[vector<16xi32>, vector<16xi32>], vector<16xf32>,
    %swap3A_1441 = arith.constant 2 : i32
    %swap3A_1442 = arith.constant 2 : i32
    %swap3A_1443 = arith.index_cast %swap3A_1441 : i32 to index
    %swap3A_1444 = arith.index_cast %swap3A_1442 : i32 to index
    %swap3A_1445 = arith.constant 0 : index
    %swap3A_1446 = tpu.vector_load %arg10[%swap3A_1443, %swap3A_1444, %swap3A_1445] {strides = array<i32>} : memref<8x8x32xf32, #tpu.memory_space<vmem>>, vector<16xf32>,
    tpu.vector_store %arg10[%swap3A_1443, %swap3A_1444, %swap3A_1445], %gather3A_1440 {strides = array<i32>} : memref<8x8x32xf32, #tpu.memory_space<vmem>>, vector<16xf32>,
    %add3A_1447 = arith.constant 19 : i32
    %add3A_1448 = vector.broadcast %add3A_1447 : i32 to vector<16xi32>
    %add3A_1449 = arith.addi %mul3A_1257, %add3A_1448 : vector<16xi32>
    %gather3A_1450 = tpu.vector_load_idx %arg9[%add3A_1449, %and3A_1251] : memref<2048x8xf32, #tpu.memory_space<vmem>>[vector<16xi32>, vector<16xi32>], vector<16xf32>,
    %swap3A_1451 = arith.constant 2 : i32
    %swap3A_1452 = arith.constant 3 : i32
    %swap3A_1453 = arith.index_cast %swap3A_1451 : i32 to index
    %swap3A_1454 = arith.index_cast %swap3A_1452 : i32 to index
    %swap3A_1455 = arith.constant 0 : index
    %swap3A_1456 = tpu.vector_load %arg10[%swap3A_1453, %swap3A_1454, %swap3A_1455] {strides = array<i32>} : memref<8x8x32xf32, #tpu.memory_space<vmem>>, vector<16xf32>,
    tpu.vector_store %arg10[%swap3A_1453, %swap3A_1454, %swap3A_1455], %gather3A_1450 {strides = array<i32>} : memref<8x8x32xf32, #tpu.memory_space<vmem>>, vector<16xf32>,
    %add3A_1457 = arith.constant 20 : i32
    %add3A_1458 = vector.broadcast %add3A_1457 : i32 to vector<16xi32>
    %add3A_1459 = arith.addi %mul3A_1257, %add3A_1458 : vector<16xi32>
    %gather3A_1460 = tpu.vector_load_idx %arg9[%add3A_1459, %and3A_1251] : memref<2048x8xf32, #tpu.memory_space<vmem>>[vector<16xi32>, vector<16xi32>], vector<16xf32>,
    %swap3A_1461 = arith.constant 2 : i32
    %swap3A_1462 = arith.constant 4 : i32
    %swap3A_1463 = arith.index_cast %swap3A_1461 : i32 to index
    %swap3A_1464 = arith.index_cast %swap3A_1462 : i32 to index
    %swap3A_1465 = arith.constant 0 : index
    %swap3A_1466 = tpu.vector_load %arg10[%swap3A_1463, %swap3A_1464, %swap3A_1465] {strides = array<i32>} : memref<8x8x32xf32, #tpu.memory_space<vmem>>, vector<16xf32>,
    tpu.vector_store %arg10[%swap3A_1463, %swap3A_1464, %swap3A_1465], %gather3A_1460 {strides = array<i32>} : memref<8x8x32xf32, #tpu.memory_space<vmem>>, vector<16xf32>,
    %add3A_1467 = arith.constant 21 : i32
    %add3A_1468 = vector.broadcast %add3A_1467 : i32 to vector<16xi32>
    %add3A_1469 = arith.addi %mul3A_1257, %add3A_1468 : vector<16xi32>
    %gather3A_1470 = tpu.vector_load_idx %arg9[%add3A_1469, %and3A_1251] : memref<2048x8xf32, #tpu.memory_space<vmem>>[vector<16xi32>, vector<16xi32>], vector<16xf32>,
    %swap3A_1471 = arith.constant 2 : i32
    %swap3A_1472 = arith.constant 5 : i32
    %swap3A_1473 = arith.index_cast %swap3A_1471 : i32 to index
    %swap3A_1474 = arith.index_cast %swap3A_1472 : i32 to index
    %swap3A_1475 = arith.constant 0 : index
    %swap3A_1476 = tpu.vector_load %arg10[%swap3A_1473, %swap3A_1474, %swap3A_1475] {strides = array<i32>} : memref<8x8x32xf32, #tpu.memory_space<vmem>>, vector<16xf32>,
    tpu.vector_store %arg10[%swap3A_1473, %swap3A_1474, %swap3A_1475], %gather3A_1470 {strides = array<i32>} : memref<8x8x32xf32, #tpu.memory_space<vmem>>, vector<16xf32>,
    %add3A_1477 = arith.constant 22 : i32
    %add3A_1478 = vector.broadcast %add3A_1477 : i32 to vector<16xi32>
    %add3A_1479 = arith.addi %mul3A_1257, %add3A_1478 : vector<16xi32>
    %gather3A_1480 = tpu.vector_load_idx %arg9[%add3A_1479, %and3A_1251] : memref<2048x8xf32, #tpu.memory_space<vmem>>[vector<16xi32>, vector<16xi32>], vector<16xf32>,
    %swap3A_1481 = arith.constant 2 : i32
    %swap3A_1482 = arith.constant 6 : i32
    %swap3A_1483 = arith.index_cast %swap3A_1481 : i32 to index
    %swap3A_1484 = arith.index_cast %swap3A_1482 : i32 to index
    %swap3A_1485 = arith.constant 0 : index
    %swap3A_1486 = tpu.vector_load %arg10[%swap3A_1483, %swap3A_1484, %swap3A_1485] {strides = array<i32>} : memref<8x8x32xf32, #tpu.memory_space<vmem>>, vector<16xf32>,
    tpu.vector_store %arg10[%swap3A_1483, %swap3A_1484, %swap3A_1485], %gather3A_1480 {strides = array<i32>} : memref<8x8x32xf32, #tpu.memory_space<vmem>>, vector<16xf32>,
    %add3A_1487 = arith.constant 23 : i32
    %add3A_1488 = vector.broadcast %add3A_1487 : i32 to vector<16xi32>
    %add3A_1489 = arith.addi %mul3A_1257, %add3A_1488 : vector<16xi32>
    %gather3A_1490 = tpu.vector_load_idx %arg9[%add3A_1489, %and3A_1251] : memref<2048x8xf32, #tpu.memory_space<vmem>>[vector<16xi32>, vector<16xi32>], vector<16xf32>,
    %swap3A_1491 = arith.constant 2 : i32
    %swap3A_1492 = arith.constant 7 : i32
    %swap3A_1493 = arith.index_cast %swap3A_1491 : i32 to index
    %swap3A_1494 = arith.index_cast %swap3A_1492 : i32 to index
    %swap3A_1495 = arith.constant 0 : index
    %swap3A_1496 = tpu.vector_load %arg10[%swap3A_1493, %swap3A_1494, %swap3A_1495] {strides = array<i32>} : memref<8x8x32xf32, #tpu.memory_space<vmem>>, vector<16xf32>,
    tpu.vector_store %arg10[%swap3A_1493, %swap3A_1494, %swap3A_1495], %gather3A_1490 {strides = array<i32>} : memref<8x8x32xf32, #tpu.memory_space<vmem>>, vector<16xf32>,
    %add3A_1497 = arith.constant 24 : i32
    %add3A_1498 = vector.broadcast %add3A_1497 : i32 to vector<16xi32>
    %add3A_1499 = arith.addi %mul3A_1257, %add3A_1498 : vector<16xi32>
    %gather3A_1500 = tpu.vector_load_idx %arg9[%add3A_1499, %and3A_1251] : memref<2048x8xf32, #tpu.memory_space<vmem>>[vector<16xi32>, vector<16xi32>], vector<16xf32>,
    %swap3A_1501 = arith.constant 3 : i32
    %swap3A_1502 = arith.constant 0 : i32
    %swap3A_1503 = arith.index_cast %swap3A_1501 : i32 to index
    %swap3A_1504 = arith.index_cast %swap3A_1502 : i32 to index
    %swap3A_1505 = arith.constant 0 : index
    %swap3A_1506 = tpu.vector_load %arg10[%swap3A_1503, %swap3A_1504, %swap3A_1505] {strides = array<i32>} : memref<8x8x32xf32, #tpu.memory_space<vmem>>, vector<16xf32>,
    tpu.vector_store %arg10[%swap3A_1503, %swap3A_1504, %swap3A_1505], %gather3A_1500 {strides = array<i32>} : memref<8x8x32xf32, #tpu.memory_space<vmem>>, vector<16xf32>,
    %add3A_1507 = arith.constant 25 : i32
    %add3A_1508 = vector.broadcast %add3A_1507 : i32 to vector<16xi32>
    %add3A_1509 = arith.addi %mul3A_1257, %add3A_1508 : vector<16xi32>
    %gather3A_1510 = tpu.vector_load_idx %arg9[%add3A_1509, %and3A_1251] : memref<2048x8xf32, #tpu.memory_space<vmem>>[vector<16xi32>, vector<16xi32>], vector<16xf32>,
    %swap3A_1511 = arith.constant 3 : i32
    %swap3A_1512 = arith.constant 1 : i32
    %swap3A_1513 = arith.index_cast %swap3A_1511 : i32 to index
    %swap3A_1514 = arith.index_cast %swap3A_1512 : i32 to index
    %swap3A_1515 = arith.constant 0 : index
    %swap3A_1516 = tpu.vector_load %arg10[%swap3A_1513, %swap3A_1514, %swap3A_1515] {strides = array<i32>} : memref<8x8x32xf32, #tpu.memory_space<vmem>>, vector<16xf32>,
    tpu.vector_store %arg10[%swap3A_1513, %swap3A_1514, %swap3A_1515], %gather3A_1510 {strides = array<i32>} : memref<8x8x32xf32, #tpu.memory_space<vmem>>, vector<16xf32>,
    %add3A_1517 = arith.constant 26 : i32
    %add3A_1518 = vector.broadcast %add3A_1517 : i32 to vector<16xi32>
    %add3A_1519 = arith.addi %mul3A_1257, %add3A_1518 : vector<16xi32>
    %gather3A_1520 = tpu.vector_load_idx %arg9[%add3A_1519, %and3A_1251] : memref<2048x8xf32, #tpu.memory_space<vmem>>[vector<16xi32>, vector<16xi32>], vector<16xf32>,
    %swap3A_1521 = arith.constant 3 : i32
    %swap3A_1522 = arith.constant 2 : i32
    %swap3A_1523 = arith.index_cast %swap3A_1521 : i32 to index
    %swap3A_1524 = arith.index_cast %swap3A_1522 : i32 to index
    %swap3A_1525 = arith.constant 0 : index
    %swap3A_1526 = tpu.vector_load %arg10[%swap3A_1523, %swap3A_1524, %swap3A_1525] {strides = array<i32>} : memref<8x8x32xf32, #tpu.memory_space<vmem>>, vector<16xf32>,
    tpu.vector_store %arg10[%swap3A_1523, %swap3A_1524, %swap3A_1525], %gather3A_1520 {strides = array<i32>} : memref<8x8x32xf32, #tpu.memory_space<vmem>>, vector<16xf32>,
    %add3A_1527 = arith.constant 27 : i32
    %add3A_1528 = vector.broadcast %add3A_1527 : i32 to vector<16xi32>
    %add3A_1529 = arith.addi %mul3A_1257, %add3A_1528 : vector<16xi32>
    %gather3A_1530 = tpu.vector_load_idx %arg9[%add3A_1529, %and3A_1251] : memref<2048x8xf32, #tpu.memory_space<vmem>>[vector<16xi32>, vector<16xi32>], vector<16xf32>,
    %swap3A_1531 = arith.constant 3 : i32
    %swap3A_1532 = arith.constant 3 : i32
    %swap3A_1533 = arith.index_cast %swap3A_1531 : i32 to index
    %swap3A_1534 = arith.index_cast %swap3A_1532 : i32 to index
    %swap3A_1535 = arith.constant 0 : index
    %swap3A_1536 = tpu.vector_load %arg10[%swap3A_1533, %swap3A_1534, %swap3A_1535] {strides = array<i32>} : memref<8x8x32xf32, #tpu.memory_space<vmem>>, vector<16xf32>,
    tpu.vector_store %arg10[%swap3A_1533, %swap3A_1534, %swap3A_1535], %gather3A_1530 {strides = array<i32>} : memref<8x8x32xf32, #tpu.memory_space<vmem>>, vector<16xf32>,
    %add3A_1537 = arith.constant 28 : i32
    %add3A_1538 = vector.broadcast %add3A_1537 : i32 to vector<16xi32>
    %add3A_1539 = arith.addi %mul3A_1257, %add3A_1538 : vector<16xi32>
    %gather3A_1540 = tpu.vector_load_idx %arg9[%add3A_1539, %and3A_1251] : memref<2048x8xf32, #tpu.memory_space<vmem>>[vector<16xi32>, vector<16xi32>], vector<16xf32>,
    %swap3A_1541 = arith.constant 3 : i32
    %swap3A_1542 = arith.constant 4 : i32
    %swap3A_1543 = arith.index_cast %swap3A_1541 : i32 to index
    %swap3A_1544 = arith.index_cast %swap3A_1542 : i32 to index
    %swap3A_1545 = arith.constant 0 : index
    %swap3A_1546 = tpu.vector_load %arg10[%swap3A_1543, %swap3A_1544, %swap3A_1545] {strides = array<i32>} : memref<8x8x32xf32, #tpu.memory_space<vmem>>, vector<16xf32>,
    tpu.vector_store %arg10[%swap3A_1543, %swap3A_1544, %swap3A_1545], %gather3A_1540 {strides = array<i32>} : memref<8x8x32xf32, #tpu.memory_space<vmem>>, vector<16xf32>,
    %add3A_1547 = arith.constant 29 : i32
    %add3A_1548 = vector.broadcast %add3A_1547 : i32 to vector<16xi32>
    %add3A_1549 = arith.addi %mul3A_1257, %add3A_1548 : vector<16xi32>
    %gather3A_1550 = tpu.vector_load_idx %arg9[%add3A_1549, %and3A_1251] : memref<2048x8xf32, #tpu.memory_space<vmem>>[vector<16xi32>, vector<16xi32>], vector<16xf32>,
    %swap3A_1551 = arith.constant 3 : i32
    %swap3A_1552 = arith.constant 5 : i32
    %swap3A_1553 = arith.index_cast %swap3A_1551 : i32 to index
    %swap3A_1554 = arith.index_cast %swap3A_1552 : i32 to index
    %swap3A_1555 = arith.constant 0 : index
    %swap3A_1556 = tpu.vector_load %arg10[%swap3A_1553, %swap3A_1554, %swap3A_1555] {strides = array<i32>} : memref<8x8x32xf32, #tpu.memory_space<vmem>>, vector<16xf32>,
    tpu.vector_store %arg10[%swap3A_1553, %swap3A_1554, %swap3A_1555], %gather3A_1550 {strides = array<i32>} : memref<8x8x32xf32, #tpu.memory_space<vmem>>, vector<16xf32>,
    %add3A_1557 = arith.constant 30 : i32
    %add3A_1558 = vector.broadcast %add3A_1557 : i32 to vector<16xi32>
    %add3A_1559 = arith.addi %mul3A_1257, %add3A_1558 : vector<16xi32>
    %gather3A_1560 = tpu.vector_load_idx %arg9[%add3A_1559, %and3A_1251] : memref<2048x8xf32, #tpu.memory_space<vmem>>[vector<16xi32>, vector<16xi32>], vector<16xf32>,
    %swap3A_1561 = arith.constant 3 : i32
    %swap3A_1562 = arith.constant 6 : i32
    %swap3A_1563 = arith.index_cast %swap3A_1561 : i32 to index
    %swap3A_1564 = arith.index_cast %swap3A_1562 : i32 to index
    %swap3A_1565 = arith.constant 0 : index
    %swap3A_1566 = tpu.vector_load %arg10[%swap3A_1563, %swap3A_1564, %swap3A_1565] {strides = array<i32>} : memref<8x8x32xf32, #tpu.memory_space<vmem>>, vector<16xf32>,
    tpu.vector_store %arg10[%swap3A_1563, %swap3A_1564, %swap3A_1565], %gather3A_1560 {strides = array<i32>} : memref<8x8x32xf32, #tpu.memory_space<vmem>>, vector<16xf32>,
    %add3A_1567 = arith.constant 31 : i32
    %add3A_1568 = vector.broadcast %add3A_1567 : i32 to vector<16xi32>
    %add3A_1569 = arith.addi %mul3A_1257, %add3A_1568 : vector<16xi32>
    %gather3A_1570 = tpu.vector_load_idx %arg9[%add3A_1569, %and3A_1251] : memref<2048x8xf32, #tpu.memory_space<vmem>>[vector<16xi32>, vector<16xi32>], vector<16xf32>,
    %swap3A_1571 = arith.constant 3 : i32
    %swap3A_1572 = arith.constant 7 : i32
    %swap3A_1573 = arith.index_cast %swap3A_1571 : i32 to index
    %swap3A_1574 = arith.index_cast %swap3A_1572 : i32 to index
    %swap3A_1575 = arith.constant 0 : index
    %swap3A_1576 = tpu.vector_load %arg10[%swap3A_1573, %swap3A_1574, %swap3A_1575] {strides = array<i32>} : memref<8x8x32xf32, #tpu.memory_space<vmem>>, vector<16xf32>,
    tpu.vector_store %arg10[%swap3A_1573, %swap3A_1574, %swap3A_1575], %gather3A_1570 {strides = array<i32>} : memref<8x8x32xf32, #tpu.memory_space<vmem>>, vector<16xf32>,
    %add3A_1577 = arith.constant 32 : i32
    %add3A_1578 = vector.broadcast %add3A_1577 : i32 to vector<16xi32>
    %add3A_1579 = arith.addi %mul3A_1257, %add3A_1578 : vector<16xi32>
    %gather3A_1580 = tpu.vector_load_idx %arg9[%add3A_1579, %and3A_1251] : memref<2048x8xf32, #tpu.memory_space<vmem>>[vector<16xi32>, vector<16xi32>], vector<16xf32>,
    %swap3A_1581 = arith.constant 4 : i32
    %swap3A_1582 = arith.constant 0 : i32
    %swap3A_1583 = arith.index_cast %swap3A_1581 : i32 to index
    %swap3A_1584 = arith.index_cast %swap3A_1582 : i32 to index
    %swap3A_1585 = arith.constant 0 : index
    %swap3A_1586 = tpu.vector_load %arg10[%swap3A_1583, %swap3A_1584, %swap3A_1585] {strides = array<i32>} : memref<8x8x32xf32, #tpu.memory_space<vmem>>, vector<16xf32>,
    tpu.vector_store %arg10[%swap3A_1583, %swap3A_1584, %swap3A_1585], %gather3A_1580 {strides = array<i32>} : memref<8x8x32xf32, #tpu.memory_space<vmem>>, vector<16xf32>,
    %add3A_1587 = arith.constant 33 : i32
    %add3A_1588 = vector.broadcast %add3A_1587 : i32 to vector<16xi32>
    %add3A_1589 = arith.addi %mul3A_1257, %add3A_1588 : vector<16xi32>
    %gather3A_1590 = tpu.vector_load_idx %arg9[%add3A_1589, %and3A_1251] : memref<2048x8xf32, #tpu.memory_space<vmem>>[vector<16xi32>, vector<16xi32>], vector<16xf32>,
    %swap3A_1591 = arith.constant 4 : i32
    %swap3A_1592 = arith.constant 1 : i32
    %swap3A_1593 = arith.index_cast %swap3A_1591 : i32 to index
    %swap3A_1594 = arith.index_cast %swap3A_1592 : i32 to index
    %swap3A_1595 = arith.constant 0 : index
    %swap3A_1596 = tpu.vector_load %arg10[%swap3A_1593, %swap3A_1594, %swap3A_1595] {strides = array<i32>} : memref<8x8x32xf32, #tpu.memory_space<vmem>>, vector<16xf32>,
    tpu.vector_store %arg10[%swap3A_1593, %swap3A_1594, %swap3A_1595], %gather3A_1590 {strides = array<i32>} : memref<8x8x32xf32, #tpu.memory_space<vmem>>, vector<16xf32>,
    %add3A_1597 = arith.constant 34 : i32
    %add3A_1598 = vector.broadcast %add3A_1597 : i32 to vector<16xi32>
    %add3A_1599 = arith.addi %mul3A_1257, %add3A_1598 : vector<16xi32>
    %gather3A_1600 = tpu.vector_load_idx %arg9[%add3A_1599, %and3A_1251] : memref<2048x8xf32, #tpu.memory_space<vmem>>[vector<16xi32>, vector<16xi32>], vector<16xf32>,
    %swap3A_1601 = arith.constant 4 : i32
    %swap3A_1602 = arith.constant 2 : i32
    %swap3A_1603 = arith.index_cast %swap3A_1601 : i32 to index
    %swap3A_1604 = arith.index_cast %swap3A_1602 : i32 to index
    %swap3A_1605 = arith.constant 0 : index
    %swap3A_1606 = tpu.vector_load %arg10[%swap3A_1603, %swap3A_1604, %swap3A_1605] {strides = array<i32>} : memref<8x8x32xf32, #tpu.memory_space<vmem>>, vector<16xf32>,
    tpu.vector_store %arg10[%swap3A_1603, %swap3A_1604, %swap3A_1605], %gather3A_1600 {strides = array<i32>} : memref<8x8x32xf32, #tpu.memory_space<vmem>>, vector<16xf32>,
    %add3A_1607 = arith.constant 35 : i32
    %add3A_1608 = vector.broadcast %add3A_1607 : i32 to vector<16xi32>
    %add3A_1609 = arith.addi %mul3A_1257, %add3A_1608 : vector<16xi32>
    %gather3A_1610 = tpu.vector_load_idx %arg9[%add3A_1609, %and3A_1251] : memref<2048x8xf32, #tpu.memory_space<vmem>>[vector<16xi32>, vector<16xi32>], vector<16xf32>,
    %swap3A_1611 = arith.constant 4 : i32
    %swap3A_1612 = arith.constant 3 : i32
    %swap3A_1613 = arith.index_cast %swap3A_1611 : i32 to index
    %swap3A_1614 = arith.index_cast %swap3A_1612 : i32 to index
    %swap3A_1615 = arith.constant 0 : index
    %swap3A_1616 = tpu.vector_load %arg10[%swap3A_1613, %swap3A_1614, %swap3A_1615] {strides = array<i32>} : memref<8x8x32xf32, #tpu.memory_space<vmem>>, vector<16xf32>,
    tpu.vector_store %arg10[%swap3A_1613, %swap3A_1614, %swap3A_1615], %gather3A_1610 {strides = array<i32>} : memref<8x8x32xf32, #tpu.memory_space<vmem>>, vector<16xf32>,
    %add3A_1617 = arith.constant 36 : i32
    %add3A_1618 = vector.broadcast %add3A_1617 : i32 to vector<16xi32>
    %add3A_1619 = arith.addi %mul3A_1257, %add3A_1618 : vector<16xi32>
    %gather3A_1620 = tpu.vector_load_idx %arg9[%add3A_1619, %and3A_1251] : memref<2048x8xf32, #tpu.memory_space<vmem>>[vector<16xi32>, vector<16xi32>], vector<16xf32>,
    %swap3A_1621 = arith.constant 4 : i32
    %swap3A_1622 = arith.constant 4 : i32
    %swap3A_1623 = arith.index_cast %swap3A_1621 : i32 to index
    %swap3A_1624 = arith.index_cast %swap3A_1622 : i32 to index
    %swap3A_1625 = arith.constant 0 : index
    %swap3A_1626 = tpu.vector_load %arg10[%swap3A_1623, %swap3A_1624, %swap3A_1625] {strides = array<i32>} : memref<8x8x32xf32, #tpu.memory_space<vmem>>, vector<16xf32>,
    tpu.vector_store %arg10[%swap3A_1623, %swap3A_1624, %swap3A_1625], %gather3A_1620 {strides = array<i32>} : memref<8x8x32xf32, #tpu.memory_space<vmem>>, vector<16xf32>,
    %add3A_1627 = arith.constant 37 : i32
    %add3A_1628 = vector.broadcast %add3A_1627 : i32 to vector<16xi32>
    %add3A_1629 = arith.addi %mul3A_1257, %add3A_1628 : vector<16xi32>
    %gather3A_1630 = tpu.vector_load_idx %arg9[%add3A_1629, %and3A_1251] : memref<2048x8xf32, #tpu.memory_space<vmem>>[vector<16xi32>, vector<16xi32>], vector<16xf32>,
    %swap3A_1631 = arith.constant 4 : i32
    %swap3A_1632 = arith.constant 5 : i32
    %swap3A_1633 = arith.index_cast %swap3A_1631 : i32 to index
    %swap3A_1634 = arith.index_cast %swap3A_1632 : i32 to index
    %swap3A_1635 = arith.constant 0 : index
    %swap3A_1636 = tpu.vector_load %arg10[%swap3A_1633, %swap3A_1634, %swap3A_1635] {strides = array<i32>} : memref<8x8x32xf32, #tpu.memory_space<vmem>>, vector<16xf32>,
    tpu.vector_store %arg10[%swap3A_1633, %swap3A_1634, %swap3A_1635], %gather3A_1630 {strides = array<i32>} : memref<8x8x32xf32, #tpu.memory_space<vmem>>, vector<16xf32>,
    %add3A_1637 = arith.constant 38 : i32
    %add3A_1638 = vector.broadcast %add3A_1637 : i32 to vector<16xi32>
    %add3A_1639 = arith.addi %mul3A_1257, %add3A_1638 : vector<16xi32>
    %gather3A_1640 = tpu.vector_load_idx %arg9[%add3A_1639, %and3A_1251] : memref<2048x8xf32, #tpu.memory_space<vmem>>[vector<16xi32>, vector<16xi32>], vector<16xf32>,
    %swap3A_1641 = arith.constant 4 : i32
    %swap3A_1642 = arith.constant 6 : i32
    %swap3A_1643 = arith.index_cast %swap3A_1641 : i32 to index
    %swap3A_1644 = arith.index_cast %swap3A_1642 : i32 to index
    %swap3A_1645 = arith.constant 0 : index
    %swap3A_1646 = tpu.vector_load %arg10[%swap3A_1643, %swap3A_1644, %swap3A_1645] {strides = array<i32>} : memref<8x8x32xf32, #tpu.memory_space<vmem>>, vector<16xf32>,
    tpu.vector_store %arg10[%swap3A_1643, %swap3A_1644, %swap3A_1645], %gather3A_1640 {strides = array<i32>} : memref<8x8x32xf32, #tpu.memory_space<vmem>>, vector<16xf32>,
    %add3A_1647 = arith.constant 39 : i32
    %add3A_1648 = vector.broadcast %add3A_1647 : i32 to vector<16xi32>
    %add3A_1649 = arith.addi %mul3A_1257, %add3A_1648 : vector<16xi32>
    %gather3A_1650 = tpu.vector_load_idx %arg9[%add3A_1649, %and3A_1251] : memref<2048x8xf32, #tpu.memory_space<vmem>>[vector<16xi32>, vector<16xi32>], vector<16xf32>,
    %swap3A_1651 = arith.constant 4 : i32
    %swap3A_1652 = arith.constant 7 : i32
    %swap3A_1653 = arith.index_cast %swap3A_1651 : i32 to index
    %swap3A_1654 = arith.index_cast %swap3A_1652 : i32 to index
    %swap3A_1655 = arith.constant 0 : index
    %swap3A_1656 = tpu.vector_load %arg10[%swap3A_1653, %swap3A_1654, %swap3A_1655] {strides = array<i32>} : memref<8x8x32xf32, #tpu.memory_space<vmem>>, vector<16xf32>,
    tpu.vector_store %arg10[%swap3A_1653, %swap3A_1654, %swap3A_1655], %gather3A_1650 {strides = array<i32>} : memref<8x8x32xf32, #tpu.memory_space<vmem>>, vector<16xf32>,
    %add3A_1657 = arith.constant 40 : i32
    %add3A_1658 = vector.broadcast %add3A_1657 : i32 to vector<16xi32>
    %add3A_1659 = arith.addi %mul3A_1257, %add3A_1658 : vector<16xi32>
    %gather3A_1660 = tpu.vector_load_idx %arg9[%add3A_1659, %and3A_1251] : memref<2048x8xf32, #tpu.memory_space<vmem>>[vector<16xi32>, vector<16xi32>], vector<16xf32>,
    %swap3A_1661 = arith.constant 5 : i32
    %swap3A_1662 = arith.constant 0 : i32
    %swap3A_1663 = arith.index_cast %swap3A_1661 : i32 to index
    %swap3A_1664 = arith.index_cast %swap3A_1662 : i32 to index
    %swap3A_1665 = arith.constant 0 : index
    %swap3A_1666 = tpu.vector_load %arg10[%swap3A_1663, %swap3A_1664, %swap3A_1665] {strides = array<i32>} : memref<8x8x32xf32, #tpu.memory_space<vmem>>, vector<16xf32>,
    tpu.vector_store %arg10[%swap3A_1663, %swap3A_1664, %swap3A_1665], %gather3A_1660 {strides = array<i32>} : memref<8x8x32xf32, #tpu.memory_space<vmem>>, vector<16xf32>,
    %add3A_1667 = arith.constant 41 : i32
    %add3A_1668 = vector.broadcast %add3A_1667 : i32 to vector<16xi32>
    %add3A_1669 = arith.addi %mul3A_1257, %add3A_1668 : vector<16xi32>
    %gather3A_1670 = tpu.vector_load_idx %arg9[%add3A_1669, %and3A_1251] : memref<2048x8xf32, #tpu.memory_space<vmem>>[vector<16xi32>, vector<16xi32>], vector<16xf32>,
    %swap3A_1671 = arith.constant 5 : i32
    %swap3A_1672 = arith.constant 1 : i32
    %swap3A_1673 = arith.index_cast %swap3A_1671 : i32 to index
    %swap3A_1674 = arith.index_cast %swap3A_1672 : i32 to index
    %swap3A_1675 = arith.constant 0 : index
    %swap3A_1676 = tpu.vector_load %arg10[%swap3A_1673, %swap3A_1674, %swap3A_1675] {strides = array<i32>} : memref<8x8x32xf32, #tpu.memory_space<vmem>>, vector<16xf32>,
    tpu.vector_store %arg10[%swap3A_1673, %swap3A_1674, %swap3A_1675], %gather3A_1670 {strides = array<i32>} : memref<8x8x32xf32, #tpu.memory_space<vmem>>, vector<16xf32>,
    %add3A_1677 = arith.constant 42 : i32
    %add3A_1678 = vector.broadcast %add3A_1677 : i32 to vector<16xi32>
    %add3A_1679 = arith.addi %mul3A_1257, %add3A_1678 : vector<16xi32>
    %gather3A_1680 = tpu.vector_load_idx %arg9[%add3A_1679, %and3A_1251] : memref<2048x8xf32, #tpu.memory_space<vmem>>[vector<16xi32>, vector<16xi32>], vector<16xf32>,
    %swap3A_1681 = arith.constant 5 : i32
    %swap3A_1682 = arith.constant 2 : i32
    %swap3A_1683 = arith.index_cast %swap3A_1681 : i32 to index
    %swap3A_1684 = arith.index_cast %swap3A_1682 : i32 to index
    %swap3A_1685 = arith.constant 0 : index
    %swap3A_1686 = tpu.vector_load %arg10[%swap3A_1683, %swap3A_1684, %swap3A_1685] {strides = array<i32>} : memref<8x8x32xf32, #tpu.memory_space<vmem>>, vector<16xf32>,
    tpu.vector_store %arg10[%swap3A_1683, %swap3A_1684, %swap3A_1685], %gather3A_1680 {strides = array<i32>} : memref<8x8x32xf32, #tpu.memory_space<vmem>>, vector<16xf32>,
    %add3A_1687 = arith.constant 43 : i32
    %add3A_1688 = vector.broadcast %add3A_1687 : i32 to vector<16xi32>
    %add3A_1689 = arith.addi %mul3A_1257, %add3A_1688 : vector<16xi32>
    %gather3A_1690 = tpu.vector_load_idx %arg9[%add3A_1689, %and3A_1251] : memref<2048x8xf32, #tpu.memory_space<vmem>>[vector<16xi32>, vector<16xi32>], vector<16xf32>,
    %swap3A_1691 = arith.constant 5 : i32
    %swap3A_1692 = arith.constant 3 : i32
    %swap3A_1693 = arith.index_cast %swap3A_1691 : i32 to index
    %swap3A_1694 = arith.index_cast %swap3A_1692 : i32 to index
    %swap3A_1695 = arith.constant 0 : index
    %swap3A_1696 = tpu.vector_load %arg10[%swap3A_1693, %swap3A_1694, %swap3A_1695] {strides = array<i32>} : memref<8x8x32xf32, #tpu.memory_space<vmem>>, vector<16xf32>,
    tpu.vector_store %arg10[%swap3A_1693, %swap3A_1694, %swap3A_1695], %gather3A_1690 {strides = array<i32>} : memref<8x8x32xf32, #tpu.memory_space<vmem>>, vector<16xf32>,
    %add3A_1697 = arith.constant 44 : i32
    %add3A_1698 = vector.broadcast %add3A_1697 : i32 to vector<16xi32>
    %add3A_1699 = arith.addi %mul3A_1257, %add3A_1698 : vector<16xi32>
    %gather3A_1700 = tpu.vector_load_idx %arg9[%add3A_1699, %and3A_1251] : memref<2048x8xf32, #tpu.memory_space<vmem>>[vector<16xi32>, vector<16xi32>], vector<16xf32>,
    %swap3A_1701 = arith.constant 5 : i32
    %swap3A_1702 = arith.constant 4 : i32
    %swap3A_1703 = arith.index_cast %swap3A_1701 : i32 to index
    %swap3A_1704 = arith.index_cast %swap3A_1702 : i32 to index
    %swap3A_1705 = arith.constant 0 : index
    %swap3A_1706 = tpu.vector_load %arg10[%swap3A_1703, %swap3A_1704, %swap3A_1705] {strides = array<i32>} : memref<8x8x32xf32, #tpu.memory_space<vmem>>, vector<16xf32>,
    tpu.vector_store %arg10[%swap3A_1703, %swap3A_1704, %swap3A_1705], %gather3A_1700 {strides = array<i32>} : memref<8x8x32xf32, #tpu.memory_space<vmem>>, vector<16xf32>,
    %add3A_1707 = arith.constant 45 : i32
    %add3A_1708 = vector.broadcast %add3A_1707 : i32 to vector<16xi32>
    %add3A_1709 = arith.addi %mul3A_1257, %add3A_1708 : vector<16xi32>
    %gather3A_1710 = tpu.vector_load_idx %arg9[%add3A_1709, %and3A_1251] : memref<2048x8xf32, #tpu.memory_space<vmem>>[vector<16xi32>, vector<16xi32>], vector<16xf32>,
    %swap3A_1711 = arith.constant 5 : i32
    %swap3A_1712 = arith.constant 5 : i32
    %swap3A_1713 = arith.index_cast %swap3A_1711 : i32 to index
    %swap3A_1714 = arith.index_cast %swap3A_1712 : i32 to index
    %swap3A_1715 = arith.constant 0 : index
    %swap3A_1716 = tpu.vector_load %arg10[%swap3A_1713, %swap3A_1714, %swap3A_1715] {strides = array<i32>} : memref<8x8x32xf32, #tpu.memory_space<vmem>>, vector<16xf32>,
    tpu.vector_store %arg10[%swap3A_1713, %swap3A_1714, %swap3A_1715], %gather3A_1710 {strides = array<i32>} : memref<8x8x32xf32, #tpu.memory_space<vmem>>, vector<16xf32>,
    %add3A_1717 = arith.constant 46 : i32
    %add3A_1718 = vector.broadcast %add3A_1717 : i32 to vector<16xi32>
    %add3A_1719 = arith.addi %mul3A_1257, %add3A_1718 : vector<16xi32>
    %gather3A_1720 = tpu.vector_load_idx %arg9[%add3A_1719, %and3A_1251] : memref<2048x8xf32, #tpu.memory_space<vmem>>[vector<16xi32>, vector<16xi32>], vector<16xf32>,
    %swap3A_1721 = arith.constant 5 : i32
    %swap3A_1722 = arith.constant 6 : i32
    %swap3A_1723 = arith.index_cast %swap3A_1721 : i32 to index
    %swap3A_1724 = arith.index_cast %swap3A_1722 : i32 to index
    %swap3A_1725 = arith.constant 0 : index
    %swap3A_1726 = tpu.vector_load %arg10[%swap3A_1723, %swap3A_1724, %swap3A_1725] {strides = array<i32>} : memref<8x8x32xf32, #tpu.memory_space<vmem>>, vector<16xf32>,
    tpu.vector_store %arg10[%swap3A_1723, %swap3A_1724, %swap3A_1725], %gather3A_1720 {strides = array<i32>} : memref<8x8x32xf32, #tpu.memory_space<vmem>>, vector<16xf32>,
    %add3A_1727 = arith.constant 47 : i32
    %add3A_1728 = vector.broadcast %add3A_1727 : i32 to vector<16xi32>
    %add3A_1729 = arith.addi %mul3A_1257, %add3A_1728 : vector<16xi32>
    %gather3A_1730 = tpu.vector_load_idx %arg9[%add3A_1729, %and3A_1251] : memref<2048x8xf32, #tpu.memory_space<vmem>>[vector<16xi32>, vector<16xi32>], vector<16xf32>,
    %swap3A_1731 = arith.constant 5 : i32
    %swap3A_1732 = arith.constant 7 : i32
    %swap3A_1733 = arith.index_cast %swap3A_1731 : i32 to index
    %swap3A_1734 = arith.index_cast %swap3A_1732 : i32 to index
    %swap3A_1735 = arith.constant 0 : index
    %swap3A_1736 = tpu.vector_load %arg10[%swap3A_1733, %swap3A_1734, %swap3A_1735] {strides = array<i32>} : memref<8x8x32xf32, #tpu.memory_space<vmem>>, vector<16xf32>,
    tpu.vector_store %arg10[%swap3A_1733, %swap3A_1734, %swap3A_1735], %gather3A_1730 {strides = array<i32>} : memref<8x8x32xf32, #tpu.memory_space<vmem>>, vector<16xf32>,
    %add3A_1737 = arith.constant 48 : i32
    %add3A_1738 = vector.broadcast %add3A_1737 : i32 to vector<16xi32>
    %add3A_1739 = arith.addi %mul3A_1257, %add3A_1738 : vector<16xi32>
    %gather3A_1740 = tpu.vector_load_idx %arg9[%add3A_1739, %and3A_1251] : memref<2048x8xf32, #tpu.memory_space<vmem>>[vector<16xi32>, vector<16xi32>], vector<16xf32>,
    %swap3A_1741 = arith.constant 6 : i32
    %swap3A_1742 = arith.constant 0 : i32
    %swap3A_1743 = arith.index_cast %swap3A_1741 : i32 to index
    %swap3A_1744 = arith.index_cast %swap3A_1742 : i32 to index
    %swap3A_1745 = arith.constant 0 : index
    %swap3A_1746 = tpu.vector_load %arg10[%swap3A_1743, %swap3A_1744, %swap3A_1745] {strides = array<i32>} : memref<8x8x32xf32, #tpu.memory_space<vmem>>, vector<16xf32>,
    tpu.vector_store %arg10[%swap3A_1743, %swap3A_1744, %swap3A_1745], %gather3A_1740 {strides = array<i32>} : memref<8x8x32xf32, #tpu.memory_space<vmem>>, vector<16xf32>,
    %add3A_1747 = arith.constant 49 : i32
    %add3A_1748 = vector.broadcast %add3A_1747 : i32 to vector<16xi32>
    %add3A_1749 = arith.addi %mul3A_1257, %add3A_1748 : vector<16xi32>
    %gather3A_1750 = tpu.vector_load_idx %arg9[%add3A_1749, %and3A_1251] : memref<2048x8xf32, #tpu.memory_space<vmem>>[vector<16xi32>, vector<16xi32>], vector<16xf32>,
    %swap3A_1751 = arith.constant 6 : i32
    %swap3A_1752 = arith.constant 1 : i32
    %swap3A_1753 = arith.index_cast %swap3A_1751 : i32 to index
    %swap3A_1754 = arith.index_cast %swap3A_1752 : i32 to index
    %swap3A_1755 = arith.constant 0 : index
    %swap3A_1756 = tpu.vector_load %arg10[%swap3A_1753, %swap3A_1754, %swap3A_1755] {strides = array<i32>} : memref<8x8x32xf32, #tpu.memory_space<vmem>>, vector<16xf32>,
    tpu.vector_store %arg10[%swap3A_1753, %swap3A_1754, %swap3A_1755], %gather3A_1750 {strides = array<i32>} : memref<8x8x32xf32, #tpu.memory_space<vmem>>, vector<16xf32>,
    %add3A_1757 = arith.constant 50 : i32
    %add3A_1758 = vector.broadcast %add3A_1757 : i32 to vector<16xi32>
    %add3A_1759 = arith.addi %mul3A_1257, %add3A_1758 : vector<16xi32>
    %gather3A_1760 = tpu.vector_load_idx %arg9[%add3A_1759, %and3A_1251] : memref<2048x8xf32, #tpu.memory_space<vmem>>[vector<16xi32>, vector<16xi32>], vector<16xf32>,
    %swap3A_1761 = arith.constant 6 : i32
    %swap3A_1762 = arith.constant 2 : i32
    %swap3A_1763 = arith.index_cast %swap3A_1761 : i32 to index
    %swap3A_1764 = arith.index_cast %swap3A_1762 : i32 to index
    %swap3A_1765 = arith.constant 0 : index
    %swap3A_1766 = tpu.vector_load %arg10[%swap3A_1763, %swap3A_1764, %swap3A_1765] {strides = array<i32>} : memref<8x8x32xf32, #tpu.memory_space<vmem>>, vector<16xf32>,
    tpu.vector_store %arg10[%swap3A_1763, %swap3A_1764, %swap3A_1765], %gather3A_1760 {strides = array<i32>} : memref<8x8x32xf32, #tpu.memory_space<vmem>>, vector<16xf32>,
    %add3A_1767 = arith.constant 51 : i32
    %add3A_1768 = vector.broadcast %add3A_1767 : i32 to vector<16xi32>
    %add3A_1769 = arith.addi %mul3A_1257, %add3A_1768 : vector<16xi32>
    %gather3A_1770 = tpu.vector_load_idx %arg9[%add3A_1769, %and3A_1251] : memref<2048x8xf32, #tpu.memory_space<vmem>>[vector<16xi32>, vector<16xi32>], vector<16xf32>,
    %swap3A_1771 = arith.constant 6 : i32
    %swap3A_1772 = arith.constant 3 : i32
    %swap3A_1773 = arith.index_cast %swap3A_1771 : i32 to index
    %swap3A_1774 = arith.index_cast %swap3A_1772 : i32 to index
    %swap3A_1775 = arith.constant 0 : index
    %swap3A_1776 = tpu.vector_load %arg10[%swap3A_1773, %swap3A_1774, %swap3A_1775] {strides = array<i32>} : memref<8x8x32xf32, #tpu.memory_space<vmem>>, vector<16xf32>,
    tpu.vector_store %arg10[%swap3A_1773, %swap3A_1774, %swap3A_1775], %gather3A_1770 {strides = array<i32>} : memref<8x8x32xf32, #tpu.memory_space<vmem>>, vector<16xf32>,
    %add3A_1777 = arith.constant 52 : i32
    %add3A_1778 = vector.broadcast %add3A_1777 : i32 to vector<16xi32>
    %add3A_1779 = arith.addi %mul3A_1257, %add3A_1778 : vector<16xi32>
    %gather3A_1780 = tpu.vector_load_idx %arg9[%add3A_1779, %and3A_1251] : memref<2048x8xf32, #tpu.memory_space<vmem>>[vector<16xi32>, vector<16xi32>], vector<16xf32>,
    %swap3A_1781 = arith.constant 6 : i32
    %swap3A_1782 = arith.constant 4 : i32
    %swap3A_1783 = arith.index_cast %swap3A_1781 : i32 to index
    %swap3A_1784 = arith.index_cast %swap3A_1782 : i32 to index
    %swap3A_1785 = arith.constant 0 : index
    %swap3A_1786 = tpu.vector_load %arg10[%swap3A_1783, %swap3A_1784, %swap3A_1785] {strides = array<i32>} : memref<8x8x32xf32, #tpu.memory_space<vmem>>, vector<16xf32>,
    tpu.vector_store %arg10[%swap3A_1783, %swap3A_1784, %swap3A_1785], %gather3A_1780 {strides = array<i32>} : memref<8x8x32xf32, #tpu.memory_space<vmem>>, vector<16xf32>,
    %add3A_1787 = arith.constant 53 : i32
    %add3A_1788 = vector.broadcast %add3A_1787 : i32 to vector<16xi32>
    %add3A_1789 = arith.addi %mul3A_1257, %add3A_1788 : vector<16xi32>
    %gather3A_1790 = tpu.vector_load_idx %arg9[%add3A_1789, %and3A_1251] : memref<2048x8xf32, #tpu.memory_space<vmem>>[vector<16xi32>, vector<16xi32>], vector<16xf32>,
    %swap3A_1791 = arith.constant 6 : i32
    %swap3A_1792 = arith.constant 5 : i32
    %swap3A_1793 = arith.index_cast %swap3A_1791 : i32 to index
    %swap3A_1794 = arith.index_cast %swap3A_1792 : i32 to index
    %swap3A_1795 = arith.constant 0 : index
    %swap3A_1796 = tpu.vector_load %arg10[%swap3A_1793, %swap3A_1794, %swap3A_1795] {strides = array<i32>} : memref<8x8x32xf32, #tpu.memory_space<vmem>>, vector<16xf32>,
    tpu.vector_store %arg10[%swap3A_1793, %swap3A_1794, %swap3A_1795], %gather3A_1790 {strides = array<i32>} : memref<8x8x32xf32, #tpu.memory_space<vmem>>, vector<16xf32>,
    %add3A_1797 = arith.constant 54 : i32
    %add3A_1798 = vector.broadcast %add3A_1797 : i32 to vector<16xi32>
    %add3A_1799 = arith.addi %mul3A_1257, %add3A_1798 : vector<16xi32>
    %gather3A_1800 = tpu.vector_load_idx %arg9[%add3A_1799, %and3A_1251] : memref<2048x8xf32, #tpu.memory_space<vmem>>[vector<16xi32>, vector<16xi32>], vector<16xf32>,
    %swap3A_1801 = arith.constant 6 : i32
    %swap3A_1802 = arith.constant 6 : i32
    %swap3A_1803 = arith.index_cast %swap3A_1801 : i32 to index
    %swap3A_1804 = arith.index_cast %swap3A_1802 : i32 to index
    %swap3A_1805 = arith.constant 0 : index
    %swap3A_1806 = tpu.vector_load %arg10[%swap3A_1803, %swap3A_1804, %swap3A_1805] {strides = array<i32>} : memref<8x8x32xf32, #tpu.memory_space<vmem>>, vector<16xf32>,
    tpu.vector_store %arg10[%swap3A_1803, %swap3A_1804, %swap3A_1805], %gather3A_1800 {strides = array<i32>} : memref<8x8x32xf32, #tpu.memory_space<vmem>>, vector<16xf32>,
    %add3A_1807 = arith.constant 55 : i32
    %add3A_1808 = vector.broadcast %add3A_1807 : i32 to vector<16xi32>
    %add3A_1809 = arith.addi %mul3A_1257, %add3A_1808 : vector<16xi32>
    %gather3A_1810 = tpu.vector_load_idx %arg9[%add3A_1809, %and3A_1251] : memref<2048x8xf32, #tpu.memory_space<vmem>>[vector<16xi32>, vector<16xi32>], vector<16xf32>,
    %swap3A_1811 = arith.constant 6 : i32
    %swap3A_1812 = arith.constant 7 : i32
    %swap3A_1813 = arith.index_cast %swap3A_1811 : i32 to index
    %swap3A_1814 = arith.index_cast %swap3A_1812 : i32 to index
    %swap3A_1815 = arith.constant 0 : index
    %swap3A_1816 = tpu.vector_load %arg10[%swap3A_1813, %swap3A_1814, %swap3A_1815] {strides = array<i32>} : memref<8x8x32xf32, #tpu.memory_space<vmem>>, vector<16xf32>,
    tpu.vector_store %arg10[%swap3A_1813, %swap3A_1814, %swap3A_1815], %gather3A_1810 {strides = array<i32>} : memref<8x8x32xf32, #tpu.memory_space<vmem>>, vector<16xf32>,
    %add3A_1817 = arith.constant 56 : i32
    %add3A_1818 = vector.broadcast %add3A_1817 : i32 to vector<16xi32>
    %add3A_1819 = arith.addi %mul3A_1257, %add3A_1818 : vector<16xi32>
    %gather3A_1820 = tpu.vector_load_idx %arg9[%add3A_1819, %and3A_1251] : memref<2048x8xf32, #tpu.memory_space<vmem>>[vector<16xi32>, vector<16xi32>], vector<16xf32>,
    %swap3A_1821 = arith.constant 7 : i32
    %swap3A_1822 = arith.constant 0 : i32
    %swap3A_1823 = arith.index_cast %swap3A_1821 : i32 to index
    %swap3A_1824 = arith.index_cast %swap3A_1822 : i32 to index
    %swap3A_1825 = arith.constant 0 : index
    %swap3A_1826 = tpu.vector_load %arg10[%swap3A_1823, %swap3A_1824, %swap3A_1825] {strides = array<i32>} : memref<8x8x32xf32, #tpu.memory_space<vmem>>, vector<16xf32>,
    tpu.vector_store %arg10[%swap3A_1823, %swap3A_1824, %swap3A_1825], %gather3A_1820 {strides = array<i32>} : memref<8x8x32xf32, #tpu.memory_space<vmem>>, vector<16xf32>,
    %add3A_1827 = arith.constant 57 : i32
    %add3A_1828 = vector.broadcast %add3A_1827 : i32 to vector<16xi32>
    %add3A_1829 = arith.addi %mul3A_1257, %add3A_1828 : vector<16xi32>
    %gather3A_1830 = tpu.vector_load_idx %arg9[%add3A_1829, %and3A_1251] : memref<2048x8xf32, #tpu.memory_space<vmem>>[vector<16xi32>, vector<16xi32>], vector<16xf32>,
    %swap3A_1831 = arith.constant 7 : i32
    %swap3A_1832 = arith.constant 1 : i32
    %swap3A_1833 = arith.index_cast %swap3A_1831 : i32 to index
    %swap3A_1834 = arith.index_cast %swap3A_1832 : i32 to index
    %swap3A_1835 = arith.constant 0 : index
    %swap3A_1836 = tpu.vector_load %arg10[%swap3A_1833, %swap3A_1834, %swap3A_1835] {strides = array<i32>} : memref<8x8x32xf32, #tpu.memory_space<vmem>>, vector<16xf32>,
    tpu.vector_store %arg10[%swap3A_1833, %swap3A_1834, %swap3A_1835], %gather3A_1830 {strides = array<i32>} : memref<8x8x32xf32, #tpu.memory_space<vmem>>, vector<16xf32>,
    %add3A_1837 = arith.constant 58 : i32
    %add3A_1838 = vector.broadcast %add3A_1837 : i32 to vector<16xi32>
    %add3A_1839 = arith.addi %mul3A_1257, %add3A_1838 : vector<16xi32>
    %gather3A_1840 = tpu.vector_load_idx %arg9[%add3A_1839, %and3A_1251] : memref<2048x8xf32, #tpu.memory_space<vmem>>[vector<16xi32>, vector<16xi32>], vector<16xf32>,
    %swap3A_1841 = arith.constant 7 : i32
    %swap3A_1842 = arith.constant 2 : i32
    %swap3A_1843 = arith.index_cast %swap3A_1841 : i32 to index
    %swap3A_1844 = arith.index_cast %swap3A_1842 : i32 to index
    %swap3A_1845 = arith.constant 0 : index
    %swap3A_1846 = tpu.vector_load %arg10[%swap3A_1843, %swap3A_1844, %swap3A_1845] {strides = array<i32>} : memref<8x8x32xf32, #tpu.memory_space<vmem>>, vector<16xf32>,
    tpu.vector_store %arg10[%swap3A_1843, %swap3A_1844, %swap3A_1845], %gather3A_1840 {strides = array<i32>} : memref<8x8x32xf32, #tpu.memory_space<vmem>>, vector<16xf32>,
    %add3A_1847 = arith.constant 59 : i32
    %add3A_1848 = vector.broadcast %add3A_1847 : i32 to vector<16xi32>
    %add3A_1849 = arith.addi %mul3A_1257, %add3A_1848 : vector<16xi32>
    %gather3A_1850 = tpu.vector_load_idx %arg9[%add3A_1849, %and3A_1251] : memref<2048x8xf32, #tpu.memory_space<vmem>>[vector<16xi32>, vector<16xi32>], vector<16xf32>,
    %swap3A_1851 = arith.constant 7 : i32
    %swap3A_1852 = arith.constant 3 : i32
    %swap3A_1853 = arith.index_cast %swap3A_1851 : i32 to index
    %swap3A_1854 = arith.index_cast %swap3A_1852 : i32 to index
    %swap3A_1855 = arith.constant 0 : index
    %swap3A_1856 = tpu.vector_load %arg10[%swap3A_1853, %swap3A_1854, %swap3A_1855] {strides = array<i32>} : memref<8x8x32xf32, #tpu.memory_space<vmem>>, vector<16xf32>,
    tpu.vector_store %arg10[%swap3A_1853, %swap3A_1854, %swap3A_1855], %gather3A_1850 {strides = array<i32>} : memref<8x8x32xf32, #tpu.memory_space<vmem>>, vector<16xf32>,
    %add3A_1857 = arith.constant 60 : i32
    %add3A_1858 = vector.broadcast %add3A_1857 : i32 to vector<16xi32>
    %add3A_1859 = arith.addi %mul3A_1257, %add3A_1858 : vector<16xi32>
    %gather3A_1860 = tpu.vector_load_idx %arg9[%add3A_1859, %and3A_1251] : memref<2048x8xf32, #tpu.memory_space<vmem>>[vector<16xi32>, vector<16xi32>], vector<16xf32>,
    %swap3A_1861 = arith.constant 7 : i32
    %swap3A_1862 = arith.constant 4 : i32
    %swap3A_1863 = arith.index_cast %swap3A_1861 : i32 to index
    %swap3A_1864 = arith.index_cast %swap3A_1862 : i32 to index
    %swap3A_1865 = arith.constant 0 : index
    %swap3A_1866 = tpu.vector_load %arg10[%swap3A_1863, %swap3A_1864, %swap3A_1865] {strides = array<i32>} : memref<8x8x32xf32, #tpu.memory_space<vmem>>, vector<16xf32>,
    tpu.vector_store %arg10[%swap3A_1863, %swap3A_1864, %swap3A_1865], %gather3A_1860 {strides = array<i32>} : memref<8x8x32xf32, #tpu.memory_space<vmem>>, vector<16xf32>,
    %add3A_1867 = arith.constant 61 : i32
    %add3A_1868 = vector.broadcast %add3A_1867 : i32 to vector<16xi32>
    %add3A_1869 = arith.addi %mul3A_1257, %add3A_1868 : vector<16xi32>
    %gather3A_1870 = tpu.vector_load_idx %arg9[%add3A_1869, %and3A_1251] : memref<2048x8xf32, #tpu.memory_space<vmem>>[vector<16xi32>, vector<16xi32>], vector<16xf32>,
    %swap3A_1871 = arith.constant 7 : i32
    %swap3A_1872 = arith.constant 5 : i32
    %swap3A_1873 = arith.index_cast %swap3A_1871 : i32 to index
    %swap3A_1874 = arith.index_cast %swap3A_1872 : i32 to index
    %swap3A_1875 = arith.constant 0 : index
    %swap3A_1876 = tpu.vector_load %arg10[%swap3A_1873, %swap3A_1874, %swap3A_1875] {strides = array<i32>} : memref<8x8x32xf32, #tpu.memory_space<vmem>>, vector<16xf32>,
    tpu.vector_store %arg10[%swap3A_1873, %swap3A_1874, %swap3A_1875], %gather3A_1870 {strides = array<i32>} : memref<8x8x32xf32, #tpu.memory_space<vmem>>, vector<16xf32>,
    %add3A_1877 = arith.constant 62 : i32
    %add3A_1878 = vector.broadcast %add3A_1877 : i32 to vector<16xi32>
    %add3A_1879 = arith.addi %mul3A_1257, %add3A_1878 : vector<16xi32>
    %gather3A_1880 = tpu.vector_load_idx %arg9[%add3A_1879, %and3A_1251] : memref<2048x8xf32, #tpu.memory_space<vmem>>[vector<16xi32>, vector<16xi32>], vector<16xf32>,
    %swap3A_1881 = arith.constant 7 : i32
    %swap3A_1882 = arith.constant 6 : i32
    %swap3A_1883 = arith.index_cast %swap3A_1881 : i32 to index
    %swap3A_1884 = arith.index_cast %swap3A_1882 : i32 to index
    %swap3A_1885 = arith.constant 0 : index
    %swap3A_1886 = tpu.vector_load %arg10[%swap3A_1883, %swap3A_1884, %swap3A_1885] {strides = array<i32>} : memref<8x8x32xf32, #tpu.memory_space<vmem>>, vector<16xf32>,
    tpu.vector_store %arg10[%swap3A_1883, %swap3A_1884, %swap3A_1885], %gather3A_1880 {strides = array<i32>} : memref<8x8x32xf32, #tpu.memory_space<vmem>>, vector<16xf32>,
    %add3A_1887 = arith.constant 63 : i32
    %add3A_1888 = vector.broadcast %add3A_1887 : i32 to vector<16xi32>
    %add3A_1889 = arith.addi %mul3A_1257, %add3A_1888 : vector<16xi32>
    %gather3A_1890 = tpu.vector_load_idx %arg9[%add3A_1889, %and3A_1251] : memref<2048x8xf32, #tpu.memory_space<vmem>>[vector<16xi32>, vector<16xi32>], vector<16xf32>,
    %swap3A_1891 = arith.constant 7 : i32
    %swap3A_1892 = arith.constant 7 : i32
    %swap3A_1893 = arith.index_cast %swap3A_1891 : i32 to index
    %swap3A_1894 = arith.index_cast %swap3A_1892 : i32 to index
    %swap3A_1895 = arith.constant 0 : index
    %swap3A_1896 = tpu.vector_load %arg10[%swap3A_1893, %swap3A_1894, %swap3A_1895] {strides = array<i32>} : memref<8x8x32xf32, #tpu.memory_space<vmem>>, vector<16xf32>,
    tpu.vector_store %arg10[%swap3A_1893, %swap3A_1894, %swap3A_1895], %gather3A_1890 {strides = array<i32>} : memref<8x8x32xf32, #tpu.memory_space<vmem>>, vector<16xf32>,
    %dma_wait3A_1897 = arith.constant 8 : i32
    %dma_wait3A_1898 = arith.constant 1024 : i32
    %dma_wait3A_1899 = arith.constant 0 : i32
    %dma_wait3A_1900 = tpu.memref_slice %arg9[%dma_wait3A_1898, %dma_wait3A_1899] : memref<2048x8xf32, #tpu.memory_space<vmem>> -> memref<128x8xf32, #tpu.memory_space<vmem>>
    %dma_wait3A_1901 = arith.constant 0 : i32
    %dma_wait3A_1902 = tpu.memref_slice %arg8[%dma_wait3A_1897, %dma_wait3A_1901] : memref<16x128xi32, #tpu.memory_space<vmem>> -> memref<1x128xi32, #tpu.memory_space<vmem>>
    %dma_wait3A_1903 = tpu.memref_squeeze %dma_wait3A_1902 : memref<1x128xi32, #tpu.memory_space<vmem>> -> memref<128xi32, #tpu.memory_space<vmem>>
    %dma_wait3A_1904 = arith.constant 0 : i32
    %dma_wait3A_1905 = arith.constant 0 : i32
    %dma_wait3A_1906 = tpu.memref_slice %arg2[%dma_wait3A_1904, %dma_wait3A_1905] : memref<8388608x8xf32, #tpu.memory_space<hbm>> -> memref<8388608x8xf32, #tpu.memory_space<hbm>>
    tpu.wait_indirect_dma semaphore(%arg11 : memref<!tpu.dma_semaphore, #tpu.memory_space<semaphore_mem>>) src(%dma_wait3A_1906 : memref<8388608x8xf32, #tpu.memory_space<hbm>>) dst(%dma_wait3A_1900 : memref<128x8xf32, #tpu.memory_space<vmem>>)
    %dma_wait3A_1907 = arith.constant 9 : i32
    %dma_wait3A_1908 = arith.constant 1152 : i32
    %dma_wait3A_1909 = arith.constant 0 : i32
    %dma_wait3A_1910 = tpu.memref_slice %arg9[%dma_wait3A_1908, %dma_wait3A_1909] : memref<2048x8xf32, #tpu.memory_space<vmem>> -> memref<128x8xf32, #tpu.memory_space<vmem>>
    %dma_wait3A_1911 = arith.constant 0 : i32
    %dma_wait3A_1912 = tpu.memref_slice %arg8[%dma_wait3A_1907, %dma_wait3A_1911] : memref<16x128xi32, #tpu.memory_space<vmem>> -> memref<1x128xi32, #tpu.memory_space<vmem>>
    %dma_wait3A_1913 = tpu.memref_squeeze %dma_wait3A_1912 : memref<1x128xi32, #tpu.memory_space<vmem>> -> memref<128xi32, #tpu.memory_space<vmem>>
    %dma_wait3A_1914 = arith.constant 0 : i32
    %dma_wait3A_1915 = arith.constant 0 : i32
    %dma_wait3A_1916 = tpu.memref_slice %arg2[%dma_wait3A_1914, %dma_wait3A_1915] : memref<8388608x8xf32, #tpu.memory_space<hbm>> -> memref<8388608x8xf32, #tpu.memory_space<hbm>>
    tpu.wait_indirect_dma semaphore(%arg11 : memref<!tpu.dma_semaphore, #tpu.memory_space<semaphore_mem>>) src(%dma_wait3A_1916 : memref<8388608x8xf32, #tpu.memory_space<hbm>>) dst(%dma_wait3A_1910 : memref<128x8xf32, #tpu.memory_space<vmem>>)
    %dma_wait3A_1917 = arith.constant 10 : i32
    %dma_wait3A_1918 = arith.constant 1280 : i32
    %dma_wait3A_1919 = arith.constant 0 : i32
    %dma_wait3A_1920 = tpu.memref_slice %arg9[%dma_wait3A_1918, %dma_wait3A_1919] : memref<2048x8xf32, #tpu.memory_space<vmem>> -> memref<128x8xf32, #tpu.memory_space<vmem>>
    %dma_wait3A_1921 = arith.constant 0 : i32
    %dma_wait3A_1922 = tpu.memref_slice %arg8[%dma_wait3A_1917, %dma_wait3A_1921] : memref<16x128xi32, #tpu.memory_space<vmem>> -> memref<1x128xi32, #tpu.memory_space<vmem>>
    %dma_wait3A_1923 = tpu.memref_squeeze %dma_wait3A_1922 : memref<1x128xi32, #tpu.memory_space<vmem>> -> memref<128xi32, #tpu.memory_space<vmem>>
    %dma_wait3A_1924 = arith.constant 0 : i32
    %dma_wait3A_1925 = arith.constant 0 : i32
    %dma_wait3A_1926 = tpu.memref_slice %arg2[%dma_wait3A_1924, %dma_wait3A_1925] : memref<8388608x8xf32, #tpu.memory_space<hbm>> -> memref<8388608x8xf32, #tpu.memory_space<hbm>>
    tpu.wait_indirect_dma semaphore(%arg11 : memref<!tpu.dma_semaphore, #tpu.memory_space<semaphore_mem>>) src(%dma_wait3A_1926 : memref<8388608x8xf32, #tpu.memory_space<hbm>>) dst(%dma_wait3A_1920 : memref<128x8xf32, #tpu.memory_space<vmem>>)
    %dma_wait3A_1927 = arith.constant 11 : i32
    %dma_wait3A_1928 = arith.constant 1408 : i32
    %dma_wait3A_1929 = arith.constant 0 : i32
    %dma_wait3A_1930 = tpu.memref_slice %arg9[%dma_wait3A_1928, %dma_wait3A_1929] : memref<2048x8xf32, #tpu.memory_space<vmem>> -> memref<128x8xf32, #tpu.memory_space<vmem>>
    %dma_wait3A_1931 = arith.constant 0 : i32
    %dma_wait3A_1932 = tpu.memref_slice %arg8[%dma_wait3A_1927, %dma_wait3A_1931] : memref<16x128xi32, #tpu.memory_space<vmem>> -> memref<1x128xi32, #tpu.memory_space<vmem>>
    %dma_wait3A_1933 = tpu.memref_squeeze %dma_wait3A_1932 : memref<1x128xi32, #tpu.memory_space<vmem>> -> memref<128xi32, #tpu.memory_space<vmem>>
    %dma_wait3A_1934 = arith.constant 0 : i32
    %dma_wait3A_1935 = arith.constant 0 : i32
    %dma_wait3A_1936 = tpu.memref_slice %arg2[%dma_wait3A_1934, %dma_wait3A_1935] : memref<8388608x8xf32, #tpu.memory_space<hbm>> -> memref<8388608x8xf32, #tpu.memory_space<hbm>>
    tpu.wait_indirect_dma semaphore(%arg11 : memref<!tpu.dma_semaphore, #tpu.memory_space<semaphore_mem>>) src(%dma_wait3A_1936 : memref<8388608x8xf32, #tpu.memory_space<hbm>>) dst(%dma_wait3A_1930 : memref<128x8xf32, #tpu.memory_space<vmem>>)
    %dma_wait3A_1937 = arith.constant 12 : i32
    %dma_wait3A_1938 = arith.constant 1536 : i32
    %dma_wait3A_1939 = arith.constant 0 : i32
    %dma_wait3A_1940 = tpu.memref_slice %arg9[%dma_wait3A_1938, %dma_wait3A_1939] : memref<2048x8xf32, #tpu.memory_space<vmem>> -> memref<128x8xf32, #tpu.memory_space<vmem>>
    %dma_wait3A_1941 = arith.constant 0 : i32
    %dma_wait3A_1942 = tpu.memref_slice %arg8[%dma_wait3A_1937, %dma_wait3A_1941] : memref<16x128xi32, #tpu.memory_space<vmem>> -> memref<1x128xi32, #tpu.memory_space<vmem>>
    %dma_wait3A_1943 = tpu.memref_squeeze %dma_wait3A_1942 : memref<1x128xi32, #tpu.memory_space<vmem>> -> memref<128xi32, #tpu.memory_space<vmem>>
    %dma_wait3A_1944 = arith.constant 0 : i32
    %dma_wait3A_1945 = arith.constant 0 : i32
    %dma_wait3A_1946 = tpu.memref_slice %arg2[%dma_wait3A_1944, %dma_wait3A_1945] : memref<8388608x8xf32, #tpu.memory_space<hbm>> -> memref<8388608x8xf32, #tpu.memory_space<hbm>>
    tpu.wait_indirect_dma semaphore(%arg11 : memref<!tpu.dma_semaphore, #tpu.memory_space<semaphore_mem>>) src(%dma_wait3A_1946 : memref<8388608x8xf32, #tpu.memory_space<hbm>>) dst(%dma_wait3A_1940 : memref<128x8xf32, #tpu.memory_space<vmem>>)
    %dma_wait3A_1947 = arith.constant 13 : i32
    %dma_wait3A_1948 = arith.constant 1664 : i32
    %dma_wait3A_1949 = arith.constant 0 : i32
    %dma_wait3A_1950 = tpu.memref_slice %arg9[%dma_wait3A_1948, %dma_wait3A_1949] : memref<2048x8xf32, #tpu.memory_space<vmem>> -> memref<128x8xf32, #tpu.memory_space<vmem>>
    %dma_wait3A_1951 = arith.constant 0 : i32
    %dma_wait3A_1952 = tpu.memref_slice %arg8[%dma_wait3A_1947, %dma_wait3A_1951] : memref<16x128xi32, #tpu.memory_space<vmem>> -> memref<1x128xi32, #tpu.memory_space<vmem>>
    %dma_wait3A_1953 = tpu.memref_squeeze %dma_wait3A_1952 : memref<1x128xi32, #tpu.memory_space<vmem>> -> memref<128xi32, #tpu.memory_space<vmem>>
    %dma_wait3A_1954 = arith.constant 0 : i32
    %dma_wait3A_1955 = arith.constant 0 : i32
    %dma_wait3A_1956 = tpu.memref_slice %arg2[%dma_wait3A_1954, %dma_wait3A_1955] : memref<8388608x8xf32, #tpu.memory_space<hbm>> -> memref<8388608x8xf32, #tpu.memory_space<hbm>>
    tpu.wait_indirect_dma semaphore(%arg11 : memref<!tpu.dma_semaphore, #tpu.memory_space<semaphore_mem>>) src(%dma_wait3A_1956 : memref<8388608x8xf32, #tpu.memory_space<hbm>>) dst(%dma_wait3A_1950 : memref<128x8xf32, #tpu.memory_space<vmem>>)
    %dma_wait3A_1957 = arith.constant 14 : i32
    %dma_wait3A_1958 = arith.constant 1792 : i32
    %dma_wait3A_1959 = arith.constant 0 : i32
    %dma_wait3A_1960 = tpu.memref_slice %arg9[%dma_wait3A_1958, %dma_wait3A_1959] : memref<2048x8xf32, #tpu.memory_space<vmem>> -> memref<128x8xf32, #tpu.memory_space<vmem>>
    %dma_wait3A_1961 = arith.constant 0 : i32
    %dma_wait3A_1962 = tpu.memref_slice %arg8[%dma_wait3A_1957, %dma_wait3A_1961] : memref<16x128xi32, #tpu.memory_space<vmem>> -> memref<1x128xi32, #tpu.memory_space<vmem>>
    %dma_wait3A_1963 = tpu.memref_squeeze %dma_wait3A_1962 : memref<1x128xi32, #tpu.memory_space<vmem>> -> memref<128xi32, #tpu.memory_space<vmem>>
    %dma_wait3A_1964 = arith.constant 0 : i32
    %dma_wait3A_1965 = arith.constant 0 : i32
    %dma_wait3A_1966 = tpu.memref_slice %arg2[%dma_wait3A_1964, %dma_wait3A_1965] : memref<8388608x8xf32, #tpu.memory_space<hbm>> -> memref<8388608x8xf32, #tpu.memory_space<hbm>>
    tpu.wait_indirect_dma semaphore(%arg11 : memref<!tpu.dma_semaphore, #tpu.memory_space<semaphore_mem>>) src(%dma_wait3A_1966 : memref<8388608x8xf32, #tpu.memory_space<hbm>>) dst(%dma_wait3A_1960 : memref<128x8xf32, #tpu.memory_space<vmem>>)
    %dma_wait3A_1967 = arith.constant 15 : i32
    %dma_wait3A_1968 = arith.constant 1920 : i32
    %dma_wait3A_1969 = arith.constant 0 : i32
    %dma_wait3A_1970 = tpu.memref_slice %arg9[%dma_wait3A_1968, %dma_wait3A_1969] : memref<2048x8xf32, #tpu.memory_space<vmem>> -> memref<128x8xf32, #tpu.memory_space<vmem>>
    %dma_wait3A_1971 = arith.constant 0 : i32
    %dma_wait3A_1972 = tpu.memref_slice %arg8[%dma_wait3A_1967, %dma_wait3A_1971] : memref<16x128xi32, #tpu.memory_space<vmem>> -> memref<1x128xi32, #tpu.memory_space<vmem>>
    %dma_wait3A_1973 = tpu.memref_squeeze %dma_wait3A_1972 : memref<1x128xi32, #tpu.memory_space<vmem>> -> memref<128xi32, #tpu.memory_space<vmem>>
    %dma_wait3A_1974 = arith.constant 0 : i32
    %dma_wait3A_1975 = arith.constant 0 : i32
    %dma_wait3A_1976 = tpu.memref_slice %arg2[%dma_wait3A_1974, %dma_wait3A_1975] : memref<8388608x8xf32, #tpu.memory_space<hbm>> -> memref<8388608x8xf32, #tpu.memory_space<hbm>>
    tpu.wait_indirect_dma semaphore(%arg11 : memref<!tpu.dma_semaphore, #tpu.memory_space<semaphore_mem>>) src(%dma_wait3A_1976 : memref<8388608x8xf32, #tpu.memory_space<hbm>>) dst(%dma_wait3A_1970 : memref<128x8xf32, #tpu.memory_space<vmem>>)
    %and3A_1977 = arith.constant 7 : i32
    %and3A_1978 = vector.broadcast %and3A_1977 : i32 to vector<16xi32>
    %and3A_1979 = arith.andi %scan3A_652#1, %and3A_1978 : vector<16xi32>
    %add3A_1980 = arith.constant 16 : i32
    %add3A_1981 = vector.broadcast %add3A_1980 : i32 to vector<16xi32>
    %add3A_1982 = arith.addi %add3A_1981, %iota3A : vector<16xi32>
    %mul3A_1983 = arith.constant 64 : i32
    %mul3A_1984 = vector.broadcast %mul3A_1983 : i32 to vector<16xi32>
    %mul3A_1985 = arith.muli %add3A_1982, %mul3A_1984 : vector<16xi32>
    %add3A_1986 = arith.constant 0 : i32
    %add3A_1987 = vector.broadcast %add3A_1986 : i32 to vector<16xi32>
    %add3A_1988 = arith.addi %mul3A_1985, %add3A_1987 : vector<16xi32>
    %gather3A_1989 = tpu.vector_load_idx %arg9[%add3A_1988, %and3A_1979] : memref<2048x8xf32, #tpu.memory_space<vmem>>[vector<16xi32>, vector<16xi32>], vector<16xf32>,
    %swap3A_1990 = arith.constant 0 : i32
    %swap3A_1991 = arith.constant 0 : i32
    %swap3A_1992 = arith.index_cast %swap3A_1990 : i32 to index
    %swap3A_1993 = arith.index_cast %swap3A_1991 : i32 to index
    %swap3A_1994 = arith.constant 16 : index
    %swap3A_1995 = tpu.vector_load %arg10[%swap3A_1992, %swap3A_1993, %swap3A_1994] {strides = array<i32>} : memref<8x8x32xf32, #tpu.memory_space<vmem>>, vector<16xf32>,
    tpu.vector_store %arg10[%swap3A_1992, %swap3A_1993, %swap3A_1994], %gather3A_1989 {strides = array<i32>} : memref<8x8x32xf32, #tpu.memory_space<vmem>>, vector<16xf32>,
    %add3A_1996 = arith.constant 1 : i32
    %add3A_1997 = vector.broadcast %add3A_1996 : i32 to vector<16xi32>
    %add3A_1998 = arith.addi %mul3A_1985, %add3A_1997 : vector<16xi32>
    %gather3A_1999 = tpu.vector_load_idx %arg9[%add3A_1998, %and3A_1979] : memref<2048x8xf32, #tpu.memory_space<vmem>>[vector<16xi32>, vector<16xi32>], vector<16xf32>,
    %swap3A_2000 = arith.constant 0 : i32
    %swap3A_2001 = arith.constant 1 : i32
    %swap3A_2002 = arith.index_cast %swap3A_2000 : i32 to index
    %swap3A_2003 = arith.index_cast %swap3A_2001 : i32 to index
    %swap3A_2004 = arith.constant 16 : index
    %swap3A_2005 = tpu.vector_load %arg10[%swap3A_2002, %swap3A_2003, %swap3A_2004] {strides = array<i32>} : memref<8x8x32xf32, #tpu.memory_space<vmem>>, vector<16xf32>,
    tpu.vector_store %arg10[%swap3A_2002, %swap3A_2003, %swap3A_2004], %gather3A_1999 {strides = array<i32>} : memref<8x8x32xf32, #tpu.memory_space<vmem>>, vector<16xf32>,
    %add3A_2006 = arith.constant 2 : i32
    %add3A_2007 = vector.broadcast %add3A_2006 : i32 to vector<16xi32>
    %add3A_2008 = arith.addi %mul3A_1985, %add3A_2007 : vector<16xi32>
    %gather3A_2009 = tpu.vector_load_idx %arg9[%add3A_2008, %and3A_1979] : memref<2048x8xf32, #tpu.memory_space<vmem>>[vector<16xi32>, vector<16xi32>], vector<16xf32>,
    %swap3A_2010 = arith.constant 0 : i32
    %swap3A_2011 = arith.constant 2 : i32
    %swap3A_2012 = arith.index_cast %swap3A_2010 : i32 to index
    %swap3A_2013 = arith.index_cast %swap3A_2011 : i32 to index
    %swap3A_2014 = arith.constant 16 : index
    %swap3A_2015 = tpu.vector_load %arg10[%swap3A_2012, %swap3A_2013, %swap3A_2014] {strides = array<i32>} : memref<8x8x32xf32, #tpu.memory_space<vmem>>, vector<16xf32>,
    tpu.vector_store %arg10[%swap3A_2012, %swap3A_2013, %swap3A_2014], %gather3A_2009 {strides = array<i32>} : memref<8x8x32xf32, #tpu.memory_space<vmem>>, vector<16xf32>,
    %add3A_2016 = arith.constant 3 : i32
    %add3A_2017 = vector.broadcast %add3A_2016 : i32 to vector<16xi32>
    %add3A_2018 = arith.addi %mul3A_1985, %add3A_2017 : vector<16xi32>
    %gather3A_2019 = tpu.vector_load_idx %arg9[%add3A_2018, %and3A_1979] : memref<2048x8xf32, #tpu.memory_space<vmem>>[vector<16xi32>, vector<16xi32>], vector<16xf32>,
    %swap3A_2020 = arith.constant 0 : i32
    %swap3A_2021 = arith.constant 3 : i32
    %swap3A_2022 = arith.index_cast %swap3A_2020 : i32 to index
    %swap3A_2023 = arith.index_cast %swap3A_2021 : i32 to index
    %swap3A_2024 = arith.constant 16 : index
    %swap3A_2025 = tpu.vector_load %arg10[%swap3A_2022, %swap3A_2023, %swap3A_2024] {strides = array<i32>} : memref<8x8x32xf32, #tpu.memory_space<vmem>>, vector<16xf32>,
    tpu.vector_store %arg10[%swap3A_2022, %swap3A_2023, %swap3A_2024], %gather3A_2019 {strides = array<i32>} : memref<8x8x32xf32, #tpu.memory_space<vmem>>, vector<16xf32>,
    %add3A_2026 = arith.constant 4 : i32
    %add3A_2027 = vector.broadcast %add3A_2026 : i32 to vector<16xi32>
    %add3A_2028 = arith.addi %mul3A_1985, %add3A_2027 : vector<16xi32>
    %gather3A_2029 = tpu.vector_load_idx %arg9[%add3A_2028, %and3A_1979] : memref<2048x8xf32, #tpu.memory_space<vmem>>[vector<16xi32>, vector<16xi32>], vector<16xf32>,
    %swap3A_2030 = arith.constant 0 : i32
    %swap3A_2031 = arith.constant 4 : i32
    %swap3A_2032 = arith.index_cast %swap3A_2030 : i32 to index
    %swap3A_2033 = arith.index_cast %swap3A_2031 : i32 to index
    %swap3A_2034 = arith.constant 16 : index
    %swap3A_2035 = tpu.vector_load %arg10[%swap3A_2032, %swap3A_2033, %swap3A_2034] {strides = array<i32>} : memref<8x8x32xf32, #tpu.memory_space<vmem>>, vector<16xf32>,
    tpu.vector_store %arg10[%swap3A_2032, %swap3A_2033, %swap3A_2034], %gather3A_2029 {strides = array<i32>} : memref<8x8x32xf32, #tpu.memory_space<vmem>>, vector<16xf32>,
    %add3A_2036 = arith.constant 5 : i32
    %add3A_2037 = vector.broadcast %add3A_2036 : i32 to vector<16xi32>
    %add3A_2038 = arith.addi %mul3A_1985, %add3A_2037 : vector<16xi32>
    %gather3A_2039 = tpu.vector_load_idx %arg9[%add3A_2038, %and3A_1979] : memref<2048x8xf32, #tpu.memory_space<vmem>>[vector<16xi32>, vector<16xi32>], vector<16xf32>,
    %swap3A_2040 = arith.constant 0 : i32
    %swap3A_2041 = arith.constant 5 : i32
    %swap3A_2042 = arith.index_cast %swap3A_2040 : i32 to index
    %swap3A_2043 = arith.index_cast %swap3A_2041 : i32 to index
    %swap3A_2044 = arith.constant 16 : index
    %swap3A_2045 = tpu.vector_load %arg10[%swap3A_2042, %swap3A_2043, %swap3A_2044] {strides = array<i32>} : memref<8x8x32xf32, #tpu.memory_space<vmem>>, vector<16xf32>,
    tpu.vector_store %arg10[%swap3A_2042, %swap3A_2043, %swap3A_2044], %gather3A_2039 {strides = array<i32>} : memref<8x8x32xf32, #tpu.memory_space<vmem>>, vector<16xf32>,
    %add3A_2046 = arith.constant 6 : i32
    %add3A_2047 = vector.broadcast %add3A_2046 : i32 to vector<16xi32>
    %add3A_2048 = arith.addi %mul3A_1985, %add3A_2047 : vector<16xi32>
    %gather3A_2049 = tpu.vector_load_idx %arg9[%add3A_2048, %and3A_1979] : memref<2048x8xf32, #tpu.memory_space<vmem>>[vector<16xi32>, vector<16xi32>], vector<16xf32>,
    %swap3A_2050 = arith.constant 0 : i32
    %swap3A_2051 = arith.constant 6 : i32
    %swap3A_2052 = arith.index_cast %swap3A_2050 : i32 to index
    %swap3A_2053 = arith.index_cast %swap3A_2051 : i32 to index
    %swap3A_2054 = arith.constant 16 : index
    %swap3A_2055 = tpu.vector_load %arg10[%swap3A_2052, %swap3A_2053, %swap3A_2054] {strides = array<i32>} : memref<8x8x32xf32, #tpu.memory_space<vmem>>, vector<16xf32>,
    tpu.vector_store %arg10[%swap3A_2052, %swap3A_2053, %swap3A_2054], %gather3A_2049 {strides = array<i32>} : memref<8x8x32xf32, #tpu.memory_space<vmem>>, vector<16xf32>,
    %add3A_2056 = arith.constant 7 : i32
    %add3A_2057 = vector.broadcast %add3A_2056 : i32 to vector<16xi32>
    %add3A_2058 = arith.addi %mul3A_1985, %add3A_2057 : vector<16xi32>
    %gather3A_2059 = tpu.vector_load_idx %arg9[%add3A_2058, %and3A_1979] : memref<2048x8xf32, #tpu.memory_space<vmem>>[vector<16xi32>, vector<16xi32>], vector<16xf32>,
    %swap3A_2060 = arith.constant 0 : i32
    %swap3A_2061 = arith.constant 7 : i32
    %swap3A_2062 = arith.index_cast %swap3A_2060 : i32 to index
    %swap3A_2063 = arith.index_cast %swap3A_2061 : i32 to index
    %swap3A_2064 = arith.constant 16 : index
    %swap3A_2065 = tpu.vector_load %arg10[%swap3A_2062, %swap3A_2063, %swap3A_2064] {strides = array<i32>} : memref<8x8x32xf32, #tpu.memory_space<vmem>>, vector<16xf32>,
    tpu.vector_store %arg10[%swap3A_2062, %swap3A_2063, %swap3A_2064], %gather3A_2059 {strides = array<i32>} : memref<8x8x32xf32, #tpu.memory_space<vmem>>, vector<16xf32>,
    %add3A_2066 = arith.constant 8 : i32
    %add3A_2067 = vector.broadcast %add3A_2066 : i32 to vector<16xi32>
    %add3A_2068 = arith.addi %mul3A_1985, %add3A_2067 : vector<16xi32>
    %gather3A_2069 = tpu.vector_load_idx %arg9[%add3A_2068, %and3A_1979] : memref<2048x8xf32, #tpu.memory_space<vmem>>[vector<16xi32>, vector<16xi32>], vector<16xf32>,
    %swap3A_2070 = arith.constant 1 : i32
    %swap3A_2071 = arith.constant 0 : i32
    %swap3A_2072 = arith.index_cast %swap3A_2070 : i32 to index
    %swap3A_2073 = arith.index_cast %swap3A_2071 : i32 to index
    %swap3A_2074 = arith.constant 16 : index
    %swap3A_2075 = tpu.vector_load %arg10[%swap3A_2072, %swap3A_2073, %swap3A_2074] {strides = array<i32>} : memref<8x8x32xf32, #tpu.memory_space<vmem>>, vector<16xf32>,
    tpu.vector_store %arg10[%swap3A_2072, %swap3A_2073, %swap3A_2074], %gather3A_2069 {strides = array<i32>} : memref<8x8x32xf32, #tpu.memory_space<vmem>>, vector<16xf32>,
    %add3A_2076 = arith.constant 9 : i32
    %add3A_2077 = vector.broadcast %add3A_2076 : i32 to vector<16xi32>
    %add3A_2078 = arith.addi %mul3A_1985, %add3A_2077 : vector<16xi32>
    %gather3A_2079 = tpu.vector_load_idx %arg9[%add3A_2078, %and3A_1979] : memref<2048x8xf32, #tpu.memory_space<vmem>>[vector<16xi32>, vector<16xi32>], vector<16xf32>,
    %swap3A_2080 = arith.constant 1 : i32
    %swap3A_2081 = arith.constant 1 : i32
    %swap3A_2082 = arith.index_cast %swap3A_2080 : i32 to index
    %swap3A_2083 = arith.index_cast %swap3A_2081 : i32 to index
    %swap3A_2084 = arith.constant 16 : index
    %swap3A_2085 = tpu.vector_load %arg10[%swap3A_2082, %swap3A_2083, %swap3A_2084] {strides = array<i32>} : memref<8x8x32xf32, #tpu.memory_space<vmem>>, vector<16xf32>,
    tpu.vector_store %arg10[%swap3A_2082, %swap3A_2083, %swap3A_2084], %gather3A_2079 {strides = array<i32>} : memref<8x8x32xf32, #tpu.memory_space<vmem>>, vector<16xf32>,
    %add3A_2086 = arith.constant 10 : i32
    %add3A_2087 = vector.broadcast %add3A_2086 : i32 to vector<16xi32>
    %add3A_2088 = arith.addi %mul3A_1985, %add3A_2087 : vector<16xi32>
    %gather3A_2089 = tpu.vector_load_idx %arg9[%add3A_2088, %and3A_1979] : memref<2048x8xf32, #tpu.memory_space<vmem>>[vector<16xi32>, vector<16xi32>], vector<16xf32>,
    %swap3A_2090 = arith.constant 1 : i32
    %swap3A_2091 = arith.constant 2 : i32
    %swap3A_2092 = arith.index_cast %swap3A_2090 : i32 to index
    %swap3A_2093 = arith.index_cast %swap3A_2091 : i32 to index
    %swap3A_2094 = arith.constant 16 : index
    %swap3A_2095 = tpu.vector_load %arg10[%swap3A_2092, %swap3A_2093, %swap3A_2094] {strides = array<i32>} : memref<8x8x32xf32, #tpu.memory_space<vmem>>, vector<16xf32>,
    tpu.vector_store %arg10[%swap3A_2092, %swap3A_2093, %swap3A_2094], %gather3A_2089 {strides = array<i32>} : memref<8x8x32xf32, #tpu.memory_space<vmem>>, vector<16xf32>,
    %add3A_2096 = arith.constant 11 : i32
    %add3A_2097 = vector.broadcast %add3A_2096 : i32 to vector<16xi32>
    %add3A_2098 = arith.addi %mul3A_1985, %add3A_2097 : vector<16xi32>
    %gather3A_2099 = tpu.vector_load_idx %arg9[%add3A_2098, %and3A_1979] : memref<2048x8xf32, #tpu.memory_space<vmem>>[vector<16xi32>, vector<16xi32>], vector<16xf32>,
    %swap3A_2100 = arith.constant 1 : i32
    %swap3A_2101 = arith.constant 3 : i32
    %swap3A_2102 = arith.index_cast %swap3A_2100 : i32 to index
    %swap3A_2103 = arith.index_cast %swap3A_2101 : i32 to index
    %swap3A_2104 = arith.constant 16 : index
    %swap3A_2105 = tpu.vector_load %arg10[%swap3A_2102, %swap3A_2103, %swap3A_2104] {strides = array<i32>} : memref<8x8x32xf32, #tpu.memory_space<vmem>>, vector<16xf32>,
    tpu.vector_store %arg10[%swap3A_2102, %swap3A_2103, %swap3A_2104], %gather3A_2099 {strides = array<i32>} : memref<8x8x32xf32, #tpu.memory_space<vmem>>, vector<16xf32>,
    %add3A_2106 = arith.constant 12 : i32
    %add3A_2107 = vector.broadcast %add3A_2106 : i32 to vector<16xi32>
    %add3A_2108 = arith.addi %mul3A_1985, %add3A_2107 : vector<16xi32>
    %gather3A_2109 = tpu.vector_load_idx %arg9[%add3A_2108, %and3A_1979] : memref<2048x8xf32, #tpu.memory_space<vmem>>[vector<16xi32>, vector<16xi32>], vector<16xf32>,
    %swap3A_2110 = arith.constant 1 : i32
    %swap3A_2111 = arith.constant 4 : i32
    %swap3A_2112 = arith.index_cast %swap3A_2110 : i32 to index
    %swap3A_2113 = arith.index_cast %swap3A_2111 : i32 to index
    %swap3A_2114 = arith.constant 16 : index
    %swap3A_2115 = tpu.vector_load %arg10[%swap3A_2112, %swap3A_2113, %swap3A_2114] {strides = array<i32>} : memref<8x8x32xf32, #tpu.memory_space<vmem>>, vector<16xf32>,
    tpu.vector_store %arg10[%swap3A_2112, %swap3A_2113, %swap3A_2114], %gather3A_2109 {strides = array<i32>} : memref<8x8x32xf32, #tpu.memory_space<vmem>>, vector<16xf32>,
    %add3A_2116 = arith.constant 13 : i32
    %add3A_2117 = vector.broadcast %add3A_2116 : i32 to vector<16xi32>
    %add3A_2118 = arith.addi %mul3A_1985, %add3A_2117 : vector<16xi32>
    %gather3A_2119 = tpu.vector_load_idx %arg9[%add3A_2118, %and3A_1979] : memref<2048x8xf32, #tpu.memory_space<vmem>>[vector<16xi32>, vector<16xi32>], vector<16xf32>,
    %swap3A_2120 = arith.constant 1 : i32
    %swap3A_2121 = arith.constant 5 : i32
    %swap3A_2122 = arith.index_cast %swap3A_2120 : i32 to index
    %swap3A_2123 = arith.index_cast %swap3A_2121 : i32 to index
    %swap3A_2124 = arith.constant 16 : index
    %swap3A_2125 = tpu.vector_load %arg10[%swap3A_2122, %swap3A_2123, %swap3A_2124] {strides = array<i32>} : memref<8x8x32xf32, #tpu.memory_space<vmem>>, vector<16xf32>,
    tpu.vector_store %arg10[%swap3A_2122, %swap3A_2123, %swap3A_2124], %gather3A_2119 {strides = array<i32>} : memref<8x8x32xf32, #tpu.memory_space<vmem>>, vector<16xf32>,
    %add3A_2126 = arith.constant 14 : i32
    %add3A_2127 = vector.broadcast %add3A_2126 : i32 to vector<16xi32>
    %add3A_2128 = arith.addi %mul3A_1985, %add3A_2127 : vector<16xi32>
    %gather3A_2129 = tpu.vector_load_idx %arg9[%add3A_2128, %and3A_1979] : memref<2048x8xf32, #tpu.memory_space<vmem>>[vector<16xi32>, vector<16xi32>], vector<16xf32>,
    %swap3A_2130 = arith.constant 1 : i32
    %swap3A_2131 = arith.constant 6 : i32
    %swap3A_2132 = arith.index_cast %swap3A_2130 : i32 to index
    %swap3A_2133 = arith.index_cast %swap3A_2131 : i32 to index
    %swap3A_2134 = arith.constant 16 : index
    %swap3A_2135 = tpu.vector_load %arg10[%swap3A_2132, %swap3A_2133, %swap3A_2134] {strides = array<i32>} : memref<8x8x32xf32, #tpu.memory_space<vmem>>, vector<16xf32>,
    tpu.vector_store %arg10[%swap3A_2132, %swap3A_2133, %swap3A_2134], %gather3A_2129 {strides = array<i32>} : memref<8x8x32xf32, #tpu.memory_space<vmem>>, vector<16xf32>,
    %add3A_2136 = arith.constant 15 : i32
    %add3A_2137 = vector.broadcast %add3A_2136 : i32 to vector<16xi32>
    %add3A_2138 = arith.addi %mul3A_1985, %add3A_2137 : vector<16xi32>
    %gather3A_2139 = tpu.vector_load_idx %arg9[%add3A_2138, %and3A_1979] : memref<2048x8xf32, #tpu.memory_space<vmem>>[vector<16xi32>, vector<16xi32>], vector<16xf32>,
    %swap3A_2140 = arith.constant 1 : i32
    %swap3A_2141 = arith.constant 7 : i32
    %swap3A_2142 = arith.index_cast %swap3A_2140 : i32 to index
    %swap3A_2143 = arith.index_cast %swap3A_2141 : i32 to index
    %swap3A_2144 = arith.constant 16 : index
    %swap3A_2145 = tpu.vector_load %arg10[%swap3A_2142, %swap3A_2143, %swap3A_2144] {strides = array<i32>} : memref<8x8x32xf32, #tpu.memory_space<vmem>>, vector<16xf32>,
    tpu.vector_store %arg10[%swap3A_2142, %swap3A_2143, %swap3A_2144], %gather3A_2139 {strides = array<i32>} : memref<8x8x32xf32, #tpu.memory_space<vmem>>, vector<16xf32>,
    %add3A_2146 = arith.constant 16 : i32
    %add3A_2147 = vector.broadcast %add3A_2146 : i32 to vector<16xi32>
    %add3A_2148 = arith.addi %mul3A_1985, %add3A_2147 : vector<16xi32>
    %gather3A_2149 = tpu.vector_load_idx %arg9[%add3A_2148, %and3A_1979] : memref<2048x8xf32, #tpu.memory_space<vmem>>[vector<16xi32>, vector<16xi32>], vector<16xf32>,
    %swap3A_2150 = arith.constant 2 : i32
    %swap3A_2151 = arith.constant 0 : i32
    %swap3A_2152 = arith.index_cast %swap3A_2150 : i32 to index
    %swap3A_2153 = arith.index_cast %swap3A_2151 : i32 to index
    %swap3A_2154 = arith.constant 16 : index
    %swap3A_2155 = tpu.vector_load %arg10[%swap3A_2152, %swap3A_2153, %swap3A_2154] {strides = array<i32>} : memref<8x8x32xf32, #tpu.memory_space<vmem>>, vector<16xf32>,
    tpu.vector_store %arg10[%swap3A_2152, %swap3A_2153, %swap3A_2154], %gather3A_2149 {strides = array<i32>} : memref<8x8x32xf32, #tpu.memory_space<vmem>>, vector<16xf32>,
    %add3A_2156 = arith.constant 17 : i32
    %add3A_2157 = vector.broadcast %add3A_2156 : i32 to vector<16xi32>
    %add3A_2158 = arith.addi %mul3A_1985, %add3A_2157 : vector<16xi32>
    %gather3A_2159 = tpu.vector_load_idx %arg9[%add3A_2158, %and3A_1979] : memref<2048x8xf32, #tpu.memory_space<vmem>>[vector<16xi32>, vector<16xi32>], vector<16xf32>,
    %swap3A_2160 = arith.constant 2 : i32
    %swap3A_2161 = arith.constant 1 : i32
    %swap3A_2162 = arith.index_cast %swap3A_2160 : i32 to index
    %swap3A_2163 = arith.index_cast %swap3A_2161 : i32 to index
    %swap3A_2164 = arith.constant 16 : index
    %swap3A_2165 = tpu.vector_load %arg10[%swap3A_2162, %swap3A_2163, %swap3A_2164] {strides = array<i32>} : memref<8x8x32xf32, #tpu.memory_space<vmem>>, vector<16xf32>,
    tpu.vector_store %arg10[%swap3A_2162, %swap3A_2163, %swap3A_2164], %gather3A_2159 {strides = array<i32>} : memref<8x8x32xf32, #tpu.memory_space<vmem>>, vector<16xf32>,
    %add3A_2166 = arith.constant 18 : i32
    %add3A_2167 = vector.broadcast %add3A_2166 : i32 to vector<16xi32>
    %add3A_2168 = arith.addi %mul3A_1985, %add3A_2167 : vector<16xi32>
    %gather3A_2169 = tpu.vector_load_idx %arg9[%add3A_2168, %and3A_1979] : memref<2048x8xf32, #tpu.memory_space<vmem>>[vector<16xi32>, vector<16xi32>], vector<16xf32>,
    %swap3A_2170 = arith.constant 2 : i32
    %swap3A_2171 = arith.constant 2 : i32
    %swap3A_2172 = arith.index_cast %swap3A_2170 : i32 to index
    %swap3A_2173 = arith.index_cast %swap3A_2171 : i32 to index
    %swap3A_2174 = arith.constant 16 : index
    %swap3A_2175 = tpu.vector_load %arg10[%swap3A_2172, %swap3A_2173, %swap3A_2174] {strides = array<i32>} : memref<8x8x32xf32, #tpu.memory_space<vmem>>, vector<16xf32>,
    tpu.vector_store %arg10[%swap3A_2172, %swap3A_2173, %swap3A_2174], %gather3A_2169 {strides = array<i32>} : memref<8x8x32xf32, #tpu.memory_space<vmem>>, vector<16xf32>,
    %add3A_2176 = arith.constant 19 : i32
    %add3A_2177 = vector.broadcast %add3A_2176 : i32 to vector<16xi32>
    %add3A_2178 = arith.addi %mul3A_1985, %add3A_2177 : vector<16xi32>
    %gather3A_2179 = tpu.vector_load_idx %arg9[%add3A_2178, %and3A_1979] : memref<2048x8xf32, #tpu.memory_space<vmem>>[vector<16xi32>, vector<16xi32>], vector<16xf32>,
    %swap3A_2180 = arith.constant 2 : i32
    %swap3A_2181 = arith.constant 3 : i32
    %swap3A_2182 = arith.index_cast %swap3A_2180 : i32 to index
    %swap3A_2183 = arith.index_cast %swap3A_2181 : i32 to index
    %swap3A_2184 = arith.constant 16 : index
    %swap3A_2185 = tpu.vector_load %arg10[%swap3A_2182, %swap3A_2183, %swap3A_2184] {strides = array<i32>} : memref<8x8x32xf32, #tpu.memory_space<vmem>>, vector<16xf32>,
    tpu.vector_store %arg10[%swap3A_2182, %swap3A_2183, %swap3A_2184], %gather3A_2179 {strides = array<i32>} : memref<8x8x32xf32, #tpu.memory_space<vmem>>, vector<16xf32>,
    %add3A_2186 = arith.constant 20 : i32
    %add3A_2187 = vector.broadcast %add3A_2186 : i32 to vector<16xi32>
    %add3A_2188 = arith.addi %mul3A_1985, %add3A_2187 : vector<16xi32>
    %gather3A_2189 = tpu.vector_load_idx %arg9[%add3A_2188, %and3A_1979] : memref<2048x8xf32, #tpu.memory_space<vmem>>[vector<16xi32>, vector<16xi32>], vector<16xf32>,
    %swap3A_2190 = arith.constant 2 : i32
    %swap3A_2191 = arith.constant 4 : i32
    %swap3A_2192 = arith.index_cast %swap3A_2190 : i32 to index
    %swap3A_2193 = arith.index_cast %swap3A_2191 : i32 to index
    %swap3A_2194 = arith.constant 16 : index
    %swap3A_2195 = tpu.vector_load %arg10[%swap3A_2192, %swap3A_2193, %swap3A_2194] {strides = array<i32>} : memref<8x8x32xf32, #tpu.memory_space<vmem>>, vector<16xf32>,
    tpu.vector_store %arg10[%swap3A_2192, %swap3A_2193, %swap3A_2194], %gather3A_2189 {strides = array<i32>} : memref<8x8x32xf32, #tpu.memory_space<vmem>>, vector<16xf32>,
    %add3A_2196 = arith.constant 21 : i32
    %add3A_2197 = vector.broadcast %add3A_2196 : i32 to vector<16xi32>
    %add3A_2198 = arith.addi %mul3A_1985, %add3A_2197 : vector<16xi32>
    %gather3A_2199 = tpu.vector_load_idx %arg9[%add3A_2198, %and3A_1979] : memref<2048x8xf32, #tpu.memory_space<vmem>>[vector<16xi32>, vector<16xi32>], vector<16xf32>,
    %swap3A_2200 = arith.constant 2 : i32
    %swap3A_2201 = arith.constant 5 : i32
    %swap3A_2202 = arith.index_cast %swap3A_2200 : i32 to index
    %swap3A_2203 = arith.index_cast %swap3A_2201 : i32 to index
    %swap3A_2204 = arith.constant 16 : index
    %swap3A_2205 = tpu.vector_load %arg10[%swap3A_2202, %swap3A_2203, %swap3A_2204] {strides = array<i32>} : memref<8x8x32xf32, #tpu.memory_space<vmem>>, vector<16xf32>,
    tpu.vector_store %arg10[%swap3A_2202, %swap3A_2203, %swap3A_2204], %gather3A_2199 {strides = array<i32>} : memref<8x8x32xf32, #tpu.memory_space<vmem>>, vector<16xf32>,
    %add3A_2206 = arith.constant 22 : i32
    %add3A_2207 = vector.broadcast %add3A_2206 : i32 to vector<16xi32>
    %add3A_2208 = arith.addi %mul3A_1985, %add3A_2207 : vector<16xi32>
    %gather3A_2209 = tpu.vector_load_idx %arg9[%add3A_2208, %and3A_1979] : memref<2048x8xf32, #tpu.memory_space<vmem>>[vector<16xi32>, vector<16xi32>], vector<16xf32>,
    %swap3A_2210 = arith.constant 2 : i32
    %swap3A_2211 = arith.constant 6 : i32
    %swap3A_2212 = arith.index_cast %swap3A_2210 : i32 to index
    %swap3A_2213 = arith.index_cast %swap3A_2211 : i32 to index
    %swap3A_2214 = arith.constant 16 : index
    %swap3A_2215 = tpu.vector_load %arg10[%swap3A_2212, %swap3A_2213, %swap3A_2214] {strides = array<i32>} : memref<8x8x32xf32, #tpu.memory_space<vmem>>, vector<16xf32>,
    tpu.vector_store %arg10[%swap3A_2212, %swap3A_2213, %swap3A_2214], %gather3A_2209 {strides = array<i32>} : memref<8x8x32xf32, #tpu.memory_space<vmem>>, vector<16xf32>,
    %add3A_2216 = arith.constant 23 : i32
    %add3A_2217 = vector.broadcast %add3A_2216 : i32 to vector<16xi32>
    %add3A_2218 = arith.addi %mul3A_1985, %add3A_2217 : vector<16xi32>
    %gather3A_2219 = tpu.vector_load_idx %arg9[%add3A_2218, %and3A_1979] : memref<2048x8xf32, #tpu.memory_space<vmem>>[vector<16xi32>, vector<16xi32>], vector<16xf32>,
    %swap3A_2220 = arith.constant 2 : i32
    %swap3A_2221 = arith.constant 7 : i32
    %swap3A_2222 = arith.index_cast %swap3A_2220 : i32 to index
    %swap3A_2223 = arith.index_cast %swap3A_2221 : i32 to index
    %swap3A_2224 = arith.constant 16 : index
    %swap3A_2225 = tpu.vector_load %arg10[%swap3A_2222, %swap3A_2223, %swap3A_2224] {strides = array<i32>} : memref<8x8x32xf32, #tpu.memory_space<vmem>>, vector<16xf32>,
    tpu.vector_store %arg10[%swap3A_2222, %swap3A_2223, %swap3A_2224], %gather3A_2219 {strides = array<i32>} : memref<8x8x32xf32, #tpu.memory_space<vmem>>, vector<16xf32>,
    %add3A_2226 = arith.constant 24 : i32
    %add3A_2227 = vector.broadcast %add3A_2226 : i32 to vector<16xi32>
    %add3A_2228 = arith.addi %mul3A_1985, %add3A_2227 : vector<16xi32>
    %gather3A_2229 = tpu.vector_load_idx %arg9[%add3A_2228, %and3A_1979] : memref<2048x8xf32, #tpu.memory_space<vmem>>[vector<16xi32>, vector<16xi32>], vector<16xf32>,
    %swap3A_2230 = arith.constant 3 : i32
    %swap3A_2231 = arith.constant 0 : i32
    %swap3A_2232 = arith.index_cast %swap3A_2230 : i32 to index
    %swap3A_2233 = arith.index_cast %swap3A_2231 : i32 to index
    %swap3A_2234 = arith.constant 16 : index
    %swap3A_2235 = tpu.vector_load %arg10[%swap3A_2232, %swap3A_2233, %swap3A_2234] {strides = array<i32>} : memref<8x8x32xf32, #tpu.memory_space<vmem>>, vector<16xf32>,
    tpu.vector_store %arg10[%swap3A_2232, %swap3A_2233, %swap3A_2234], %gather3A_2229 {strides = array<i32>} : memref<8x8x32xf32, #tpu.memory_space<vmem>>, vector<16xf32>,
    %add3A_2236 = arith.constant 25 : i32
    %add3A_2237 = vector.broadcast %add3A_2236 : i32 to vector<16xi32>
    %add3A_2238 = arith.addi %mul3A_1985, %add3A_2237 : vector<16xi32>
    %gather3A_2239 = tpu.vector_load_idx %arg9[%add3A_2238, %and3A_1979] : memref<2048x8xf32, #tpu.memory_space<vmem>>[vector<16xi32>, vector<16xi32>], vector<16xf32>,
    %swap3A_2240 = arith.constant 3 : i32
    %swap3A_2241 = arith.constant 1 : i32
    %swap3A_2242 = arith.index_cast %swap3A_2240 : i32 to index
    %swap3A_2243 = arith.index_cast %swap3A_2241 : i32 to index
    %swap3A_2244 = arith.constant 16 : index
    %swap3A_2245 = tpu.vector_load %arg10[%swap3A_2242, %swap3A_2243, %swap3A_2244] {strides = array<i32>} : memref<8x8x32xf32, #tpu.memory_space<vmem>>, vector<16xf32>,
    tpu.vector_store %arg10[%swap3A_2242, %swap3A_2243, %swap3A_2244], %gather3A_2239 {strides = array<i32>} : memref<8x8x32xf32, #tpu.memory_space<vmem>>, vector<16xf32>,
    %add3A_2246 = arith.constant 26 : i32
    %add3A_2247 = vector.broadcast %add3A_2246 : i32 to vector<16xi32>
    %add3A_2248 = arith.addi %mul3A_1985, %add3A_2247 : vector<16xi32>
    %gather3A_2249 = tpu.vector_load_idx %arg9[%add3A_2248, %and3A_1979] : memref<2048x8xf32, #tpu.memory_space<vmem>>[vector<16xi32>, vector<16xi32>], vector<16xf32>,
    %swap3A_2250 = arith.constant 3 : i32
    %swap3A_2251 = arith.constant 2 : i32
    %swap3A_2252 = arith.index_cast %swap3A_2250 : i32 to index
    %swap3A_2253 = arith.index_cast %swap3A_2251 : i32 to index
    %swap3A_2254 = arith.constant 16 : index
    %swap3A_2255 = tpu.vector_load %arg10[%swap3A_2252, %swap3A_2253, %swap3A_2254] {strides = array<i32>} : memref<8x8x32xf32, #tpu.memory_space<vmem>>, vector<16xf32>,
    tpu.vector_store %arg10[%swap3A_2252, %swap3A_2253, %swap3A_2254], %gather3A_2249 {strides = array<i32>} : memref<8x8x32xf32, #tpu.memory_space<vmem>>, vector<16xf32>,
    %add3A_2256 = arith.constant 27 : i32
    %add3A_2257 = vector.broadcast %add3A_2256 : i32 to vector<16xi32>
    %add3A_2258 = arith.addi %mul3A_1985, %add3A_2257 : vector<16xi32>
    %gather3A_2259 = tpu.vector_load_idx %arg9[%add3A_2258, %and3A_1979] : memref<2048x8xf32, #tpu.memory_space<vmem>>[vector<16xi32>, vector<16xi32>], vector<16xf32>,
    %swap3A_2260 = arith.constant 3 : i32
    %swap3A_2261 = arith.constant 3 : i32
    %swap3A_2262 = arith.index_cast %swap3A_2260 : i32 to index
    %swap3A_2263 = arith.index_cast %swap3A_2261 : i32 to index
    %swap3A_2264 = arith.constant 16 : index
    %swap3A_2265 = tpu.vector_load %arg10[%swap3A_2262, %swap3A_2263, %swap3A_2264] {strides = array<i32>} : memref<8x8x32xf32, #tpu.memory_space<vmem>>, vector<16xf32>,
    tpu.vector_store %arg10[%swap3A_2262, %swap3A_2263, %swap3A_2264], %gather3A_2259 {strides = array<i32>} : memref<8x8x32xf32, #tpu.memory_space<vmem>>, vector<16xf32>,
    %add3A_2266 = arith.constant 28 : i32
    %add3A_2267 = vector.broadcast %add3A_2266 : i32 to vector<16xi32>
    %add3A_2268 = arith.addi %mul3A_1985, %add3A_2267 : vector<16xi32>
    %gather3A_2269 = tpu.vector_load_idx %arg9[%add3A_2268, %and3A_1979] : memref<2048x8xf32, #tpu.memory_space<vmem>>[vector<16xi32>, vector<16xi32>], vector<16xf32>,
    %swap3A_2270 = arith.constant 3 : i32
    %swap3A_2271 = arith.constant 4 : i32
    %swap3A_2272 = arith.index_cast %swap3A_2270 : i32 to index
    %swap3A_2273 = arith.index_cast %swap3A_2271 : i32 to index
    %swap3A_2274 = arith.constant 16 : index
    %swap3A_2275 = tpu.vector_load %arg10[%swap3A_2272, %swap3A_2273, %swap3A_2274] {strides = array<i32>} : memref<8x8x32xf32, #tpu.memory_space<vmem>>, vector<16xf32>,
    tpu.vector_store %arg10[%swap3A_2272, %swap3A_2273, %swap3A_2274], %gather3A_2269 {strides = array<i32>} : memref<8x8x32xf32, #tpu.memory_space<vmem>>, vector<16xf32>,
    %add3A_2276 = arith.constant 29 : i32
    %add3A_2277 = vector.broadcast %add3A_2276 : i32 to vector<16xi32>
    %add3A_2278 = arith.addi %mul3A_1985, %add3A_2277 : vector<16xi32>
    %gather3A_2279 = tpu.vector_load_idx %arg9[%add3A_2278, %and3A_1979] : memref<2048x8xf32, #tpu.memory_space<vmem>>[vector<16xi32>, vector<16xi32>], vector<16xf32>,
    %swap3A_2280 = arith.constant 3 : i32
    %swap3A_2281 = arith.constant 5 : i32
    %swap3A_2282 = arith.index_cast %swap3A_2280 : i32 to index
    %swap3A_2283 = arith.index_cast %swap3A_2281 : i32 to index
    %swap3A_2284 = arith.constant 16 : index
    %swap3A_2285 = tpu.vector_load %arg10[%swap3A_2282, %swap3A_2283, %swap3A_2284] {strides = array<i32>} : memref<8x8x32xf32, #tpu.memory_space<vmem>>, vector<16xf32>,
    tpu.vector_store %arg10[%swap3A_2282, %swap3A_2283, %swap3A_2284], %gather3A_2279 {strides = array<i32>} : memref<8x8x32xf32, #tpu.memory_space<vmem>>, vector<16xf32>,
    %add3A_2286 = arith.constant 30 : i32
    %add3A_2287 = vector.broadcast %add3A_2286 : i32 to vector<16xi32>
    %add3A_2288 = arith.addi %mul3A_1985, %add3A_2287 : vector<16xi32>
    %gather3A_2289 = tpu.vector_load_idx %arg9[%add3A_2288, %and3A_1979] : memref<2048x8xf32, #tpu.memory_space<vmem>>[vector<16xi32>, vector<16xi32>], vector<16xf32>,
    %swap3A_2290 = arith.constant 3 : i32
    %swap3A_2291 = arith.constant 6 : i32
    %swap3A_2292 = arith.index_cast %swap3A_2290 : i32 to index
    %swap3A_2293 = arith.index_cast %swap3A_2291 : i32 to index
    %swap3A_2294 = arith.constant 16 : index
    %swap3A_2295 = tpu.vector_load %arg10[%swap3A_2292, %swap3A_2293, %swap3A_2294] {strides = array<i32>} : memref<8x8x32xf32, #tpu.memory_space<vmem>>, vector<16xf32>,
    tpu.vector_store %arg10[%swap3A_2292, %swap3A_2293, %swap3A_2294], %gather3A_2289 {strides = array<i32>} : memref<8x8x32xf32, #tpu.memory_space<vmem>>, vector<16xf32>,
    %add3A_2296 = arith.constant 31 : i32
    %add3A_2297 = vector.broadcast %add3A_2296 : i32 to vector<16xi32>
    %add3A_2298 = arith.addi %mul3A_1985, %add3A_2297 : vector<16xi32>
    %gather3A_2299 = tpu.vector_load_idx %arg9[%add3A_2298, %and3A_1979] : memref<2048x8xf32, #tpu.memory_space<vmem>>[vector<16xi32>, vector<16xi32>], vector<16xf32>,
    %swap3A_2300 = arith.constant 3 : i32
    %swap3A_2301 = arith.constant 7 : i32
    %swap3A_2302 = arith.index_cast %swap3A_2300 : i32 to index
    %swap3A_2303 = arith.index_cast %swap3A_2301 : i32 to index
    %swap3A_2304 = arith.constant 16 : index
    %swap3A_2305 = tpu.vector_load %arg10[%swap3A_2302, %swap3A_2303, %swap3A_2304] {strides = array<i32>} : memref<8x8x32xf32, #tpu.memory_space<vmem>>, vector<16xf32>,
    tpu.vector_store %arg10[%swap3A_2302, %swap3A_2303, %swap3A_2304], %gather3A_2299 {strides = array<i32>} : memref<8x8x32xf32, #tpu.memory_space<vmem>>, vector<16xf32>,
    %add3A_2306 = arith.constant 32 : i32
    %add3A_2307 = vector.broadcast %add3A_2306 : i32 to vector<16xi32>
    %add3A_2308 = arith.addi %mul3A_1985, %add3A_2307 : vector<16xi32>
    %gather3A_2309 = tpu.vector_load_idx %arg9[%add3A_2308, %and3A_1979] : memref<2048x8xf32, #tpu.memory_space<vmem>>[vector<16xi32>, vector<16xi32>], vector<16xf32>,
    %swap3A_2310 = arith.constant 4 : i32
    %swap3A_2311 = arith.constant 0 : i32
    %swap3A_2312 = arith.index_cast %swap3A_2310 : i32 to index
    %swap3A_2313 = arith.index_cast %swap3A_2311 : i32 to index
    %swap3A_2314 = arith.constant 16 : index
    %swap3A_2315 = tpu.vector_load %arg10[%swap3A_2312, %swap3A_2313, %swap3A_2314] {strides = array<i32>} : memref<8x8x32xf32, #tpu.memory_space<vmem>>, vector<16xf32>,
    tpu.vector_store %arg10[%swap3A_2312, %swap3A_2313, %swap3A_2314], %gather3A_2309 {strides = array<i32>} : memref<8x8x32xf32, #tpu.memory_space<vmem>>, vector<16xf32>,
    %add3A_2316 = arith.constant 33 : i32
    %add3A_2317 = vector.broadcast %add3A_2316 : i32 to vector<16xi32>
    %add3A_2318 = arith.addi %mul3A_1985, %add3A_2317 : vector<16xi32>
    %gather3A_2319 = tpu.vector_load_idx %arg9[%add3A_2318, %and3A_1979] : memref<2048x8xf32, #tpu.memory_space<vmem>>[vector<16xi32>, vector<16xi32>], vector<16xf32>,
    %swap3A_2320 = arith.constant 4 : i32
    %swap3A_2321 = arith.constant 1 : i32
    %swap3A_2322 = arith.index_cast %swap3A_2320 : i32 to index
    %swap3A_2323 = arith.index_cast %swap3A_2321 : i32 to index
    %swap3A_2324 = arith.constant 16 : index
    %swap3A_2325 = tpu.vector_load %arg10[%swap3A_2322, %swap3A_2323, %swap3A_2324] {strides = array<i32>} : memref<8x8x32xf32, #tpu.memory_space<vmem>>, vector<16xf32>,
    tpu.vector_store %arg10[%swap3A_2322, %swap3A_2323, %swap3A_2324], %gather3A_2319 {strides = array<i32>} : memref<8x8x32xf32, #tpu.memory_space<vmem>>, vector<16xf32>,
    %add3A_2326 = arith.constant 34 : i32
    %add3A_2327 = vector.broadcast %add3A_2326 : i32 to vector<16xi32>
    %add3A_2328 = arith.addi %mul3A_1985, %add3A_2327 : vector<16xi32>
    %gather3A_2329 = tpu.vector_load_idx %arg9[%add3A_2328, %and3A_1979] : memref<2048x8xf32, #tpu.memory_space<vmem>>[vector<16xi32>, vector<16xi32>], vector<16xf32>,
    %swap3A_2330 = arith.constant 4 : i32
    %swap3A_2331 = arith.constant 2 : i32
    %swap3A_2332 = arith.index_cast %swap3A_2330 : i32 to index
    %swap3A_2333 = arith.index_cast %swap3A_2331 : i32 to index
    %swap3A_2334 = arith.constant 16 : index
    %swap3A_2335 = tpu.vector_load %arg10[%swap3A_2332, %swap3A_2333, %swap3A_2334] {strides = array<i32>} : memref<8x8x32xf32, #tpu.memory_space<vmem>>, vector<16xf32>,
    tpu.vector_store %arg10[%swap3A_2332, %swap3A_2333, %swap3A_2334], %gather3A_2329 {strides = array<i32>} : memref<8x8x32xf32, #tpu.memory_space<vmem>>, vector<16xf32>,
    %add3A_2336 = arith.constant 35 : i32
    %add3A_2337 = vector.broadcast %add3A_2336 : i32 to vector<16xi32>
    %add3A_2338 = arith.addi %mul3A_1985, %add3A_2337 : vector<16xi32>
    %gather3A_2339 = tpu.vector_load_idx %arg9[%add3A_2338, %and3A_1979] : memref<2048x8xf32, #tpu.memory_space<vmem>>[vector<16xi32>, vector<16xi32>], vector<16xf32>,
    %swap3A_2340 = arith.constant 4 : i32
    %swap3A_2341 = arith.constant 3 : i32
    %swap3A_2342 = arith.index_cast %swap3A_2340 : i32 to index
    %swap3A_2343 = arith.index_cast %swap3A_2341 : i32 to index
    %swap3A_2344 = arith.constant 16 : index
    %swap3A_2345 = tpu.vector_load %arg10[%swap3A_2342, %swap3A_2343, %swap3A_2344] {strides = array<i32>} : memref<8x8x32xf32, #tpu.memory_space<vmem>>, vector<16xf32>,
    tpu.vector_store %arg10[%swap3A_2342, %swap3A_2343, %swap3A_2344], %gather3A_2339 {strides = array<i32>} : memref<8x8x32xf32, #tpu.memory_space<vmem>>, vector<16xf32>,
    %add3A_2346 = arith.constant 36 : i32
    %add3A_2347 = vector.broadcast %add3A_2346 : i32 to vector<16xi32>
    %add3A_2348 = arith.addi %mul3A_1985, %add3A_2347 : vector<16xi32>
    %gather3A_2349 = tpu.vector_load_idx %arg9[%add3A_2348, %and3A_1979] : memref<2048x8xf32, #tpu.memory_space<vmem>>[vector<16xi32>, vector<16xi32>], vector<16xf32>,
    %swap3A_2350 = arith.constant 4 : i32
    %swap3A_2351 = arith.constant 4 : i32
    %swap3A_2352 = arith.index_cast %swap3A_2350 : i32 to index
    %swap3A_2353 = arith.index_cast %swap3A_2351 : i32 to index
    %swap3A_2354 = arith.constant 16 : index
    %swap3A_2355 = tpu.vector_load %arg10[%swap3A_2352, %swap3A_2353, %swap3A_2354] {strides = array<i32>} : memref<8x8x32xf32, #tpu.memory_space<vmem>>, vector<16xf32>,
    tpu.vector_store %arg10[%swap3A_2352, %swap3A_2353, %swap3A_2354], %gather3A_2349 {strides = array<i32>} : memref<8x8x32xf32, #tpu.memory_space<vmem>>, vector<16xf32>,
    %add3A_2356 = arith.constant 37 : i32
    %add3A_2357 = vector.broadcast %add3A_2356 : i32 to vector<16xi32>
    %add3A_2358 = arith.addi %mul3A_1985, %add3A_2357 : vector<16xi32>
    %gather3A_2359 = tpu.vector_load_idx %arg9[%add3A_2358, %and3A_1979] : memref<2048x8xf32, #tpu.memory_space<vmem>>[vector<16xi32>, vector<16xi32>], vector<16xf32>,
    %swap3A_2360 = arith.constant 4 : i32
    %swap3A_2361 = arith.constant 5 : i32
    %swap3A_2362 = arith.index_cast %swap3A_2360 : i32 to index
    %swap3A_2363 = arith.index_cast %swap3A_2361 : i32 to index
    %swap3A_2364 = arith.constant 16 : index
    %swap3A_2365 = tpu.vector_load %arg10[%swap3A_2362, %swap3A_2363, %swap3A_2364] {strides = array<i32>} : memref<8x8x32xf32, #tpu.memory_space<vmem>>, vector<16xf32>,
    tpu.vector_store %arg10[%swap3A_2362, %swap3A_2363, %swap3A_2364], %gather3A_2359 {strides = array<i32>} : memref<8x8x32xf32, #tpu.memory_space<vmem>>, vector<16xf32>,
    %add3A_2366 = arith.constant 38 : i32
    %add3A_2367 = vector.broadcast %add3A_2366 : i32 to vector<16xi32>
    %add3A_2368 = arith.addi %mul3A_1985, %add3A_2367 : vector<16xi32>
    %gather3A_2369 = tpu.vector_load_idx %arg9[%add3A_2368, %and3A_1979] : memref<2048x8xf32, #tpu.memory_space<vmem>>[vector<16xi32>, vector<16xi32>], vector<16xf32>,
    %swap3A_2370 = arith.constant 4 : i32
    %swap3A_2371 = arith.constant 6 : i32
    %swap3A_2372 = arith.index_cast %swap3A_2370 : i32 to index
    %swap3A_2373 = arith.index_cast %swap3A_2371 : i32 to index
    %swap3A_2374 = arith.constant 16 : index
    %swap3A_2375 = tpu.vector_load %arg10[%swap3A_2372, %swap3A_2373, %swap3A_2374] {strides = array<i32>} : memref<8x8x32xf32, #tpu.memory_space<vmem>>, vector<16xf32>,
    tpu.vector_store %arg10[%swap3A_2372, %swap3A_2373, %swap3A_2374], %gather3A_2369 {strides = array<i32>} : memref<8x8x32xf32, #tpu.memory_space<vmem>>, vector<16xf32>,
    %add3A_2376 = arith.constant 39 : i32
    %add3A_2377 = vector.broadcast %add3A_2376 : i32 to vector<16xi32>
    %add3A_2378 = arith.addi %mul3A_1985, %add3A_2377 : vector<16xi32>
    %gather3A_2379 = tpu.vector_load_idx %arg9[%add3A_2378, %and3A_1979] : memref<2048x8xf32, #tpu.memory_space<vmem>>[vector<16xi32>, vector<16xi32>], vector<16xf32>,
    %swap3A_2380 = arith.constant 4 : i32
    %swap3A_2381 = arith.constant 7 : i32
    %swap3A_2382 = arith.index_cast %swap3A_2380 : i32 to index
    %swap3A_2383 = arith.index_cast %swap3A_2381 : i32 to index
    %swap3A_2384 = arith.constant 16 : index
    %swap3A_2385 = tpu.vector_load %arg10[%swap3A_2382, %swap3A_2383, %swap3A_2384] {strides = array<i32>} : memref<8x8x32xf32, #tpu.memory_space<vmem>>, vector<16xf32>,
    tpu.vector_store %arg10[%swap3A_2382, %swap3A_2383, %swap3A_2384], %gather3A_2379 {strides = array<i32>} : memref<8x8x32xf32, #tpu.memory_space<vmem>>, vector<16xf32>,
    %add3A_2386 = arith.constant 40 : i32
    %add3A_2387 = vector.broadcast %add3A_2386 : i32 to vector<16xi32>
    %add3A_2388 = arith.addi %mul3A_1985, %add3A_2387 : vector<16xi32>
    %gather3A_2389 = tpu.vector_load_idx %arg9[%add3A_2388, %and3A_1979] : memref<2048x8xf32, #tpu.memory_space<vmem>>[vector<16xi32>, vector<16xi32>], vector<16xf32>,
    %swap3A_2390 = arith.constant 5 : i32
    %swap3A_2391 = arith.constant 0 : i32
    %swap3A_2392 = arith.index_cast %swap3A_2390 : i32 to index
    %swap3A_2393 = arith.index_cast %swap3A_2391 : i32 to index
    %swap3A_2394 = arith.constant 16 : index
    %swap3A_2395 = tpu.vector_load %arg10[%swap3A_2392, %swap3A_2393, %swap3A_2394] {strides = array<i32>} : memref<8x8x32xf32, #tpu.memory_space<vmem>>, vector<16xf32>,
    tpu.vector_store %arg10[%swap3A_2392, %swap3A_2393, %swap3A_2394], %gather3A_2389 {strides = array<i32>} : memref<8x8x32xf32, #tpu.memory_space<vmem>>, vector<16xf32>,
    %add3A_2396 = arith.constant 41 : i32
    %add3A_2397 = vector.broadcast %add3A_2396 : i32 to vector<16xi32>
    %add3A_2398 = arith.addi %mul3A_1985, %add3A_2397 : vector<16xi32>
    %gather3A_2399 = tpu.vector_load_idx %arg9[%add3A_2398, %and3A_1979] : memref<2048x8xf32, #tpu.memory_space<vmem>>[vector<16xi32>, vector<16xi32>], vector<16xf32>,
    %swap3A_2400 = arith.constant 5 : i32
    %swap3A_2401 = arith.constant 1 : i32
    %swap3A_2402 = arith.index_cast %swap3A_2400 : i32 to index
    %swap3A_2403 = arith.index_cast %swap3A_2401 : i32 to index
    %swap3A_2404 = arith.constant 16 : index
    %swap3A_2405 = tpu.vector_load %arg10[%swap3A_2402, %swap3A_2403, %swap3A_2404] {strides = array<i32>} : memref<8x8x32xf32, #tpu.memory_space<vmem>>, vector<16xf32>,
    tpu.vector_store %arg10[%swap3A_2402, %swap3A_2403, %swap3A_2404], %gather3A_2399 {strides = array<i32>} : memref<8x8x32xf32, #tpu.memory_space<vmem>>, vector<16xf32>,
    %add3A_2406 = arith.constant 42 : i32
    %add3A_2407 = vector.broadcast %add3A_2406 : i32 to vector<16xi32>
    %add3A_2408 = arith.addi %mul3A_1985, %add3A_2407 : vector<16xi32>
    %gather3A_2409 = tpu.vector_load_idx %arg9[%add3A_2408, %and3A_1979] : memref<2048x8xf32, #tpu.memory_space<vmem>>[vector<16xi32>, vector<16xi32>], vector<16xf32>,
    %swap3A_2410 = arith.constant 5 : i32
    %swap3A_2411 = arith.constant 2 : i32
    %swap3A_2412 = arith.index_cast %swap3A_2410 : i32 to index
    %swap3A_2413 = arith.index_cast %swap3A_2411 : i32 to index
    %swap3A_2414 = arith.constant 16 : index
    %swap3A_2415 = tpu.vector_load %arg10[%swap3A_2412, %swap3A_2413, %swap3A_2414] {strides = array<i32>} : memref<8x8x32xf32, #tpu.memory_space<vmem>>, vector<16xf32>,
    tpu.vector_store %arg10[%swap3A_2412, %swap3A_2413, %swap3A_2414], %gather3A_2409 {strides = array<i32>} : memref<8x8x32xf32, #tpu.memory_space<vmem>>, vector<16xf32>,
    %add3A_2416 = arith.constant 43 : i32
    %add3A_2417 = vector.broadcast %add3A_2416 : i32 to vector<16xi32>
    %add3A_2418 = arith.addi %mul3A_1985, %add3A_2417 : vector<16xi32>
    %gather3A_2419 = tpu.vector_load_idx %arg9[%add3A_2418, %and3A_1979] : memref<2048x8xf32, #tpu.memory_space<vmem>>[vector<16xi32>, vector<16xi32>], vector<16xf32>,
    %swap3A_2420 = arith.constant 5 : i32
    %swap3A_2421 = arith.constant 3 : i32
    %swap3A_2422 = arith.index_cast %swap3A_2420 : i32 to index
    %swap3A_2423 = arith.index_cast %swap3A_2421 : i32 to index
    %swap3A_2424 = arith.constant 16 : index
    %swap3A_2425 = tpu.vector_load %arg10[%swap3A_2422, %swap3A_2423, %swap3A_2424] {strides = array<i32>} : memref<8x8x32xf32, #tpu.memory_space<vmem>>, vector<16xf32>,
    tpu.vector_store %arg10[%swap3A_2422, %swap3A_2423, %swap3A_2424], %gather3A_2419 {strides = array<i32>} : memref<8x8x32xf32, #tpu.memory_space<vmem>>, vector<16xf32>,
    %add3A_2426 = arith.constant 44 : i32
    %add3A_2427 = vector.broadcast %add3A_2426 : i32 to vector<16xi32>
    %add3A_2428 = arith.addi %mul3A_1985, %add3A_2427 : vector<16xi32>
    %gather3A_2429 = tpu.vector_load_idx %arg9[%add3A_2428, %and3A_1979] : memref<2048x8xf32, #tpu.memory_space<vmem>>[vector<16xi32>, vector<16xi32>], vector<16xf32>,
    %swap3A_2430 = arith.constant 5 : i32
    %swap3A_2431 = arith.constant 4 : i32
    %swap3A_2432 = arith.index_cast %swap3A_2430 : i32 to index
    %swap3A_2433 = arith.index_cast %swap3A_2431 : i32 to index
    %swap3A_2434 = arith.constant 16 : index
    %swap3A_2435 = tpu.vector_load %arg10[%swap3A_2432, %swap3A_2433, %swap3A_2434] {strides = array<i32>} : memref<8x8x32xf32, #tpu.memory_space<vmem>>, vector<16xf32>,
    tpu.vector_store %arg10[%swap3A_2432, %swap3A_2433, %swap3A_2434], %gather3A_2429 {strides = array<i32>} : memref<8x8x32xf32, #tpu.memory_space<vmem>>, vector<16xf32>,
    %add3A_2436 = arith.constant 45 : i32
    %add3A_2437 = vector.broadcast %add3A_2436 : i32 to vector<16xi32>
    %add3A_2438 = arith.addi %mul3A_1985, %add3A_2437 : vector<16xi32>
    %gather3A_2439 = tpu.vector_load_idx %arg9[%add3A_2438, %and3A_1979] : memref<2048x8xf32, #tpu.memory_space<vmem>>[vector<16xi32>, vector<16xi32>], vector<16xf32>,
    %swap3A_2440 = arith.constant 5 : i32
    %swap3A_2441 = arith.constant 5 : i32
    %swap3A_2442 = arith.index_cast %swap3A_2440 : i32 to index
    %swap3A_2443 = arith.index_cast %swap3A_2441 : i32 to index
    %swap3A_2444 = arith.constant 16 : index
    %swap3A_2445 = tpu.vector_load %arg10[%swap3A_2442, %swap3A_2443, %swap3A_2444] {strides = array<i32>} : memref<8x8x32xf32, #tpu.memory_space<vmem>>, vector<16xf32>,
    tpu.vector_store %arg10[%swap3A_2442, %swap3A_2443, %swap3A_2444], %gather3A_2439 {strides = array<i32>} : memref<8x8x32xf32, #tpu.memory_space<vmem>>, vector<16xf32>,
    %add3A_2446 = arith.constant 46 : i32
    %add3A_2447 = vector.broadcast %add3A_2446 : i32 to vector<16xi32>
    %add3A_2448 = arith.addi %mul3A_1985, %add3A_2447 : vector<16xi32>
    %gather3A_2449 = tpu.vector_load_idx %arg9[%add3A_2448, %and3A_1979] : memref<2048x8xf32, #tpu.memory_space<vmem>>[vector<16xi32>, vector<16xi32>], vector<16xf32>,
    %swap3A_2450 = arith.constant 5 : i32
    %swap3A_2451 = arith.constant 6 : i32
    %swap3A_2452 = arith.index_cast %swap3A_2450 : i32 to index
    %swap3A_2453 = arith.index_cast %swap3A_2451 : i32 to index
    %swap3A_2454 = arith.constant 16 : index
    %swap3A_2455 = tpu.vector_load %arg10[%swap3A_2452, %swap3A_2453, %swap3A_2454] {strides = array<i32>} : memref<8x8x32xf32, #tpu.memory_space<vmem>>, vector<16xf32>,
    tpu.vector_store %arg10[%swap3A_2452, %swap3A_2453, %swap3A_2454], %gather3A_2449 {strides = array<i32>} : memref<8x8x32xf32, #tpu.memory_space<vmem>>, vector<16xf32>,
    %add3A_2456 = arith.constant 47 : i32
    %add3A_2457 = vector.broadcast %add3A_2456 : i32 to vector<16xi32>
    %add3A_2458 = arith.addi %mul3A_1985, %add3A_2457 : vector<16xi32>
    %gather3A_2459 = tpu.vector_load_idx %arg9[%add3A_2458, %and3A_1979] : memref<2048x8xf32, #tpu.memory_space<vmem>>[vector<16xi32>, vector<16xi32>], vector<16xf32>,
    %swap3A_2460 = arith.constant 5 : i32
    %swap3A_2461 = arith.constant 7 : i32
    %swap3A_2462 = arith.index_cast %swap3A_2460 : i32 to index
    %swap3A_2463 = arith.index_cast %swap3A_2461 : i32 to index
    %swap3A_2464 = arith.constant 16 : index
    %swap3A_2465 = tpu.vector_load %arg10[%swap3A_2462, %swap3A_2463, %swap3A_2464] {strides = array<i32>} : memref<8x8x32xf32, #tpu.memory_space<vmem>>, vector<16xf32>,
    tpu.vector_store %arg10[%swap3A_2462, %swap3A_2463, %swap3A_2464], %gather3A_2459 {strides = array<i32>} : memref<8x8x32xf32, #tpu.memory_space<vmem>>, vector<16xf32>,
    %add3A_2466 = arith.constant 48 : i32
    %add3A_2467 = vector.broadcast %add3A_2466 : i32 to vector<16xi32>
    %add3A_2468 = arith.addi %mul3A_1985, %add3A_2467 : vector<16xi32>
    %gather3A_2469 = tpu.vector_load_idx %arg9[%add3A_2468, %and3A_1979] : memref<2048x8xf32, #tpu.memory_space<vmem>>[vector<16xi32>, vector<16xi32>], vector<16xf32>,
    %swap3A_2470 = arith.constant 6 : i32
    %swap3A_2471 = arith.constant 0 : i32
    %swap3A_2472 = arith.index_cast %swap3A_2470 : i32 to index
    %swap3A_2473 = arith.index_cast %swap3A_2471 : i32 to index
    %swap3A_2474 = arith.constant 16 : index
    %swap3A_2475 = tpu.vector_load %arg10[%swap3A_2472, %swap3A_2473, %swap3A_2474] {strides = array<i32>} : memref<8x8x32xf32, #tpu.memory_space<vmem>>, vector<16xf32>,
    tpu.vector_store %arg10[%swap3A_2472, %swap3A_2473, %swap3A_2474], %gather3A_2469 {strides = array<i32>} : memref<8x8x32xf32, #tpu.memory_space<vmem>>, vector<16xf32>,
    %add3A_2476 = arith.constant 49 : i32
    %add3A_2477 = vector.broadcast %add3A_2476 : i32 to vector<16xi32>
    %add3A_2478 = arith.addi %mul3A_1985, %add3A_2477 : vector<16xi32>
    %gather3A_2479 = tpu.vector_load_idx %arg9[%add3A_2478, %and3A_1979] : memref<2048x8xf32, #tpu.memory_space<vmem>>[vector<16xi32>, vector<16xi32>], vector<16xf32>,
    %swap3A_2480 = arith.constant 6 : i32
    %swap3A_2481 = arith.constant 1 : i32
    %swap3A_2482 = arith.index_cast %swap3A_2480 : i32 to index
    %swap3A_2483 = arith.index_cast %swap3A_2481 : i32 to index
    %swap3A_2484 = arith.constant 16 : index
    %swap3A_2485 = tpu.vector_load %arg10[%swap3A_2482, %swap3A_2483, %swap3A_2484] {strides = array<i32>} : memref<8x8x32xf32, #tpu.memory_space<vmem>>, vector<16xf32>,
    tpu.vector_store %arg10[%swap3A_2482, %swap3A_2483, %swap3A_2484], %gather3A_2479 {strides = array<i32>} : memref<8x8x32xf32, #tpu.memory_space<vmem>>, vector<16xf32>,
    %add3A_2486 = arith.constant 50 : i32
    %add3A_2487 = vector.broadcast %add3A_2486 : i32 to vector<16xi32>
    %add3A_2488 = arith.addi %mul3A_1985, %add3A_2487 : vector<16xi32>
    %gather3A_2489 = tpu.vector_load_idx %arg9[%add3A_2488, %and3A_1979] : memref<2048x8xf32, #tpu.memory_space<vmem>>[vector<16xi32>, vector<16xi32>], vector<16xf32>,
    %swap3A_2490 = arith.constant 6 : i32
    %swap3A_2491 = arith.constant 2 : i32
    %swap3A_2492 = arith.index_cast %swap3A_2490 : i32 to index
    %swap3A_2493 = arith.index_cast %swap3A_2491 : i32 to index
    %swap3A_2494 = arith.constant 16 : index
    %swap3A_2495 = tpu.vector_load %arg10[%swap3A_2492, %swap3A_2493, %swap3A_2494] {strides = array<i32>} : memref<8x8x32xf32, #tpu.memory_space<vmem>>, vector<16xf32>,
    tpu.vector_store %arg10[%swap3A_2492, %swap3A_2493, %swap3A_2494], %gather3A_2489 {strides = array<i32>} : memref<8x8x32xf32, #tpu.memory_space<vmem>>, vector<16xf32>,
    %add3A_2496 = arith.constant 51 : i32
    %add3A_2497 = vector.broadcast %add3A_2496 : i32 to vector<16xi32>
    %add3A_2498 = arith.addi %mul3A_1985, %add3A_2497 : vector<16xi32>
    %gather3A_2499 = tpu.vector_load_idx %arg9[%add3A_2498, %and3A_1979] : memref<2048x8xf32, #tpu.memory_space<vmem>>[vector<16xi32>, vector<16xi32>], vector<16xf32>,
    %swap3A_2500 = arith.constant 6 : i32
    %swap3A_2501 = arith.constant 3 : i32
    %swap3A_2502 = arith.index_cast %swap3A_2500 : i32 to index
    %swap3A_2503 = arith.index_cast %swap3A_2501 : i32 to index
    %swap3A_2504 = arith.constant 16 : index
    %swap3A_2505 = tpu.vector_load %arg10[%swap3A_2502, %swap3A_2503, %swap3A_2504] {strides = array<i32>} : memref<8x8x32xf32, #tpu.memory_space<vmem>>, vector<16xf32>,
    tpu.vector_store %arg10[%swap3A_2502, %swap3A_2503, %swap3A_2504], %gather3A_2499 {strides = array<i32>} : memref<8x8x32xf32, #tpu.memory_space<vmem>>, vector<16xf32>,
    %add3A_2506 = arith.constant 52 : i32
    %add3A_2507 = vector.broadcast %add3A_2506 : i32 to vector<16xi32>
    %add3A_2508 = arith.addi %mul3A_1985, %add3A_2507 : vector<16xi32>
    %gather3A_2509 = tpu.vector_load_idx %arg9[%add3A_2508, %and3A_1979] : memref<2048x8xf32, #tpu.memory_space<vmem>>[vector<16xi32>, vector<16xi32>], vector<16xf32>,
    %swap3A_2510 = arith.constant 6 : i32
    %swap3A_2511 = arith.constant 4 : i32
    %swap3A_2512 = arith.index_cast %swap3A_2510 : i32 to index
    %swap3A_2513 = arith.index_cast %swap3A_2511 : i32 to index
    %swap3A_2514 = arith.constant 16 : index
    %swap3A_2515 = tpu.vector_load %arg10[%swap3A_2512, %swap3A_2513, %swap3A_2514] {strides = array<i32>} : memref<8x8x32xf32, #tpu.memory_space<vmem>>, vector<16xf32>,
    tpu.vector_store %arg10[%swap3A_2512, %swap3A_2513, %swap3A_2514], %gather3A_2509 {strides = array<i32>} : memref<8x8x32xf32, #tpu.memory_space<vmem>>, vector<16xf32>,
    %add3A_2516 = arith.constant 53 : i32
    %add3A_2517 = vector.broadcast %add3A_2516 : i32 to vector<16xi32>
    %add3A_2518 = arith.addi %mul3A_1985, %add3A_2517 : vector<16xi32>
    %gather3A_2519 = tpu.vector_load_idx %arg9[%add3A_2518, %and3A_1979] : memref<2048x8xf32, #tpu.memory_space<vmem>>[vector<16xi32>, vector<16xi32>], vector<16xf32>,
    %swap3A_2520 = arith.constant 6 : i32
    %swap3A_2521 = arith.constant 5 : i32
    %swap3A_2522 = arith.index_cast %swap3A_2520 : i32 to index
    %swap3A_2523 = arith.index_cast %swap3A_2521 : i32 to index
    %swap3A_2524 = arith.constant 16 : index
    %swap3A_2525 = tpu.vector_load %arg10[%swap3A_2522, %swap3A_2523, %swap3A_2524] {strides = array<i32>} : memref<8x8x32xf32, #tpu.memory_space<vmem>>, vector<16xf32>,
    tpu.vector_store %arg10[%swap3A_2522, %swap3A_2523, %swap3A_2524], %gather3A_2519 {strides = array<i32>} : memref<8x8x32xf32, #tpu.memory_space<vmem>>, vector<16xf32>,
    %add3A_2526 = arith.constant 54 : i32
    %add3A_2527 = vector.broadcast %add3A_2526 : i32 to vector<16xi32>
    %add3A_2528 = arith.addi %mul3A_1985, %add3A_2527 : vector<16xi32>
    %gather3A_2529 = tpu.vector_load_idx %arg9[%add3A_2528, %and3A_1979] : memref<2048x8xf32, #tpu.memory_space<vmem>>[vector<16xi32>, vector<16xi32>], vector<16xf32>,
    %swap3A_2530 = arith.constant 6 : i32
    %swap3A_2531 = arith.constant 6 : i32
    %swap3A_2532 = arith.index_cast %swap3A_2530 : i32 to index
    %swap3A_2533 = arith.index_cast %swap3A_2531 : i32 to index
    %swap3A_2534 = arith.constant 16 : index
    %swap3A_2535 = tpu.vector_load %arg10[%swap3A_2532, %swap3A_2533, %swap3A_2534] {strides = array<i32>} : memref<8x8x32xf32, #tpu.memory_space<vmem>>, vector<16xf32>,
    tpu.vector_store %arg10[%swap3A_2532, %swap3A_2533, %swap3A_2534], %gather3A_2529 {strides = array<i32>} : memref<8x8x32xf32, #tpu.memory_space<vmem>>, vector<16xf32>,
    %add3A_2536 = arith.constant 55 : i32
    %add3A_2537 = vector.broadcast %add3A_2536 : i32 to vector<16xi32>
    %add3A_2538 = arith.addi %mul3A_1985, %add3A_2537 : vector<16xi32>
    %gather3A_2539 = tpu.vector_load_idx %arg9[%add3A_2538, %and3A_1979] : memref<2048x8xf32, #tpu.memory_space<vmem>>[vector<16xi32>, vector<16xi32>], vector<16xf32>,
    %swap3A_2540 = arith.constant 6 : i32
    %swap3A_2541 = arith.constant 7 : i32
    %swap3A_2542 = arith.index_cast %swap3A_2540 : i32 to index
    %swap3A_2543 = arith.index_cast %swap3A_2541 : i32 to index
    %swap3A_2544 = arith.constant 16 : index
    %swap3A_2545 = tpu.vector_load %arg10[%swap3A_2542, %swap3A_2543, %swap3A_2544] {strides = array<i32>} : memref<8x8x32xf32, #tpu.memory_space<vmem>>, vector<16xf32>,
    tpu.vector_store %arg10[%swap3A_2542, %swap3A_2543, %swap3A_2544], %gather3A_2539 {strides = array<i32>} : memref<8x8x32xf32, #tpu.memory_space<vmem>>, vector<16xf32>,
    %add3A_2546 = arith.constant 56 : i32
    %add3A_2547 = vector.broadcast %add3A_2546 : i32 to vector<16xi32>
    %add3A_2548 = arith.addi %mul3A_1985, %add3A_2547 : vector<16xi32>
    %gather3A_2549 = tpu.vector_load_idx %arg9[%add3A_2548, %and3A_1979] : memref<2048x8xf32, #tpu.memory_space<vmem>>[vector<16xi32>, vector<16xi32>], vector<16xf32>,
    %swap3A_2550 = arith.constant 7 : i32
    %swap3A_2551 = arith.constant 0 : i32
    %swap3A_2552 = arith.index_cast %swap3A_2550 : i32 to index
    %swap3A_2553 = arith.index_cast %swap3A_2551 : i32 to index
    %swap3A_2554 = arith.constant 16 : index
    %swap3A_2555 = tpu.vector_load %arg10[%swap3A_2552, %swap3A_2553, %swap3A_2554] {strides = array<i32>} : memref<8x8x32xf32, #tpu.memory_space<vmem>>, vector<16xf32>,
    tpu.vector_store %arg10[%swap3A_2552, %swap3A_2553, %swap3A_2554], %gather3A_2549 {strides = array<i32>} : memref<8x8x32xf32, #tpu.memory_space<vmem>>, vector<16xf32>,
    %add3A_2556 = arith.constant 57 : i32
    %add3A_2557 = vector.broadcast %add3A_2556 : i32 to vector<16xi32>
    %add3A_2558 = arith.addi %mul3A_1985, %add3A_2557 : vector<16xi32>
    %gather3A_2559 = tpu.vector_load_idx %arg9[%add3A_2558, %and3A_1979] : memref<2048x8xf32, #tpu.memory_space<vmem>>[vector<16xi32>, vector<16xi32>], vector<16xf32>,
    %swap3A_2560 = arith.constant 7 : i32
    %swap3A_2561 = arith.constant 1 : i32
    %swap3A_2562 = arith.index_cast %swap3A_2560 : i32 to index
    %swap3A_2563 = arith.index_cast %swap3A_2561 : i32 to index
    %swap3A_2564 = arith.constant 16 : index
    %swap3A_2565 = tpu.vector_load %arg10[%swap3A_2562, %swap3A_2563, %swap3A_2564] {strides = array<i32>} : memref<8x8x32xf32, #tpu.memory_space<vmem>>, vector<16xf32>,
    tpu.vector_store %arg10[%swap3A_2562, %swap3A_2563, %swap3A_2564], %gather3A_2559 {strides = array<i32>} : memref<8x8x32xf32, #tpu.memory_space<vmem>>, vector<16xf32>,
    %add3A_2566 = arith.constant 58 : i32
    %add3A_2567 = vector.broadcast %add3A_2566 : i32 to vector<16xi32>
    %add3A_2568 = arith.addi %mul3A_1985, %add3A_2567 : vector<16xi32>
    %gather3A_2569 = tpu.vector_load_idx %arg9[%add3A_2568, %and3A_1979] : memref<2048x8xf32, #tpu.memory_space<vmem>>[vector<16xi32>, vector<16xi32>], vector<16xf32>,
    %swap3A_2570 = arith.constant 7 : i32
    %swap3A_2571 = arith.constant 2 : i32
    %swap3A_2572 = arith.index_cast %swap3A_2570 : i32 to index
    %swap3A_2573 = arith.index_cast %swap3A_2571 : i32 to index
    %swap3A_2574 = arith.constant 16 : index
    %swap3A_2575 = tpu.vector_load %arg10[%swap3A_2572, %swap3A_2573, %swap3A_2574] {strides = array<i32>} : memref<8x8x32xf32, #tpu.memory_space<vmem>>, vector<16xf32>,
    tpu.vector_store %arg10[%swap3A_2572, %swap3A_2573, %swap3A_2574], %gather3A_2569 {strides = array<i32>} : memref<8x8x32xf32, #tpu.memory_space<vmem>>, vector<16xf32>,
    %add3A_2576 = arith.constant 59 : i32
    %add3A_2577 = vector.broadcast %add3A_2576 : i32 to vector<16xi32>
    %add3A_2578 = arith.addi %mul3A_1985, %add3A_2577 : vector<16xi32>
    %gather3A_2579 = tpu.vector_load_idx %arg9[%add3A_2578, %and3A_1979] : memref<2048x8xf32, #tpu.memory_space<vmem>>[vector<16xi32>, vector<16xi32>], vector<16xf32>,
    %swap3A_2580 = arith.constant 7 : i32
    %swap3A_2581 = arith.constant 3 : i32
    %swap3A_2582 = arith.index_cast %swap3A_2580 : i32 to index
    %swap3A_2583 = arith.index_cast %swap3A_2581 : i32 to index
    %swap3A_2584 = arith.constant 16 : index
    %swap3A_2585 = tpu.vector_load %arg10[%swap3A_2582, %swap3A_2583, %swap3A_2584] {strides = array<i32>} : memref<8x8x32xf32, #tpu.memory_space<vmem>>, vector<16xf32>,
    tpu.vector_store %arg10[%swap3A_2582, %swap3A_2583, %swap3A_2584], %gather3A_2579 {strides = array<i32>} : memref<8x8x32xf32, #tpu.memory_space<vmem>>, vector<16xf32>,
    %add3A_2586 = arith.constant 60 : i32
    %add3A_2587 = vector.broadcast %add3A_2586 : i32 to vector<16xi32>
    %add3A_2588 = arith.addi %mul3A_1985, %add3A_2587 : vector<16xi32>
    %gather3A_2589 = tpu.vector_load_idx %arg9[%add3A_2588, %and3A_1979] : memref<2048x8xf32, #tpu.memory_space<vmem>>[vector<16xi32>, vector<16xi32>], vector<16xf32>,
    %swap3A_2590 = arith.constant 7 : i32
    %swap3A_2591 = arith.constant 4 : i32
    %swap3A_2592 = arith.index_cast %swap3A_2590 : i32 to index
    %swap3A_2593 = arith.index_cast %swap3A_2591 : i32 to index
    %swap3A_2594 = arith.constant 16 : index
    %swap3A_2595 = tpu.vector_load %arg10[%swap3A_2592, %swap3A_2593, %swap3A_2594] {strides = array<i32>} : memref<8x8x32xf32, #tpu.memory_space<vmem>>, vector<16xf32>,
    tpu.vector_store %arg10[%swap3A_2592, %swap3A_2593, %swap3A_2594], %gather3A_2589 {strides = array<i32>} : memref<8x8x32xf32, #tpu.memory_space<vmem>>, vector<16xf32>,
    %add3A_2596 = arith.constant 61 : i32
    %add3A_2597 = vector.broadcast %add3A_2596 : i32 to vector<16xi32>
    %add3A_2598 = arith.addi %mul3A_1985, %add3A_2597 : vector<16xi32>
    %gather3A_2599 = tpu.vector_load_idx %arg9[%add3A_2598, %and3A_1979] : memref<2048x8xf32, #tpu.memory_space<vmem>>[vector<16xi32>, vector<16xi32>], vector<16xf32>,
    %swap3A_2600 = arith.constant 7 : i32
    %swap3A_2601 = arith.constant 5 : i32
    %swap3A_2602 = arith.index_cast %swap3A_2600 : i32 to index
    %swap3A_2603 = arith.index_cast %swap3A_2601 : i32 to index
    %swap3A_2604 = arith.constant 16 : index
    %swap3A_2605 = tpu.vector_load %arg10[%swap3A_2602, %swap3A_2603, %swap3A_2604] {strides = array<i32>} : memref<8x8x32xf32, #tpu.memory_space<vmem>>, vector<16xf32>,
    tpu.vector_store %arg10[%swap3A_2602, %swap3A_2603, %swap3A_2604], %gather3A_2599 {strides = array<i32>} : memref<8x8x32xf32, #tpu.memory_space<vmem>>, vector<16xf32>,
    %add3A_2606 = arith.constant 62 : i32
    %add3A_2607 = vector.broadcast %add3A_2606 : i32 to vector<16xi32>
    %add3A_2608 = arith.addi %mul3A_1985, %add3A_2607 : vector<16xi32>
    %gather3A_2609 = tpu.vector_load_idx %arg9[%add3A_2608, %and3A_1979] : memref<2048x8xf32, #tpu.memory_space<vmem>>[vector<16xi32>, vector<16xi32>], vector<16xf32>,
    %swap3A_2610 = arith.constant 7 : i32
    %swap3A_2611 = arith.constant 6 : i32
    %swap3A_2612 = arith.index_cast %swap3A_2610 : i32 to index
    %swap3A_2613 = arith.index_cast %swap3A_2611 : i32 to index
    %swap3A_2614 = arith.constant 16 : index
    %swap3A_2615 = tpu.vector_load %arg10[%swap3A_2612, %swap3A_2613, %swap3A_2614] {strides = array<i32>} : memref<8x8x32xf32, #tpu.memory_space<vmem>>, vector<16xf32>,
    tpu.vector_store %arg10[%swap3A_2612, %swap3A_2613, %swap3A_2614], %gather3A_2609 {strides = array<i32>} : memref<8x8x32xf32, #tpu.memory_space<vmem>>, vector<16xf32>,
    %add3A_2616 = arith.constant 63 : i32
    %add3A_2617 = vector.broadcast %add3A_2616 : i32 to vector<16xi32>
    %add3A_2618 = arith.addi %mul3A_1985, %add3A_2617 : vector<16xi32>
    %gather3A_2619 = tpu.vector_load_idx %arg9[%add3A_2618, %and3A_1979] : memref<2048x8xf32, #tpu.memory_space<vmem>>[vector<16xi32>, vector<16xi32>], vector<16xf32>,
    %swap3A_2620 = arith.constant 7 : i32
    %swap3A_2621 = arith.constant 7 : i32
    %swap3A_2622 = arith.index_cast %swap3A_2620 : i32 to index
    %swap3A_2623 = arith.index_cast %swap3A_2621 : i32 to index
    %swap3A_2624 = arith.constant 16 : index
    %swap3A_2625 = tpu.vector_load %arg10[%swap3A_2622, %swap3A_2623, %swap3A_2624] {strides = array<i32>} : memref<8x8x32xf32, #tpu.memory_space<vmem>>, vector<16xf32>,
    tpu.vector_store %arg10[%swap3A_2622, %swap3A_2623, %swap3A_2624], %gather3A_2619 {strides = array<i32>} : memref<8x8x32xf32, #tpu.memory_space<vmem>>, vector<16xf32>,
    %shift_right_arithmetic3A_2626 = arith.constant 7 : i32
    %shift_right_arithmetic3A_2627 = arith.shrsi %mul3A_2, %shift_right_arithmetic3A_2626 : i32
    %and3A_2628 = arith.constant 127 : i32
    %and3A_2629 = arith.andi %mul3A_2, %and3A_2628 : i32
    %multiple_of3A = tpu.assume_multiple %and3A_2629, 32 : i32
    "tpu.region"() ({
      %run_scoped3A = tpu.sem_alloc : memref<!tpu.dma_semaphore, #tpu.memory_space<semaphore_mem>>
      %dma_start3A_2630 = arith.constant 0 : i32
      %dma_start3A_2631 = arith.constant 0 : i32
      %dma_start3A_2632 = tpu.memref_slice %arg4[%dma_start3A_2630, %shift_right_arithmetic3A_2627, %dma_start3A_2631, %multiple_of3A] : memref<8x8x8x128xf32, #tpu.memory_space<hbm>> -> memref<8x1x8x32xf32, #tpu.memory_space<hbm>>
      %dma_start3A_2633 = tpu.memref_squeeze %dma_start3A_2632 : memref<8x1x8x32xf32, #tpu.memory_space<hbm>> -> memref<8x8x32xf32, #tpu.memory_space<hbm>>
      %dma_start3A_2634 = arith.constant 0 : i32
      %dma_start3A_2635 = arith.constant 0 : i32
      %dma_start3A_2636 = tpu.memref_slice %arg4[%dma_start3A_2634, %shift_right_arithmetic3A_2627, %dma_start3A_2635, %multiple_of3A] : memref<8x8x8x128xf32, #tpu.memory_space<hbm>> -> memref<8x1x8x32xf32, #tpu.memory_space<hbm>>
      %dma_start3A_2637 = tpu.memref_squeeze %dma_start3A_2636 : memref<8x1x8x32xf32, #tpu.memory_space<hbm>> -> memref<8x8x32xf32, #tpu.memory_space<hbm>>
      tpu.enqueue_dma source(%arg10 : memref<8x8x32xf32, #tpu.memory_space<vmem>>) target(%dma_start3A_2637 : memref<8x8x32xf32, #tpu.memory_space<hbm>>) target_semaphore(%run_scoped3A : memref<!tpu.dma_semaphore, #tpu.memory_space<semaphore_mem>>)
      %dma_wait3A_2638 = arith.constant 0 : i32
      %dma_wait3A_2639 = arith.constant 0 : i32
      %dma_wait3A_2640 = tpu.memref_slice %arg4[%dma_wait3A_2638, %shift_right_arithmetic3A_2627, %dma_wait3A_2639, %multiple_of3A] : memref<8x8x8x128xf32, #tpu.memory_space<hbm>> -> memref<8x1x8x32xf32, #tpu.memory_space<hbm>>
      %dma_wait3A_2641 = tpu.memref_squeeze %dma_wait3A_2640 : memref<8x1x8x32xf32, #tpu.memory_space<hbm>> -> memref<8x8x32xf32, #tpu.memory_space<hbm>>
      %dma_wait3A_2642 = arith.constant 0 : i32
      %dma_wait3A_2643 = arith.constant 0 : i32
      %dma_wait3A_2644 = tpu.memref_slice %arg4[%dma_wait3A_2642, %shift_right_arithmetic3A_2627, %dma_wait3A_2643, %multiple_of3A] : memref<8x8x8x128xf32, #tpu.memory_space<hbm>> -> memref<8x1x8x32xf32, #tpu.memory_space<hbm>>
      %dma_wait3A_2645 = tpu.memref_squeeze %dma_wait3A_2644 : memref<8x1x8x32xf32, #tpu.memory_space<hbm>> -> memref<8x8x32xf32, #tpu.memory_space<hbm>>
      tpu.wait_dma2 semaphore(%run_scoped3A : memref<!tpu.dma_semaphore, #tpu.memory_space<semaphore_mem>>) src(%arg10 : memref<8x8x32xf32, #tpu.memory_space<vmem>>) dst(%dma_wait3A_2645 : memref<8x8x32xf32, #tpu.memory_space<hbm>>)
      tpu.yield
    }) : () -> ()
    return
  }
}

</mosaic_0001>

<sc_bundles>
// kernel: kernel.3.cloned.1.call-start
scs
__scs_entry_jumppad:
0x0: {  	(pc) =	sbr.rel $0x88, $3  }
0x1: {  	(tag) =	ssettag $0x0;
	lr =	simm.s32 $0x1  }
0x2: {  	[smem:$0x3F9F] =	sst lr;
	_ =	strace $0xD0000000  }
0x3: {  	_ = 	snop  }
0x4: {  	_ = 	snop  }
0x5: {  	_ = 	snop  }
0x6: {  	_ = 	snop  }
0x7: {  	_ = 	snop  }
__scs_overlays_trampoline_lowered:
0x8: {  	[smem:$0x3FAE] =	sst s0  }
0x9: {  	[smem:$0x3FAF] =	sst s1  }
0xa: {  	[smem:$0x3FB0] =	sst s2  }
0xb: {  	[smem:$0x3FB1] =	sst s3  }
0xc: {  	[smem:$0x3FB2] =	sst s4  }
0xd: {  	[smem:$0x3FB3] =	sst s5  }
0xe: {  	[smem:$0x3FB4] =	sst s6  }
0xf: {  	[smem:$0x3FB5] =	sst s7  }
0x10: {  	[smem:$0x3FB6] =	sst s8  }
0x11: {  	[smem:$0x3FB7] =	sst s9;
	s0 =	simm.s32 @!p0 $0x0  }
0x12: {  	s1 =	sld [smem:$0x3F9D];
	s0 =	simm.s32 @p0 $0x1  }
0x13: {  	[smem:$0x3FB8] =	sst s0;
	s0 =	simm.s32 @!p1 $0x0  }
0x14: {  	s2 =	sld [smem:$0x3F9C];
	s0 =	simm.s32 @p1 $0x1  }
0x15: {  	[smem:$0x3FB9] =	sst s0;
	s0 =	simm.s32 @!p2 $0x0  }
0x16: {  	s3 =	sld [smem:$0x3FDB];
	s0 =	simm.s32 @p2 $0x1  }
0x17: {  	s4 =	simm.s32 $0x1BF5;
	[smem:$0x3FBB] =	sst s0  }
0x18: {  	s0 =	sld [smem:$0x3F9E];
	_ =	swait.ge [sflag:s4], $0x0  }
0x19: {  	s7 =	sld [smem:$0x3F9F]  }
0x1a: {  	s8 =	sadd.s32 $0xFFFFE003, lr  }
0x1b: {  	s9 =	sadd.s32 $0xFFFFFEF7, lr;
	s5 =	simm.s32 $0xFFFFFFFF;
	p2 =	slt.u32 s8, $0xFFFFF086  }
0x1c: {  	p1 =	slt.u32 s9, $0xF7A;
	s5 =	simm.s32 @!p2 $0x0  }
0x1d: {  	s5 =	simm.s32 @p1 $0x1;
	p0 =	seq.s32 s7, s2  }
0x1e: {  	s7 =	smul.u32 @!p0 $0xF7A, s2;
	p2 =	seq.s32 @!p0 s5, $0x0  }
0x1f: {  	s9 =	smul.u32 $0xF7A, s1;
	s8 =	simm.s32 @!p0 $0x1BF5;
	p2 =	por !p2, p0  }
0x20: {  	[sflag:s8] =	ssyncset.s32 @!p0 $0xFFFFF086;
	s6 =	sadd.s32 @!p0 s3, s7;
	s7 =	simm.s32 @!p0 $0x108  }
0x21: {  	s3 =	sadd.s32 s3, s9;
	s6 =	sadd.s32 @!p0 $0x88, s6;
	s7 =	simm.s32 @p2 $0x1082  }
0x22: {  	[simem:s7], [sflag:s8] =	dma.local @!p0 [hbm:s6], $0xF7A  }
0x23: {  	s9 =	sor.u32 $0xD0000000, s2;
	s6 =	simm.s32 $0x108;
	_ =	swait.ge @!p0 [sflag:s8], $0x0  }
0x24: {  	s3 =	sadd.s32 $0x88, s3;
	s6 =	simm.s32 @!p1 $0x1082;
	[sflag:s4] =	ssyncset.s32 $0xFFFFF086  }
0x25: {  	[simem:s6], [sflag:s4] =	dma.local [hbm:s3], $0xF7A  }
0x26: {  	[smem:$0x3F9F] =	sst s1;
	(tag) =	ssettag s2;
	_ =	strace s9  }
0x27: {  	s1 =	sld [smem:$0x3FAF]  }
0x28: {  	s2 =	sld [smem:$0x3FB0]  }
0x29: {  	s4 =	sld [smem:$0x3FB2]  }
0x2a: {  	p0 =	seq.s32 s5, $0x0;
	s5 =	sld [smem:$0x3FB3]  }
0x2b: {  	s6 =	sld [smem:$0x3FB4]  }
0x2c: {  	s7 =	sld [smem:$0x3FB5]  }
0x2d: {  	s3 =	simm.s32 $0x108;
	s8 =	sld [smem:$0x3FB6]  }
0x2e: {  	s3 =	simm.s32 @!p0 $0x1082;
	s9 =	sld [smem:$0x3FB7]  }
0x2f: {  	lr =	sadd.s32 s0, s3;
	s0 =	sld [smem:$0x3FAE]  }
0x30: {  	s3 =	sld [smem:$0x3FB1]  }
0x31: {  	[smem:$0x3FBA] =	sst s10  }
0x32: {  	s10 =	sld [smem:$0x3FB8];
	_ =	sdelay $0x3  }
0x33: {  	p0 =	seq.s32 s10, $0x1;
	s10 =	sld [smem:$0x3FBA];
	_ =	sdelay $0x3  }
0x34: {  	[smem:$0x3FBA] =	sst s10  }
0x35: {  	s10 =	sld [smem:$0x3FB9];
	_ =	sdelay $0x3  }
0x36: {  	p1 =	seq.s32 s10, $0x1;
	s10 =	sld [smem:$0x3FBA];
	_ =	sdelay $0x3  }
0x37: {  	[smem:$0x3FBA] =	sst s10  }
0x38: {  	s10 =	sld [smem:$0x3FBB]  }
0x39: {  	_ = 	snop;
	(pc) =	sbr.ind lr, $3  }
0x3a: {  	_ = 	snop  }
0x3b: {  	_ = 	snop  }
0x3c: {  	p2 =	seq.s32 s10, $0x1;
	s10 =	sld [smem:$0x3FBA]  }
0x3d: {  	_ =	shalt  }
0x3e: {  	_ =	shalt  }
0x3f: {  	_ =	shalt  }
0x40: {  	_ =	shalt  }
0x41: {  	_ =	shalt  }
0x42: {  	_ =	shalt  }
0x43: {  	_ =	shalt  }
0x44: {  	_ =	shalt  }
0x45: {  	_ =	shalt  }
0x46: {  	_ =	shalt  }
0x47: {  	_ =	shalt  }
0x48: {  	_ =	shalt  }
0x49: {  	_ =	shalt  }
0x4a: {  	_ =	shalt  }
0x4b: {  	_ =	shalt  }
0x4c: {  	_ =	shalt  }
0x4d: {  	_ =	shalt  }
0x4e: {  	_ =	shalt  }
0x4f: {  	_ =	shalt  }
0x50: {  	_ =	shalt  }
0x51: {  	_ =	shalt  }
0x52: {  	_ =	shalt  }
0x53: {  	_ =	shalt  }
0x54: {  	_ =	shalt  }
0x55: {  	_ =	shalt  }
0x56: {  	_ =	shalt  }
0x57: {  	_ =	shalt  }
0x58: {  	_ =	shalt  }
0x59: {  	_ =	shalt  }
0x5a: {  	_ =	shalt  }
0x5b: {  	_ =	shalt  }
0x5c: {  	_ =	shalt  }
0x5d: {  	_ =	shalt  }
0x5e: {  	_ =	shalt  }
0x5f: {  	_ =	shalt  }
0x60: {  	_ =	shalt  }
0x61: {  	_ =	shalt  }
0x62: {  	_ =	shalt  }
0x63: {  	_ =	shalt  }
0x64: {  	_ =	shalt  }
0x65: {  	_ =	shalt  }
0x66: {  	_ =	shalt  }
0x67: {  	_ =	shalt  }
0x68: {  	_ =	shalt  }
0x69: {  	_ =	shalt  }
0x6a: {  	_ =	shalt  }
0x6b: {  	_ =	shalt  }
0x6c: {  	_ =	shalt  }
0x6d: {  	_ =	shalt  }
0x6e: {  	_ =	shalt  }
0x6f: {  	_ =	shalt  }
0x70: {  	_ =	shalt  }
0x71: {  	_ =	shalt  }
0x72: {  	_ =	shalt  }
0x73: {  	_ =	shalt  }
0x74: {  	_ =	shalt  }
0x75: {  	_ =	shalt  }
0x76: {  	_ =	shalt  }
0x77: {  	_ =	shalt  }
0x78: {  	_ =	shalt  }
0x79: {  	_ =	shalt  }
0x7a: {  	_ =	shalt  }
0x7b: {  	_ =	shalt  }
0x7c: {  	_ =	shalt  }
0x7d: {  	_ =	shalt  }
0x7e: {  	_ =	shalt  }
0x7f: {  	_ =	shalt  }
0x80: {  	_ =	shalt  }
0x81: {  	_ =	shalt  }
0x82: {  	_ =	shalt  }
0x83: {  	_ =	shalt  }
0x84: {  	_ =	shalt  }
0x85: {  	_ =	shalt  }
0x86: {  	_ =	shalt  }
0x87: {  	_ =	shalt  }
.Lfunc_end0:
.L_simem_size_0:
called_computation_lowered:
.L_overlay_start_0:
0x88: {  	s2 =	sld [smem:$0x3FD9]  }
0x89: {  	s3 =	sld [smem:$0x3FFE];
	_ =	sdelay $0x1  }
0x8a: {  	s1 =	srdreg.scid  }
0x8b: {  	s0 =	sand.u32 $0x1, s1  }
0x8c: {  	s18 =	sshll.u32 s0, $0xA;
	s2 =	sadd.s32 s3, s2  }
0x8d: {  	s2 =	sadd.s32 s2, s18  }
0x8e: {  	[smem:$0x3FC6] =	sst s2  }
0x8f: {  	_ = 	snop  }
0x90: {  	s2 =	sld [smem:$0x3FC9]  }
0x91: {  	s19 =	sld [smem:$0x3FC8]  }
0x92: {  	s4 =	sld [smem:$0x3FD0];
	(tm) =	ssettm $0x1  }
0x93: {  	s5 =	sld [smem:$0x3FFB];
	_ =	sdelay $0x3  }
0x94: {  	_ =	strace s5  }
0x95: {  	s5 =	sld [smem:$0x3FFC];
	_ =	sdelay $0x3  }
0x96: {  	_ =	strace s5  }
0x97: {  	s5 =	sld [smem:$0x3FFD];
	_ =	sdelay $0x3  }
0x98: {  	_ =	strace s5  }
0x99: {  	_ =	strace $0x8FFFFFFF  }
0x9a: {  	s20 =	sld [smem:$0x3FDB];
	_ =	sdelay $0x1  }
0x9b: {  	s6 =	simm.s32 $_scs_section_size  }
0x9c: {  	s7 =	simm.s32 $_size__tile_overlayer_lowered;
	s8 =	simm.s32 $_tile_overlayer_lowered  }
0x9d: {  	s23 =	simm.s32 $0x1BFF;
	s22 =	sshll.u32 s8, $0x1;
	s5 =	sadd.s32 s6, s20  }
0x9e: {  	s9 =	simm.s32 $0x0;
	s21 =	sshll.u32 s7, $0x1;
	s7 =	sadd.s32 s22, s5  }
0x9f: {  	[timem:s9], [sflag:s23] =	dma.local [hbm:s7], s21  }
0xa0: {  	_ =	swait.ge [sflag:s23], s21  }
0xa1: {  	s6 =	ssub.s32 $0x0, s21;
	[sflag:s23] =	ssyncset.done $0x0  }
0xa2: {  	[sflag:s23] =	ssyncadd.s32 s6;
	_ =	sdelay $0x1  }
0xa3: {  	s24 =	simm.s32 $0x1B8B  }
0xa4: {  	_ =	swait.ge [sflag:s24], $0x1  }
0xa5: {  	[sflag:s24] =	ssyncset.done $0x0  }
0xa6: {  	s25 =	simm.s32 $0x1B8E;
	[sflag:s24] =	ssyncadd.s32 $0xFFFFFFFF  }
0xa7: {  	s26 =	simm.s32 $execute0_lowered;
	[smem:$0x3FD2] =	sst s25  }
0xa8: {  	s6 =	sshll.u32 s26, $0x1;
	_ =	strace $0x80000046;
	[dreg:$0x1] =	wrdreg $0xFFFFFFFF  }
0xa9: {  	s28 =	simm.s32 $_size_execute0_lowered;
	s5 =	sadd.s32 s5, s6;
	[dreg:$0x0] =	wrdreg $0x0  }
0xaa: {  	s6 =	sshll.u32 s28, $0x1;
	[dreg:$0x2] =	wrdreg s5  }
0xab: {  	[dreg:$0x3] =	wrdreg s6  }
0xac: {  	[dreg:$0x4] =	wrdreg $0xC0  }
0xad: {  	_ =	task [dreg:s9], $0x5FFFF  }
0xae: {  	[dreg:$0x1] =	wrdreg $0xFFFFFFFF  }
0xaf: {  	[dreg:$0x0] =	wrdreg $0x60  }
0xb0: {  	[dreg:$0x2] =	wrdreg s2  }
0xb1: {  	[dreg:$0x3] =	wrdreg s19  }
0xb2: {  	[dreg:$0x4] =	wrdreg s4  }
0xb3: {  	[dreg:$0x5] =	wrdreg $0x9  }
0xb4: {  	_ =	task.clear_ibuf [dreg:s9], $0x6FFFF;
	_ =	strace $0x90000046  }
0xb5: {  	s29 =	simm.s32 $0x9;
	_ =	strace $0x80000048  }
0xb6: {  	_ =	swait.ge [sflag:s29], $0x1  }
0xb7: {  	[sflag:s29] =	ssyncadd.s32 $0xFFFFFFFF  }
0xb8: {  	_ =	strace $0x90000048  }
0xb9: {  	_ =	sfence  }
0xba: {  	s30 =	sld [smem:$0x0];
	_ =	sdelay $0x2  }
0xbb: {  	s31 =	sshll.u32 s1, $0xD;
	s1 =	sshrl.u32 s1, $0x2  }
0xbc: {  	s3 =	sand.u32 $0x4000, s31;
	s1 =	sadd.s32 s1, s30  }
0xbd: {  	s0 =	sor.u32 s3, s0;
	s1 =	sshll.u32 s1, $0x11  }
0xbe: {  	s0 =	sor.u32 s1, s0  }
0xbf: {  	s0 =	sadd.s32 $0x8F2B, s0  }
0xc0: {  	[sflag:s0] =	ssyncadd.remote.s32 $0x1  }
0xc1: {  	_ =	sfence.sel $0xFFFF  }
0xc2: {  	[dreg:$0x0] =	wrdreg $0xFFFFFFFF;
	(pc) =	sbr.abs _section_cstart, $3  }
0xc3: {  	[dreg:$0x1] =	wrdreg $0xFFFFFFFF  }
0xc4: {  	_ =	task.clear_ibuf [dreg:s9], $0x2FFFF;
	_ =	strace $0x9FFFFFFF  }
0xc5: {  	(tm) =	ssettm $0x7FFFFFFF  }
tec
execute0_lowered:
.L_overlay_start_1:
0x0: {  	(tag) =	ssettag $0x1  }
0x1: {  	v0 =	vimm.s32 $0x30201000;
	v1 =	vimm.s32 $0x70605040  }
0x2: {  	vm0 =	vcmask $0xF00;
	vm11 =	vcmask $0x1F10;
	vm5 =	vcmask $0x2320  }
0x3: {  	vm4 =	vcmask $0x2724;
	vm2 =	vcmask $0x2B28;
	vm1 =	vcmask $0x2F2C  }
0x4: {  	vm12 =	vcmask $0x3330;
	vm3 =	vcmask $0x3734;
	v5 =	vimm.s32 $0xC70  }
0x5: {  	vm7 =	vcmask $0x300;
	vm8 =	vcmask $0x704;
	vm6 =	vcmask $0x3B38  }
0x6: {  	vm9 =	vcmask $0xB08;
	vm10 =	vcmask $0xF0C;
	v6 =	vimm.s32 $0x1470  }
0x7: {  	v7 =	vimm.s32 $0x1C70;
	vm13 =	vcmask $0x1714;
	vm14 =	vcmask $0x1B18  }
0x8: {  	s0 =	srdreg.scid;
	s7 =	stileid.u32;
	vm15 =	vcmask $0x1F1C;
	v0 =	vunpack.c.0.s8.s32 v0;
	v1 =	vunpack.c.0.s8.s32 v1  }
0x9: {  	s0 =	sand.u32 $0x1, s0;
	s1 =	sshll.u32 s7, $0x1;
	v5 =	vsel vm7, $0x800, v5;
	v6 =	vsel vm7, $0x1000, v6;
	v7 =	vsel vm7, $0x1800, v7  }
0xa: {  	s2 =	sor.u32 s0, s1;
	v5 =	vsel vm8, $0x810, v5;
	v6 =	vsel vm8, $0x1010, v6;
	v7 =	vsel vm8, $0x1810, v7  }
0xb: {  	s4 =	sshll.u32 s2, $0x5;
	v3 =	vnsel vm0, $0x470, v0;
	v0 =	vlaneseq.u32;
	v5 =	vsel vm9, $0x820, v5  }
0xc: {  	v6 =	vsel vm9, $0x1020, v6;
	v7 =	vsel vm9, $0x1820, v7;
	v2 =	vmov s4  }
0xd: {  	v1 =	vsel vm11, v1, v3;
	v3 =	vmul.u32 $0x2000, v0;
	v5 =	vsel vm10, $0x830, v5  }
0xe: {  	vm11 =	vcmask $0x1310;
	v6 =	vsel vm10, $0x1030, v6;
	v7 =	vsel vm10, $0x1830, v7  }
0xf: {  	v1 =	vsel vm5, $0x400, v1;
	v2 =	vshll.u32 v2, $0xD;
	v5 =	vsel vm11, $0x840, v5  }
0x10: {  	v6 =	vsel vm11, $0x1040, v6;
	v7 =	vsel vm11, $0x1840, v7;
	v4 =	vsel vm4, $0x410, v1  }
0x11: {  	v1 =	vor.u32 v3, v2;
	v3 =	vor.u32 $0x20000, v3;
	v5 =	vsel vm13, $0x850, v5  }
0x12: {  	v6 =	vsel vm13, $0x1050, v6;
	v7 =	vsel vm13, $0x1850, v7;
	v4 =	vsel vm2, $0x420, v4  }
0x13: {  	s5 =	rddreg [dreg:$0x1];
	v2 =	vor.u32 v3, v2;
	v3 =	vmul.u32 $0x11, v0;
	v5 =	vsel vm14, $0x860, v5  }
0x14: {  	s6 =	rddreg [dreg:$0x2];
	s3 =	simm.s32 $0x0;
	s9 =	simm.s32 $0x2;
	v6 =	vsel vm14, $0x1060, v6;
	v7 =	vsel vm14, $0x1860, v7;
	v4 =	vsel vm1, $0x430, v4  }
0x15: {  	s10 =	simm.s32 $0x8000;
	s11 =	simm.s32 $0x8220;
	s12 =	simm.s32 $0x80;
	v5 =	vsel vm15, $0x870, v5;
	v6 =	vsel vm15, $0x1070, v6;
	v7 =	vsel vm15, $0x1870, v7  }
0x16: {  	s14 =	simm.s32 $0x8C40;
	s30 =	simm.s32 $0x3;
	s26 =	simm.s32 $0x1;
	v4 =	vsel vm12, $0x440, v4;
	v5 =	vsel vm5, $0xC00, v5;
	v6 =	vsel vm5, $0x1400, v6  }
0x17: {  	s28 =	simm.s32 $0x20;
	s13 =	simm.s32 $0xD140;
	s15 =	simm.s32 $0xD240;
	v7 =	vsel vm5, $0x1C00, v7;
	v4 =	vsel vm3, $0x450, v4;
	v5 =	vsel vm4, $0xC10, v5  }
0x18: {  	s16 =	simm.s32 $0xD340;
	s17 =	simm.s32 $0x4;
	[smem:$0x7FF] =	sst s3;
	v6 =	vsel vm4, $0x1410, v6;
	v7 =	vsel vm4, $0x1C10, v7;
	v4 =	vsel vm6, $0x460, v4  }
0x19: {  	s18 =	simm.s32 $0x0;
	s7 =	sshll.u32 s7, $0x9;
	s1 =	rddreg [dreg:$0x0];
	v5 =	vsel vm2, $0xC20, v5;
	v6 =	vsel vm2, $0x1420, v6;
	v7 =	vsel vm2, $0x1C20, v7  }
0x1a: {  	_ =	strace $0x80000047;
	s0 =	ssub.s32 $0x2, s0;
	s4 =	sor.u32 s7, s4;
	v5 =	vsel vm1, $0xC30, v5;
	v6 =	vsel vm1, $0x1430, v6;
	v7 =	vsel vm1, $0x1C30, v7  }
0x1b: {  	s2 =	sshll.u32 s2, $0xC;
	s8 =	sshrl.u32 s0, $0x1;
	s7 =	sand.u32 $0x1C60, s4;
	v5 =	vsel vm12, $0xC40, v5;
	v6 =	vsel vm12, $0x1440, v6;
	v7 =	vsel vm12, $0x1C40, v7  }
0x1c: {  	s0 =	ssub.s32 s0, s8;
	s4 =	sadd.s32 s5, s2;
	s31 =	sshrl.u32 s7, $0x3;
	v5 =	vsel vm3, $0xC50, v5;
	v6 =	vsel vm3, $0x1450, v6;
	v7 =	vsel vm3, $0x1C50, v7  }
0x1d: {  	s5 =	sadd.s32 $0x800, s4;
	s7 =	smax.u32 s0, $0x1;
	s6 =	sadd.s32 s6, s31;
	v5 =	vsel vm6, $0xC60, v5;
	v6 =	vsel vm6, $0x1460, v6;
	v7 =	vsel vm6, $0x1C60, v7  }
.LBB2_1:
0x1e: {  	[tilespmem:s3], [sflag:$0x2] =	stream.linear.gather [hbm4b:s4+s3], $0x4000, $0x38;
	[tilespmem:$0xD440] =	vst v63  }
0x1f: {  	s0 =	simm.s32 $0x4000  }
0x20: {  	[tilespmem:s0], [sflag:$0x3] =	stream.linear.gather [hbm4b:s5+s3], $0x4000, $0x38;
	[tilespmem:$0xD440] =	vst v63  }
0x21: {  	_ =	swait.ge [sflag:s9], $0x4000  }
0x22: {  	[sflag:s9] =	ssyncset.done $0x0  }
0x23: {  	s19 =	simm.s32 $0x0;
	[sflag:s9] =	ssyncadd.s32 $0xFFFFC000  }
.LBB2_2:
0x24: {  	s20 =	sshll.u32 s19, $0xC;
	s21 =	sshll.u32 s19, $0x9  }
0x25: {  	s20 =	sand.u32 $0x2000, s20;
	s21 =	sand.u32 $0x200, s21  }
0x26: {  	s20 =	sor.u32 s21, s20  }
0x27: {  	v8 =	vmov s20;
	_ =	sdelay $0x1  }
0x28: {  	s22 =	simm.s32 $0x10;
	s2 =	simm.s32 $0x0;
	s8 =	simm.s32 $0x0  }
0x29: {  	s23 =	sand.u32 $0x70, s22;
	s24 =	sand.u32 $0x60, s8;
	s20 =	sand.u32 $0x1C00, s2  }
0x2a: {  	s23 =	sor.u32 s23, s20;
	s20 =	sor.u32 s24, s20  }
0x2b: {  	v9 =	vld.idx.msk [tilespmem:v8+s20+$0x0 ss:$0x1], $0xffff  }
0x2c: {  	v14 =	vld.idx.msk [tilespmem:v8+s20+$0x80 ss:$0x1], $0xffff  }
0x2d: {  	v15 =	vld.idx.msk [tilespmem:v8+s20+$0x100 ss:$0x1], $0xffff  }
0x2e: {  	v18 =	vld.idx.msk [tilespmem:v8+s20+$0x180 ss:$0x1], $0xffff  }
0x2f: {  	v12 =	vld.idx.msk [tilespmem:v8+s23+$0x0 ss:$0x1], $0xffff  }
0x30: {  	s29 =	simm.s32 $0x100;
	s25 =	simm.s32 $0x20;
	v16 =	vld.idx.msk [tilespmem:v8+s23+$0x80 ss:$0x1], $0xffff  }
0x31: {  	v17 =	vimm.f32 $-Inf;
	v27 =	vimm.s32 $0x0;
	s31 =	sand.u32 $0x60, s25;
	s24 =	sand.u32 $0x1C00, s29;
	s20 =	simm.s32 $0x30;
	v23 =	vld.idx.msk [tilespmem:v8+s23+$0x100 ss:$0x1], $0xffff  }
0x32: {  	v26 =	vor.u32 s8, v0;
	v10 =	vor.u32 s22, v0;
	v24 =	vld.idx.msk [tilespmem:v8+s23+$0x180 ss:$0x1], $0xffff;
	s23 =	sor.u32 s31, s24;
	s29 =	sand.u32 $0x70, s20;
	vm0 =	vgt.f32 v9, v17  }
0x33: {  	v19 =	vld.idx.msk [tilespmem:v8+s23+$0x0 ss:$0x1], $0xffff;
	s21 =	sor.u32 s29, s24;
	vm3 =	vgt.f32 v14, v17;
	vm4 =	vgt.f32 v15, v17;
	vm5 =	vgt.f32 v18, v17  }
0x34: {  	v11 =	vld.idx.msk [tilespmem:v8+s21+$0x0 ss:$0x1], $0xffff;
	v13 =	vsel vm0, v9, v17;
	v21 =	vsel vm0, v26, v27;
	v9 =	vor.u32 s25, v0  }
0x35: {  	v22 =	vsel vm3, v14, v17;
	v25 =	vsel vm4, v15, v17;
	v17 =	vsel vm5, v18, v17;
	v14 =	vld.idx.msk [tilespmem:v8+s23+$0x100 ss:$0x1], $0xffff  }
0x36: {  	v15 =	vld.idx.msk [tilespmem:v8+s23+$0x180 ss:$0x1], $0xffff;
	vm0 =	vgt.f32 v12, v13;
	vm1 =	vgt.f32 v16, v22;
	vm2 =	vgt.f32 v23, v25  }
0x37: {  	v20 =	vsel vm0, v12, v13;
	v21 =	vsel vm0, v10, v21;
	v12 =	vld.idx.msk [tilespmem:v8+s21+$0x80 ss:$0x1], $0xffff;
	vm0 =	vgt.f32 v24, v17  }
0x38: {  	v13 =	vld.idx.msk [tilespmem:v8+s23+$0x80 ss:$0x1], $0xffff;
	v22 =	vsel vm1, v16, v22;
	v18 =	vsel vm2, v23, v25;
	v25 =	vsel vm4, v26, v27  }
0x39: {  	s22 =	simm.s32 $0x2;
	s24 =	simm.s32 $0x200;
	v16 =	vld.idx.msk [tilespmem:v8+s21+$0x100 ss:$0x1], $0xffff;
	s23 =	simm.s32 $0x50;
	v23 =	vsel vm5, v26, v27;
	v17 =	vsel vm0, v24, v17;
	v24 =	vsel vm3, v26, v27  }
.LBB2_3:
0x3a: {  	s25 =	sand.u32 $0x1C00, s24;
	s29 =	sadd.s32 $0xFFFFFFF0, s23;
	s31 =	sand.u32 $0x70, s23;
	vm3 =	vgt.f32 v19, v20;
	v26 =	vld.idx.msk [tilespmem:v8+s21+$0x180 ss:$0x1], $0xffff;
	v25 =	vsel vm2, v10, v25;
	v23 =	vsel vm0, v10, v23  }
0x3b: {  	v24 =	vsel vm1, v10, v24;
	v27 =	vmovc v11;
	s2 =	sand.u32 $0x60, s29;
	s21 =	sor.u32 s31, s25;
	v20 =	vsel vm3, v19, v20;
	v21 =	vsel vm3, v9, v21  }
0x3c: {  	v10 =	vor.u32 s20, v0;
	v28 =	vmovc v9;
	v29 =	vmov v12;
	s20 =	smov.u32 s23;
	s22 =	sadd.s32 $0x2, s22;
	s2 =	sor.u32 s2, s25;
	v11 =	vld.idx.msk [tilespmem:v8+s21+$0x0 ss:$0x1], $0xffff;
	vm0 =	vgt.f32 v27, v20  }
0x3d: {  	v9 =	vor.u32 s29, v0;
	p0 =	slt.u32 s22, $0x3E;
	v19 =	vld.idx.msk [tilespmem:v8+s2+$0x0 ss:$0x1], $0xffff;
	v20 =	vsel vm0, v27, v20;
	v21 =	vsel vm0, v10, v21  }
.Ltmp0:
0x3e: {  	vm3 =	vgt.f32 v13, v22;
	vm4 =	vgt.f32 v14, v18;
	vm5 =	vgt.f32 v15, v17;
	v12 =	vld.idx.msk [tilespmem:v8+s21+$0x80 ss:$0x1], $0xffff;
	(pc) =	sbr.rel @p0 .LBB2_3-.Ltmp0, $4  }
0x3f: {  	v22 =	vsel vm3, v13, v22;
	v18 =	vsel vm4, v14, v18;
	v17 =	vsel vm5, v15, v17;
	v13 =	vld.idx.msk [tilespmem:v8+s2+$0x80 ss:$0x1], $0xffff  }
0x40: {  	vm1 =	vgt.f32 v29, v22;
	vm2 =	vgt.f32 v16, v18;
	vm0 =	vgt.f32 v26, v17;
	v14 =	vld.idx.msk [tilespmem:v8+s2+$0x100 ss:$0x1], $0xffff  }
0x41: {  	v22 =	vsel vm1, v29, v22;
	v18 =	vsel vm2, v16, v18;
	v17 =	vsel vm0, v26, v17;
	v15 =	vld.idx.msk [tilespmem:v8+s2+$0x180 ss:$0x1], $0xffff  }
0x42: {  	s23 =	sadd.s32 $0x20, s23;
	s24 =	sadd.s32 $0x100, s24;
	v24 =	vsel vm3, v28, v24;
	v25 =	vsel vm4, v28, v25;
	v23 =	vsel vm5, v28, v23;
	v16 =	vld.idx.msk [tilespmem:v8+s21+$0x100 ss:$0x1], $0xffff  }
0x43: {  	_ = 	snop  }
0x44: {  	vm3 =	vgt.f32 v19, v20  }
0x45: {  	v25 =	vsel vm2, v10, v25;
	v54 =	vsel vm1, v10, v24;
	v19 =	vsel vm3, v19, v20  }
0x46: {  	s2 =	smul.u32 $0x44, s19;
	v55 =	vor.u32 s20, v0;
	vm11 =	vgt.f32 v13, v22;
	vm10 =	vgt.f32 v11, v19  }
0x47: {  	v8 =	vld.idx.msk [tilespmem:v8+s21+$0x180 ss:$0x1], $0xffff;
	v53 =	vsel vm3, v9, v21;
	v13 =	vsel vm11, v13, v22;
	v11 =	vsel vm10, v11, v19  }
0x48: {  	vm12 =	vgt.f32 v14, v18;
	v56 =	vsel vm10, v55, v53;
	vm13 =	vgt.f32 v12, v13;
	[tilespmem:s2+$0x8000] =	vst v11  }
0x49: {  	s19 =	sadd.s32 $0x1, s19;
	v58 =	vsel vm11, v9, v54;
	v57 =	vsel vm12, v14, v18;
	v12 =	vsel vm13, v12, v13;
	[tilespmem:s2+$0x8220] =	vst v56  }
0x4a: {  	p0 =	sne.s32 s19, $0x4;
	vm14 =	vgt.f32 v15, v17;
	vm4 =	vgt.f32 v16, v57;
	v13 =	vsel vm13, v55, v58;
	[tilespmem:s2+$0x8011] =	vst v12  }
.Ltmp1:
0x4b: {  	v60 =	vsel vm12, v9, v25;
	v59 =	vsel vm14, v15, v17;
	v11 =	vsel vm4, v16, v57;
	[tilespmem:s2+$0x8231] =	vst v13;
	(pc) =	sbr.rel @p0 .LBB2_2-.Ltmp1, $4  }
0x4c: {  	v61 =	vsel vm0, v10, v23;
	vm15 =	vgt.f32 v8, v59;
	v62 =	vsel vm4, v55, v60;
	[tilespmem:s2+$0x8022] =	vst v11  }
0x4d: {  	v63 =	vsel vm14, v9, v61;
	v8 =	vsel vm15, v8, v59;
	[tilespmem:s2+$0x8242] =	vst v62  }
0x4e: {  	v9 =	vsel vm15, v55, v63;
	[tilespmem:s2+$0x8033] =	vst v8  }
0x4f: {  	[tilespmem:s2+$0x8253] =	vst v9  }
0x50: {  	s2 =	simm.s32 $0x0  }
0x51: {  	v8 =	vadd.s32 s2, v3;
	_ =	sdelay $0x3  }
0x52: {  	s31 =	simm.s32 $0x1  }
0x53: {  	v13 =	vadd.s32 s31, v3;
	v12 =	vld.idx.msk [tilespmem:v8+s10+$0x0], $0xffff  }
0x54: {  	v8 =	vld.idx.msk [tilespmem:v8+s11+$0x0], $0xffff;
	_ =	sdelay $0x3  }
0x55: {  	v9 =	vimm.f32 $-Inf;
	v10 =	vimm.s32 $0x40000000;
	s19 =	simm.s32 $0x2;
	v11 =	vld.idx.msk [tilespmem:v13+s10+$0x0], $0xffff  }
.LBB2_6:
0x56: {  	vm0 =	veq.f32 v12, v9;
	vm1 =	vlt.s32 v8, v10;
	v14 =	vmovc v8;
	v8 =	vld.idx.msk [tilespmem:v13+s11+$0x0], $0xffff;
	v13 =	vadd.s32 s19, v3;
	p0 =	sne.s32 s19, $0xF  }
.Ltmp2:
0x57: {  	s19 =	sadd.s32 $0x1, s19;
	vm2 =	vgt.f32 v12, v9;
	vm0 =	vmand vm0, vm1;
	(pc) =	sbr.rel @p0 .LBB2_6-.Ltmp2, $3  }
0x58: {  	vm0 =	vmor vm2, vm0  }
0x59: {  	v9 =	vsel vm0, v12, v9;
	v10 =	vsel vm0, v14, v10;
	_ =	sdelay $0x1  }
0x5a: {  	v12 =	vmov v11;
	v11 =	vld.idx.msk [tilespmem:v13+s10+$0x0], $0xffff  }
0x5b: {  	_ =	sdelay $0x3  }
0x5c: {  	v13 =	vld.idx.msk [tilespmem:v13+s11+$0x0], $0xffff  }
0x5d: {  	vm0 =	veq.f32 v12, v9;
	vm1 =	vlt.s32 v8, v10  }
0x5e: {  	vm2 =	vgt.f32 v12, v9;
	vm0 =	vmand vm0, vm1  }
0x5f: {  	vm0 =	vmor vm2, vm0  }
0x60: {  	v9 =	vsel vm0, v12, v9;
	v8 =	vsel vm0, v8, v10  }
0x61: {  	vm13 =	veq.f32 v11, v9;
	vm14 =	vlt.s32 v13, v8  }
0x62: {  	vm15 =	vgt.f32 v11, v9;
	vm0 =	vmand vm13, vm14  }
0x63: {  	vm0 =	vmor vm15, vm0  }
0x64: {  	v8 =	vsel vm0, v13, v8  }
0x65: {  	v9 =	vand.u32 $0xFFFFFF80, v8;
	v10 =	vshrl.u32 v8, $0x3  }
0x66: {  	v9 =	vadd.s32 v1, v9;
	v10 =	vand.u32 $0xF, v10  }
0x67: {  	v9 =	vor.u32 v10, v9  }
0x68: {  	v10 =	vbroadcast v9, $0x0;
	_ =	sdelay $0x1  }
0x69: {  	v11 =	vadd.s32 v4, v10  }
0x6a: {  	[tilespmem:$0x8440] =	vst v11;
	v11 =	vadd.s32 v5, v10  }
0x6b: {  	v57 =	vbroadcast v9, $0x1;
	[tilespmem:$0x8450] =	vst v11;
	v11 =	vadd.s32 v6, v10  }
0x6c: {  	v10 =	vadd.s32 v7, v10;
	[tilespmem:$0x8460] =	vst v11  }
0x6d: {  	[tilespmem:$0x8470] =	vst v10;
	v10 =	vadd.s32 v4, v57  }
0x6e: {  	[tilespmem:$0x8480] =	vst v10;
	v10 =	vadd.s32 v5, v57  }
0x6f: {  	[tilespmem:$0x8490] =	vst v10;
	v10 =	vadd.s32 v6, v57  }
0x70: {  	v11 =	vbroadcast v9, $0x2;
	[tilespmem:$0x84A0] =	vst v10;
	v10 =	vadd.s32 v7, v57  }
0x71: {  	s0 =	simm.s32 $0x8440;
	[tilespmem:$0x84B0] =	vst v10  }
0x72: {  	v10 =	vadd.s32 v4, v11;
	[tilespmem:s14], [sflag:$0x1] =	stream.indirect.gather [hbm4b:s1+s12], $0x8, s0, s12, $0xb8;
	[tilespmem:$0xD440] =	vst v63  }
0x73: {  	[tilespmem:$0x84C0] =	vst v10;
	v10 =	vadd.s32 v5, v11  }
0x74: {  	v58 =	vbroadcast v9, $0x3;
	[tilespmem:$0x84D0] =	vst v10;
	v10 =	vadd.s32 v6, v11  }
0x75: {  	[tilespmem:$0x84E0] =	vst v10;
	v10 =	vadd.s32 v7, v11  }
0x76: {  	[tilespmem:$0x84F0] =	vst v10;
	v10 =	vadd.s32 v4, v58  }
0x77: {  	[tilespmem:$0x8500] =	vst v10;
	v10 =	vadd.s32 v5, v58  }
0x78: {  	[tilespmem:$0x8510] =	vst v10;
	v10 =	vadd.s32 v6, v58  }
0x79: {  	v11 =	vbroadcast v9, $0x4;
	[tilespmem:$0x8520] =	vst v10;
	v10 =	vadd.s32 v7, v58  }
0x7a: {  	s25 =	simm.s32 $0x84C0;
	s2 =	simm.s32 $0x9040;
	[tilespmem:$0x8530] =	vst v10  }
0x7b: {  	v10 =	vadd.s32 v4, v11;
	[tilespmem:s2], [sflag:$0x1] =	stream.indirect.gather [hbm4b:s1+s12], $0x8, s25, s12, $0xb8;
	[tilespmem:$0xD440] =	vst v63  }
0x7c: {  	[tilespmem:$0x8540] =	vst v10;
	v10 =	vadd.s32 v5, v11  }
0x7d: {  	v59 =	vbroadcast v9, $0x5;
	[tilespmem:$0x8550] =	vst v10;
	v10 =	vadd.s32 v6, v11  }
0x7e: {  	[tilespmem:$0x8560] =	vst v10;
	v10 =	vadd.s32 v7, v11  }
0x7f: {  	[tilespmem:$0x8570] =	vst v10;
	v10 =	vadd.s32 v4, v59  }
0x80: {  	[tilespmem:$0x8580] =	vst v10;
	v10 =	vadd.s32 v5, v59  }
0x81: {  	[tilespmem:$0x8590] =	vst v10;
	v10 =	vadd.s32 v6, v59  }
0x82: {  	v11 =	vbroadcast v9, $0x6;
	[tilespmem:$0x85A0] =	vst v10;
	v10 =	vadd.s32 v7, v59  }
0x83: {  	s29 =	simm.s32 $0x8540;
	s31 =	simm.s32 $0x9440;
	[tilespmem:$0x85B0] =	vst v10  }
0x84: {  	v10 =	vadd.s32 v4, v11;
	[tilespmem:s31], [sflag:$0x1] =	stream.indirect.gather [hbm4b:s1+s12], $0x8, s29, s12, $0xb8;
	[tilespmem:$0xD440] =	vst v63  }
0x85: {  	[tilespmem:$0x85C0] =	vst v10;
	v10 =	vadd.s32 v5, v11  }
0x86: {  	v60 =	vbroadcast v9, $0x7;
	[tilespmem:$0x85D0] =	vst v10;
	v10 =	vadd.s32 v6, v11  }
0x87: {  	[tilespmem:$0x85E0] =	vst v10;
	v10 =	vadd.s32 v7, v11  }
0x88: {  	[tilespmem:$0x85F0] =	vst v10;
	v10 =	vadd.s32 v4, v60  }
0x89: {  	[tilespmem:$0x8600] =	vst v10;
	v10 =	vadd.s32 v5, v60  }
0x8a: {  	[tilespmem:$0x8610] =	vst v10;
	v10 =	vadd.s32 v6, v60  }
0x8b: {  	v11 =	vbroadcast v9, $0x8;
	[tilespmem:$0x8620] =	vst v10;
	v10 =	vadd.s32 v7, v60  }
0x8c: {  	s8 =	simm.s32 $0x85C0;
	s19 =	simm.s32 $0x9840;
	[tilespmem:$0x8630] =	vst v10  }
0x8d: {  	v10 =	vadd.s32 v4, v11;
	[tilespmem:s19], [sflag:$0x1] =	stream.indirect.gather [hbm4b:s1+s12], $0x8, s8, s12, $0xb8;
	[tilespmem:$0xD440] =	vst v63  }
0x8e: {  	[tilespmem:$0x8640] =	vst v10;
	v10 =	vadd.s32 v5, v11  }
0x8f: {  	v61 =	vbroadcast v9, $0x9;
	[tilespmem:$0x8650] =	vst v10;
	v10 =	vadd.s32 v6, v11  }
0x90: {  	[tilespmem:$0x8660] =	vst v10;
	v10 =	vadd.s32 v7, v11  }
0x91: {  	[tilespmem:$0x8670] =	vst v10;
	v10 =	vadd.s32 v4, v61  }
0x92: {  	[tilespmem:$0x8680] =	vst v10;
	v10 =	vadd.s32 v5, v61  }
0x93: {  	[tilespmem:$0x8690] =	vst v10;
	v10 =	vadd.s32 v6, v61  }
0x94: {  	v11 =	vbroadcast v9, $0xA;
	[tilespmem:$0x86A0] =	vst v10;
	v10 =	vadd.s32 v7, v61  }
0x95: {  	s20 =	simm.s32 $0x8640;
	s21 =	simm.s32 $0x9C40;
	[tilespmem:$0x86B0] =	vst v10  }
0x96: {  	v10 =	vadd.s32 v4, v11;
	[tilespmem:s21], [sflag:$0x1] =	stream.indirect.gather [hbm4b:s1+s12], $0x8, s20, s12, $0xb8;
	[tilespmem:$0xD440] =	vst v63  }
0x97: {  	[tilespmem:$0x86C0] =	vst v10;
	v10 =	vadd.s32 v5, v11  }
0x98: {  	v62 =	vbroadcast v9, $0xB;
	[tilespmem:$0x86D0] =	vst v10;
	v10 =	vadd.s32 v6, v11  }
0x99: {  	[tilespmem:$0x86E0] =	vst v10;
	v10 =	vadd.s32 v7, v11  }
0x9a: {  	[tilespmem:$0x86F0] =	vst v10;
	v10 =	vadd.s32 v4, v62  }
0x9b: {  	[tilespmem:$0x8700] =	vst v10;
	v10 =	vadd.s32 v5, v62  }
0x9c: {  	[tilespmem:$0x8710] =	vst v10;
	v10 =	vadd.s32 v6, v62  }
0x9d: {  	v11 =	vbroadcast v9, $0xC;
	[tilespmem:$0x8720] =	vst v10;
	v10 =	vadd.s32 v7, v62  }
0x9e: {  	s22 =	simm.s32 $0x86C0;
	s23 =	simm.s32 $0xA040;
	[tilespmem:$0x8730] =	vst v10  }
0x9f: {  	v10 =	vadd.s32 v4, v11;
	[tilespmem:s23], [sflag:$0x1] =	stream.indirect.gather [hbm4b:s1+s12], $0x8, s22, s12, $0xb8;
	[tilespmem:$0xD440] =	vst v63  }
0xa0: {  	[tilespmem:$0x8740] =	vst v10;
	v10 =	vadd.s32 v5, v11  }
0xa1: {  	v63 =	vbroadcast v9, $0xD;
	[tilespmem:$0x8750] =	vst v10;
	v10 =	vadd.s32 v6, v11  }
0xa2: {  	[tilespmem:$0x8760] =	vst v10;
	v10 =	vadd.s32 v7, v11  }
0xa3: {  	[tilespmem:$0x8770] =	vst v10;
	v10 =	vadd.s32 v4, v63  }
0xa4: {  	[tilespmem:$0x8780] =	vst v10;
	v10 =	vadd.s32 v5, v63  }
0xa5: {  	[tilespmem:$0x8790] =	vst v10;
	v10 =	vadd.s32 v6, v63  }
0xa6: {  	v11 =	vbroadcast v9, $0xE;
	[tilespmem:$0x87A0] =	vst v10;
	v10 =	vadd.s32 v7, v63  }
0xa7: {  	s24 =	simm.s32 $0x8740;
	s25 =	simm.s32 $0xA440;
	[tilespmem:$0x87B0] =	vst v10  }
0xa8: {  	v10 =	vadd.s32 v4, v11;
	[tilespmem:s25], [sflag:$0x1] =	stream.indirect.gather [hbm4b:s1+s12], $0x8, s24, s12, $0xb8;
	[tilespmem:$0xD440] =	vst v63  }
0xa9: {  	[tilespmem:$0x87C0] =	vst v10;
	v10 =	vadd.s32 v5, v11  }
0xaa: {  	v9 =	vbroadcast v9, $0xF;
	[tilespmem:$0x87D0] =	vst v10;
	v10 =	vadd.s32 v6, v11  }
0xab: {  	[tilespmem:$0x87E0] =	vst v10;
	v10 =	vadd.s32 v7, v11  }
0xac: {  	[tilespmem:$0x87F0] =	vst v10;
	v10 =	vadd.s32 v4, v9  }
0xad: {  	[tilespmem:$0x8800] =	vst v10;
	v10 =	vadd.s32 v5, v9  }
0xae: {  	[tilespmem:$0x8810] =	vst v10;
	v10 =	vadd.s32 v6, v9  }
0xaf: {  	v9 =	vadd.s32 v7, v9;
	[tilespmem:$0x8820] =	vst v10  }
0xb0: {  	s29 =	simm.s32 $0x87C0;
	s31 =	simm.s32 $0xA840;
	[tilespmem:$0x8830] =	vst v9  }
0xb1: {  	[tilespmem:s31], [sflag:$0x1] =	stream.indirect.gather [hbm4b:s1+s12], $0x8, s29, s12, $0xb8;
	[tilespmem:$0xD440] =	vst v63  }
0xb2: {  	_ =	swait.ge [sflag:s30], $0x4000  }
0xb3: {  	[sflag:s30] =	ssyncset.done $0x0  }
0xb4: {  	s19 =	simm.s32 $0x0;
	s20 =	simm.s32 $0x0;
	[sflag:s30] =	ssyncadd.s32 $0xFFFFC000  }
.LBB2_8:
0xb5: {  	s2 =	sshll.u32 s20, $0x2  }
0xb6: {  	s21 =	sadd.s32 $0x10, s2  }
0xb7: {  	s22 =	sshll.u32 s20, $0x9;
	s2 =	sshll.u32 s21, $0xA  }
0xb8: {  	s22 =	sand.u32 $0x200, s22;
	s2 =	sand.u32 $0x6000, s2  }
0xb9: {  	s2 =	sor.u32 s22, s2  }
0xba: {  	v9 =	vmov s2;
	_ =	sdelay $0x1  }
0xbb: {  	s23 =	simm.s32 $0x0  }
0xbc: {  	s31 =	sand.u32 $0x1C00, s19;
	s25 =	sand.u32 $0x60, s23  }
0xbd: {  	s22 =	sor.u32 s25, s31  }
0xbe: {  	v10 =	vld.idx.msk [tilespmem:v9+s22+$0x0 ss:$0x1], $0xffff  }
0xbf: {  	s2 =	simm.s32 $0x10;
	v15 =	vld.idx.msk [tilespmem:v9+s22+$0x80 ss:$0x1], $0xffff  }
0xc0: {  	s24 =	sand.u32 $0x70, s2;
	v16 =	vld.idx.msk [tilespmem:v9+s22+$0x100 ss:$0x1], $0xffff  }
0xc1: {  	s24 =	sor.u32 s24, s31;
	v19 =	vld.idx.msk [tilespmem:v9+s22+$0x180 ss:$0x1], $0xffff  }
0xc2: {  	v13 =	vld.idx.msk [tilespmem:v9+s24+$0x0 ss:$0x1], $0xffff  }
0xc3: {  	s0 =	simm.s32 $0x100;
	s29 =	simm.s32 $0x20;
	v17 =	vld.idx.msk [tilespmem:v9+s24+$0x80 ss:$0x1], $0xffff  }
0xc4: {  	v18 =	vimm.f32 $-Inf;
	v28 =	vimm.s32 $0x0;
	s8 =	sand.u32 $0x60, s29;
	s25 =	sand.u32 $0x1C00, s0;
	s22 =	simm.s32 $0x30;
	v24 =	vld.idx.msk [tilespmem:v9+s24+$0x100 ss:$0x1], $0xffff  }
0xc5: {  	v27 =	vor.u32 s23, v0;
	v11 =	vor.u32 s2, v0;
	v25 =	vld.idx.msk [tilespmem:v9+s24+$0x180 ss:$0x1], $0xffff;
	s24 =	sor.u32 s8, s25;
	s31 =	sand.u32 $0x70, s22;
	vm0 =	vgt.f32 v10, v18  }
0xc6: {  	v20 =	vld.idx.msk [tilespmem:v9+s24+$0x0 ss:$0x1], $0xffff;
	s23 =	sor.u32 s31, s25;
	vm3 =	vgt.f32 v15, v18;
	vm4 =	vgt.f32 v16, v18;
	vm5 =	vgt.f32 v19, v18  }
0xc7: {  	v12 =	vld.idx.msk [tilespmem:v9+s23+$0x0 ss:$0x1], $0xffff;
	v14 =	vsel vm0, v10, v18;
	v22 =	vsel vm0, v27, v28;
	v10 =	vor.u32 s29, v0  }
0xc8: {  	v23 =	vsel vm3, v15, v18;
	v26 =	vsel vm4, v16, v18;
	v18 =	vsel vm5, v19, v18;
	v15 =	vld.idx.msk [tilespmem:v9+s24+$0x100 ss:$0x1], $0xffff  }
0xc9: {  	v16 =	vld.idx.msk [tilespmem:v9+s24+$0x180 ss:$0x1], $0xffff;
	vm0 =	vgt.f32 v13, v14;
	vm1 =	vgt.f32 v17, v23;
	vm2 =	vgt.f32 v24, v26  }
0xca: {  	v21 =	vsel vm0, v13, v14;
	v22 =	vsel vm0, v11, v22;
	v13 =	vld.idx.msk [tilespmem:v9+s23+$0x80 ss:$0x1], $0xffff;
	vm0 =	vgt.f32 v25, v18  }
0xcb: {  	v14 =	vld.idx.msk [tilespmem:v9+s24+$0x80 ss:$0x1], $0xffff;
	v23 =	vsel vm1, v17, v23;
	v19 =	vsel vm2, v24, v26;
	v26 =	vsel vm4, v27, v28  }
0xcc: {  	s25 =	simm.s32 $0x50;
	s29 =	simm.s32 $0x200;
	s24 =	simm.s32 $0x2;
	v17 =	vld.idx.msk [tilespmem:v9+s23+$0x100 ss:$0x1], $0xffff;
	v24 =	vsel vm5, v27, v28;
	v18 =	vsel vm0, v25, v18;
	v25 =	vsel vm3, v27, v28  }
.LBB2_9:
0xcd: {  	s2 =	sand.u32 $0x1C00, s29;
	s31 =	sadd.s32 $0xFFFFFFF0, s25;
	s0 =	sand.u32 $0x70, s25;
	vm3 =	vgt.f32 v20, v21;
	v27 =	vld.idx.msk [tilespmem:v9+s23+$0x180 ss:$0x1], $0xffff;
	v26 =	vsel vm2, v11, v26;
	v24 =	vsel vm0, v11, v24  }
0xce: {  	v25 =	vsel vm1, v11, v25;
	v28 =	vmovc v12;
	s8 =	sand.u32 $0x60, s31;
	s23 =	sor.u32 s0, s2;
	v21 =	vsel vm3, v20, v21;
	v22 =	vsel vm3, v10, v22  }
0xcf: {  	v11 =	vor.u32 s22, v0;
	v29 =	vmovc v10;
	v30 =	vmov v13;
	s22 =	smov.u32 s25;
	s24 =	sadd.s32 $0x2, s24;
	s0 =	sor.u32 s8, s2;
	v12 =	vld.idx.msk [tilespmem:v9+s23+$0x0 ss:$0x1], $0xffff;
	vm0 =	vgt.f32 v28, v21  }
0xd0: {  	v10 =	vor.u32 s31, v0;
	p0 =	slt.u32 s24, $0x3E;
	v20 =	vld.idx.msk [tilespmem:v9+s0+$0x0 ss:$0x1], $0xffff;
	v21 =	vsel vm0, v28, v21;
	v22 =	vsel vm0, v11, v22  }
.Ltmp3:
0xd1: {  	vm3 =	vgt.f32 v14, v23;
	vm4 =	vgt.f32 v15, v19;
	vm5 =	vgt.f32 v16, v18;
	v13 =	vld.idx.msk [tilespmem:v9+s23+$0x80 ss:$0x1], $0xffff;
	(pc) =	sbr.rel @p0 .LBB2_9-.Ltmp3, $4  }
0xd2: {  	v23 =	vsel vm3, v14, v23;
	v19 =	vsel vm4, v15, v19;
	v18 =	vsel vm5, v16, v18;
	v14 =	vld.idx.msk [tilespmem:v9+s0+$0x80 ss:$0x1], $0xffff  }
0xd3: {  	vm1 =	vgt.f32 v30, v23;
	vm2 =	vgt.f32 v17, v19;
	vm0 =	vgt.f32 v27, v18;
	v15 =	vld.idx.msk [tilespmem:v9+s0+$0x100 ss:$0x1], $0xffff  }
0xd4: {  	v23 =	vsel vm1, v30, v23;
	v19 =	vsel vm2, v17, v19;
	v18 =	vsel vm0, v27, v18;
	v16 =	vld.idx.msk [tilespmem:v9+s0+$0x180 ss:$0x1], $0xffff  }
0xd5: {  	s25 =	sadd.s32 $0x20, s25;
	s29 =	sadd.s32 $0x100, s29;
	v25 =	vsel vm3, v29, v25;
	v26 =	vsel vm4, v29, v26;
	v24 =	vsel vm5, v29, v24;
	v17 =	vld.idx.msk [tilespmem:v9+s23+$0x100 ss:$0x1], $0xffff  }
0xd6: {  	_ = 	snop  }
0xd7: {  	vm3 =	vgt.f32 v20, v21  }
0xd8: {  	v26 =	vsel vm2, v11, v26;
	v56 =	vsel vm1, v11, v25;
	v20 =	vsel vm3, v20, v21  }
0xd9: {  	s0 =	smul.u32 $0x11, s21;
	v57 =	vor.u32 s22, v0;
	vm11 =	vgt.f32 v14, v23;
	vm10 =	vgt.f32 v12, v20  }
0xda: {  	v9 =	vld.idx.msk [tilespmem:v9+s23+$0x180 ss:$0x1], $0xffff;
	v55 =	vsel vm3, v10, v22;
	v14 =	vsel vm11, v14, v23;
	v12 =	vsel vm10, v12, v20  }
0xdb: {  	s2 =	smul.u32 $0x44, s20;
	vm12 =	vgt.f32 v15, v19;
	v58 =	vsel vm10, v57, v55;
	vm13 =	vgt.f32 v13, v14;
	[tilespmem:s0+$0x8000] =	vst v12  }
0xdc: {  	s20 =	sadd.s32 $0x1, s20;
	v60 =	vsel vm11, v10, v56;
	v59 =	vsel vm12, v15, v19;
	v13 =	vsel vm13, v13, v14;
	[tilespmem:s0+$0x8220] =	vst v58  }
0xdd: {  	p0 =	sne.s32 s20, $0x4;
	vm14 =	vgt.f32 v16, v18;
	vm4 =	vgt.f32 v17, v59;
	v14 =	vsel vm13, v57, v60;
	[tilespmem:s2+$0x8121] =	vst v13  }
.Ltmp4:
0xde: {  	v62 =	vsel vm12, v10, v26;
	v61 =	vsel vm14, v16, v18;
	v12 =	vsel vm4, v17, v59;
	[tilespmem:s2+$0x8341] =	vst v14;
	(pc) =	sbr.rel @p0 .LBB2_8-.Ltmp4, $4  }
0xdf: {  	v11 =	vsel vm0, v11, v24;
	vm15 =	vgt.f32 v9, v61;
	v63 =	vsel vm4, v57, v62;
	[tilespmem:s2+$0x8132] =	vst v12  }
0xe0: {  	v10 =	vsel vm14, v10, v11;
	v9 =	vsel vm15, v9, v61;
	[tilespmem:s2+$0x8352] =	vst v63  }
0xe1: {  	v10 =	vsel vm15, v57, v10;
	[tilespmem:s2+$0x8143] =	vst v9  }
0xe2: {  	[tilespmem:s2+$0x8363] =	vst v10  }
0xe3: {  	s0 =	simm.s32 $0x0;
	v13 =	vadd.s32 $0x110, v3  }
0xe4: {  	v12 =	vadd.s32 s0, v13;
	_ =	sdelay $0x3  }
0xe5: {  	s31 =	simm.s32 $0x1  }
0xe6: {  	v14 =	vadd.s32 s31, v13;
	v9 =	vld.idx.msk [tilespmem:v12+s10+$0x0], $0xffff  }
0xe7: {  	v12 =	vld.idx.msk [tilespmem:v12+s11+$0x0], $0xffff;
	_ =	sdelay $0x1  }
0xe8: {  	v10 =	vimm.f32 $-Inf;
	v11 =	vimm.s32 $0x40000000;
	s19 =	simm.s32 $0x2  }
.LBB2_12:
0xe9: {  	p0 =	sne.s32 s19, $0xF  }
.Ltmp5:
0xea: {  	v15 =	vmov v9;
	v9 =	vld.idx.msk [tilespmem:v14+s10+$0x0], $0xffff;
	(pc) =	sbr.rel @p0 .LBB2_12-.Ltmp5, $4  }
0xeb: {  	vm0 =	veq.f32 v15, v10;
	vm1 =	vlt.s32 v12, v11;
	v16 =	vmovc v12;
	v12 =	vld.idx.msk [tilespmem:v14+s11+$0x0], $0xffff;
	v14 =	vadd.s32 s19, v13;
	s19 =	sadd.s32 $0x1, s19  }
0xec: {  	vm2 =	vgt.f32 v15, v10;
	vm0 =	vmand vm0, vm1  }
0xed: {  	vm0 =	vmor vm2, vm0  }
0xee: {  	v10 =	vsel vm0, v15, v10;
	v11 =	vsel vm0, v16, v11  }
0xef: {  	_ =	sdelay $0x3  }
0xf0: {  	v13 =	vld.idx.msk [tilespmem:v14+s10+$0x0], $0xffff  }
0xf1: {  	v55 =	vld.idx.msk [tilespmem:v14+s11+$0x0], $0xffff  }
0xf2: {  	vm0 =	veq.f32 v9, v10;
	vm1 =	vlt.s32 v12, v11  }
0xf3: {  	vm2 =	vgt.f32 v9, v10;
	vm0 =	vmand vm0, vm1  }
0xf4: {  	vm0 =	vmor vm2, vm0  }
0xf5: {  	v56 =	vsel vm0, v9, v10;
	v57 =	vsel vm0, v12, v11  }
0xf6: {  	vm13 =	veq.f32 v13, v56;
	vm14 =	vlt.s32 v55, v57  }
0xf7: {  	vm15 =	vgt.f32 v13, v56;
	vm0 =	vmand vm13, vm14  }
0xf8: {  	vm0 =	vmor vm15, vm0  }
0xf9: {  	v10 =	vsel vm0, v55, v57  }
0xfa: {  	v58 =	vand.u32 $0xFFFFFF80, v10;
	v59 =	vshrl.u32 v10, $0x3  }
0xfb: {  	v9 =	vadd.s32 v2, v58;
	v11 =	vand.u32 $0xF, v59  }
0xfc: {  	v9 =	vor.u32 v11, v9  }
0xfd: {  	v11 =	vbroadcast v9, $0x0;
	_ =	sdelay $0x1  }
0xfe: {  	v60 =	vadd.s32 v4, v11  }
0xff: {  	v61 =	vadd.s32 v5, v11;
	[tilespmem:$0x8840] =	vst v60  }
0x100: {  	v63 =	vbroadcast v9, $0x1;
	v62 =	vadd.s32 v6, v11;
	[tilespmem:$0x8850] =	vst v61  }
0x101: {  	v11 =	vadd.s32 v7, v11;
	[tilespmem:$0x8860] =	vst v62  }
0x102: {  	v15 =	vadd.s32 v4, v63;
	[tilespmem:$0x8870] =	vst v11  }
0x103: {  	v16 =	vadd.s32 v5, v63;
	[tilespmem:$0x8880] =	vst v15  }
0x104: {  	v17 =	vadd.s32 v6, v63;
	[tilespmem:$0x8890] =	vst v16  }
0x105: {  	v19 =	vbroadcast v9, $0x2;
	v18 =	vadd.s32 v7, v63;
	[tilespmem:$0x88A0] =	vst v17  }
0x106: {  	s0 =	simm.s32 $0x8840;
	s2 =	simm.s32 $0xAC40;
	[tilespmem:$0x88B0] =	vst v18  }
0x107: {  	v20 =	vadd.s32 v4, v19;
	[tilespmem:s2], [sflag:$0x1] =	stream.indirect.gather [hbm4b:s1+s12], $0x8, s0, s12, $0xb8;
	[tilespmem:$0xD440] =	vst v63  }
0x108: {  	v21 =	vadd.s32 v5, v19;
	[tilespmem:$0x88C0] =	vst v20  }
0x109: {  	v23 =	vbroadcast v9, $0x3;
	v22 =	vadd.s32 v6, v19;
	[tilespmem:$0x88D0] =	vst v21  }
0x10a: {  	v24 =	vadd.s32 v7, v19;
	[tilespmem:$0x88E0] =	vst v22  }
0x10b: {  	v25 =	vadd.s32 v4, v23;
	[tilespmem:$0x88F0] =	vst v24  }
0x10c: {  	v26 =	vadd.s32 v5, v23;
	[tilespmem:$0x8900] =	vst v25  }
0x10d: {  	v27 =	vadd.s32 v6, v23;
	[tilespmem:$0x8910] =	vst v26  }
0x10e: {  	v29 =	vbroadcast v9, $0x4;
	v28 =	vadd.s32 v7, v23;
	[tilespmem:$0x8920] =	vst v27  }
0x10f: {  	s24 =	simm.s32 $0x88C0;
	s25 =	simm.s32 $0xB040;
	[tilespmem:$0x8930] =	vst v28  }
0x110: {  	v30 =	vadd.s32 v4, v29;
	[tilespmem:s25], [sflag:$0x1] =	stream.indirect.gather [hbm4b:s1+s12], $0x8, s24, s12, $0xb8;
	[tilespmem:$0xD440] =	vst v63  }
0x111: {  	v31 =	vadd.s32 v5, v29;
	[tilespmem:$0x8940] =	vst v30  }
0x112: {  	v33 =	vbroadcast v9, $0x5;
	v32 =	vadd.s32 v6, v29;
	[tilespmem:$0x8950] =	vst v31  }
0x113: {  	v34 =	vadd.s32 v7, v29;
	[tilespmem:$0x8960] =	vst v32  }
0x114: {  	v35 =	vadd.s32 v4, v33;
	[tilespmem:$0x8970] =	vst v34  }
0x115: {  	v36 =	vadd.s32 v5, v33;
	[tilespmem:$0x8980] =	vst v35  }
0x116: {  	v37 =	vadd.s32 v6, v33;
	[tilespmem:$0x8990] =	vst v36  }
0x117: {  	v39 =	vbroadcast v9, $0x6;
	v38 =	vadd.s32 v7, v33;
	[tilespmem:$0x89A0] =	vst v37  }
0x118: {  	s29 =	simm.s32 $0x8940;
	s31 =	simm.s32 $0xB440;
	[tilespmem:$0x89B0] =	vst v38  }
0x119: {  	v40 =	vadd.s32 v4, v39;
	[tilespmem:s31], [sflag:$0x1] =	stream.indirect.gather [hbm4b:s1+s12], $0x8, s29, s12, $0xb8;
	[tilespmem:$0xD440] =	vst v63  }
0x11a: {  	v41 =	vadd.s32 v5, v39;
	[tilespmem:$0x89C0] =	vst v40  }
0x11b: {  	v43 =	vbroadcast v9, $0x7;
	v42 =	vadd.s32 v6, v39;
	[tilespmem:$0x89D0] =	vst v41  }
0x11c: {  	v44 =	vadd.s32 v7, v39;
	[tilespmem:$0x89E0] =	vst v42  }
0x11d: {  	v45 =	vadd.s32 v4, v43;
	[tilespmem:$0x89F0] =	vst v44  }
0x11e: {  	v46 =	vadd.s32 v5, v43;
	[tilespmem:$0x8A00] =	vst v45  }
0x11f: {  	v47 =	vadd.s32 v6, v43;
	[tilespmem:$0x8A10] =	vst v46  }
0x120: {  	v49 =	vbroadcast v9, $0x8;
	v48 =	vadd.s32 v7, v43;
	[tilespmem:$0x8A20] =	vst v47  }
0x121: {  	s8 =	simm.s32 $0xB840;
	s2 =	simm.s32 $0x89C0;
	[tilespmem:$0x8A30] =	vst v48  }
0x122: {  	v50 =	vadd.s32 v4, v49;
	[tilespmem:s8], [sflag:$0x1] =	stream.indirect.gather [hbm4b:s1+s12], $0x8, s2, s12, $0xb8;
	[tilespmem:$0xD440] =	vst v63  }
0x123: {  	v51 =	vadd.s32 v5, v49;
	[tilespmem:$0x8A40] =	vst v50  }
0x124: {  	v53 =	vbroadcast v9, $0x9;
	v52 =	vadd.s32 v6, v49;
	[tilespmem:$0x8A50] =	vst v51  }
0x125: {  	v54 =	vadd.s32 v7, v49;
	[tilespmem:$0x8A60] =	vst v52  }
0x126: {  	v55 =	vadd.s32 v4, v53;
	[tilespmem:$0x8A70] =	vst v54  }
0x127: {  	v56 =	vadd.s32 v5, v53;
	[tilespmem:$0x8A80] =	vst v55  }
0x128: {  	v57 =	vadd.s32 v6, v53;
	[tilespmem:$0x8A90] =	vst v56  }
0x129: {  	v59 =	vbroadcast v9, $0xA;
	v58 =	vadd.s32 v7, v53;
	[tilespmem:$0x8AA0] =	vst v57  }
0x12a: {  	s19 =	simm.s32 $0x8A40;
	s20 =	simm.s32 $0xBC40;
	[tilespmem:$0x8AB0] =	vst v58  }
0x12b: {  	v60 =	vadd.s32 v4, v59;
	[tilespmem:s20], [sflag:$0x1] =	stream.indirect.gather [hbm4b:s1+s12], $0x8, s19, s12, $0xb8;
	[tilespmem:$0xD440] =	vst v63  }
0x12c: {  	v61 =	vadd.s32 v5, v59;
	[tilespmem:$0x8AC0] =	vst v60  }
0x12d: {  	v63 =	vbroadcast v9, $0xB;
	v62 =	vadd.s32 v6, v59;
	[tilespmem:$0x8AD0] =	vst v61  }
0x12e: {  	v14 =	vadd.s32 v7, v59;
	[tilespmem:$0x8AE0] =	vst v62  }
0x12f: {  	v15 =	vadd.s32 v4, v63;
	[tilespmem:$0x8AF0] =	vst v14  }
0x130: {  	v16 =	vadd.s32 v5, v63;
	[tilespmem:$0x8B00] =	vst v15  }
0x131: {  	v17 =	vadd.s32 v6, v63;
	[tilespmem:$0x8B10] =	vst v16  }
0x132: {  	v19 =	vbroadcast v9, $0xC;
	v18 =	vadd.s32 v7, v63;
	[tilespmem:$0x8B20] =	vst v17  }
0x133: {  	s21 =	simm.s32 $0x8AC0;
	s22 =	simm.s32 $0xC040;
	[tilespmem:$0x8B30] =	vst v18  }
0x134: {  	v20 =	vadd.s32 v4, v19;
	[tilespmem:s22], [sflag:$0x1] =	stream.indirect.gather [hbm4b:s1+s12], $0x8, s21, s12, $0xb8;
	[tilespmem:$0xD440] =	vst v63  }
0x135: {  	v21 =	vadd.s32 v5, v19;
	[tilespmem:$0x8B40] =	vst v20  }
0x136: {  	v23 =	vbroadcast v9, $0xD;
	v22 =	vadd.s32 v6, v19;
	[tilespmem:$0x8B50] =	vst v21  }
0x137: {  	v24 =	vadd.s32 v7, v19;
	[tilespmem:$0x8B60] =	vst v22  }
0x138: {  	v25 =	vadd.s32 v4, v23;
	[tilespmem:$0x8B70] =	vst v24  }
0x139: {  	v26 =	vadd.s32 v5, v23;
	[tilespmem:$0x8B80] =	vst v25  }
0x13a: {  	v27 =	vadd.s32 v6, v23;
	[tilespmem:$0x8B90] =	vst v26  }
0x13b: {  	v29 =	vbroadcast v9, $0xE;
	v28 =	vadd.s32 v7, v23;
	[tilespmem:$0x8BA0] =	vst v27  }
0x13c: {  	s23 =	simm.s32 $0x8B40;
	s24 =	simm.s32 $0xC440;
	[tilespmem:$0x8BB0] =	vst v28  }
0x13d: {  	v30 =	vadd.s32 v4, v29;
	[tilespmem:s24], [sflag:$0x1] =	stream.indirect.gather [hbm4b:s1+s12], $0x8, s23, s12, $0xb8;
	[tilespmem:$0xD440] =	vst v63  }
0x13e: {  	v31 =	vadd.s32 v5, v29;
	[tilespmem:$0x8BC0] =	vst v30  }
0x13f: {  	v9 =	vbroadcast v9, $0xF;
	v32 =	vadd.s32 v6, v29;
	[tilespmem:$0x8BD0] =	vst v31  }
0x140: {  	v33 =	vadd.s32 v7, v29;
	[tilespmem:$0x8BE0] =	vst v32  }
0x141: {  	v34 =	vadd.s32 v4, v9;
	[tilespmem:$0x8BF0] =	vst v33  }
0x142: {  	v35 =	vadd.s32 v5, v9;
	[tilespmem:$0x8C00] =	vst v34  }
0x143: {  	v36 =	vadd.s32 v6, v9;
	[tilespmem:$0x8C10] =	vst v35  }
0x144: {  	v9 =	vadd.s32 v7, v9;
	[tilespmem:$0x8C20] =	vst v36  }
0x145: {  	s25 =	simm.s32 $0x8BC0;
	s29 =	simm.s32 $0xC840;
	[tilespmem:$0x8C30] =	vst v9  }
0x146: {  	[tilespmem:s29], [sflag:$0x1] =	stream.indirect.gather [hbm4b:s1+s12], $0x8, s25, s12, $0xb8;
	[tilespmem:$0xD440] =	vst v63  }
0x147: {  	_ =	swait.ge [sflag:s26], $0x400  }
0x148: {  	[sflag:s26] =	ssyncset.done $0x0  }
0x149: {  	[sflag:s26] =	ssyncadd.s32 $0xFFFFFC00  }
0x14a: {  	_ =	swait.ge [sflag:s26], $0x400  }
0x14b: {  	[sflag:s26] =	ssyncset.done $0x0  }
0x14c: {  	[sflag:s26] =	ssyncadd.s32 $0xFFFFFC00  }
0x14d: {  	_ =	swait.ge [sflag:s26], $0x400  }
0x14e: {  	[sflag:s26] =	ssyncset.done $0x0  }
0x14f: {  	[sflag:s26] =	ssyncadd.s32 $0xFFFFFC00  }
0x150: {  	_ =	swait.ge [sflag:s26], $0x400  }
0x151: {  	[sflag:s26] =	ssyncset.done $0x0  }
0x152: {  	[sflag:s26] =	ssyncadd.s32 $0xFFFFFC00  }
0x153: {  	_ =	swait.ge [sflag:s26], $0x400  }
0x154: {  	[sflag:s26] =	ssyncset.done $0x0  }
0x155: {  	[sflag:s26] =	ssyncadd.s32 $0xFFFFFC00  }
0x156: {  	_ =	swait.ge [sflag:s26], $0x400  }
0x157: {  	[sflag:s26] =	ssyncset.done $0x0  }
0x158: {  	v9 =	vmul.u32 $0x200, v0;
	[sflag:s26] =	ssyncadd.s32 $0xFFFFFC00  }
0x159: {  	v8 =	vand.u32 $0x7, v8;
	_ =	swait.ge [sflag:s26], $0x400  }
0x15a: {  	v37 =	vor.u32 v9, v8;
	[sflag:s26] =	ssyncset.done $0x0  }
0x15b: {  	[sflag:s26] =	ssyncadd.s32 $0xFFFFFC00  }
0x15c: {  	_ =	swait.ge [sflag:s26], $0x400  }
0x15d: {  	[sflag:s26] =	ssyncset.done $0x0  }
0x15e: {  	[sflag:s26] =	ssyncadd.s32 $0xFFFFFC00  }
0x15f: {  	v38 =	vor.u32 $0x8, v9;
	v11 =	vld.idx.msk [tilespmem:v37+s14+$0x0], $0xffff  }
0x160: {  	v12 =	vor.u32 v38, v8;
	_ =	sdelay $0x3  }
0x161: {  	[tilespmem:$0xCC40] =	vst v11  }
0x162: {  	v39 =	vor.u32 $0x10, v9;
	v11 =	vld.idx.msk [tilespmem:v12+s14+$0x0], $0xffff  }
0x163: {  	v12 =	vor.u32 v39, v8;
	_ =	sdelay $0x3  }
0x164: {  	[tilespmem:$0xCC60] =	vst v11  }
0x165: {  	v40 =	vor.u32 $0x18, v9;
	v11 =	vld.idx.msk [tilespmem:v12+s14+$0x0], $0xffff  }
0x166: {  	v12 =	vor.u32 v40, v8;
	_ =	sdelay $0x3  }
0x167: {  	[tilespmem:$0xCC80] =	vst v11  }
0x168: {  	v41 =	vor.u32 $0x20, v9;
	v11 =	vld.idx.msk [tilespmem:v12+s14+$0x0], $0xffff  }
0x169: {  	v12 =	vor.u32 v41, v8;
	_ =	sdelay $0x3  }
0x16a: {  	[tilespmem:$0xCCA0] =	vst v11  }
0x16b: {  	v42 =	vor.u32 $0x28, v9;
	v11 =	vld.idx.msk [tilespmem:v12+s14+$0x0], $0xffff  }
0x16c: {  	v12 =	vor.u32 v42, v8;
	_ =	sdelay $0x3  }
0x16d: {  	[tilespmem:$0xCCC0] =	vst v11  }
0x16e: {  	v43 =	vor.u32 $0x30, v9;
	v11 =	vld.idx.msk [tilespmem:v12+s14+$0x0], $0xffff  }
0x16f: {  	v12 =	vor.u32 v43, v8;
	_ =	sdelay $0x3  }
0x170: {  	[tilespmem:$0xCCE0] =	vst v11  }
0x171: {  	v44 =	vor.u32 $0x38, v9;
	v11 =	vld.idx.msk [tilespmem:v12+s14+$0x0], $0xffff  }
0x172: {  	v12 =	vor.u32 v44, v8;
	_ =	sdelay $0x3  }
0x173: {  	[tilespmem:$0xCD00] =	vst v11  }
0x174: {  	v45 =	vor.u32 $0x40, v9;
	v11 =	vld.idx.msk [tilespmem:v12+s14+$0x0], $0xffff  }
0x175: {  	v12 =	vor.u32 v45, v8;
	_ =	sdelay $0x3  }
0x176: {  	[tilespmem:$0xCD20] =	vst v11  }
0x177: {  	v46 =	vor.u32 $0x48, v9;
	v11 =	vld.idx.msk [tilespmem:v12+s14+$0x0], $0xffff  }
0x178: {  	v12 =	vor.u32 v46, v8;
	_ =	sdelay $0x3  }
0x179: {  	[tilespmem:$0xCD40] =	vst v11  }
0x17a: {  	v47 =	vor.u32 $0x50, v9;
	v11 =	vld.idx.msk [tilespmem:v12+s14+$0x0], $0xffff  }
0x17b: {  	v12 =	vor.u32 v47, v8;
	_ =	sdelay $0x3  }
0x17c: {  	[tilespmem:$0xCD60] =	vst v11  }
0x17d: {  	v48 =	vor.u32 $0x58, v9;
	v11 =	vld.idx.msk [tilespmem:v12+s14+$0x0], $0xffff  }
0x17e: {  	v12 =	vor.u32 v48, v8;
	_ =	sdelay $0x3  }
0x17f: {  	[tilespmem:$0xCD80] =	vst v11  }
0x180: {  	v49 =	vor.u32 $0x60, v9;
	v11 =	vld.idx.msk [tilespmem:v12+s14+$0x0], $0xffff  }
0x181: {  	v12 =	vor.u32 v49, v8;
	_ =	sdelay $0x3  }
0x182: {  	[tilespmem:$0xCDA0] =	vst v11  }
0x183: {  	v50 =	vor.u32 $0x68, v9;
	v11 =	vld.idx.msk [tilespmem:v12+s14+$0x0], $0xffff  }
0x184: {  	v12 =	vor.u32 v50, v8;
	_ =	sdelay $0x3  }
0x185: {  	[tilespmem:$0xCDC0] =	vst v11  }
0x186: {  	v51 =	vor.u32 $0x70, v9;
	v11 =	vld.idx.msk [tilespmem:v12+s14+$0x0], $0xffff  }
0x187: {  	v12 =	vor.u32 v51, v8;
	_ =	sdelay $0x3  }
0x188: {  	[tilespmem:$0xCDE0] =	vst v11  }
0x189: {  	v52 =	vor.u32 $0x78, v9;
	v11 =	vld.idx.msk [tilespmem:v12+s14+$0x0], $0xffff  }
0x18a: {  	v12 =	vor.u32 v52, v8;
	_ =	sdelay $0x3  }
0x18b: {  	[tilespmem:$0xCE00] =	vst v11  }
0x18c: {  	v53 =	vor.u32 $0x80, v9;
	v11 =	vld.idx.msk [tilespmem:v12+s14+$0x0], $0xffff  }
0x18d: {  	v12 =	vor.u32 v53, v8;
	_ =	sdelay $0x3  }
0x18e: {  	[tilespmem:$0xCE20] =	vst v11  }
0x18f: {  	v54 =	vor.u32 $0x88, v9;
	v11 =	vld.idx.msk [tilespmem:v12+s14+$0x0], $0xffff  }
0x190: {  	v12 =	vor.u32 v54, v8;
	_ =	sdelay $0x3  }
0x191: {  	[tilespmem:$0xCE40] =	vst v11  }
0x192: {  	v55 =	vor.u32 $0x90, v9;
	v11 =	vld.idx.msk [tilespmem:v12+s14+$0x0], $0xffff  }
0x193: {  	v12 =	vor.u32 v55, v8;
	_ =	sdelay $0x3  }
0x194: {  	[tilespmem:$0xCE60] =	vst v11  }
0x195: {  	v56 =	vor.u32 $0x98, v9;
	v11 =	vld.idx.msk [tilespmem:v12+s14+$0x0], $0xffff  }
0x196: {  	v12 =	vor.u32 v56, v8;
	_ =	sdelay $0x3  }
0x197: {  	[tilespmem:$0xCE80] =	vst v11  }
0x198: {  	v57 =	vor.u32 $0xA0, v9;
	v11 =	vld.idx.msk [tilespmem:v12+s14+$0x0], $0xffff  }
0x199: {  	v12 =	vor.u32 v57, v8;
	_ =	sdelay $0x3  }
0x19a: {  	[tilespmem:$0xCEA0] =	vst v11  }
0x19b: {  	v58 =	vor.u32 $0xA8, v9;
	v11 =	vld.idx.msk [tilespmem:v12+s14+$0x0], $0xffff  }
0x19c: {  	v12 =	vor.u32 v58, v8;
	_ =	sdelay $0x3  }
0x19d: {  	[tilespmem:$0xCEC0] =	vst v11  }
0x19e: {  	v59 =	vor.u32 $0xB0, v9;
	v11 =	vld.idx.msk [tilespmem:v12+s14+$0x0], $0xffff  }
0x19f: {  	v12 =	vor.u32 v59, v8;
	_ =	sdelay $0x3  }
0x1a0: {  	[tilespmem:$0xCEE0] =	vst v11  }
0x1a1: {  	v60 =	vor.u32 $0xB8, v9;
	v11 =	vld.idx.msk [tilespmem:v12+s14+$0x0], $0xffff  }
0x1a2: {  	v12 =	vor.u32 v60, v8;
	_ =	sdelay $0x3  }
0x1a3: {  	[tilespmem:$0xCF00] =	vst v11  }
0x1a4: {  	v61 =	vor.u32 $0xC0, v9;
	v11 =	vld.idx.msk [tilespmem:v12+s14+$0x0], $0xffff  }
0x1a5: {  	v12 =	vor.u32 v61, v8;
	_ =	sdelay $0x3  }
0x1a6: {  	[tilespmem:$0xCF20] =	vst v11  }
0x1a7: {  	v62 =	vor.u32 $0xC8, v9;
	v11 =	vld.idx.msk [tilespmem:v12+s14+$0x0], $0xffff  }
0x1a8: {  	v12 =	vor.u32 v62, v8;
	_ =	sdelay $0x3  }
0x1a9: {  	[tilespmem:$0xCF40] =	vst v11  }
0x1aa: {  	v63 =	vor.u32 $0xD0, v9;
	v11 =	vld.idx.msk [tilespmem:v12+s14+$0x0], $0xffff  }
0x1ab: {  	v12 =	vor.u32 v63, v8;
	_ =	sdelay $0x3  }
0x1ac: {  	[tilespmem:$0xCF60] =	vst v11  }
0x1ad: {  	v16 =	vor.u32 $0xD8, v9;
	v11 =	vld.idx.msk [tilespmem:v12+s14+$0x0], $0xffff  }
0x1ae: {  	v12 =	vor.u32 v16, v8;
	_ =	sdelay $0x3  }
0x1af: {  	[tilespmem:$0xCF80] =	vst v11  }
0x1b0: {  	v17 =	vor.u32 $0xE0, v9;
	v11 =	vld.idx.msk [tilespmem:v12+s14+$0x0], $0xffff  }
0x1b1: {  	v12 =	vor.u32 v17, v8;
	_ =	sdelay $0x3  }
0x1b2: {  	[tilespmem:$0xCFA0] =	vst v11  }
0x1b3: {  	v18 =	vor.u32 $0xE8, v9;
	v11 =	vld.idx.msk [tilespmem:v12+s14+$0x0], $0xffff  }
0x1b4: {  	v12 =	vor.u32 v18, v8;
	_ =	sdelay $0x3  }
0x1b5: {  	[tilespmem:$0xCFC0] =	vst v11  }
0x1b6: {  	v19 =	vor.u32 $0xF0, v9;
	v11 =	vld.idx.msk [tilespmem:v12+s14+$0x0], $0xffff  }
0x1b7: {  	v12 =	vor.u32 v19, v8;
	_ =	sdelay $0x3  }
0x1b8: {  	[tilespmem:$0xCFE0] =	vst v11  }
0x1b9: {  	v20 =	vor.u32 $0xF8, v9;
	v11 =	vld.idx.msk [tilespmem:v12+s14+$0x0], $0xffff  }
0x1ba: {  	v12 =	vor.u32 v20, v8;
	_ =	sdelay $0x3  }
0x1bb: {  	[tilespmem:$0xD000] =	vst v11  }
0x1bc: {  	v21 =	vor.u32 $0x100, v9;
	v11 =	vld.idx.msk [tilespmem:v12+s14+$0x0], $0xffff  }
0x1bd: {  	v12 =	vor.u32 v21, v8;
	_ =	sdelay $0x3  }
0x1be: {  	[tilespmem:$0xD020] =	vst v11  }
0x1bf: {  	v22 =	vor.u32 $0x108, v9;
	v11 =	vld.idx.msk [tilespmem:v12+s14+$0x0], $0xffff  }
0x1c0: {  	v12 =	vor.u32 v22, v8;
	_ =	sdelay $0x3  }
0x1c1: {  	[tilespmem:$0xD040] =	vst v11  }
0x1c2: {  	v23 =	vor.u32 $0x110, v9;
	v11 =	vld.idx.msk [tilespmem:v12+s14+$0x0], $0xffff  }
0x1c3: {  	v12 =	vor.u32 v23, v8;
	_ =	sdelay $0x3  }
0x1c4: {  	[tilespmem:$0xD060] =	vst v11  }
0x1c5: {  	v24 =	vor.u32 $0x118, v9;
	v11 =	vld.idx.msk [tilespmem:v12+s14+$0x0], $0xffff  }
0x1c6: {  	v12 =	vor.u32 v24, v8;
	_ =	sdelay $0x3  }
0x1c7: {  	[tilespmem:$0xD080] =	vst v11  }
0x1c8: {  	v25 =	vor.u32 $0x120, v9;
	v11 =	vld.idx.msk [tilespmem:v12+s14+$0x0], $0xffff  }
0x1c9: {  	v12 =	vor.u32 v25, v8;
	_ =	sdelay $0x3  }
0x1ca: {  	[tilespmem:$0xD0A0] =	vst v11  }
0x1cb: {  	v26 =	vor.u32 $0x128, v9;
	v11 =	vld.idx.msk [tilespmem:v12+s14+$0x0], $0xffff  }
0x1cc: {  	v12 =	vor.u32 v26, v8;
	_ =	sdelay $0x3  }
0x1cd: {  	[tilespmem:$0xD0C0] =	vst v11  }
0x1ce: {  	v27 =	vor.u32 $0x130, v9;
	v11 =	vld.idx.msk [tilespmem:v12+s14+$0x0], $0xffff  }
0x1cf: {  	v12 =	vor.u32 v27, v8;
	_ =	sdelay $0x3  }
0x1d0: {  	[tilespmem:$0xD0E0] =	vst v11  }
0x1d1: {  	v28 =	vor.u32 $0x138, v9;
	v11 =	vld.idx.msk [tilespmem:v12+s14+$0x0], $0xffff  }
0x1d2: {  	v12 =	vor.u32 v28, v8;
	_ =	sdelay $0x3  }
0x1d3: {  	[tilespmem:$0xD100] =	vst v11  }
0x1d4: {  	v29 =	vor.u32 $0x140, v9;
	v11 =	vld.idx.msk [tilespmem:v12+s14+$0x0], $0xffff  }
0x1d5: {  	v12 =	vor.u32 v29, v8;
	_ =	sdelay $0x3  }
0x1d6: {  	[tilespmem:$0xD120] =	vst v11  }
0x1d7: {  	v30 =	vor.u32 $0x148, v9;
	v11 =	vld.idx.msk [tilespmem:v12+s14+$0x0], $0xffff  }
0x1d8: {  	v12 =	vor.u32 v30, v8;
	_ =	sdelay $0x3  }
0x1d9: {  	[tilespmem:$0xD140] =	vst v11  }
0x1da: {  	v31 =	vor.u32 $0x150, v9;
	v11 =	vld.idx.msk [tilespmem:v12+s14+$0x0], $0xffff  }
0x1db: {  	v12 =	vor.u32 v31, v8;
	_ =	sdelay $0x3  }
0x1dc: {  	[tilespmem:$0xD160] =	vst v11  }
0x1dd: {  	v32 =	vor.u32 $0x158, v9;
	v11 =	vld.idx.msk [tilespmem:v12+s14+$0x0], $0xffff  }
0x1de: {  	v12 =	vor.u32 v32, v8;
	_ =	sdelay $0x3  }
0x1df: {  	[tilespmem:$0xD180] =	vst v11  }
0x1e0: {  	v33 =	vor.u32 $0x160, v9;
	v11 =	vld.idx.msk [tilespmem:v12+s14+$0x0], $0xffff  }
0x1e1: {  	v12 =	vor.u32 v33, v8;
	_ =	sdelay $0x3  }
0x1e2: {  	[tilespmem:$0xD1A0] =	vst v11  }
0x1e3: {  	v34 =	vor.u32 $0x168, v9;
	v11 =	vld.idx.msk [tilespmem:v12+s14+$0x0], $0xffff  }
0x1e4: {  	v12 =	vor.u32 v34, v8;
	_ =	sdelay $0x3  }
0x1e5: {  	[tilespmem:$0xD1C0] =	vst v11  }
0x1e6: {  	v35 =	vor.u32 $0x170, v9;
	v11 =	vld.idx.msk [tilespmem:v12+s14+$0x0], $0xffff  }
0x1e7: {  	v12 =	vor.u32 v35, v8;
	_ =	sdelay $0x3  }
0x1e8: {  	[tilespmem:$0xD1E0] =	vst v11  }
0x1e9: {  	v36 =	vor.u32 $0x178, v9;
	v11 =	vld.idx.msk [tilespmem:v12+s14+$0x0], $0xffff  }
0x1ea: {  	v12 =	vor.u32 v36, v8;
	_ =	sdelay $0x3  }
0x1eb: {  	[tilespmem:$0xD200] =	vst v11  }
0x1ec: {  	v37 =	vor.u32 $0x180, v9;
	v11 =	vld.idx.msk [tilespmem:v12+s14+$0x0], $0xffff  }
0x1ed: {  	v12 =	vor.u32 v37, v8;
	_ =	sdelay $0x3  }
0x1ee: {  	[tilespmem:$0xD220] =	vst v11  }
0x1ef: {  	v38 =	vor.u32 $0x188, v9;
	v11 =	vld.idx.msk [tilespmem:v12+s14+$0x0], $0xffff  }
0x1f0: {  	v12 =	vor.u32 v38, v8;
	_ =	sdelay $0x3  }
0x1f1: {  	[tilespmem:$0xD240] =	vst v11  }
0x1f2: {  	v39 =	vor.u32 $0x190, v9;
	v11 =	vld.idx.msk [tilespmem:v12+s14+$0x0], $0xffff  }
0x1f3: {  	v12 =	vor.u32 v39, v8;
	_ =	sdelay $0x3  }
0x1f4: {  	[tilespmem:$0xD260] =	vst v11  }
0x1f5: {  	v40 =	vor.u32 $0x198, v9;
	v11 =	vld.idx.msk [tilespmem:v12+s14+$0x0], $0xffff  }
0x1f6: {  	v12 =	vor.u32 v40, v8;
	_ =	sdelay $0x3  }
0x1f7: {  	[tilespmem:$0xD280] =	vst v11  }
0x1f8: {  	v41 =	vor.u32 $0x1A0, v9;
	v11 =	vld.idx.msk [tilespmem:v12+s14+$0x0], $0xffff  }
0x1f9: {  	v12 =	vor.u32 v41, v8;
	_ =	sdelay $0x3  }
0x1fa: {  	[tilespmem:$0xD2A0] =	vst v11  }
0x1fb: {  	v42 =	vor.u32 $0x1A8, v9;
	v11 =	vld.idx.msk [tilespmem:v12+s14+$0x0], $0xffff  }
0x1fc: {  	v12 =	vor.u32 v42, v8;
	_ =	sdelay $0x3  }
0x1fd: {  	[tilespmem:$0xD2C0] =	vst v11  }
0x1fe: {  	v43 =	vor.u32 $0x1B0, v9;
	v11 =	vld.idx.msk [tilespmem:v12+s14+$0x0], $0xffff  }
0x1ff: {  	v12 =	vor.u32 v43, v8;
	_ =	sdelay $0x3  }
0x200: {  	[tilespmem:$0xD2E0] =	vst v11  }
0x201: {  	v44 =	vor.u32 $0x1B8, v9;
	v11 =	vld.idx.msk [tilespmem:v12+s14+$0x0], $0xffff  }
0x202: {  	v12 =	vor.u32 v44, v8;
	_ =	sdelay $0x3  }
0x203: {  	[tilespmem:$0xD300] =	vst v11  }
0x204: {  	v45 =	vor.u32 $0x1C0, v9;
	v11 =	vld.idx.msk [tilespmem:v12+s14+$0x0], $0xffff  }
0x205: {  	v12 =	vor.u32 v45, v8;
	_ =	sdelay $0x3  }
0x206: {  	[tilespmem:$0xD320] =	vst v11  }
0x207: {  	v46 =	vor.u32 $0x1C8, v9;
	v11 =	vld.idx.msk [tilespmem:v12+s14+$0x0], $0xffff  }
0x208: {  	v12 =	vor.u32 v46, v8;
	_ =	sdelay $0x3  }
0x209: {  	[tilespmem:$0xD340] =	vst v11  }
0x20a: {  	v47 =	vor.u32 $0x1D0, v9;
	v11 =	vld.idx.msk [tilespmem:v12+s14+$0x0], $0xffff  }
0x20b: {  	v12 =	vor.u32 v47, v8;
	_ =	sdelay $0x3  }
0x20c: {  	[tilespmem:$0xD360] =	vst v11  }
0x20d: {  	v48 =	vor.u32 $0x1D8, v9;
	v11 =	vld.idx.msk [tilespmem:v12+s14+$0x0], $0xffff  }
0x20e: {  	v12 =	vor.u32 v48, v8;
	_ =	sdelay $0x3  }
0x20f: {  	[tilespmem:$0xD380] =	vst v11  }
0x210: {  	v49 =	vor.u32 $0x1E0, v9;
	v11 =	vld.idx.msk [tilespmem:v12+s14+$0x0], $0xffff  }
0x211: {  	v12 =	vor.u32 v49, v8;
	_ =	sdelay $0x3  }
0x212: {  	[tilespmem:$0xD3A0] =	vst v11  }
0x213: {  	v50 =	vor.u32 $0x1E8, v9;
	v11 =	vld.idx.msk [tilespmem:v12+s14+$0x0], $0xffff  }
0x214: {  	v12 =	vor.u32 v50, v8;
	_ =	sdelay $0x3  }
0x215: {  	[tilespmem:$0xD3C0] =	vst v11  }
0x216: {  	v51 =	vor.u32 $0x1F0, v9;
	v11 =	vld.idx.msk [tilespmem:v12+s14+$0x0], $0xffff  }
0x217: {  	v12 =	vor.u32 v51, v8;
	_ =	sdelay $0x3  }
0x218: {  	[tilespmem:$0xD3E0] =	vst v11  }
0x219: {  	v52 =	vor.u32 $0x1F8, v9;
	v11 =	vld.idx.msk [tilespmem:v12+s14+$0x0], $0xffff  }
0x21a: {  	v8 =	vor.u32 v52, v8;
	_ =	sdelay $0x3  }
0x21b: {  	[tilespmem:$0xD400] =	vst v11  }
0x21c: {  	v8 =	vld.idx.msk [tilespmem:v8+s14+$0x0], $0xffff;
	_ =	sdelay $0x4  }
0x21d: {  	[tilespmem:$0xD420] =	vst v8  }
0x21e: {  	_ =	swait.ge [sflag:s26], $0x400  }
0x21f: {  	[sflag:s26] =	ssyncset.done $0x0  }
0x220: {  	[sflag:s26] =	ssyncadd.s32 $0xFFFFFC00  }
0x221: {  	_ =	swait.ge [sflag:s26], $0x400  }
0x222: {  	[sflag:s26] =	ssyncset.done $0x0  }
0x223: {  	[sflag:s26] =	ssyncadd.s32 $0xFFFFFC00  }
0x224: {  	_ =	swait.ge [sflag:s26], $0x400  }
0x225: {  	[sflag:s26] =	ssyncset.done $0x0  }
0x226: {  	[sflag:s26] =	ssyncadd.s32 $0xFFFFFC00  }
0x227: {  	_ =	swait.ge [sflag:s26], $0x400  }
0x228: {  	[sflag:s26] =	ssyncset.done $0x0  }
0x229: {  	[sflag:s26] =	ssyncadd.s32 $0xFFFFFC00  }
0x22a: {  	_ =	swait.ge [sflag:s26], $0x400  }
0x22b: {  	[sflag:s26] =	ssyncset.done $0x0  }
0x22c: {  	[sflag:s26] =	ssyncadd.s32 $0xFFFFFC00  }
0x22d: {  	_ =	swait.ge [sflag:s26], $0x400  }
0x22e: {  	[sflag:s26] =	ssyncset.done $0x0  }
0x22f: {  	[sflag:s26] =	ssyncadd.s32 $0xFFFFFC00  }
0x230: {  	v53 =	vor.u32 $0x2000, v9;
	v8 =	vand.u32 $0x7, v10;
	_ =	swait.ge [sflag:s26], $0x400  }
0x231: {  	v10 =	vor.u32 v53, v8;
	[sflag:s26] =	ssyncset.done $0x0  }
0x232: {  	[sflag:s26] =	ssyncadd.s32 $0xFFFFFC00  }
0x233: {  	_ =	swait.ge [sflag:s26], $0x400  }
0x234: {  	[sflag:s26] =	ssyncset.done $0x0  }
0x235: {  	[sflag:s26] =	ssyncadd.s32 $0xFFFFFC00  }
0x236: {  	v54 =	vor.u32 $0x2008, v9;
	v10 =	vld.idx.msk [tilespmem:v10+s14+$0x0], $0xffff  }
0x237: {  	v11 =	vor.u32 v54, v8;
	_ =	sdelay $0x3  }
0x238: {  	[tilespmem:$0xCC50] =	vst v10  }
0x239: {  	v55 =	vor.u32 $0x2010, v9;
	v10 =	vld.idx.msk [tilespmem:v11+s14+$0x0], $0xffff  }
0x23a: {  	v11 =	vor.u32 v55, v8;
	_ =	sdelay $0x3  }
0x23b: {  	[tilespmem:$0xCC70] =	vst v10  }
0x23c: {  	v56 =	vor.u32 $0x2018, v9;
	v10 =	vld.idx.msk [tilespmem:v11+s14+$0x0], $0xffff  }
0x23d: {  	v11 =	vor.u32 v56, v8;
	_ =	sdelay $0x3  }
0x23e: {  	[tilespmem:$0xCC90] =	vst v10  }
0x23f: {  	v57 =	vor.u32 $0x2020, v9;
	v10 =	vld.idx.msk [tilespmem:v11+s14+$0x0], $0xffff  }
0x240: {  	v11 =	vor.u32 v57, v8;
	_ =	sdelay $0x3  }
0x241: {  	[tilespmem:$0xCCB0] =	vst v10  }
0x242: {  	v58 =	vor.u32 $0x2028, v9;
	v10 =	vld.idx.msk [tilespmem:v11+s14+$0x0], $0xffff  }
0x243: {  	v11 =	vor.u32 v58, v8;
	_ =	sdelay $0x3  }
0x244: {  	[tilespmem:$0xCCD0] =	vst v10  }
0x245: {  	v59 =	vor.u32 $0x2030, v9;
	v10 =	vld.idx.msk [tilespmem:v11+s14+$0x0], $0xffff  }
0x246: {  	v11 =	vor.u32 v59, v8;
	_ =	sdelay $0x3  }
0x247: {  	[tilespmem:$0xCCF0] =	vst v10  }
0x248: {  	v60 =	vor.u32 $0x2038, v9;
	v10 =	vld.idx.msk [tilespmem:v11+s14+$0x0], $0xffff  }
0x249: {  	v11 =	vor.u32 v60, v8;
	_ =	sdelay $0x3  }
0x24a: {  	[tilespmem:$0xCD10] =	vst v10  }
0x24b: {  	v61 =	vor.u32 $0x2040, v9;
	v10 =	vld.idx.msk [tilespmem:v11+s14+$0x0], $0xffff  }
0x24c: {  	v11 =	vor.u32 v61, v8;
	_ =	sdelay $0x3  }
0x24d: {  	[tilespmem:$0xCD30] =	vst v10  }
0x24e: {  	v62 =	vor.u32 $0x2048, v9;
	v10 =	vld.idx.msk [tilespmem:v11+s14+$0x0], $0xffff  }
0x24f: {  	v11 =	vor.u32 v62, v8;
	_ =	sdelay $0x3  }
0x250: {  	[tilespmem:$0xCD50] =	vst v10  }
0x251: {  	v63 =	vor.u32 $0x2050, v9;
	v10 =	vld.idx.msk [tilespmem:v11+s14+$0x0], $0xffff  }
0x252: {  	v11 =	vor.u32 v63, v8;
	_ =	sdelay $0x3  }
0x253: {  	[tilespmem:$0xCD70] =	vst v10  }
0x254: {  	v12 =	vor.u32 $0x2058, v9;
	v10 =	vld.idx.msk [tilespmem:v11+s14+$0x0], $0xffff  }
0x255: {  	v11 =	vor.u32 v12, v8;
	_ =	sdelay $0x3  }
0x256: {  	[tilespmem:$0xCD90] =	vst v10  }
0x257: {  	v13 =	vor.u32 $0x2060, v9;
	v10 =	vld.idx.msk [tilespmem:v11+s14+$0x0], $0xffff  }
0x258: {  	v11 =	vor.u32 v13, v8;
	_ =	sdelay $0x3  }
0x259: {  	[tilespmem:$0xCDB0] =	vst v10  }
0x25a: {  	v14 =	vor.u32 $0x2068, v9;
	v10 =	vld.idx.msk [tilespmem:v11+s14+$0x0], $0xffff  }
0x25b: {  	v11 =	vor.u32 v14, v8;
	_ =	sdelay $0x3  }
0x25c: {  	[tilespmem:$0xCDD0] =	vst v10  }
0x25d: {  	v15 =	vor.u32 $0x2070, v9;
	v10 =	vld.idx.msk [tilespmem:v11+s14+$0x0], $0xffff  }
0x25e: {  	v11 =	vor.u32 v15, v8;
	_ =	sdelay $0x3  }
0x25f: {  	[tilespmem:$0xCDF0] =	vst v10  }
0x260: {  	v16 =	vor.u32 $0x2078, v9;
	v10 =	vld.idx.msk [tilespmem:v11+s14+$0x0], $0xffff  }
0x261: {  	v11 =	vor.u32 v16, v8;
	_ =	sdelay $0x3  }
0x262: {  	[tilespmem:$0xCE10] =	vst v10  }
0x263: {  	v17 =	vor.u32 $0x2080, v9;
	v10 =	vld.idx.msk [tilespmem:v11+s14+$0x0], $0xffff  }
0x264: {  	v11 =	vor.u32 v17, v8;
	_ =	sdelay $0x3  }
0x265: {  	[tilespmem:$0xCE30] =	vst v10  }
0x266: {  	v18 =	vor.u32 $0x2088, v9;
	v10 =	vld.idx.msk [tilespmem:v11+s14+$0x0], $0xffff  }
0x267: {  	v11 =	vor.u32 v18, v8;
	_ =	sdelay $0x3  }
0x268: {  	[tilespmem:$0xCE50] =	vst v10  }
0x269: {  	v19 =	vor.u32 $0x2090, v9;
	v10 =	vld.idx.msk [tilespmem:v11+s14+$0x0], $0xffff  }
0x26a: {  	v11 =	vor.u32 v19, v8;
	_ =	sdelay $0x3  }
0x26b: {  	[tilespmem:$0xCE70] =	vst v10  }
0x26c: {  	v20 =	vor.u32 $0x2098, v9;
	v10 =	vld.idx.msk [tilespmem:v11+s14+$0x0], $0xffff  }
0x26d: {  	v11 =	vor.u32 v20, v8;
	_ =	sdelay $0x3  }
0x26e: {  	[tilespmem:$0xCE90] =	vst v10  }
0x26f: {  	v21 =	vor.u32 $0x20A0, v9;
	v10 =	vld.idx.msk [tilespmem:v11+s14+$0x0], $0xffff  }
0x270: {  	v11 =	vor.u32 v21, v8;
	_ =	sdelay $0x3  }
0x271: {  	[tilespmem:$0xCEB0] =	vst v10  }
0x272: {  	v22 =	vor.u32 $0x20A8, v9;
	v10 =	vld.idx.msk [tilespmem:v11+s14+$0x0], $0xffff  }
0x273: {  	v11 =	vor.u32 v22, v8;
	_ =	sdelay $0x3  }
0x274: {  	[tilespmem:$0xCED0] =	vst v10  }
0x275: {  	v23 =	vor.u32 $0x20B0, v9;
	v10 =	vld.idx.msk [tilespmem:v11+s14+$0x0], $0xffff  }
0x276: {  	v11 =	vor.u32 v23, v8;
	_ =	sdelay $0x3  }
0x277: {  	[tilespmem:$0xCEF0] =	vst v10  }
0x278: {  	v24 =	vor.u32 $0x20B8, v9;
	v10 =	vld.idx.msk [tilespmem:v11+s14+$0x0], $0xffff  }
0x279: {  	v11 =	vor.u32 v24, v8;
	_ =	sdelay $0x3  }
0x27a: {  	[tilespmem:$0xCF10] =	vst v10  }
0x27b: {  	v25 =	vor.u32 $0x20C0, v9;
	v10 =	vld.idx.msk [tilespmem:v11+s14+$0x0], $0xffff  }
0x27c: {  	v11 =	vor.u32 v25, v8;
	_ =	sdelay $0x3  }
0x27d: {  	[tilespmem:$0xCF30] =	vst v10  }
0x27e: {  	v26 =	vor.u32 $0x20C8, v9;
	v10 =	vld.idx.msk [tilespmem:v11+s14+$0x0], $0xffff  }
0x27f: {  	v11 =	vor.u32 v26, v8;
	_ =	sdelay $0x3  }
0x280: {  	[tilespmem:$0xCF50] =	vst v10  }
0x281: {  	v27 =	vor.u32 $0x20D0, v9;
	v10 =	vld.idx.msk [tilespmem:v11+s14+$0x0], $0xffff  }
0x282: {  	v11 =	vor.u32 v27, v8;
	_ =	sdelay $0x3  }
0x283: {  	[tilespmem:$0xCF70] =	vst v10  }
0x284: {  	v28 =	vor.u32 $0x20D8, v9;
	v10 =	vld.idx.msk [tilespmem:v11+s14+$0x0], $0xffff  }
0x285: {  	v11 =	vor.u32 v28, v8;
	_ =	sdelay $0x3  }
0x286: {  	[tilespmem:$0xCF90] =	vst v10  }
0x287: {  	v29 =	vor.u32 $0x20E0, v9;
	v10 =	vld.idx.msk [tilespmem:v11+s14+$0x0], $0xffff  }
0x288: {  	v11 =	vor.u32 v29, v8;
	_ =	sdelay $0x3  }
0x289: {  	[tilespmem:$0xCFB0] =	vst v10  }
0x28a: {  	v30 =	vor.u32 $0x20E8, v9;
	v10 =	vld.idx.msk [tilespmem:v11+s14+$0x0], $0xffff  }
0x28b: {  	v11 =	vor.u32 v30, v8;
	_ =	sdelay $0x3  }
0x28c: {  	[tilespmem:$0xCFD0] =	vst v10  }
0x28d: {  	v31 =	vor.u32 $0x20F0, v9;
	v10 =	vld.idx.msk [tilespmem:v11+s14+$0x0], $0xffff  }
0x28e: {  	v11 =	vor.u32 v31, v8;
	_ =	sdelay $0x3  }
0x28f: {  	[tilespmem:$0xCFF0] =	vst v10  }
0x290: {  	v32 =	vor.u32 $0x20F8, v9;
	v10 =	vld.idx.msk [tilespmem:v11+s14+$0x0], $0xffff  }
0x291: {  	v11 =	vor.u32 v32, v8;
	_ =	sdelay $0x3  }
0x292: {  	[tilespmem:$0xD010] =	vst v10  }
0x293: {  	v33 =	vor.u32 $0x2100, v9;
	v10 =	vld.idx.msk [tilespmem:v11+s14+$0x0], $0xffff  }
0x294: {  	v11 =	vor.u32 v33, v8;
	_ =	sdelay $0x3  }
0x295: {  	[tilespmem:$0xD030] =	vst v10  }
0x296: {  	v34 =	vor.u32 $0x2108, v9;
	v10 =	vld.idx.msk [tilespmem:v11+s14+$0x0], $0xffff  }
0x297: {  	v11 =	vor.u32 v34, v8;
	_ =	sdelay $0x3  }
0x298: {  	[tilespmem:$0xD050] =	vst v10  }
0x299: {  	v35 =	vor.u32 $0x2110, v9;
	v10 =	vld.idx.msk [tilespmem:v11+s14+$0x0], $0xffff  }
0x29a: {  	v11 =	vor.u32 v35, v8;
	_ =	sdelay $0x3  }
0x29b: {  	[tilespmem:$0xD070] =	vst v10  }
0x29c: {  	v36 =	vor.u32 $0x2118, v9;
	v10 =	vld.idx.msk [tilespmem:v11+s14+$0x0], $0xffff  }
0x29d: {  	v11 =	vor.u32 v36, v8;
	_ =	sdelay $0x3  }
0x29e: {  	[tilespmem:$0xD090] =	vst v10  }
0x29f: {  	v37 =	vor.u32 $0x2120, v9;
	v10 =	vld.idx.msk [tilespmem:v11+s14+$0x0], $0xffff  }
0x2a0: {  	v11 =	vor.u32 v37, v8;
	_ =	sdelay $0x3  }
0x2a1: {  	[tilespmem:$0xD0B0] =	vst v10  }
0x2a2: {  	v38 =	vor.u32 $0x2128, v9;
	v10 =	vld.idx.msk [tilespmem:v11+s14+$0x0], $0xffff  }
0x2a3: {  	v11 =	vor.u32 v38, v8;
	_ =	sdelay $0x3  }
0x2a4: {  	[tilespmem:$0xD0D0] =	vst v10  }
0x2a5: {  	v39 =	vor.u32 $0x2130, v9;
	v10 =	vld.idx.msk [tilespmem:v11+s14+$0x0], $0xffff  }
0x2a6: {  	v11 =	vor.u32 v39, v8;
	_ =	sdelay $0x3  }
0x2a7: {  	[tilespmem:$0xD0F0] =	vst v10  }
0x2a8: {  	v40 =	vor.u32 $0x2138, v9;
	v10 =	vld.idx.msk [tilespmem:v11+s14+$0x0], $0xffff  }
0x2a9: {  	v11 =	vor.u32 v40, v8;
	_ =	sdelay $0x3  }
0x2aa: {  	[tilespmem:$0xD110] =	vst v10  }
0x2ab: {  	v41 =	vor.u32 $0x2140, v9;
	v10 =	vld.idx.msk [tilespmem:v11+s14+$0x0], $0xffff  }
0x2ac: {  	v11 =	vor.u32 v41, v8;
	_ =	sdelay $0x3  }
0x2ad: {  	[tilespmem:$0xD130] =	vst v10  }
0x2ae: {  	v42 =	vor.u32 $0x2148, v9;
	v10 =	vld.idx.msk [tilespmem:v11+s14+$0x0], $0xffff  }
0x2af: {  	v11 =	vor.u32 v42, v8;
	_ =	sdelay $0x3  }
0x2b0: {  	[tilespmem:$0xD150] =	vst v10  }
0x2b1: {  	v43 =	vor.u32 $0x2150, v9;
	v10 =	vld.idx.msk [tilespmem:v11+s14+$0x0], $0xffff  }
0x2b2: {  	v11 =	vor.u32 v43, v8;
	_ =	sdelay $0x3  }
0x2b3: {  	[tilespmem:$0xD170] =	vst v10  }
0x2b4: {  	v44 =	vor.u32 $0x2158, v9;
	v10 =	vld.idx.msk [tilespmem:v11+s14+$0x0], $0xffff  }
0x2b5: {  	v11 =	vor.u32 v44, v8;
	_ =	sdelay $0x3  }
0x2b6: {  	[tilespmem:$0xD190] =	vst v10  }
0x2b7: {  	v45 =	vor.u32 $0x2160, v9;
	v10 =	vld.idx.msk [tilespmem:v11+s14+$0x0], $0xffff  }
0x2b8: {  	v11 =	vor.u32 v45, v8;
	_ =	sdelay $0x3  }
0x2b9: {  	[tilespmem:$0xD1B0] =	vst v10  }
0x2ba: {  	v46 =	vor.u32 $0x2168, v9;
	v10 =	vld.idx.msk [tilespmem:v11+s14+$0x0], $0xffff  }
0x2bb: {  	v11 =	vor.u32 v46, v8;
	_ =	sdelay $0x3  }
0x2bc: {  	[tilespmem:$0xD1D0] =	vst v10  }
0x2bd: {  	v47 =	vor.u32 $0x2170, v9;
	v10 =	vld.idx.msk [tilespmem:v11+s14+$0x0], $0xffff  }
0x2be: {  	v11 =	vor.u32 v47, v8;
	_ =	sdelay $0x3  }
0x2bf: {  	[tilespmem:$0xD1F0] =	vst v10  }
0x2c0: {  	v48 =	vor.u32 $0x2178, v9;
	v10 =	vld.idx.msk [tilespmem:v11+s14+$0x0], $0xffff  }
0x2c1: {  	v11 =	vor.u32 v48, v8;
	_ =	sdelay $0x3  }
0x2c2: {  	[tilespmem:$0xD210] =	vst v10  }
0x2c3: {  	v49 =	vor.u32 $0x2180, v9;
	v10 =	vld.idx.msk [tilespmem:v11+s14+$0x0], $0xffff  }
0x2c4: {  	v11 =	vor.u32 v49, v8;
	_ =	sdelay $0x3  }
0x2c5: {  	[tilespmem:$0xD230] =	vst v10  }
0x2c6: {  	v50 =	vor.u32 $0x2188, v9;
	v10 =	vld.idx.msk [tilespmem:v11+s14+$0x0], $0xffff  }
0x2c7: {  	v11 =	vor.u32 v50, v8;
	_ =	sdelay $0x3  }
0x2c8: {  	[tilespmem:$0xD250] =	vst v10  }
0x2c9: {  	v51 =	vor.u32 $0x2190, v9;
	v10 =	vld.idx.msk [tilespmem:v11+s14+$0x0], $0xffff  }
0x2ca: {  	v11 =	vor.u32 v51, v8;
	_ =	sdelay $0x3  }
0x2cb: {  	[tilespmem:$0xD270] =	vst v10  }
0x2cc: {  	v52 =	vor.u32 $0x2198, v9;
	v10 =	vld.idx.msk [tilespmem:v11+s14+$0x0], $0xffff  }
0x2cd: {  	v11 =	vor.u32 v52, v8;
	_ =	sdelay $0x3  }
0x2ce: {  	[tilespmem:$0xD290] =	vst v10  }
0x2cf: {  	v53 =	vor.u32 $0x21A0, v9;
	v10 =	vld.idx.msk [tilespmem:v11+s14+$0x0], $0xffff  }
0x2d0: {  	v11 =	vor.u32 v53, v8;
	_ =	sdelay $0x3  }
0x2d1: {  	[tilespmem:$0xD2B0] =	vst v10  }
0x2d2: {  	v54 =	vor.u32 $0x21A8, v9;
	v10 =	vld.idx.msk [tilespmem:v11+s14+$0x0], $0xffff  }
0x2d3: {  	v11 =	vor.u32 v54, v8;
	_ =	sdelay $0x3  }
0x2d4: {  	[tilespmem:$0xD2D0] =	vst v10  }
0x2d5: {  	v55 =	vor.u32 $0x21B0, v9;
	v10 =	vld.idx.msk [tilespmem:v11+s14+$0x0], $0xffff  }
0x2d6: {  	v11 =	vor.u32 v55, v8;
	_ =	sdelay $0x3  }
0x2d7: {  	[tilespmem:$0xD2F0] =	vst v10  }
0x2d8: {  	v56 =	vor.u32 $0x21B8, v9;
	v10 =	vld.idx.msk [tilespmem:v11+s14+$0x0], $0xffff  }
0x2d9: {  	v11 =	vor.u32 v56, v8;
	_ =	sdelay $0x3  }
0x2da: {  	[tilespmem:$0xD310] =	vst v10  }
0x2db: {  	v57 =	vor.u32 $0x21C0, v9;
	v10 =	vld.idx.msk [tilespmem:v11+s14+$0x0], $0xffff  }
0x2dc: {  	v11 =	vor.u32 v57, v8;
	_ =	sdelay $0x3  }
0x2dd: {  	[tilespmem:$0xD330] =	vst v10  }
0x2de: {  	v58 =	vor.u32 $0x21C8, v9;
	v10 =	vld.idx.msk [tilespmem:v11+s14+$0x0], $0xffff  }
0x2df: {  	v11 =	vor.u32 v58, v8;
	_ =	sdelay $0x3  }
0x2e0: {  	[tilespmem:$0xD350] =	vst v10  }
0x2e1: {  	v59 =	vor.u32 $0x21D0, v9;
	v10 =	vld.idx.msk [tilespmem:v11+s14+$0x0], $0xffff  }
0x2e2: {  	v11 =	vor.u32 v59, v8;
	_ =	sdelay $0x3  }
0x2e3: {  	[tilespmem:$0xD370] =	vst v10  }
0x2e4: {  	v60 =	vor.u32 $0x21D8, v9;
	v10 =	vld.idx.msk [tilespmem:v11+s14+$0x0], $0xffff  }
0x2e5: {  	v11 =	vor.u32 v60, v8;
	_ =	sdelay $0x3  }
0x2e6: {  	[tilespmem:$0xD390] =	vst v10  }
0x2e7: {  	v61 =	vor.u32 $0x21E0, v9;
	v10 =	vld.idx.msk [tilespmem:v11+s14+$0x0], $0xffff  }
0x2e8: {  	v11 =	vor.u32 v61, v8;
	_ =	sdelay $0x3  }
0x2e9: {  	[tilespmem:$0xD3B0] =	vst v10  }
0x2ea: {  	v62 =	vor.u32 $0x21E8, v9;
	v10 =	vld.idx.msk [tilespmem:v11+s14+$0x0], $0xffff  }
0x2eb: {  	v11 =	vor.u32 v62, v8;
	_ =	sdelay $0x3  }
0x2ec: {  	[tilespmem:$0xD3D0] =	vst v10  }
0x2ed: {  	v63 =	vor.u32 $0x21F0, v9;
	v10 =	vld.idx.msk [tilespmem:v11+s14+$0x0], $0xffff  }
0x2ee: {  	v11 =	vor.u32 v63, v8;
	_ =	sdelay $0x3  }
0x2ef: {  	[tilespmem:$0xD3F0] =	vst v10  }
0x2f0: {  	v9 =	vor.u32 $0x21F8, v9;
	v10 =	vld.idx.msk [tilespmem:v11+s14+$0x0], $0xffff  }
0x2f1: {  	v8 =	vor.u32 v9, v8;
	_ =	sdelay $0x3  }
0x2f2: {  	[tilespmem:$0xD410] =	vst v10  }
0x2f3: {  	v8 =	vld.idx.msk [tilespmem:v8+s14+$0x0], $0xffff;
	_ =	sdelay $0x4  }
0x2f4: {  	s31 =	simm.s32 $0xCC40;
	[tilespmem:$0xD430] =	vst v8  }
0x2f5: {  	[hbm4b:s6+s28] =	stream.strided.scatter [tilespmem:s31], [sflag:$0x4], $0x100, s12, s28, $0x38;
	[tilespmem:$0xD440] =	vst v63  }
0x2f6: {  	s2 =	sadd.s32 $0x400, s6;
	s8 =	simm.s32 $0xCD40  }
0x2f7: {  	[hbm4b:s2+s28] =	stream.strided.scatter [tilespmem:s8], [sflag:$0x4], $0x100, s12, s28, $0x38;
	[tilespmem:$0xD440] =	vst v63  }
0x2f8: {  	s19 =	sadd.s32 $0x800, s6;
	s20 =	simm.s32 $0xCE40  }
0x2f9: {  	[hbm4b:s19+s28] =	stream.strided.scatter [tilespmem:s20], [sflag:$0x4], $0x100, s12, s28, $0x38;
	[tilespmem:$0xD440] =	vst v63  }
0x2fa: {  	s21 =	sadd.s32 $0xC00, s6;
	s22 =	simm.s32 $0xCF40  }
0x2fb: {  	[hbm4b:s21+s28] =	stream.strided.scatter [tilespmem:s22], [sflag:$0x4], $0x100, s12, s28, $0x38;
	[tilespmem:$0xD440] =	vst v63  }
0x2fc: {  	s23 =	sadd.s32 $0x1000, s6;
	s24 =	simm.s32 $0xD040  }
0x2fd: {  	[hbm4b:s23+s28] =	stream.strided.scatter [tilespmem:s24], [sflag:$0x4], $0x100, s12, s28, $0x38;
	[tilespmem:$0xD440] =	vst v63  }
0x2fe: {  	s18 =	sadd.s32 $0x1, s18;
	s25 =	sadd.s32 $0x1400, s6  }
0x2ff: {  	[hbm4b:s25+s28] =	stream.strided.scatter [tilespmem:s13], [sflag:$0x4], $0x100, s12, s28, $0x38;
	[tilespmem:$0xD440] =	vst v63  }
0x300: {  	p0 =	sne.s32 s18, s7;
	s29 =	sadd.s32 $0x1800, s6  }
0x301: {  	[hbm4b:s29+s28] =	stream.strided.scatter [tilespmem:s15], [sflag:$0x4], $0x100, s12, s28, $0x38;
	[tilespmem:$0xD440] =	vst v63  }
.Ltmp6:
0x302: {  	s31 =	sadd.s32 $0x1C00, s6;
	(pc) =	sbr.rel @p0 .LBB2_1-.Ltmp6, $4  }
0x303: {  	[hbm4b:s31+s28] =	stream.strided.scatter [tilespmem:s16], [sflag:$0x4], $0x100, s12, s28, $0x38;
	[tilespmem:$0xD440] =	vst v63  }
0x304: {  	_ =	swait.ge [sflag:s17], $0x800  }
0x305: {  	[sflag:s17] =	ssyncset.done $0x0  }
0x306: {  	[sflag:s17] =	ssyncadd.s32 $0xFFFFF800  }
0x307: {  	_ =	sfence.sel $0x180000  }
0x308: {  	[bflag:$0x0] =	sbarrier.arrive $0xFFFF  }
0x309: {  	_ =	strace $0x90000047  }
0x30a: {  	s0 =	stileid.u32;
	[bflag:$0x2] =	sbarrier.arrive $0xFFFF  }
0x30b: {  	p0 =	sne.s32 s0, $0x0;
	s0 =	rddreg [dreg:$0x3]  }
0x30c: {  	s0 =	sadd.s32 @!p0 $0x100000, s0  }
0x30d: {  	[sflag:s0] =	ssyncadd.tile.s32 @!p0 $0x1;
	_ =	shalt  }
.Lfunc_end2:
_tile_overlayer_lowered:
.L_overlay_start_2:
0x30e: {  	(tag) =	ssettag $0x2  }
0x30f: {  	s0 =	rddreg [dreg:$0x0];
	s2 =	stileid.u32  }
0x310: {  	s1 =	rddreg [dreg:$0x1];
	p0 =	sne.s32 s2, $0x0  }
0x311: {  	s3 =	rddreg [dreg:$0x2];
	[bflag:$0x3] =	sbarrier.arrive $0xFFFF;
	s2 =	simm.s32 @!p0 $0x1C04  }
0x312: {  	[timem:s3], [sflag:s2] =	dma.local @!p0 [hbm:s0], s1  }
0x313: {  	s0 =	simm.s32 @!p0 $0x4  }
0x314: {  	_ =	swait.ge @!p0 [sflag:s0], s1  }
0x315: {  	s1 =	ssub.s32 @!p0 $0x0, s1;
	[sflag:s0] =	ssyncset.done @!p0 $0x0  }
0x316: {  	[sflag:s0] =	ssyncadd.s32 @!p0 s1  }
0x317: {  	[bflag:$0x3] =	sbarrier.arrive $0xFFFF  }
0x318: {  	_ =	shalt  }

</sc_bundles>
